<compile_context>
chip_gen: v7x
topology: tpu7x:2x2x1
jax: 0.10.2.dev20260603
libtpu: 0.0.44.dev20260713+nightly
codegen_flags: <defaults>
</compile_context>

<pallas_src>
import functools

import jax
import jax.numpy as jnp
from jax import lax
from jax.experimental import pallas as pl
from jax.experimental.pallas import tpu as pltpu
from jax.experimental.pallas import tpu_sc as plsc

N = 10000
E = 320000
D = 128
G = 64
NC = 2
NS = 16
NW = NC * NS
L = 16

N_PAD = 10240
ROWS = N_PAD // NS
K = 128
CH = 80
EPT = CH * K
E_PAD = NW * EPT
KP = 80
CHP = EPT // KP
NPH = 4
PC = CHP // NPH
NBUF = 4
BM = 512
NB = N_PAD // BM

_mesh = plsc.VectorSubcoreMesh(core_axis_name="c", subcore_axis_name="s",
                               num_cores=NC, num_subcores=NS)


@functools.partial(
    pl.kernel,
    out_type=jax.ShapeDtypeStruct((NC, N_PAD), jnp.float32),
    mesh=_mesh,
    scratch_types=[
        pltpu.VMEM((CH, K), jnp.int32),
        pltpu.VMEM((K,), jnp.float32),
        pltpu.VMEM((ROWS,), jnp.float32),
        pltpu.VMEM_SHARED((N_PAD,), jnp.float32),
        pltpu.SemaphoreType.DMA,
        pltpu.SemaphoreType.DMA,
    ],
)
def _sc_degree(dst_hbm, deg2_hbm, dstv, onesv, zv, degsp, sd0, sd1):
    c = lax.axis_index("c")
    s = lax.axis_index("s")
    w = c * NS + s

    one = jnp.ones((L,), jnp.float32)
    zero = jnp.zeros((L,), jnp.float32)
    for i in range(K // L):
        onesv[pl.ds(i * L, L)] = one

    def zbody(i, _):
        zv[pl.ds(i * L, L)] = zero
        return 0

    lax.fori_loop(0, ROWS // L, zbody, 0)
    pltpu.sync_copy(zv, degsp.at[pl.ds(s * ROWS, ROWS)])
    pltpu.sync_copy(dst_hbm.at[w], dstv)
    plsc.subcore_barrier()

    def wait(sem):
        pltpu.make_async_copy(dst_hbm.at[w].at[0], dstv.at[0], sem).wait()

    def body(gi, _):
        j0 = 2 * gi

        @pl.when(gi > 0)
        def _():
            wait(sd0)

        pltpu.async_copy(onesv, degsp.at[dstv.at[j0]], sd0, add=True)

        @pl.when(gi > 0)
        def _():
            wait(sd1)

        pltpu.async_copy(onesv, degsp.at[dstv.at[j0 + 1]], sd1, add=True)
        return 0

    lax.fori_loop(0, CH // 2, body, 0)
    wait(sd0)
    wait(sd1)
    plsc.subcore_barrier()
    pltpu.sync_copy(degsp.at[pl.ds(s * ROWS, ROWS)],
                    deg2_hbm.at[c].at[pl.ds(s * ROWS, ROWS)])


@functools.partial(
    pl.kernel,
    out_type=jax.ShapeDtypeStruct((NC, N_PAD, D), jnp.float32),
    mesh=_mesh,
    scratch_types=[
        pltpu.VMEM((PC, KP), jnp.int32),
        pltpu.VMEM((PC, KP), jnp.int32),
        pltpu.VMEM((NBUF, KP, D), jnp.float32),
        pltpu.VMEM_SHARED((N_PAD, D), jnp.float32),
        [pltpu.SemaphoreType.DMA] * NBUF,
        [pltpu.SemaphoreType.DMA] * NBUF,
    ],
)
def _sc_propagate(g_hbm, src_hbm, dst_hbm, t_hbm,
                  srcv, dstv, rows, agg, sg, ss):
    c = lax.axis_index("c")
    s = lax.axis_index("s")
    w = c * NS + s

    def wait(sem, buf):
        pltpu.make_async_copy(g_hbm.at[pl.ds(0, KP)], rows.at[buf], sem).wait()

    zero = jnp.zeros((L,), jnp.float32)

    def zbody(r, _):
        for i in range(D // L):
            rows[0, r, pl.ds(i * L, L)] = zero
        return 0

    lax.fori_loop(0, KP, zbody, 0)
    for i in range(ROWS // KP):
        pltpu.sync_copy(rows.at[0],
                        agg.at[pl.ds(s * ROWS + i * KP, KP)])

    plsc.subcore_barrier()

    def phase(ph, _):
        pltpu.sync_copy(src_hbm.at[w].at[pl.ds(ph * PC, PC)], srcv)
        pltpu.sync_copy(dst_hbm.at[w].at[pl.ds(ph * PC, PC)], dstv)
        for u in range(NBUF - 1):
            pltpu.async_copy(g_hbm.at[srcv.at[u]], rows.at[u], sg[u])

        def body(gi, _):
            for u in range(NBUF):
                j = NBUF * gi + u
                u3 = (u + NBUF - 1) % NBUF
                wait(sg[u], u)
                if u == 0:
                    @pl.when(gi > 0)
                    def _():
                        wait(ss[u3], u3)
                else:
                    wait(ss[u3], u3)
                if u == 0:
                    pltpu.async_copy(g_hbm.at[srcv.at[j + NBUF - 1]],
                                     rows.at[u3], sg[u3])
                else:
                    @pl.when(gi < PC // NBUF - 1)
                    def _():
                        pltpu.async_copy(g_hbm.at[srcv.at[j + NBUF - 1]],
                                         rows.at[u3], sg[u3])
                pltpu.async_copy(rows.at[u], agg.at[dstv.at[j]], ss[u],
                                 add=True)
            return 0

        lax.fori_loop(0, PC // NBUF, body, 0)
        wait(ss[NBUF - 1], NBUF - 1)
        return 0

    lax.fori_loop(0, NPH, phase, 0)
    plsc.subcore_barrier()
    pltpu.sync_copy(agg.at[pl.ds(s * ROWS, ROWS)],
                    t_hbm.at[c].at[pl.ds(s * ROWS, ROWS)])


def _k1_body(x_ref, w_ref, deg_ref, g_ref, dinv_ref):
    deg = deg_ref[0] + deg_ref[1] + 1.0
    dv = lax.rsqrt(deg)
    dinv_ref[...] = dv
    h = jnp.dot(x_ref[...], w_ref[...], preferred_element_type=jnp.float32)
    g_ref[...] = h * dv


def _layer_body(relu, t_ref, g_ref, dinv_ref, b_ref, w_ref, out_ref):
    dv = dinv_ref[...]
    h = (t_ref[0] + t_ref[1] + g_ref[...]) * dv + b_ref[...]
    if relu:
        h = jnp.maximum(h, 0.0)
    out_ref[...] = jnp.dot(
        h, w_ref[...], preferred_element_type=jnp.float32) * dv


def _k4_body(t_ref, g_ref, dinv_ref, b_ref, batch_ref, wl_ref, bl_ref,
             out_ref, acc, cnt):
    i = pl.program_id(0)

    @pl.when(i == 0)
    def _():
        acc[...] = jnp.zeros_like(acc)
        cnt[...] = jnp.zeros_like(cnt)

    h = (t_ref[0] + t_ref[1] + g_ref[...]) * dinv_ref[...] + b_ref[...]
    gids = lax.broadcasted_iota(jnp.int32, (G, 1), 0)
    p = (batch_ref[...] == gids).astype(jnp.float32)
    acc[...] += jnp.dot(p, h, preferred_element_type=jnp.float32)
    cnt[...] += jnp.dot(p, jnp.ones((BM, D), jnp.float32),
                        preferred_element_type=jnp.float32)

    @pl.when(i == NB - 1)
    def _():
        pooled = acc[...] / jnp.maximum(cnt[...], 1.0)
        out_ref[...] = jnp.dot(
            pooled, wl_ref[...], preferred_element_type=jnp.float32
        ) + bl_ref[...]


_SPEC_ROWS = pl.BlockSpec((BM, D), lambda i: (i, 0))
_SPEC_T = pl.BlockSpec((NC, BM, D), lambda i: (0, i, 0))
_SPEC_COL = pl.BlockSpec((BM, 1), lambda i: (i, 0))
_SPEC_W = pl.BlockSpec((D, D), lambda i: (0, 0))
_SPEC_B = pl.BlockSpec((1, D), lambda i: (0, 0))

_k1 = pl.pallas_call(
    _k1_body,
    grid=(NB,),
    in_specs=[_SPEC_ROWS, _SPEC_W,
              pl.BlockSpec((NC, BM, 1), lambda i: (0, i, 0))],
    out_specs=(_SPEC_ROWS, _SPEC_COL),
    out_shape=(jax.ShapeDtypeStruct((N_PAD, D), jnp.float32),
               jax.ShapeDtypeStruct((N_PAD, 1), jnp.float32)),
)

_k2 = pl.pallas_call(
    functools.partial(_layer_body, True),
    grid=(NB,),
    in_specs=[_SPEC_T, _SPEC_ROWS, _SPEC_COL, _SPEC_B, _SPEC_W],
    out_specs=_SPEC_ROWS,
    out_shape=jax.ShapeDtypeStruct((N_PAD, D), jnp.float32),
)

_k4 = pl.pallas_call(
    _k4_body,
    grid=(NB,),
    in_specs=[_SPEC_T, _SPEC_ROWS, _SPEC_COL, _SPEC_B,
              pl.BlockSpec((1, BM), lambda i: (0, i)),
              pl.BlockSpec((D, 1), lambda i: (0, 0)),
              pl.BlockSpec((1, 1), lambda i: (0, 0))],
    out_specs=pl.BlockSpec((G, 1), lambda i: (0, 0)),
    out_shape=jax.ShapeDtypeStruct((G, 1), jnp.float32),
    scratch_shapes=[pltpu.VMEM((G, D), jnp.float32),
                    pltpu.VMEM((G, D), jnp.float32)],
)


def kernel(x, edge_index, batch, W1, b1, W2, b2, W3, b3, Wl, bl):
    x_pad = jnp.pad(x.astype(jnp.float32), ((0, N_PAD - N), (0, 0)))

    pe = E_PAD - E
    pad_idx = N + (jnp.arange(pe, dtype=jnp.int32) % (N_PAD - N))
    src_f = jnp.concatenate([edge_index[0], pad_idx])
    dst_f = jnp.concatenate([edge_index[1], pad_idx])
    src = src_f.reshape(NW, CHP, KP)
    dst = dst_f.reshape(NW, CHP, KP)
    dst_deg = dst_f.reshape(NW, CH, K)

    batch_row = jnp.pad(batch, (0, N_PAD - N),
                        constant_values=G).reshape(1, N_PAD)

    deg2 = _sc_degree(dst_deg).reshape(NC, N_PAD, 1)
    g1, dinv = _k1(x_pad, W1, deg2)
    t1 = _sc_propagate(g1, src, dst)
    g2 = _k2(t1, g1, dinv, b1.reshape(1, D), W2)
    t2 = _sc_propagate(g2, src, dst)
    g3 = _k2(t2, g2, dinv, b2.reshape(1, D), W3)
    t3 = _sc_propagate(g3, src, dst)
    return _k4(t3, g3, dinv, b3.reshape(1, D), batch_row,
               Wl, bl.reshape(1, 1))

# --- scband reference (transcript-rebuilt; emitter-appended) ---
"""Pipeline reference for scband-gcnglobal-22428319219830 (READ-ONLY COPY).

The authoritative reference and input builder live on the scoring server;
editing this copy changes nothing except your own understanding.
"""

import jax, jax.numpy as jnp
import numpy as np

N = 10000
E = 320000
D_IN = 128
D_H = 128
NUM_GRAPHS = 64


def setup_inputs(seed: int = 0) -> dict:
    key = jax.random.key(seed)
    ks = jax.random.split(key, 12)
    x = jax.random.normal(ks[0], (N, D_IN), dtype=jnp.float32)
    edge_index = jax.random.randint(ks[1], (2, E), 0, N, dtype=jnp.int32)
    batch = jnp.sort(jax.random.randint(ks[2], (N,), 0, NUM_GRAPHS, dtype=jnp.int32))
    W1 = jax.random.normal(ks[3], (D_IN, D_H), dtype=jnp.float32) / np.sqrt(D_IN)
    b1 = jnp.zeros((D_H,), dtype=jnp.float32)
    W2 = jax.random.normal(ks[4], (D_H, D_H), dtype=jnp.float32) / np.sqrt(D_H)
    b2 = jnp.zeros((D_H,), dtype=jnp.float32)
    W3 = jax.random.normal(ks[5], (D_H, D_H), dtype=jnp.float32) / np.sqrt(D_H)
    b3 = jnp.zeros((D_H,), dtype=jnp.float32)
    Wl = jax.random.normal(ks[6], (D_H, 1), dtype=jnp.float32) / np.sqrt(D_H)
    bl = jnp.zeros((1,), dtype=jnp.float32)
    return {"x": x, "edge_index": edge_index, "batch": batch,
            "W1": W1, "b1": b1, "W2": W2, "b2": b2, "W3": W3, "b3": b3,
            "Wl": Wl, "bl": bl}


def reference(x, edge_index, batch, W1, b1, W2, b2, W3, b3, Wl, bl):
    # GCNConv (Kipf & Welling): add self-loops, symmetric normalization
    self_loops = jnp.arange(N, dtype=edge_index.dtype)
    src = jnp.concatenate([edge_index[0], self_loops])
    dst = jnp.concatenate([edge_index[1], self_loops])
    ones_e = jnp.ones_like(src, dtype=jnp.float32)
    deg = jax.ops.segment_sum(ones_e, dst, num_segments=N)
    dinv = jnp.where(deg > 0, deg ** -0.5, 0.0)
    norm = dinv[src] * dinv[dst]

    def gcn_conv(h, W, b):
        h = h @ W
        msg = h[src] * norm[:, None]
        agg = jax.ops.segment_sum(msg, dst, num_segments=N)
        return agg + b

    h = x.astype(jnp.float32)
    h = gcn_conv(h, W1, b1)
    h = jax.nn.relu(h)  # dropout p=0.0 (eval): no-op
    h = gcn_conv(h, W2, b2)
    h = jax.nn.relu(h)
    h = gcn_conv(h, W3, b3)
    # global_mean_pool over graph ids
    sums = jax.ops.segment_sum(h, batch, num_segments=NUM_GRAPHS)
    cnt = jax.ops.segment_sum(jnp.ones((N,), dtype=jnp.float32), batch, num_segments=NUM_GRAPHS)
    pooled = sums / jnp.clip(cnt, 1.0)[:, None]
    out = pooled @ Wl + bl  # sigm=False: no sigmoid
    return out

if __name__ == "__main__":
    import jax
    _d = setup_inputs()
    print(jax.jit(kernel)(*tuple(_d.values())))

</pallas_src>

<mosaic_0001>
#map = affine_map<(d0, d1) -> (0, 0, 0)>
#map1 = affine_map<(d0, d1) -> (0, 0)>
module attributes {stable_mosaic.version = 14 : i64} {
  func.func @_sc_degree(%arg0: i32, %arg1: i32, %arg2: memref<32x80x128xi32, #tpu.memory_space<hbm>>, %arg3: memref<2x10240xf32, #tpu.memory_space<hbm>>, %arg4: memref<80x128xi32, #tpu.memory_space<vmem>>, %arg5: memref<128xf32, #tpu.memory_space<vmem>>, %arg6: memref<640xf32, #tpu.memory_space<vmem>>, %arg7: memref<10240xf32, #tpu.memory_space<vmem_shared>>, %arg8: memref<!tpu.dma_semaphore, #tpu.memory_space<semaphore_mem>>, %arg9: memref<!tpu.dma_semaphore, #tpu.memory_space<semaphore_mem>>) attributes {dimension_semantics = [#tpu.dimension_semantics<core_parallel>, #tpu.dimension_semantics<subcore_parallel>], iteration_bounds = array<i64: 2, 16>, scalar_prefetch = 0 : i64, scratch_operands = 6 : i64, tpu.core_type = #tpu.core_type<sc_vector_subcore>, window_params = [{transform_indices = #map}, {transform_indices = #map1}]} {
    %mul3A = arith.constant 16 : i32
    %mul3A_0 = arith.muli %arg0, %mul3A : i32
    %add3A = arith.addi %mul3A_0, %arg1 : i32
    %broadcast_in_dim3A = arith.constant 1.000000e+00 : f32
    %broadcast_in_dim3A_1 = vector.broadcast %broadcast_in_dim3A : f32 to vector<16xf32>
    %broadcast_in_dim3A_2 = arith.constant 0.000000e+00 : f32
    %broadcast_in_dim3A_3 = vector.broadcast %broadcast_in_dim3A_2 : f32 to vector<16xf32>
    %swap3A = arith.constant 0 : index
    %swap3A_4 = tpu.vector_load %arg5[%swap3A] {strides = array<i32>} : memref<128xf32, #tpu.memory_space<vmem>>, vector<16xf32>,
    %swap3A_5 = vector.shape_cast %swap3A_4 : vector<16xf32> to vector<16xf32>
    %swap3A_6 = vector.shape_cast %broadcast_in_dim3A_1 : vector<16xf32> to vector<16xf32>
    tpu.vector_store %arg5[%swap3A], %swap3A_6 {strides = array<i32>} : memref<128xf32, #tpu.memory_space<vmem>>, vector<16xf32>,
    %swap3A_7 = arith.constant 16 : index
    %swap3A_8 = tpu.vector_load %arg5[%swap3A_7] {strides = array<i32>} : memref<128xf32, #tpu.memory_space<vmem>>, vector<16xf32>,
    %swap3A_9 = vector.shape_cast %swap3A_8 : vector<16xf32> to vector<16xf32>
    %swap3A_10 = vector.shape_cast %broadcast_in_dim3A_1 : vector<16xf32> to vector<16xf32>
    tpu.vector_store %arg5[%swap3A_7], %swap3A_10 {strides = array<i32>} : memref<128xf32, #tpu.memory_space<vmem>>, vector<16xf32>,
    %swap3A_11 = arith.constant 32 : index
    %swap3A_12 = tpu.vector_load %arg5[%swap3A_11] {strides = array<i32>} : memref<128xf32, #tpu.memory_space<vmem>>, vector<16xf32>,
    %swap3A_13 = vector.shape_cast %swap3A_12 : vector<16xf32> to vector<16xf32>
    %swap3A_14 = vector.shape_cast %broadcast_in_dim3A_1 : vector<16xf32> to vector<16xf32>
    tpu.vector_store %arg5[%swap3A_11], %swap3A_14 {strides = array<i32>} : memref<128xf32, #tpu.memory_space<vmem>>, vector<16xf32>,
    %swap3A_15 = arith.constant 48 : index
    %swap3A_16 = tpu.vector_load %arg5[%swap3A_15] {strides = array<i32>} : memref<128xf32, #tpu.memory_space<vmem>>, vector<16xf32>,
    %swap3A_17 = vector.shape_cast %swap3A_16 : vector<16xf32> to vector<16xf32>
    %swap3A_18 = vector.shape_cast %broadcast_in_dim3A_1 : vector<16xf32> to vector<16xf32>
    tpu.vector_store %arg5[%swap3A_15], %swap3A_18 {strides = array<i32>} : memref<128xf32, #tpu.memory_space<vmem>>, vector<16xf32>,
    %swap3A_19 = arith.constant 64 : index
    %swap3A_20 = tpu.vector_load %arg5[%swap3A_19] {strides = array<i32>} : memref<128xf32, #tpu.memory_space<vmem>>, vector<16xf32>,
    %swap3A_21 = vector.shape_cast %swap3A_20 : vector<16xf32> to vector<16xf32>
    %swap3A_22 = vector.shape_cast %broadcast_in_dim3A_1 : vector<16xf32> to vector<16xf32>
    tpu.vector_store %arg5[%swap3A_19], %swap3A_22 {strides = array<i32>} : memref<128xf32, #tpu.memory_space<vmem>>, vector<16xf32>,
    %swap3A_23 = arith.constant 80 : index
    %swap3A_24 = tpu.vector_load %arg5[%swap3A_23] {strides = array<i32>} : memref<128xf32, #tpu.memory_space<vmem>>, vector<16xf32>,
    %swap3A_25 = vector.shape_cast %swap3A_24 : vector<16xf32> to vector<16xf32>
    %swap3A_26 = vector.shape_cast %broadcast_in_dim3A_1 : vector<16xf32> to vector<16xf32>
    tpu.vector_store %arg5[%swap3A_23], %swap3A_26 {strides = array<i32>} : memref<128xf32, #tpu.memory_space<vmem>>, vector<16xf32>,
    %swap3A_27 = arith.constant 96 : index
    %swap3A_28 = tpu.vector_load %arg5[%swap3A_27] {strides = array<i32>} : memref<128xf32, #tpu.memory_space<vmem>>, vector<16xf32>,
    %swap3A_29 = vector.shape_cast %swap3A_28 : vector<16xf32> to vector<16xf32>
    %swap3A_30 = vector.shape_cast %broadcast_in_dim3A_1 : vector<16xf32> to vector<16xf32>
    tpu.vector_store %arg5[%swap3A_27], %swap3A_30 {strides = array<i32>} : memref<128xf32, #tpu.memory_space<vmem>>, vector<16xf32>,
    %swap3A_31 = arith.constant 112 : index
    %swap3A_32 = tpu.vector_load %arg5[%swap3A_31] {strides = array<i32>} : memref<128xf32, #tpu.memory_space<vmem>>, vector<16xf32>,
    %swap3A_33 = vector.shape_cast %swap3A_32 : vector<16xf32> to vector<16xf32>
    %swap3A_34 = vector.shape_cast %broadcast_in_dim3A_1 : vector<16xf32> to vector<16xf32>
    tpu.vector_store %arg5[%swap3A_31], %swap3A_34 {strides = array<i32>} : memref<128xf32, #tpu.memory_space<vmem>>, vector<16xf32>,
    %scan3A = arith.constant 0 : i32
    %scan3A_35 = arith.constant 0 : i32
    %scan3A_36 = arith.constant 40 : i32
    %scan3A_37 = arith.addi %scan3A_35, %scan3A_36 : i32
    %scan3A_38 = arith.constant 1 : i32
    %scan3A_39 = scf.for %scan3A_98 = %scan3A_35 to %scan3A_37 step %scan3A_38 iter_args(%scan3A_99 = %scan3A) -> (i32)  : i32 {
      %mul3A_100 = arith.constant 16 : i32
      %mul3A_101 = arith.muli %scan3A_98, %mul3A_100 : i32
      %swap3A_102 = arith.index_cast %mul3A_101 : i32 to index
      %swap3A_103 = tpu.vector_load %arg6[%swap3A_102] {strides = array<i32>} : memref<640xf32, #tpu.memory_space<vmem>>, vector<16xf32>,
      %swap3A_104 = vector.shape_cast %swap3A_103 : vector<16xf32> to vector<16xf32>
      %swap3A_105 = vector.shape_cast %broadcast_in_dim3A_3 : vector<16xf32> to vector<16xf32>
      tpu.vector_store %arg6[%swap3A_102], %swap3A_105 {strides = array<i32>} : memref<640xf32, #tpu.memory_space<vmem>>, vector<16xf32>,
      %scan3A_106 = arith.constant 0 : i32
      scf.yield %scan3A_106 : i32
    }
    %scan3A_40 = arith.constant 40 : i32
    %mul3A_41 = arith.constant 640 : i32
    %mul3A_42 = arith.muli %arg1, %mul3A_41 : i32
    "tpu.region"() ({
      %run_scoped3A = tpu.sem_alloc : memref<!tpu.dma_semaphore, #tpu.memory_space<semaphore_mem>>
      %dma_start3A = tpu.memref_slice %arg7[%mul3A_42] : memref<10240xf32, #tpu.memory_space<vmem_shared>> -> memref<640xf32, #tpu.memory_space<vmem_shared>>
      %dma_start3A_98 = tpu.memref_slice %arg7[%mul3A_42] : memref<10240xf32, #tpu.memory_space<vmem_shared>> -> memref<640xf32, #tpu.memory_space<vmem_shared>>
      tpu.enqueue_dma source(%arg6 : memref<640xf32, #tpu.memory_space<vmem>>) target(%dma_start3A_98 : memref<640xf32, #tpu.memory_space<vmem_shared>>) target_semaphore(%run_scoped3A : memref<!tpu.dma_semaphore, #tpu.memory_space<semaphore_mem>>)
      %dma_wait3A_99 = tpu.memref_slice %arg7[%mul3A_42] : memref<10240xf32, #tpu.memory_space<vmem_shared>> -> memref<640xf32, #tpu.memory_space<vmem_shared>>
      %dma_wait3A_100 = tpu.memref_slice %arg7[%mul3A_42] : memref<10240xf32, #tpu.memory_space<vmem_shared>> -> memref<640xf32, #tpu.memory_space<vmem_shared>>
      tpu.wait_dma2 semaphore(%run_scoped3A : memref<!tpu.dma_semaphore, #tpu.memory_space<semaphore_mem>>) src(%arg6 : memref<640xf32, #tpu.memory_space<vmem>>) dst(%dma_wait3A_100 : memref<640xf32, #tpu.memory_space<vmem_shared>>)
      tpu.yield
    }) : () -> ()
    "tpu.region"() ({
      %run_scoped3A = tpu.sem_alloc : memref<!tpu.dma_semaphore, #tpu.memory_space<semaphore_mem>>
      %dma_start3A = arith.constant 0 : i32
      %dma_start3A_98 = arith.constant 0 : i32
      %dma_start3A_99 = tpu.memref_slice %arg2[%add3A, %dma_start3A, %dma_start3A_98] : memref<32x80x128xi32, #tpu.memory_space<hbm>> -> memref<1x80x128xi32, #tpu.memory_space<hbm>>
      %dma_start3A_100 = tpu.memref_squeeze %dma_start3A_99 : memref<1x80x128xi32, #tpu.memory_space<hbm>> -> memref<80x128xi32, #tpu.memory_space<hbm>>
      %dma_start3A_101 = arith.constant 0 : i32
      %dma_start3A_102 = arith.constant 0 : i32
      %dma_start3A_103 = tpu.memref_slice %arg2[%add3A, %dma_start3A_101, %dma_start3A_102] : memref<32x80x128xi32, #tpu.memory_space<hbm>> -> memref<1x80x128xi32, #tpu.memory_space<hbm>>
      %dma_start3A_104 = tpu.memref_squeeze %dma_start3A_103 : memref<1x80x128xi32, #tpu.memory_space<hbm>> -> memref<80x128xi32, #tpu.memory_space<hbm>>
      tpu.enqueue_dma source(%dma_start3A_104 : memref<80x128xi32, #tpu.memory_space<hbm>>) target(%arg4 : memref<80x128xi32, #tpu.memory_space<vmem>>) target_semaphore(%run_scoped3A : memref<!tpu.dma_semaphore, #tpu.memory_space<semaphore_mem>>)
      %dma_wait3A_105 = arith.constant 0 : i32
      %dma_wait3A_106 = arith.constant 0 : i32
      %dma_wait3A_107 = tpu.memref_slice %arg2[%add3A, %dma_wait3A_105, %dma_wait3A_106] : memref<32x80x128xi32, #tpu.memory_space<hbm>> -> memref<1x80x128xi32, #tpu.memory_space<hbm>>
      %dma_wait3A_108 = tpu.memref_squeeze %dma_wait3A_107 : memref<1x80x128xi32, #tpu.memory_space<hbm>> -> memref<80x128xi32, #tpu.memory_space<hbm>>
      %dma_wait3A_109 = arith.constant 0 : i32
      %dma_wait3A_110 = arith.constant 0 : i32
      %dma_wait3A_111 = tpu.memref_slice %arg2[%add3A, %dma_wait3A_109, %dma_wait3A_110] : memref<32x80x128xi32, #tpu.memory_space<hbm>> -> memref<1x80x128xi32, #tpu.memory_space<hbm>>
      %dma_wait3A_112 = tpu.memref_squeeze %dma_wait3A_111 : memref<1x80x128xi32, #tpu.memory_space<hbm>> -> memref<80x128xi32, #tpu.memory_space<hbm>>
      tpu.wait_dma2 semaphore(%run_scoped3A : memref<!tpu.dma_semaphore, #tpu.memory_space<semaphore_mem>>) src(%dma_wait3A_112 : memref<80x128xi32, #tpu.memory_space<hbm>>) dst(%arg4 : memref<80x128xi32, #tpu.memory_space<vmem>>)
      tpu.yield
    }) : () -> ()
    %barrier3A = arith.constant 0 : index
    tpu.barrier barrier_id(%barrier3A)
    %scan3A_43 = arith.constant 0 : i32
    %scan3A_44 = arith.constant 0 : i32
    %scan3A_45 = arith.constant 40 : i32
    %scan3A_46 = arith.addi %scan3A_44, %scan3A_45 : i32
    %scan3A_47 = arith.constant 1 : i32
    %scan3A_48 = scf.for %scan3A_98 = %scan3A_44 to %scan3A_46 step %scan3A_47 iter_args(%scan3A_99 = %scan3A_43) -> (i32)  : i32 {
      %mul3A_100 = arith.constant 2 : i32
      %mul3A_101 = arith.muli %mul3A_100, %scan3A_98 : i32
      %gt3A = arith.constant 0 : i32
      %gt3A_102 = arith.cmpi sgt, %scan3A_98, %gt3A : i32
      %convert_element_type3A = arith.extui %gt3A_102 : i1 to i32
      %cond3A = arith.constant 0 : i32
      %cond3A_103 = arith.cmpi ne, %convert_element_type3A, %cond3A : i32
      scf.if %cond3A_103 {
        %dma_wait3A_121 = arith.constant 0 : i32
        %dma_wait3A_122 = arith.constant 0 : i32
        %dma_wait3A_123 = arith.constant 0 : i32
        %dma_wait3A_124 = tpu.memref_slice %arg4[%dma_wait3A_122, %dma_wait3A_123] : memref<80x128xi32, #tpu.memory_space<vmem>> -> memref<1x128xi32, #tpu.memory_space<vmem>>
        %dma_wait3A_125 = tpu.memref_squeeze %dma_wait3A_124 : memref<1x128xi32, #tpu.memory_space<vmem>> -> memref<128xi32, #tpu.memory_space<vmem>>
        %dma_wait3A_126 = arith.constant 0 : i32
        %dma_wait3A_127 = arith.constant 0 : i32
        %dma_wait3A_128 = tpu.memref_slice %arg2[%add3A, %dma_wait3A_126, %dma_wait3A_127] : memref<32x80x128xi32, #tpu.memory_space<hbm>> -> memref<1x80x128xi32, #tpu.memory_space<hbm>>
        %dma_wait3A_129 = tpu.memref_squeeze %dma_wait3A_128 : memref<1x80x128xi32, #tpu.memory_space<hbm>> -> memref<80x128xi32, #tpu.memory_space<hbm>>
        %dma_wait3A_130 = arith.constant 0 : i32
        %dma_wait3A_131 = tpu.memref_slice %dma_wait3A_129[%dma_wait3A_121, %dma_wait3A_130] : memref<80x128xi32, #tpu.memory_space<hbm>> -> memref<1x128xi32, #tpu.memory_space<hbm>>
        %dma_wait3A_132 = tpu.memref_squeeze %dma_wait3A_131 : memref<1x128xi32, #tpu.memory_space<hbm>> -> memref<128xi32, #tpu.memory_space<hbm>>
        %dma_wait3A_133 = arith.constant 0 : i32
        %dma_wait3A_134 = tpu.memref_slice %arg4[%dma_wait3A_122, %dma_wait3A_133] : memref<80x128xi32, #tpu.memory_space<vmem>> -> memref<1x128xi32, #tpu.memory_space<vmem>>
        %dma_wait3A_135 = tpu.memref_squeeze %dma_wait3A_134 : memref<1x128xi32, #tpu.memory_space<vmem>> -> memref<128xi32, #tpu.memory_space<vmem>>
        %dma_wait3A_136 = arith.constant 0 : i32
        %dma_wait3A_137 = arith.constant 0 : i32
        %dma_wait3A_138 = tpu.memref_slice %arg2[%add3A, %dma_wait3A_136, %dma_wait3A_137] : memref<32x80x128xi32, #tpu.memory_space<hbm>> -> memref<1x80x128xi32, #tpu.memory_space<hbm>>
        %dma_wait3A_139 = tpu.memref_squeeze %dma_wait3A_138 : memref<1x80x128xi32, #tpu.memory_space<hbm>> -> memref<80x128xi32, #tpu.memory_space<hbm>>
        %dma_wait3A_140 = arith.constant 0 : i32
        %dma_wait3A_141 = tpu.memref_slice %dma_wait3A_139[%dma_wait3A_121, %dma_wait3A_140] : memref<80x128xi32, #tpu.memory_space<hbm>> -> memref<1x128xi32, #tpu.memory_space<hbm>>
        %dma_wait3A_142 = tpu.memref_squeeze %dma_wait3A_141 : memref<1x128xi32, #tpu.memory_space<hbm>> -> memref<128xi32, #tpu.memory_space<hbm>>
        tpu.wait_dma2 semaphore(%arg8 : memref<!tpu.dma_semaphore, #tpu.memory_space<semaphore_mem>>) src(%dma_wait3A_142 : memref<128xi32, #tpu.memory_space<hbm>>) dst(%dma_wait3A_135 : memref<128xi32, #tpu.memory_space<vmem>>)
      } else {
      }
      %dma_start3A = arith.constant 0 : i32
      %dma_start3A_104 = tpu.memref_slice %arg4[%mul3A_101, %dma_start3A] : memref<80x128xi32, #tpu.memory_space<vmem>> -> memref<1x128xi32, #tpu.memory_space<vmem>>
      %dma_start3A_105 = tpu.memref_squeeze %dma_start3A_104 : memref<1x128xi32, #tpu.memory_space<vmem>> -> memref<128xi32, #tpu.memory_space<vmem>>
      %dma_start3A_106 = arith.constant 0 : i32
      %dma_start3A_107 = tpu.memref_slice %arg7[%dma_start3A_106] : memref<10240xf32, #tpu.memory_space<vmem_shared>> -> memref<10240xf32, #tpu.memory_space<vmem_shared>>
      tpu.enqueue_indirect_dma source(%arg5 : memref<128xf32, #tpu.memory_space<vmem>>) target(%dma_start3A_107 : memref<10240xf32, #tpu.memory_space<vmem_shared>>) offsets(%dma_start3A_105 : memref<128xi32, #tpu.memory_space<vmem>>) semaphore(%arg8 : memref<!tpu.dma_semaphore, #tpu.memory_space<semaphore_mem>>) {add = true}
      %gt3A_108 = arith.constant 0 : i32
      %gt3A_109 = arith.cmpi sgt, %scan3A_98, %gt3A_108 : i32
      %convert_element_type3A_110 = arith.extui %gt3A_109 : i1 to i32
      %cond3A_111 = arith.constant 0 : i32
      %cond3A_112 = arith.cmpi ne, %convert_element_type3A_110, %cond3A_111 : i32
      scf.if %cond3A_112 {
        %dma_wait3A_121 = arith.constant 0 : i32
        %dma_wait3A_122 = arith.constant 0 : i32
        %dma_wait3A_123 = arith.constant 0 : i32
        %dma_wait3A_124 = tpu.memref_slice %arg4[%dma_wait3A_122, %dma_wait3A_123] : memref<80x128xi32, #tpu.memory_space<vmem>> -> memref<1x128xi32, #tpu.memory_space<vmem>>
        %dma_wait3A_125 = tpu.memref_squeeze %dma_wait3A_124 : memref<1x128xi32, #tpu.memory_space<vmem>> -> memref<128xi32, #tpu.memory_space<vmem>>
        %dma_wait3A_126 = arith.constant 0 : i32
        %dma_wait3A_127 = arith.constant 0 : i32
        %dma_wait3A_128 = tpu.memref_slice %arg2[%add3A, %dma_wait3A_126, %dma_wait3A_127] : memref<32x80x128xi32, #tpu.memory_space<hbm>> -> memref<1x80x128xi32, #tpu.memory_space<hbm>>
        %dma_wait3A_129 = tpu.memref_squeeze %dma_wait3A_128 : memref<1x80x128xi32, #tpu.memory_space<hbm>> -> memref<80x128xi32, #tpu.memory_space<hbm>>
        %dma_wait3A_130 = arith.constant 0 : i32
        %dma_wait3A_131 = tpu.memref_slice %dma_wait3A_129[%dma_wait3A_121, %dma_wait3A_130] : memref<80x128xi32, #tpu.memory_space<hbm>> -> memref<1x128xi32, #tpu.memory_space<hbm>>
        %dma_wait3A_132 = tpu.memref_squeeze %dma_wait3A_131 : memref<1x128xi32, #tpu.memory_space<hbm>> -> memref<128xi32, #tpu.memory_space<hbm>>
        %dma_wait3A_133 = arith.constant 0 : i32
        %dma_wait3A_134 = tpu.memref_slice %arg4[%dma_wait3A_122, %dma_wait3A_133] : memref<80x128xi32, #tpu.memory_space<vmem>> -> memref<1x128xi32, #tpu.memory_space<vmem>>
        %dma_wait3A_135 = tpu.memref_squeeze %dma_wait3A_134 : memref<1x128xi32, #tpu.memory_space<vmem>> -> memref<128xi32, #tpu.memory_space<vmem>>
        %dma_wait3A_136 = arith.constant 0 : i32
        %dma_wait3A_137 = arith.constant 0 : i32
        %dma_wait3A_138 = tpu.memref_slice %arg2[%add3A, %dma_wait3A_136, %dma_wait3A_137] : memref<32x80x128xi32, #tpu.memory_space<hbm>> -> memref<1x80x128xi32, #tpu.memory_space<hbm>>
        %dma_wait3A_139 = tpu.memref_squeeze %dma_wait3A_138 : memref<1x80x128xi32, #tpu.memory_space<hbm>> -> memref<80x128xi32, #tpu.memory_space<hbm>>
        %dma_wait3A_140 = arith.constant 0 : i32
        %dma_wait3A_141 = tpu.memref_slice %dma_wait3A_139[%dma_wait3A_121, %dma_wait3A_140] : memref<80x128xi32, #tpu.memory_space<hbm>> -> memref<1x128xi32, #tpu.memory_space<hbm>>
        %dma_wait3A_142 = tpu.memref_squeeze %dma_wait3A_141 : memref<1x128xi32, #tpu.memory_space<hbm>> -> memref<128xi32, #tpu.memory_space<hbm>>
        tpu.wait_dma2 semaphore(%arg9 : memref<!tpu.dma_semaphore, #tpu.memory_space<semaphore_mem>>) src(%dma_wait3A_142 : memref<128xi32, #tpu.memory_space<hbm>>) dst(%dma_wait3A_135 : memref<128xi32, #tpu.memory_space<vmem>>)
      } else {
      }
      %add3A_113 = arith.constant 1 : i32
      %add3A_114 = arith.addi %mul3A_101, %add3A_113 : i32
      %dma_start3A_115 = arith.constant 0 : i32
      %dma_start3A_116 = tpu.memref_slice %arg4[%add3A_114, %dma_start3A_115] : memref<80x128xi32, #tpu.memory_space<vmem>> -> memref<1x128xi32, #tpu.memory_space<vmem>>
      %dma_start3A_117 = tpu.memref_squeeze %dma_start3A_116 : memref<1x128xi32, #tpu.memory_space<vmem>> -> memref<128xi32, #tpu.memory_space<vmem>>
      %dma_start3A_118 = arith.constant 0 : i32
      %dma_start3A_119 = tpu.memref_slice %arg7[%dma_start3A_118] : memref<10240xf32, #tpu.memory_space<vmem_shared>> -> memref<10240xf32, #tpu.memory_space<vmem_shared>>
      tpu.enqueue_indirect_dma source(%arg5 : memref<128xf32, #tpu.memory_space<vmem>>) target(%dma_start3A_119 : memref<10240xf32, #tpu.memory_space<vmem_shared>>) offsets(%dma_start3A_117 : memref<128xi32, #tpu.memory_space<vmem>>) semaphore(%arg9 : memref<!tpu.dma_semaphore, #tpu.memory_space<semaphore_mem>>) {add = true}
      %scan3A_120 = arith.constant 0 : i32
      scf.yield %scan3A_120 : i32
    }
    %scan3A_49 = arith.constant 40 : i32
    %dma_wait3A = arith.constant 0 : i32
    %dma_wait3A_50 = arith.constant 0 : i32
    %dma_wait3A_51 = arith.constant 0 : i32
    %dma_wait3A_52 = tpu.memref_slice %arg4[%dma_wait3A_50, %dma_wait3A_51] : memref<80x128xi32, #tpu.memory_space<vmem>> -> memref<1x128xi32, #tpu.memory_space<vmem>>
    %dma_wait3A_53 = tpu.memref_squeeze %dma_wait3A_52 : memref<1x128xi32, #tpu.memory_space<vmem>> -> memref<128xi32, #tpu.memory_space<vmem>>
    %dma_wait3A_54 = arith.constant 0 : i32
    %dma_wait3A_55 = arith.constant 0 : i32
    %dma_wait3A_56 = tpu.memref_slice %arg2[%add3A, %dma_wait3A_54, %dma_wait3A_55] : memref<32x80x128xi32, #tpu.memory_space<hbm>> -> memref<1x80x128xi32, #tpu.memory_space<hbm>>
    %dma_wait3A_57 = tpu.memref_squeeze %dma_wait3A_56 : memref<1x80x128xi32, #tpu.memory_space<hbm>> -> memref<80x128xi32, #tpu.memory_space<hbm>>
    %dma_wait3A_58 = arith.constant 0 : i32
    %dma_wait3A_59 = tpu.memref_slice %dma_wait3A_57[%dma_wait3A, %dma_wait3A_58] : memref<80x128xi32, #tpu.memory_space<hbm>> -> memref<1x128xi32, #tpu.memory_space<hbm>>
    %dma_wait3A_60 = tpu.memref_squeeze %dma_wait3A_59 : memref<1x128xi32, #tpu.memory_space<hbm>> -> memref<128xi32, #tpu.memory_space<hbm>>
    %dma_wait3A_61 = arith.constant 0 : i32
    %dma_wait3A_62 = tpu.memref_slice %arg4[%dma_wait3A_50, %dma_wait3A_61] : memref<80x128xi32, #tpu.memory_space<vmem>> -> memref<1x128xi32, #tpu.memory_space<vmem>>
    %dma_wait3A_63 = tpu.memref_squeeze %dma_wait3A_62 : memref<1x128xi32, #tpu.memory_space<vmem>> -> memref<128xi32, #tpu.memory_space<vmem>>
    %dma_wait3A_64 = arith.constant 0 : i32
    %dma_wait3A_65 = arith.constant 0 : i32
    %dma_wait3A_66 = tpu.memref_slice %arg2[%add3A, %dma_wait3A_64, %dma_wait3A_65] : memref<32x80x128xi32, #tpu.memory_space<hbm>> -> memref<1x80x128xi32, #tpu.memory_space<hbm>>
    %dma_wait3A_67 = tpu.memref_squeeze %dma_wait3A_66 : memref<1x80x128xi32, #tpu.memory_space<hbm>> -> memref<80x128xi32, #tpu.memory_space<hbm>>
    %dma_wait3A_68 = arith.constant 0 : i32
    %dma_wait3A_69 = tpu.memref_slice %dma_wait3A_67[%dma_wait3A, %dma_wait3A_68] : memref<80x128xi32, #tpu.memory_space<hbm>> -> memref<1x128xi32, #tpu.memory_space<hbm>>
    %dma_wait3A_70 = tpu.memref_squeeze %dma_wait3A_69 : memref<1x128xi32, #tpu.memory_space<hbm>> -> memref<128xi32, #tpu.memory_space<hbm>>
    tpu.wait_dma2 semaphore(%arg8 : memref<!tpu.dma_semaphore, #tpu.memory_space<semaphore_mem>>) src(%dma_wait3A_70 : memref<128xi32, #tpu.memory_space<hbm>>) dst(%dma_wait3A_63 : memref<128xi32, #tpu.memory_space<vmem>>)
    %dma_wait3A_71 = arith.constant 0 : i32
    %dma_wait3A_72 = arith.constant 0 : i32
    %dma_wait3A_73 = arith.constant 0 : i32
    %dma_wait3A_74 = tpu.memref_slice %arg4[%dma_wait3A_72, %dma_wait3A_73] : memref<80x128xi32, #tpu.memory_space<vmem>> -> memref<1x128xi32, #tpu.memory_space<vmem>>
    %dma_wait3A_75 = tpu.memref_squeeze %dma_wait3A_74 : memref<1x128xi32, #tpu.memory_space<vmem>> -> memref<128xi32, #tpu.memory_space<vmem>>
    %dma_wait3A_76 = arith.constant 0 : i32
    %dma_wait3A_77 = arith.constant 0 : i32
    %dma_wait3A_78 = tpu.memref_slice %arg2[%add3A, %dma_wait3A_76, %dma_wait3A_77] : memref<32x80x128xi32, #tpu.memory_space<hbm>> -> memref<1x80x128xi32, #tpu.memory_space<hbm>>
    %dma_wait3A_79 = tpu.memref_squeeze %dma_wait3A_78 : memref<1x80x128xi32, #tpu.memory_space<hbm>> -> memref<80x128xi32, #tpu.memory_space<hbm>>
    %dma_wait3A_80 = arith.constant 0 : i32
    %dma_wait3A_81 = tpu.memref_slice %dma_wait3A_79[%dma_wait3A_71, %dma_wait3A_80] : memref<80x128xi32, #tpu.memory_space<hbm>> -> memref<1x128xi32, #tpu.memory_space<hbm>>
    %dma_wait3A_82 = tpu.memref_squeeze %dma_wait3A_81 : memref<1x128xi32, #tpu.memory_space<hbm>> -> memref<128xi32, #tpu.memory_space<hbm>>
    %dma_wait3A_83 = arith.constant 0 : i32
    %dma_wait3A_84 = tpu.memref_slice %arg4[%dma_wait3A_72, %dma_wait3A_83] : memref<80x128xi32, #tpu.memory_space<vmem>> -> memref<1x128xi32, #tpu.memory_space<vmem>>
    %dma_wait3A_85 = tpu.memref_squeeze %dma_wait3A_84 : memref<1x128xi32, #tpu.memory_space<vmem>> -> memref<128xi32, #tpu.memory_space<vmem>>
    %dma_wait3A_86 = arith.constant 0 : i32
    %dma_wait3A_87 = arith.constant 0 : i32
    %dma_wait3A_88 = tpu.memref_slice %arg2[%add3A, %dma_wait3A_86, %dma_wait3A_87] : memref<32x80x128xi32, #tpu.memory_space<hbm>> -> memref<1x80x128xi32, #tpu.memory_space<hbm>>
    %dma_wait3A_89 = tpu.memref_squeeze %dma_wait3A_88 : memref<1x80x128xi32, #tpu.memory_space<hbm>> -> memref<80x128xi32, #tpu.memory_space<hbm>>
    %dma_wait3A_90 = arith.constant 0 : i32
    %dma_wait3A_91 = tpu.memref_slice %dma_wait3A_89[%dma_wait3A_71, %dma_wait3A_90] : memref<80x128xi32, #tpu.memory_space<hbm>> -> memref<1x128xi32, #tpu.memory_space<hbm>>
    %dma_wait3A_92 = tpu.memref_squeeze %dma_wait3A_91 : memref<1x128xi32, #tpu.memory_space<hbm>> -> memref<128xi32, #tpu.memory_space<hbm>>
    tpu.wait_dma2 semaphore(%arg9 : memref<!tpu.dma_semaphore, #tpu.memory_space<semaphore_mem>>) src(%dma_wait3A_92 : memref<128xi32, #tpu.memory_space<hbm>>) dst(%dma_wait3A_85 : memref<128xi32, #tpu.memory_space<vmem>>)
    %barrier3A_93 = arith.constant 0 : index
    tpu.barrier barrier_id(%barrier3A_93)
    %mul3A_94 = arith.constant 640 : i32
    %mul3A_95 = arith.muli %arg1, %mul3A_94 : i32
    %mul3A_96 = arith.constant 640 : i32
    %mul3A_97 = arith.muli %arg1, %mul3A_96 : i32
    "tpu.region"() ({
      %run_scoped3A = tpu.sem_alloc : memref<!tpu.dma_semaphore, #tpu.memory_space<semaphore_mem>>
      %dma_start3A = arith.constant 0 : i32
      %dma_start3A_98 = tpu.memref_slice %arg3[%arg0, %dma_start3A] : memref<2x10240xf32, #tpu.memory_space<hbm>> -> memref<1x10240xf32, #tpu.memory_space<hbm>>
      %dma_start3A_99 = tpu.memref_squeeze %dma_start3A_98 : memref<1x10240xf32, #tpu.memory_space<hbm>> -> memref<10240xf32, #tpu.memory_space<hbm>>
      %dma_start3A_100 = tpu.memref_slice %dma_start3A_99[%mul3A_97] : memref<10240xf32, #tpu.memory_space<hbm>> -> memref<640xf32, #tpu.memory_space<hbm>>
      %dma_start3A_101 = tpu.memref_slice %arg7[%mul3A_95] : memref<10240xf32, #tpu.memory_space<vmem_shared>> -> memref<640xf32, #tpu.memory_space<vmem_shared>>
      tpu.enqueue_dma source(%dma_start3A_101 : memref<640xf32, #tpu.memory_space<vmem_shared>>) target(%dma_start3A_100 : memref<640xf32, #tpu.memory_space<hbm>>) target_semaphore(%run_scoped3A : memref<!tpu.dma_semaphore, #tpu.memory_space<semaphore_mem>>)
      %dma_wait3A_102 = arith.constant 0 : i32
      %dma_wait3A_103 = tpu.memref_slice %arg3[%arg0, %dma_wait3A_102] : memref<2x10240xf32, #tpu.memory_space<hbm>> -> memref<1x10240xf32, #tpu.memory_space<hbm>>
      %dma_wait3A_104 = tpu.memref_squeeze %dma_wait3A_103 : memref<1x10240xf32, #tpu.memory_space<hbm>> -> memref<10240xf32, #tpu.memory_space<hbm>>
      %dma_wait3A_105 = tpu.memref_slice %dma_wait3A_104[%mul3A_97] : memref<10240xf32, #tpu.memory_space<hbm>> -> memref<640xf32, #tpu.memory_space<hbm>>
      %dma_wait3A_106 = tpu.memref_slice %arg7[%mul3A_95] : memref<10240xf32, #tpu.memory_space<vmem_shared>> -> memref<640xf32, #tpu.memory_space<vmem_shared>>
      tpu.wait_dma2 semaphore(%run_scoped3A : memref<!tpu.dma_semaphore, #tpu.memory_space<semaphore_mem>>) src(%dma_wait3A_106 : memref<640xf32, #tpu.memory_space<vmem_shared>>) dst(%dma_wait3A_105 : memref<640xf32, #tpu.memory_space<hbm>>)
      tpu.yield
    }) : () -> ()
    return
  }
}

#map = affine_map<(d0, d1) -> (0, 0)>
#map1 = affine_map<(d0, d1) -> (0, 0, 0)>
module attributes {stable_mosaic.version = 14 : i64} {
  func.func @_sc_propagate(%arg0: i32, %arg1: i32, %arg2: memref<10240x128xf32, #tpu.memory_space<hbm>>, %arg3: memref<32x128x80xi32, #tpu.memory_space<hbm>>, %arg4: memref<32x128x80xi32, #tpu.memory_space<hbm>>, %arg5: memref<2x10240x128xf32, #tpu.memory_space<hbm>>, %arg6: memref<32x80xi32, #tpu.memory_space<vmem>>, %arg7: memref<32x80xi32, #tpu.memory_space<vmem>>, %arg8: memref<4x80x128xf32, #tpu.memory_space<vmem>>, %arg9: memref<10240x128xf32, #tpu.memory_space<vmem_shared>>, %arg10: memref<!tpu.dma_semaphore, #tpu.memory_space<semaphore_mem>>, %arg11: memref<!tpu.dma_semaphore, #tpu.memory_space<semaphore_mem>>, %arg12: memref<!tpu.dma_semaphore, #tpu.memory_space<semaphore_mem>>, %arg13: memref<!tpu.dma_semaphore, #tpu.memory_space<semaphore_mem>>, %arg14: memref<!tpu.dma_semaphore, #tpu.memory_space<semaphore_mem>>, %arg15: memref<!tpu.dma_semaphore, #tpu.memory_space<semaphore_mem>>, %arg16: memref<!tpu.dma_semaphore, #tpu.memory_space<semaphore_mem>>, %arg17: memref<!tpu.dma_semaphore, #tpu.memory_space<semaphore_mem>>) attributes {dimension_semantics = [#tpu.dimension_semantics<core_parallel>, #tpu.dimension_semantics<subcore_parallel>], iteration_bounds = array<i64: 2, 16>, scalar_prefetch = 0 : i64, scratch_operands = 12 : i64, tpu.core_type = #tpu.core_type<sc_vector_subcore>, window_params = [{transform_indices = #map}, {transform_indices = #map1}, {transform_indices = #map1}, {transform_indices = #map1}]} {
    %mul3A = arith.constant 16 : i32
    %mul3A_0 = arith.muli %arg0, %mul3A : i32
    %add3A = arith.addi %mul3A_0, %arg1 : i32
    %broadcast_in_dim3A = arith.constant 0.000000e+00 : f32
    %broadcast_in_dim3A_1 = vector.broadcast %broadcast_in_dim3A : f32 to vector<16xf32>
    %scan3A = arith.constant 0 : i32
    %scan3A_2 = arith.constant 0 : i32
    %scan3A_3 = arith.constant 80 : i32
    %scan3A_4 = arith.addi %scan3A_2, %scan3A_3 : i32
    %scan3A_5 = arith.constant 1 : i32
    %scan3A_6 = scf.for %scan3A_59 = %scan3A_2 to %scan3A_4 step %scan3A_5 iter_args(%scan3A_60 = %scan3A) -> (i32)  : i32 {
      %swap3A = arith.constant 0 : i32
      %swap3A_61 = arith.index_cast %swap3A : i32 to index
      %swap3A_62 = arith.index_cast %scan3A_59 : i32 to index
      %swap3A_63 = arith.constant 0 : index
      %swap3A_64 = tpu.vector_load %arg8[%swap3A_61, %swap3A_62, %swap3A_63] {strides = array<i32>} : memref<4x80x128xf32, #tpu.memory_space<vmem>>, vector<1x1x16xf32>,
      %swap3A_65 = vector.shape_cast %swap3A_64 : vector<1x1x16xf32> to vector<16xf32>
      %swap3A_66 = vector.shape_cast %broadcast_in_dim3A_1 : vector<16xf32> to vector<1x1x16xf32>
      tpu.vector_store %arg8[%swap3A_61, %swap3A_62, %swap3A_63], %swap3A_66 {strides = array<i32>} : memref<4x80x128xf32, #tpu.memory_space<vmem>>, vector<1x1x16xf32>,
      %swap3A_67 = arith.constant 0 : i32
      %swap3A_68 = arith.index_cast %swap3A_67 : i32 to index
      %swap3A_69 = arith.index_cast %scan3A_59 : i32 to index
      %swap3A_70 = arith.constant 16 : index
      %swap3A_71 = tpu.vector_load %arg8[%swap3A_68, %swap3A_69, %swap3A_70] {strides = array<i32>} : memref<4x80x128xf32, #tpu.memory_space<vmem>>, vector<1x1x16xf32>,
      %swap3A_72 = vector.shape_cast %swap3A_71 : vector<1x1x16xf32> to vector<16xf32>
      %swap3A_73 = vector.shape_cast %broadcast_in_dim3A_1 : vector<16xf32> to vector<1x1x16xf32>
      tpu.vector_store %arg8[%swap3A_68, %swap3A_69, %swap3A_70], %swap3A_73 {strides = array<i32>} : memref<4x80x128xf32, #tpu.memory_space<vmem>>, vector<1x1x16xf32>,
      %swap3A_74 = arith.constant 0 : i32
      %swap3A_75 = arith.index_cast %swap3A_74 : i32 to index
      %swap3A_76 = arith.index_cast %scan3A_59 : i32 to index
      %swap3A_77 = arith.constant 32 : index
      %swap3A_78 = tpu.vector_load %arg8[%swap3A_75, %swap3A_76, %swap3A_77] {strides = array<i32>} : memref<4x80x128xf32, #tpu.memory_space<vmem>>, vector<1x1x16xf32>,
      %swap3A_79 = vector.shape_cast %swap3A_78 : vector<1x1x16xf32> to vector<16xf32>
      %swap3A_80 = vector.shape_cast %broadcast_in_dim3A_1 : vector<16xf32> to vector<1x1x16xf32>
      tpu.vector_store %arg8[%swap3A_75, %swap3A_76, %swap3A_77], %swap3A_80 {strides = array<i32>} : memref<4x80x128xf32, #tpu.memory_space<vmem>>, vector<1x1x16xf32>,
      %swap3A_81 = arith.constant 0 : i32
      %swap3A_82 = arith.index_cast %swap3A_81 : i32 to index
      %swap3A_83 = arith.index_cast %scan3A_59 : i32 to index
      %swap3A_84 = arith.constant 48 : index
      %swap3A_85 = tpu.vector_load %arg8[%swap3A_82, %swap3A_83, %swap3A_84] {strides = array<i32>} : memref<4x80x128xf32, #tpu.memory_space<vmem>>, vector<1x1x16xf32>,
      %swap3A_86 = vector.shape_cast %swap3A_85 : vector<1x1x16xf32> to vector<16xf32>
      %swap3A_87 = vector.shape_cast %broadcast_in_dim3A_1 : vector<16xf32> to vector<1x1x16xf32>
      tpu.vector_store %arg8[%swap3A_82, %swap3A_83, %swap3A_84], %swap3A_87 {strides = array<i32>} : memref<4x80x128xf32, #tpu.memory_space<vmem>>, vector<1x1x16xf32>,
      %swap3A_88 = arith.constant 0 : i32
      %swap3A_89 = arith.index_cast %swap3A_88 : i32 to index
      %swap3A_90 = arith.index_cast %scan3A_59 : i32 to index
      %swap3A_91 = arith.constant 64 : index
      %swap3A_92 = tpu.vector_load %arg8[%swap3A_89, %swap3A_90, %swap3A_91] {strides = array<i32>} : memref<4x80x128xf32, #tpu.memory_space<vmem>>, vector<1x1x16xf32>,
      %swap3A_93 = vector.shape_cast %swap3A_92 : vector<1x1x16xf32> to vector<16xf32>
      %swap3A_94 = vector.shape_cast %broadcast_in_dim3A_1 : vector<16xf32> to vector<1x1x16xf32>
      tpu.vector_store %arg8[%swap3A_89, %swap3A_90, %swap3A_91], %swap3A_94 {strides = array<i32>} : memref<4x80x128xf32, #tpu.memory_space<vmem>>, vector<1x1x16xf32>,
      %swap3A_95 = arith.constant 0 : i32
      %swap3A_96 = arith.index_cast %swap3A_95 : i32 to index
      %swap3A_97 = arith.index_cast %scan3A_59 : i32 to index
      %swap3A_98 = arith.constant 80 : index
      %swap3A_99 = tpu.vector_load %arg8[%swap3A_96, %swap3A_97, %swap3A_98] {strides = array<i32>} : memref<4x80x128xf32, #tpu.memory_space<vmem>>, vector<1x1x16xf32>,
      %swap3A_100 = vector.shape_cast %swap3A_99 : vector<1x1x16xf32> to vector<16xf32>
      %swap3A_101 = vector.shape_cast %broadcast_in_dim3A_1 : vector<16xf32> to vector<1x1x16xf32>
      tpu.vector_store %arg8[%swap3A_96, %swap3A_97, %swap3A_98], %swap3A_101 {strides = array<i32>} : memref<4x80x128xf32, #tpu.memory_space<vmem>>, vector<1x1x16xf32>,
      %swap3A_102 = arith.constant 0 : i32
      %swap3A_103 = arith.index_cast %swap3A_102 : i32 to index
      %swap3A_104 = arith.index_cast %scan3A_59 : i32 to index
      %swap3A_105 = arith.constant 96 : index
      %swap3A_106 = tpu.vector_load %arg8[%swap3A_103, %swap3A_104, %swap3A_105] {strides = array<i32>} : memref<4x80x128xf32, #tpu.memory_space<vmem>>, vector<1x1x16xf32>,
      %swap3A_107 = vector.shape_cast %swap3A_106 : vector<1x1x16xf32> to vector<16xf32>
      %swap3A_108 = vector.shape_cast %broadcast_in_dim3A_1 : vector<16xf32> to vector<1x1x16xf32>
      tpu.vector_store %arg8[%swap3A_103, %swap3A_104, %swap3A_105], %swap3A_108 {strides = array<i32>} : memref<4x80x128xf32, #tpu.memory_space<vmem>>, vector<1x1x16xf32>,
      %swap3A_109 = arith.constant 0 : i32
      %swap3A_110 = arith.index_cast %swap3A_109 : i32 to index
      %swap3A_111 = arith.index_cast %scan3A_59 : i32 to index
      %swap3A_112 = arith.constant 112 : index
      %swap3A_113 = tpu.vector_load %arg8[%swap3A_110, %swap3A_111, %swap3A_112] {strides = array<i32>} : memref<4x80x128xf32, #tpu.memory_space<vmem>>, vector<1x1x16xf32>,
      %swap3A_114 = vector.shape_cast %swap3A_113 : vector<1x1x16xf32> to vector<16xf32>
      %swap3A_115 = vector.shape_cast %broadcast_in_dim3A_1 : vector<16xf32> to vector<1x1x16xf32>
      tpu.vector_store %arg8[%swap3A_110, %swap3A_111, %swap3A_112], %swap3A_115 {strides = array<i32>} : memref<4x80x128xf32, #tpu.memory_space<vmem>>, vector<1x1x16xf32>,
      %scan3A_116 = arith.constant 0 : i32
      scf.yield %scan3A_116 : i32
    }
    %scan3A_7 = arith.constant 80 : i32
    %mul3A_8 = arith.constant 640 : i32
    %mul3A_9 = arith.muli %arg1, %mul3A_8 : i32
    %add3A_10 = arith.constant 0 : i32
    %add3A_11 = arith.addi %mul3A_9, %add3A_10 : i32
    %run_scoped3A = arith.constant 0 : i32
    "tpu.region"() ({
      %run_scoped3A_59 = tpu.sem_alloc : memref<!tpu.dma_semaphore, #tpu.memory_space<semaphore_mem>>
      %dma_start3A = arith.constant 0 : i32
      %dma_start3A_60 = arith.constant 0 : i32
      %dma_start3A_61 = tpu.memref_slice %arg8[%run_scoped3A, %dma_start3A, %dma_start3A_60] : memref<4x80x128xf32, #tpu.memory_space<vmem>> -> memref<1x80x128xf32, #tpu.memory_space<vmem>>
      %dma_start3A_62 = tpu.memref_squeeze %dma_start3A_61 : memref<1x80x128xf32, #tpu.memory_space<vmem>> -> memref<80x128xf32, #tpu.memory_space<vmem>>
      %dma_start3A_63 = arith.constant 0 : i32
      %dma_start3A_64 = tpu.memref_slice %arg9[%add3A_11, %dma_start3A_63] : memref<10240x128xf32, #tpu.memory_space<vmem_shared>> -> memref<80x128xf32, #tpu.memory_space<vmem_shared>>
      %dma_start3A_65 = arith.constant 0 : i32
      %dma_start3A_66 = tpu.memref_slice %arg9[%add3A_11, %dma_start3A_65] : memref<10240x128xf32, #tpu.memory_space<vmem_shared>> -> memref<80x128xf32, #tpu.memory_space<vmem_shared>>
      %dma_start3A_67 = arith.constant 0 : i32
      %dma_start3A_68 = arith.constant 0 : i32
      %dma_start3A_69 = tpu.memref_slice %arg8[%run_scoped3A, %dma_start3A_67, %dma_start3A_68] : memref<4x80x128xf32, #tpu.memory_space<vmem>> -> memref<1x80x128xf32, #tpu.memory_space<vmem>>
      %dma_start3A_70 = tpu.memref_squeeze %dma_start3A_69 : memref<1x80x128xf32, #tpu.memory_space<vmem>> -> memref<80x128xf32, #tpu.memory_space<vmem>>
      tpu.enqueue_dma source(%dma_start3A_70 : memref<80x128xf32, #tpu.memory_space<vmem>>) target(%dma_start3A_66 : memref<80x128xf32, #tpu.memory_space<vmem_shared>>) target_semaphore(%run_scoped3A_59 : memref<!tpu.dma_semaphore, #tpu.memory_space<semaphore_mem>>)
      %dma_wait3A = arith.constant 0 : i32
      %dma_wait3A_71 = arith.constant 0 : i32
      %dma_wait3A_72 = tpu.memref_slice %arg8[%run_scoped3A, %dma_wait3A, %dma_wait3A_71] : memref<4x80x128xf32, #tpu.memory_space<vmem>> -> memref<1x80x128xf32, #tpu.memory_space<vmem>>
      %dma_wait3A_73 = tpu.memref_squeeze %dma_wait3A_72 : memref<1x80x128xf32, #tpu.memory_space<vmem>> -> memref<80x128xf32, #tpu.memory_space<vmem>>
      %dma_wait3A_74 = arith.constant 0 : i32
      %dma_wait3A_75 = tpu.memref_slice %arg9[%add3A_11, %dma_wait3A_74] : memref<10240x128xf32, #tpu.memory_space<vmem_shared>> -> memref<80x128xf32, #tpu.memory_space<vmem_shared>>
      %dma_wait3A_76 = arith.constant 0 : i32
      %dma_wait3A_77 = tpu.memref_slice %arg9[%add3A_11, %dma_wait3A_76] : memref<10240x128xf32, #tpu.memory_space<vmem_shared>> -> memref<80x128xf32, #tpu.memory_space<vmem_shared>>
      %dma_wait3A_78 = arith.constant 0 : i32
      %dma_wait3A_79 = arith.constant 0 : i32
      %dma_wait3A_80 = tpu.memref_slice %arg8[%run_scoped3A, %dma_wait3A_78, %dma_wait3A_79] : memref<4x80x128xf32, #tpu.memory_space<vmem>> -> memref<1x80x128xf32, #tpu.memory_space<vmem>>
      %dma_wait3A_81 = tpu.memref_squeeze %dma_wait3A_80 : memref<1x80x128xf32, #tpu.memory_space<vmem>> -> memref<80x128xf32, #tpu.memory_space<vmem>>
      tpu.wait_dma2 semaphore(%run_scoped3A_59 : memref<!tpu.dma_semaphore, #tpu.memory_space<semaphore_mem>>) src(%dma_wait3A_81 : memref<80x128xf32, #tpu.memory_space<vmem>>) dst(%dma_wait3A_77 : memref<80x128xf32, #tpu.memory_space<vmem_shared>>)
      tpu.yield
    }) : () -> ()
    %mul3A_12 = arith.constant 640 : i32
    %mul3A_13 = arith.muli %arg1, %mul3A_12 : i32
    %add3A_14 = arith.constant 80 : i32
    %add3A_15 = arith.addi %mul3A_13, %add3A_14 : i32
    %run_scoped3A_16 = arith.constant 0 : i32
    "tpu.region"() ({
      %run_scoped3A_59 = tpu.sem_alloc : memref<!tpu.dma_semaphore, #tpu.memory_space<semaphore_mem>>
      %dma_start3A = arith.constant 0 : i32
      %dma_start3A_60 = arith.constant 0 : i32
      %dma_start3A_61 = tpu.memref_slice %arg8[%run_scoped3A_16, %dma_start3A, %dma_start3A_60] : memref<4x80x128xf32, #tpu.memory_space<vmem>> -> memref<1x80x128xf32, #tpu.memory_space<vmem>>
      %dma_start3A_62 = tpu.memref_squeeze %dma_start3A_61 : memref<1x80x128xf32, #tpu.memory_space<vmem>> -> memref<80x128xf32, #tpu.memory_space<vmem>>
      %dma_start3A_63 = arith.constant 0 : i32
      %dma_start3A_64 = tpu.memref_slice %arg9[%add3A_15, %dma_start3A_63] : memref<10240x128xf32, #tpu.memory_space<vmem_shared>> -> memref<80x128xf32, #tpu.memory_space<vmem_shared>>
      %dma_start3A_65 = arith.constant 0 : i32
      %dma_start3A_66 = tpu.memref_slice %arg9[%add3A_15, %dma_start3A_65] : memref<10240x128xf32, #tpu.memory_space<vmem_shared>> -> memref<80x128xf32, #tpu.memory_space<vmem_shared>>
      %dma_start3A_67 = arith.constant 0 : i32
      %dma_start3A_68 = arith.constant 0 : i32
      %dma_start3A_69 = tpu.memref_slice %arg8[%run_scoped3A_16, %dma_start3A_67, %dma_start3A_68] : memref<4x80x128xf32, #tpu.memory_space<vmem>> -> memref<1x80x128xf32, #tpu.memory_space<vmem>>
      %dma_start3A_70 = tpu.memref_squeeze %dma_start3A_69 : memref<1x80x128xf32, #tpu.memory_space<vmem>> -> memref<80x128xf32, #tpu.memory_space<vmem>>
      tpu.enqueue_dma source(%dma_start3A_70 : memref<80x128xf32, #tpu.memory_space<vmem>>) target(%dma_start3A_66 : memref<80x128xf32, #tpu.memory_space<vmem_shared>>) target_semaphore(%run_scoped3A_59 : memref<!tpu.dma_semaphore, #tpu.memory_space<semaphore_mem>>)
      %dma_wait3A = arith.constant 0 : i32
      %dma_wait3A_71 = arith.constant 0 : i32
      %dma_wait3A_72 = tpu.memref_slice %arg8[%run_scoped3A_16, %dma_wait3A, %dma_wait3A_71] : memref<4x80x128xf32, #tpu.memory_space<vmem>> -> memref<1x80x128xf32, #tpu.memory_space<vmem>>
      %dma_wait3A_73 = tpu.memref_squeeze %dma_wait3A_72 : memref<1x80x128xf32, #tpu.memory_space<vmem>> -> memref<80x128xf32, #tpu.memory_space<vmem>>
      %dma_wait3A_74 = arith.constant 0 : i32
      %dma_wait3A_75 = tpu.memref_slice %arg9[%add3A_15, %dma_wait3A_74] : memref<10240x128xf32, #tpu.memory_space<vmem_shared>> -> memref<80x128xf32, #tpu.memory_space<vmem_shared>>
      %dma_wait3A_76 = arith.constant 0 : i32
      %dma_wait3A_77 = tpu.memref_slice %arg9[%add3A_15, %dma_wait3A_76] : memref<10240x128xf32, #tpu.memory_space<vmem_shared>> -> memref<80x128xf32, #tpu.memory_space<vmem_shared>>
      %dma_wait3A_78 = arith.constant 0 : i32
      %dma_wait3A_79 = arith.constant 0 : i32
      %dma_wait3A_80 = tpu.memref_slice %arg8[%run_scoped3A_16, %dma_wait3A_78, %dma_wait3A_79] : memref<4x80x128xf32, #tpu.memory_space<vmem>> -> memref<1x80x128xf32, #tpu.memory_space<vmem>>
      %dma_wait3A_81 = tpu.memref_squeeze %dma_wait3A_80 : memref<1x80x128xf32, #tpu.memory_space<vmem>> -> memref<80x128xf32, #tpu.memory_space<vmem>>
      tpu.wait_dma2 semaphore(%run_scoped3A_59 : memref<!tpu.dma_semaphore, #tpu.memory_space<semaphore_mem>>) src(%dma_wait3A_81 : memref<80x128xf32, #tpu.memory_space<vmem>>) dst(%dma_wait3A_77 : memref<80x128xf32, #tpu.memory_space<vmem_shared>>)
      tpu.yield
    }) : () -> ()
    %mul3A_17 = arith.constant 640 : i32
    %mul3A_18 = arith.muli %arg1, %mul3A_17 : i32
    %add3A_19 = arith.constant 160 : i32
    %add3A_20 = arith.addi %mul3A_18, %add3A_19 : i32
    %run_scoped3A_21 = arith.constant 0 : i32
    "tpu.region"() ({
      %run_scoped3A_59 = tpu.sem_alloc : memref<!tpu.dma_semaphore, #tpu.memory_space<semaphore_mem>>
      %dma_start3A = arith.constant 0 : i32
      %dma_start3A_60 = arith.constant 0 : i32
      %dma_start3A_61 = tpu.memref_slice %arg8[%run_scoped3A_21, %dma_start3A, %dma_start3A_60] : memref<4x80x128xf32, #tpu.memory_space<vmem>> -> memref<1x80x128xf32, #tpu.memory_space<vmem>>
      %dma_start3A_62 = tpu.memref_squeeze %dma_start3A_61 : memref<1x80x128xf32, #tpu.memory_space<vmem>> -> memref<80x128xf32, #tpu.memory_space<vmem>>
      %dma_start3A_63 = arith.constant 0 : i32
      %dma_start3A_64 = tpu.memref_slice %arg9[%add3A_20, %dma_start3A_63] : memref<10240x128xf32, #tpu.memory_space<vmem_shared>> -> memref<80x128xf32, #tpu.memory_space<vmem_shared>>
      %dma_start3A_65 = arith.constant 0 : i32
      %dma_start3A_66 = tpu.memref_slice %arg9[%add3A_20, %dma_start3A_65] : memref<10240x128xf32, #tpu.memory_space<vmem_shared>> -> memref<80x128xf32, #tpu.memory_space<vmem_shared>>
      %dma_start3A_67 = arith.constant 0 : i32
      %dma_start3A_68 = arith.constant 0 : i32
      %dma_start3A_69 = tpu.memref_slice %arg8[%run_scoped3A_21, %dma_start3A_67, %dma_start3A_68] : memref<4x80x128xf32, #tpu.memory_space<vmem>> -> memref<1x80x128xf32, #tpu.memory_space<vmem>>
      %dma_start3A_70 = tpu.memref_squeeze %dma_start3A_69 : memref<1x80x128xf32, #tpu.memory_space<vmem>> -> memref<80x128xf32, #tpu.memory_space<vmem>>
      tpu.enqueue_dma source(%dma_start3A_70 : memref<80x128xf32, #tpu.memory_space<vmem>>) target(%dma_start3A_66 : memref<80x128xf32, #tpu.memory_space<vmem_shared>>) target_semaphore(%run_scoped3A_59 : memref<!tpu.dma_semaphore, #tpu.memory_space<semaphore_mem>>)
      %dma_wait3A = arith.constant 0 : i32
      %dma_wait3A_71 = arith.constant 0 : i32
      %dma_wait3A_72 = tpu.memref_slice %arg8[%run_scoped3A_21, %dma_wait3A, %dma_wait3A_71] : memref<4x80x128xf32, #tpu.memory_space<vmem>> -> memref<1x80x128xf32, #tpu.memory_space<vmem>>
      %dma_wait3A_73 = tpu.memref_squeeze %dma_wait3A_72 : memref<1x80x128xf32, #tpu.memory_space<vmem>> -> memref<80x128xf32, #tpu.memory_space<vmem>>
      %dma_wait3A_74 = arith.constant 0 : i32
      %dma_wait3A_75 = tpu.memref_slice %arg9[%add3A_20, %dma_wait3A_74] : memref<10240x128xf32, #tpu.memory_space<vmem_shared>> -> memref<80x128xf32, #tpu.memory_space<vmem_shared>>
      %dma_wait3A_76 = arith.constant 0 : i32
      %dma_wait3A_77 = tpu.memref_slice %arg9[%add3A_20, %dma_wait3A_76] : memref<10240x128xf32, #tpu.memory_space<vmem_shared>> -> memref<80x128xf32, #tpu.memory_space<vmem_shared>>
      %dma_wait3A_78 = arith.constant 0 : i32
      %dma_wait3A_79 = arith.constant 0 : i32
      %dma_wait3A_80 = tpu.memref_slice %arg8[%run_scoped3A_21, %dma_wait3A_78, %dma_wait3A_79] : memref<4x80x128xf32, #tpu.memory_space<vmem>> -> memref<1x80x128xf32, #tpu.memory_space<vmem>>
      %dma_wait3A_81 = tpu.memref_squeeze %dma_wait3A_80 : memref<1x80x128xf32, #tpu.memory_space<vmem>> -> memref<80x128xf32, #tpu.memory_space<vmem>>
      tpu.wait_dma2 semaphore(%run_scoped3A_59 : memref<!tpu.dma_semaphore, #tpu.memory_space<semaphore_mem>>) src(%dma_wait3A_81 : memref<80x128xf32, #tpu.memory_space<vmem>>) dst(%dma_wait3A_77 : memref<80x128xf32, #tpu.memory_space<vmem_shared>>)
      tpu.yield
    }) : () -> ()
    %mul3A_22 = arith.constant 640 : i32
    %mul3A_23 = arith.muli %arg1, %mul3A_22 : i32
    %add3A_24 = arith.constant 240 : i32
    %add3A_25 = arith.addi %mul3A_23, %add3A_24 : i32
    %run_scoped3A_26 = arith.constant 0 : i32
    "tpu.region"() ({
      %run_scoped3A_59 = tpu.sem_alloc : memref<!tpu.dma_semaphore, #tpu.memory_space<semaphore_mem>>
      %dma_start3A = arith.constant 0 : i32
      %dma_start3A_60 = arith.constant 0 : i32
      %dma_start3A_61 = tpu.memref_slice %arg8[%run_scoped3A_26, %dma_start3A, %dma_start3A_60] : memref<4x80x128xf32, #tpu.memory_space<vmem>> -> memref<1x80x128xf32, #tpu.memory_space<vmem>>
      %dma_start3A_62 = tpu.memref_squeeze %dma_start3A_61 : memref<1x80x128xf32, #tpu.memory_space<vmem>> -> memref<80x128xf32, #tpu.memory_space<vmem>>
      %dma_start3A_63 = arith.constant 0 : i32
      %dma_start3A_64 = tpu.memref_slice %arg9[%add3A_25, %dma_start3A_63] : memref<10240x128xf32, #tpu.memory_space<vmem_shared>> -> memref<80x128xf32, #tpu.memory_space<vmem_shared>>
      %dma_start3A_65 = arith.constant 0 : i32
      %dma_start3A_66 = tpu.memref_slice %arg9[%add3A_25, %dma_start3A_65] : memref<10240x128xf32, #tpu.memory_space<vmem_shared>> -> memref<80x128xf32, #tpu.memory_space<vmem_shared>>
      %dma_start3A_67 = arith.constant 0 : i32
      %dma_start3A_68 = arith.constant 0 : i32
      %dma_start3A_69 = tpu.memref_slice %arg8[%run_scoped3A_26, %dma_start3A_67, %dma_start3A_68] : memref<4x80x128xf32, #tpu.memory_space<vmem>> -> memref<1x80x128xf32, #tpu.memory_space<vmem>>
      %dma_start3A_70 = tpu.memref_squeeze %dma_start3A_69 : memref<1x80x128xf32, #tpu.memory_space<vmem>> -> memref<80x128xf32, #tpu.memory_space<vmem>>
      tpu.enqueue_dma source(%dma_start3A_70 : memref<80x128xf32, #tpu.memory_space<vmem>>) target(%dma_start3A_66 : memref<80x128xf32, #tpu.memory_space<vmem_shared>>) target_semaphore(%run_scoped3A_59 : memref<!tpu.dma_semaphore, #tpu.memory_space<semaphore_mem>>)
      %dma_wait3A = arith.constant 0 : i32
      %dma_wait3A_71 = arith.constant 0 : i32
      %dma_wait3A_72 = tpu.memref_slice %arg8[%run_scoped3A_26, %dma_wait3A, %dma_wait3A_71] : memref<4x80x128xf32, #tpu.memory_space<vmem>> -> memref<1x80x128xf32, #tpu.memory_space<vmem>>
      %dma_wait3A_73 = tpu.memref_squeeze %dma_wait3A_72 : memref<1x80x128xf32, #tpu.memory_space<vmem>> -> memref<80x128xf32, #tpu.memory_space<vmem>>
      %dma_wait3A_74 = arith.constant 0 : i32
      %dma_wait3A_75 = tpu.memref_slice %arg9[%add3A_25, %dma_wait3A_74] : memref<10240x128xf32, #tpu.memory_space<vmem_shared>> -> memref<80x128xf32, #tpu.memory_space<vmem_shared>>
      %dma_wait3A_76 = arith.constant 0 : i32
      %dma_wait3A_77 = tpu.memref_slice %arg9[%add3A_25, %dma_wait3A_76] : memref<10240x128xf32, #tpu.memory_space<vmem_shared>> -> memref<80x128xf32, #tpu.memory_space<vmem_shared>>
      %dma_wait3A_78 = arith.constant 0 : i32
      %dma_wait3A_79 = arith.constant 0 : i32
      %dma_wait3A_80 = tpu.memref_slice %arg8[%run_scoped3A_26, %dma_wait3A_78, %dma_wait3A_79] : memref<4x80x128xf32, #tpu.memory_space<vmem>> -> memref<1x80x128xf32, #tpu.memory_space<vmem>>
      %dma_wait3A_81 = tpu.memref_squeeze %dma_wait3A_80 : memref<1x80x128xf32, #tpu.memory_space<vmem>> -> memref<80x128xf32, #tpu.memory_space<vmem>>
      tpu.wait_dma2 semaphore(%run_scoped3A_59 : memref<!tpu.dma_semaphore, #tpu.memory_space<semaphore_mem>>) src(%dma_wait3A_81 : memref<80x128xf32, #tpu.memory_space<vmem>>) dst(%dma_wait3A_77 : memref<80x128xf32, #tpu.memory_space<vmem_shared>>)
      tpu.yield
    }) : () -> ()
    %mul3A_27 = arith.constant 640 : i32
    %mul3A_28 = arith.muli %arg1, %mul3A_27 : i32
    %add3A_29 = arith.constant 320 : i32
    %add3A_30 = arith.addi %mul3A_28, %add3A_29 : i32
    %run_scoped3A_31 = arith.constant 0 : i32
    "tpu.region"() ({
      %run_scoped3A_59 = tpu.sem_alloc : memref<!tpu.dma_semaphore, #tpu.memory_space<semaphore_mem>>
      %dma_start3A = arith.constant 0 : i32
      %dma_start3A_60 = arith.constant 0 : i32
      %dma_start3A_61 = tpu.memref_slice %arg8[%run_scoped3A_31, %dma_start3A, %dma_start3A_60] : memref<4x80x128xf32, #tpu.memory_space<vmem>> -> memref<1x80x128xf32, #tpu.memory_space<vmem>>
      %dma_start3A_62 = tpu.memref_squeeze %dma_start3A_61 : memref<1x80x128xf32, #tpu.memory_space<vmem>> -> memref<80x128xf32, #tpu.memory_space<vmem>>
      %dma_start3A_63 = arith.constant 0 : i32
      %dma_start3A_64 = tpu.memref_slice %arg9[%add3A_30, %dma_start3A_63] : memref<10240x128xf32, #tpu.memory_space<vmem_shared>> -> memref<80x128xf32, #tpu.memory_space<vmem_shared>>
      %dma_start3A_65 = arith.constant 0 : i32
      %dma_start3A_66 = tpu.memref_slice %arg9[%add3A_30, %dma_start3A_65] : memref<10240x128xf32, #tpu.memory_space<vmem_shared>> -> memref<80x128xf32, #tpu.memory_space<vmem_shared>>
      %dma_start3A_67 = arith.constant 0 : i32
      %dma_start3A_68 = arith.constant 0 : i32
      %dma_start3A_69 = tpu.memref_slice %arg8[%run_scoped3A_31, %dma_start3A_67, %dma_start3A_68] : memref<4x80x128xf32, #tpu.memory_space<vmem>> -> memref<1x80x128xf32, #tpu.memory_space<vmem>>
      %dma_start3A_70 = tpu.memref_squeeze %dma_start3A_69 : memref<1x80x128xf32, #tpu.memory_space<vmem>> -> memref<80x128xf32, #tpu.memory_space<vmem>>
      tpu.enqueue_dma source(%dma_start3A_70 : memref<80x128xf32, #tpu.memory_space<vmem>>) target(%dma_start3A_66 : memref<80x128xf32, #tpu.memory_space<vmem_shared>>) target_semaphore(%run_scoped3A_59 : memref<!tpu.dma_semaphore, #tpu.memory_space<semaphore_mem>>)
      %dma_wait3A = arith.constant 0 : i32
      %dma_wait3A_71 = arith.constant 0 : i32
      %dma_wait3A_72 = tpu.memref_slice %arg8[%run_scoped3A_31, %dma_wait3A, %dma_wait3A_71] : memref<4x80x128xf32, #tpu.memory_space<vmem>> -> memref<1x80x128xf32, #tpu.memory_space<vmem>>
      %dma_wait3A_73 = tpu.memref_squeeze %dma_wait3A_72 : memref<1x80x128xf32, #tpu.memory_space<vmem>> -> memref<80x128xf32, #tpu.memory_space<vmem>>
      %dma_wait3A_74 = arith.constant 0 : i32
      %dma_wait3A_75 = tpu.memref_slice %arg9[%add3A_30, %dma_wait3A_74] : memref<10240x128xf32, #tpu.memory_space<vmem_shared>> -> memref<80x128xf32, #tpu.memory_space<vmem_shared>>
      %dma_wait3A_76 = arith.constant 0 : i32
      %dma_wait3A_77 = tpu.memref_slice %arg9[%add3A_30, %dma_wait3A_76] : memref<10240x128xf32, #tpu.memory_space<vmem_shared>> -> memref<80x128xf32, #tpu.memory_space<vmem_shared>>
      %dma_wait3A_78 = arith.constant 0 : i32
      %dma_wait3A_79 = arith.constant 0 : i32
      %dma_wait3A_80 = tpu.memref_slice %arg8[%run_scoped3A_31, %dma_wait3A_78, %dma_wait3A_79] : memref<4x80x128xf32, #tpu.memory_space<vmem>> -> memref<1x80x128xf32, #tpu.memory_space<vmem>>
      %dma_wait3A_81 = tpu.memref_squeeze %dma_wait3A_80 : memref<1x80x128xf32, #tpu.memory_space<vmem>> -> memref<80x128xf32, #tpu.memory_space<vmem>>
      tpu.wait_dma2 semaphore(%run_scoped3A_59 : memref<!tpu.dma_semaphore, #tpu.memory_space<semaphore_mem>>) src(%dma_wait3A_81 : memref<80x128xf32, #tpu.memory_space<vmem>>) dst(%dma_wait3A_77 : memref<80x128xf32, #tpu.memory_space<vmem_shared>>)
      tpu.yield
    }) : () -> ()
    %mul3A_32 = arith.constant 640 : i32
    %mul3A_33 = arith.muli %arg1, %mul3A_32 : i32
    %add3A_34 = arith.constant 400 : i32
    %add3A_35 = arith.addi %mul3A_33, %add3A_34 : i32
    %run_scoped3A_36 = arith.constant 0 : i32
    "tpu.region"() ({
      %run_scoped3A_59 = tpu.sem_alloc : memref<!tpu.dma_semaphore, #tpu.memory_space<semaphore_mem>>
      %dma_start3A = arith.constant 0 : i32
      %dma_start3A_60 = arith.constant 0 : i32
      %dma_start3A_61 = tpu.memref_slice %arg8[%run_scoped3A_36, %dma_start3A, %dma_start3A_60] : memref<4x80x128xf32, #tpu.memory_space<vmem>> -> memref<1x80x128xf32, #tpu.memory_space<vmem>>
      %dma_start3A_62 = tpu.memref_squeeze %dma_start3A_61 : memref<1x80x128xf32, #tpu.memory_space<vmem>> -> memref<80x128xf32, #tpu.memory_space<vmem>>
      %dma_start3A_63 = arith.constant 0 : i32
      %dma_start3A_64 = tpu.memref_slice %arg9[%add3A_35, %dma_start3A_63] : memref<10240x128xf32, #tpu.memory_space<vmem_shared>> -> memref<80x128xf32, #tpu.memory_space<vmem_shared>>
      %dma_start3A_65 = arith.constant 0 : i32
      %dma_start3A_66 = tpu.memref_slice %arg9[%add3A_35, %dma_start3A_65] : memref<10240x128xf32, #tpu.memory_space<vmem_shared>> -> memref<80x128xf32, #tpu.memory_space<vmem_shared>>
      %dma_start3A_67 = arith.constant 0 : i32
      %dma_start3A_68 = arith.constant 0 : i32
      %dma_start3A_69 = tpu.memref_slice %arg8[%run_scoped3A_36, %dma_start3A_67, %dma_start3A_68] : memref<4x80x128xf32, #tpu.memory_space<vmem>> -> memref<1x80x128xf32, #tpu.memory_space<vmem>>
      %dma_start3A_70 = tpu.memref_squeeze %dma_start3A_69 : memref<1x80x128xf32, #tpu.memory_space<vmem>> -> memref<80x128xf32, #tpu.memory_space<vmem>>
      tpu.enqueue_dma source(%dma_start3A_70 : memref<80x128xf32, #tpu.memory_space<vmem>>) target(%dma_start3A_66 : memref<80x128xf32, #tpu.memory_space<vmem_shared>>) target_semaphore(%run_scoped3A_59 : memref<!tpu.dma_semaphore, #tpu.memory_space<semaphore_mem>>)
      %dma_wait3A = arith.constant 0 : i32
      %dma_wait3A_71 = arith.constant 0 : i32
      %dma_wait3A_72 = tpu.memref_slice %arg8[%run_scoped3A_36, %dma_wait3A, %dma_wait3A_71] : memref<4x80x128xf32, #tpu.memory_space<vmem>> -> memref<1x80x128xf32, #tpu.memory_space<vmem>>
      %dma_wait3A_73 = tpu.memref_squeeze %dma_wait3A_72 : memref<1x80x128xf32, #tpu.memory_space<vmem>> -> memref<80x128xf32, #tpu.memory_space<vmem>>
      %dma_wait3A_74 = arith.constant 0 : i32
      %dma_wait3A_75 = tpu.memref_slice %arg9[%add3A_35, %dma_wait3A_74] : memref<10240x128xf32, #tpu.memory_space<vmem_shared>> -> memref<80x128xf32, #tpu.memory_space<vmem_shared>>
      %dma_wait3A_76 = arith.constant 0 : i32
      %dma_wait3A_77 = tpu.memref_slice %arg9[%add3A_35, %dma_wait3A_76] : memref<10240x128xf32, #tpu.memory_space<vmem_shared>> -> memref<80x128xf32, #tpu.memory_space<vmem_shared>>
      %dma_wait3A_78 = arith.constant 0 : i32
      %dma_wait3A_79 = arith.constant 0 : i32
      %dma_wait3A_80 = tpu.memref_slice %arg8[%run_scoped3A_36, %dma_wait3A_78, %dma_wait3A_79] : memref<4x80x128xf32, #tpu.memory_space<vmem>> -> memref<1x80x128xf32, #tpu.memory_space<vmem>>
      %dma_wait3A_81 = tpu.memref_squeeze %dma_wait3A_80 : memref<1x80x128xf32, #tpu.memory_space<vmem>> -> memref<80x128xf32, #tpu.memory_space<vmem>>
      tpu.wait_dma2 semaphore(%run_scoped3A_59 : memref<!tpu.dma_semaphore, #tpu.memory_space<semaphore_mem>>) src(%dma_wait3A_81 : memref<80x128xf32, #tpu.memory_space<vmem>>) dst(%dma_wait3A_77 : memref<80x128xf32, #tpu.memory_space<vmem_shared>>)
      tpu.yield
    }) : () -> ()
    %mul3A_37 = arith.constant 640 : i32
    %mul3A_38 = arith.muli %arg1, %mul3A_37 : i32
    %add3A_39 = arith.constant 480 : i32
    %add3A_40 = arith.addi %mul3A_38, %add3A_39 : i32
    %run_scoped3A_41 = arith.constant 0 : i32
    "tpu.region"() ({
      %run_scoped3A_59 = tpu.sem_alloc : memref<!tpu.dma_semaphore, #tpu.memory_space<semaphore_mem>>
      %dma_start3A = arith.constant 0 : i32
      %dma_start3A_60 = arith.constant 0 : i32
      %dma_start3A_61 = tpu.memref_slice %arg8[%run_scoped3A_41, %dma_start3A, %dma_start3A_60] : memref<4x80x128xf32, #tpu.memory_space<vmem>> -> memref<1x80x128xf32, #tpu.memory_space<vmem>>
      %dma_start3A_62 = tpu.memref_squeeze %dma_start3A_61 : memref<1x80x128xf32, #tpu.memory_space<vmem>> -> memref<80x128xf32, #tpu.memory_space<vmem>>
      %dma_start3A_63 = arith.constant 0 : i32
      %dma_start3A_64 = tpu.memref_slice %arg9[%add3A_40, %dma_start3A_63] : memref<10240x128xf32, #tpu.memory_space<vmem_shared>> -> memref<80x128xf32, #tpu.memory_space<vmem_shared>>
      %dma_start3A_65 = arith.constant 0 : i32
      %dma_start3A_66 = tpu.memref_slice %arg9[%add3A_40, %dma_start3A_65] : memref<10240x128xf32, #tpu.memory_space<vmem_shared>> -> memref<80x128xf32, #tpu.memory_space<vmem_shared>>
      %dma_start3A_67 = arith.constant 0 : i32
      %dma_start3A_68 = arith.constant 0 : i32
      %dma_start3A_69 = tpu.memref_slice %arg8[%run_scoped3A_41, %dma_start3A_67, %dma_start3A_68] : memref<4x80x128xf32, #tpu.memory_space<vmem>> -> memref<1x80x128xf32, #tpu.memory_space<vmem>>
      %dma_start3A_70 = tpu.memref_squeeze %dma_start3A_69 : memref<1x80x128xf32, #tpu.memory_space<vmem>> -> memref<80x128xf32, #tpu.memory_space<vmem>>
      tpu.enqueue_dma source(%dma_start3A_70 : memref<80x128xf32, #tpu.memory_space<vmem>>) target(%dma_start3A_66 : memref<80x128xf32, #tpu.memory_space<vmem_shared>>) target_semaphore(%run_scoped3A_59 : memref<!tpu.dma_semaphore, #tpu.memory_space<semaphore_mem>>)
      %dma_wait3A = arith.constant 0 : i32
      %dma_wait3A_71 = arith.constant 0 : i32
      %dma_wait3A_72 = tpu.memref_slice %arg8[%run_scoped3A_41, %dma_wait3A, %dma_wait3A_71] : memref<4x80x128xf32, #tpu.memory_space<vmem>> -> memref<1x80x128xf32, #tpu.memory_space<vmem>>
      %dma_wait3A_73 = tpu.memref_squeeze %dma_wait3A_72 : memref<1x80x128xf32, #tpu.memory_space<vmem>> -> memref<80x128xf32, #tpu.memory_space<vmem>>
      %dma_wait3A_74 = arith.constant 0 : i32
      %dma_wait3A_75 = tpu.memref_slice %arg9[%add3A_40, %dma_wait3A_74] : memref<10240x128xf32, #tpu.memory_space<vmem_shared>> -> memref<80x128xf32, #tpu.memory_space<vmem_shared>>
      %dma_wait3A_76 = arith.constant 0 : i32
      %dma_wait3A_77 = tpu.memref_slice %arg9[%add3A_40, %dma_wait3A_76] : memref<10240x128xf32, #tpu.memory_space<vmem_shared>> -> memref<80x128xf32, #tpu.memory_space<vmem_shared>>
      %dma_wait3A_78 = arith.constant 0 : i32
      %dma_wait3A_79 = arith.constant 0 : i32
      %dma_wait3A_80 = tpu.memref_slice %arg8[%run_scoped3A_41, %dma_wait3A_78, %dma_wait3A_79] : memref<4x80x128xf32, #tpu.memory_space<vmem>> -> memref<1x80x128xf32, #tpu.memory_space<vmem>>
      %dma_wait3A_81 = tpu.memref_squeeze %dma_wait3A_80 : memref<1x80x128xf32, #tpu.memory_space<vmem>> -> memref<80x128xf32, #tpu.memory_space<vmem>>
      tpu.wait_dma2 semaphore(%run_scoped3A_59 : memref<!tpu.dma_semaphore, #tpu.memory_space<semaphore_mem>>) src(%dma_wait3A_81 : memref<80x128xf32, #tpu.memory_space<vmem>>) dst(%dma_wait3A_77 : memref<80x128xf32, #tpu.memory_space<vmem_shared>>)
      tpu.yield
    }) : () -> ()
    %mul3A_42 = arith.constant 640 : i32
    %mul3A_43 = arith.muli %arg1, %mul3A_42 : i32
    %add3A_44 = arith.constant 560 : i32
    %add3A_45 = arith.addi %mul3A_43, %add3A_44 : i32
    %run_scoped3A_46 = arith.constant 0 : i32
    "tpu.region"() ({
      %run_scoped3A_59 = tpu.sem_alloc : memref<!tpu.dma_semaphore, #tpu.memory_space<semaphore_mem>>
      %dma_start3A = arith.constant 0 : i32
      %dma_start3A_60 = arith.constant 0 : i32
      %dma_start3A_61 = tpu.memref_slice %arg8[%run_scoped3A_46, %dma_start3A, %dma_start3A_60] : memref<4x80x128xf32, #tpu.memory_space<vmem>> -> memref<1x80x128xf32, #tpu.memory_space<vmem>>
      %dma_start3A_62 = tpu.memref_squeeze %dma_start3A_61 : memref<1x80x128xf32, #tpu.memory_space<vmem>> -> memref<80x128xf32, #tpu.memory_space<vmem>>
      %dma_start3A_63 = arith.constant 0 : i32
      %dma_start3A_64 = tpu.memref_slice %arg9[%add3A_45, %dma_start3A_63] : memref<10240x128xf32, #tpu.memory_space<vmem_shared>> -> memref<80x128xf32, #tpu.memory_space<vmem_shared>>
      %dma_start3A_65 = arith.constant 0 : i32
      %dma_start3A_66 = tpu.memref_slice %arg9[%add3A_45, %dma_start3A_65] : memref<10240x128xf32, #tpu.memory_space<vmem_shared>> -> memref<80x128xf32, #tpu.memory_space<vmem_shared>>
      %dma_start3A_67 = arith.constant 0 : i32
      %dma_start3A_68 = arith.constant 0 : i32
      %dma_start3A_69 = tpu.memref_slice %arg8[%run_scoped3A_46, %dma_start3A_67, %dma_start3A_68] : memref<4x80x128xf32, #tpu.memory_space<vmem>> -> memref<1x80x128xf32, #tpu.memory_space<vmem>>
      %dma_start3A_70 = tpu.memref_squeeze %dma_start3A_69 : memref<1x80x128xf32, #tpu.memory_space<vmem>> -> memref<80x128xf32, #tpu.memory_space<vmem>>
      tpu.enqueue_dma source(%dma_start3A_70 : memref<80x128xf32, #tpu.memory_space<vmem>>) target(%dma_start3A_66 : memref<80x128xf32, #tpu.memory_space<vmem_shared>>) target_semaphore(%run_scoped3A_59 : memref<!tpu.dma_semaphore, #tpu.memory_space<semaphore_mem>>)
      %dma_wait3A = arith.constant 0 : i32
      %dma_wait3A_71 = arith.constant 0 : i32
      %dma_wait3A_72 = tpu.memref_slice %arg8[%run_scoped3A_46, %dma_wait3A, %dma_wait3A_71] : memref<4x80x128xf32, #tpu.memory_space<vmem>> -> memref<1x80x128xf32, #tpu.memory_space<vmem>>
      %dma_wait3A_73 = tpu.memref_squeeze %dma_wait3A_72 : memref<1x80x128xf32, #tpu.memory_space<vmem>> -> memref<80x128xf32, #tpu.memory_space<vmem>>
      %dma_wait3A_74 = arith.constant 0 : i32
      %dma_wait3A_75 = tpu.memref_slice %arg9[%add3A_45, %dma_wait3A_74] : memref<10240x128xf32, #tpu.memory_space<vmem_shared>> -> memref<80x128xf32, #tpu.memory_space<vmem_shared>>
      %dma_wait3A_76 = arith.constant 0 : i32
      %dma_wait3A_77 = tpu.memref_slice %arg9[%add3A_45, %dma_wait3A_76] : memref<10240x128xf32, #tpu.memory_space<vmem_shared>> -> memref<80x128xf32, #tpu.memory_space<vmem_shared>>
      %dma_wait3A_78 = arith.constant 0 : i32
      %dma_wait3A_79 = arith.constant 0 : i32
      %dma_wait3A_80 = tpu.memref_slice %arg8[%run_scoped3A_46, %dma_wait3A_78, %dma_wait3A_79] : memref<4x80x128xf32, #tpu.memory_space<vmem>> -> memref<1x80x128xf32, #tpu.memory_space<vmem>>
      %dma_wait3A_81 = tpu.memref_squeeze %dma_wait3A_80 : memref<1x80x128xf32, #tpu.memory_space<vmem>> -> memref<80x128xf32, #tpu.memory_space<vmem>>
      tpu.wait_dma2 semaphore(%run_scoped3A_59 : memref<!tpu.dma_semaphore, #tpu.memory_space<semaphore_mem>>) src(%dma_wait3A_81 : memref<80x128xf32, #tpu.memory_space<vmem>>) dst(%dma_wait3A_77 : memref<80x128xf32, #tpu.memory_space<vmem_shared>>)
      tpu.yield
    }) : () -> ()
    %barrier3A = arith.constant 0 : index
    tpu.barrier barrier_id(%barrier3A)
    %scan3A_47 = arith.constant 0 : i32
    %scan3A_48 = arith.constant 0 : i32
    %scan3A_49 = arith.constant 4 : i32
    %scan3A_50 = arith.addi %scan3A_48, %scan3A_49 : i32
    %scan3A_51 = arith.constant 1 : i32
    %scan3A_52 = scf.for %scan3A_59 = %scan3A_48 to %scan3A_50 step %scan3A_51 iter_args(%scan3A_60 = %scan3A_47) -> (i32)  : i32 {
      %mul3A_61 = arith.constant 32 : i32
      %mul3A_62 = arith.muli %scan3A_59, %mul3A_61 : i32
      "tpu.region"() ({
        %run_scoped3A_122 = tpu.sem_alloc : memref<!tpu.dma_semaphore, #tpu.memory_space<semaphore_mem>>
        %dma_start3A_123 = arith.constant 0 : i32
        %dma_start3A_124 = arith.constant 0 : i32
        %dma_start3A_125 = tpu.memref_slice %arg3[%add3A, %dma_start3A_123, %dma_start3A_124] : memref<32x128x80xi32, #tpu.memory_space<hbm>> -> memref<1x128x80xi32, #tpu.memory_space<hbm>>
        %dma_start3A_126 = tpu.memref_squeeze %dma_start3A_125 : memref<1x128x80xi32, #tpu.memory_space<hbm>> -> memref<128x80xi32, #tpu.memory_space<hbm>>
        %dma_start3A_127 = arith.constant 0 : i32
        %dma_start3A_128 = tpu.memref_slice %dma_start3A_126[%mul3A_62, %dma_start3A_127] : memref<128x80xi32, #tpu.memory_space<hbm>> -> memref<32x80xi32, #tpu.memory_space<hbm>>
        %dma_start3A_129 = arith.constant 0 : i32
        %dma_start3A_130 = arith.constant 0 : i32
        %dma_start3A_131 = tpu.memref_slice %arg3[%add3A, %dma_start3A_129, %dma_start3A_130] : memref<32x128x80xi32, #tpu.memory_space<hbm>> -> memref<1x128x80xi32, #tpu.memory_space<hbm>>
        %dma_start3A_132 = tpu.memref_squeeze %dma_start3A_131 : memref<1x128x80xi32, #tpu.memory_space<hbm>> -> memref<128x80xi32, #tpu.memory_space<hbm>>
        %dma_start3A_133 = arith.constant 0 : i32
        %dma_start3A_134 = tpu.memref_slice %dma_start3A_132[%mul3A_62, %dma_start3A_133] : memref<128x80xi32, #tpu.memory_space<hbm>> -> memref<32x80xi32, #tpu.memory_space<hbm>>
        tpu.enqueue_dma source(%dma_start3A_134 : memref<32x80xi32, #tpu.memory_space<hbm>>) target(%arg6 : memref<32x80xi32, #tpu.memory_space<vmem>>) target_semaphore(%run_scoped3A_122 : memref<!tpu.dma_semaphore, #tpu.memory_space<semaphore_mem>>)
        %dma_wait3A_135 = arith.constant 0 : i32
        %dma_wait3A_136 = arith.constant 0 : i32
        %dma_wait3A_137 = tpu.memref_slice %arg3[%add3A, %dma_wait3A_135, %dma_wait3A_136] : memref<32x128x80xi32, #tpu.memory_space<hbm>> -> memref<1x128x80xi32, #tpu.memory_space<hbm>>
        %dma_wait3A_138 = tpu.memref_squeeze %dma_wait3A_137 : memref<1x128x80xi32, #tpu.memory_space<hbm>> -> memref<128x80xi32, #tpu.memory_space<hbm>>
        %dma_wait3A_139 = arith.constant 0 : i32
        %dma_wait3A_140 = tpu.memref_slice %dma_wait3A_138[%mul3A_62, %dma_wait3A_139] : memref<128x80xi32, #tpu.memory_space<hbm>> -> memref<32x80xi32, #tpu.memory_space<hbm>>
        %dma_wait3A_141 = arith.constant 0 : i32
        %dma_wait3A_142 = arith.constant 0 : i32
        %dma_wait3A_143 = tpu.memref_slice %arg3[%add3A, %dma_wait3A_141, %dma_wait3A_142] : memref<32x128x80xi32, #tpu.memory_space<hbm>> -> memref<1x128x80xi32, #tpu.memory_space<hbm>>
        %dma_wait3A_144 = tpu.memref_squeeze %dma_wait3A_143 : memref<1x128x80xi32, #tpu.memory_space<hbm>> -> memref<128x80xi32, #tpu.memory_space<hbm>>
        %dma_wait3A_145 = arith.constant 0 : i32
        %dma_wait3A_146 = tpu.memref_slice %dma_wait3A_144[%mul3A_62, %dma_wait3A_145] : memref<128x80xi32, #tpu.memory_space<hbm>> -> memref<32x80xi32, #tpu.memory_space<hbm>>
        tpu.wait_dma2 semaphore(%run_scoped3A_122 : memref<!tpu.dma_semaphore, #tpu.memory_space<semaphore_mem>>) src(%dma_wait3A_146 : memref<32x80xi32, #tpu.memory_space<hbm>>) dst(%arg6 : memref<32x80xi32, #tpu.memory_space<vmem>>)
        tpu.yield
      }) : () -> ()
      %mul3A_63 = arith.constant 32 : i32
      %mul3A_64 = arith.muli %scan3A_59, %mul3A_63 : i32
      "tpu.region"() ({
        %run_scoped3A_122 = tpu.sem_alloc : memref<!tpu.dma_semaphore, #tpu.memory_space<semaphore_mem>>
        %dma_start3A_123 = arith.constant 0 : i32
        %dma_start3A_124 = arith.constant 0 : i32
        %dma_start3A_125 = tpu.memref_slice %arg4[%add3A, %dma_start3A_123, %dma_start3A_124] : memref<32x128x80xi32, #tpu.memory_space<hbm>> -> memref<1x128x80xi32, #tpu.memory_space<hbm>>
        %dma_start3A_126 = tpu.memref_squeeze %dma_start3A_125 : memref<1x128x80xi32, #tpu.memory_space<hbm>> -> memref<128x80xi32, #tpu.memory_space<hbm>>
        %dma_start3A_127 = arith.constant 0 : i32
        %dma_start3A_128 = tpu.memref_slice %dma_start3A_126[%mul3A_64, %dma_start3A_127] : memref<128x80xi32, #tpu.memory_space<hbm>> -> memref<32x80xi32, #tpu.memory_space<hbm>>
        %dma_start3A_129 = arith.constant 0 : i32
        %dma_start3A_130 = arith.constant 0 : i32
        %dma_start3A_131 = tpu.memref_slice %arg4[%add3A, %dma_start3A_129, %dma_start3A_130] : memref<32x128x80xi32, #tpu.memory_space<hbm>> -> memref<1x128x80xi32, #tpu.memory_space<hbm>>
        %dma_start3A_132 = tpu.memref_squeeze %dma_start3A_131 : memref<1x128x80xi32, #tpu.memory_space<hbm>> -> memref<128x80xi32, #tpu.memory_space<hbm>>
        %dma_start3A_133 = arith.constant 0 : i32
        %dma_start3A_134 = tpu.memref_slice %dma_start3A_132[%mul3A_64, %dma_start3A_133] : memref<128x80xi32, #tpu.memory_space<hbm>> -> memref<32x80xi32, #tpu.memory_space<hbm>>
        tpu.enqueue_dma source(%dma_start3A_134 : memref<32x80xi32, #tpu.memory_space<hbm>>) target(%arg7 : memref<32x80xi32, #tpu.memory_space<vmem>>) target_semaphore(%run_scoped3A_122 : memref<!tpu.dma_semaphore, #tpu.memory_space<semaphore_mem>>)
        %dma_wait3A_135 = arith.constant 0 : i32
        %dma_wait3A_136 = arith.constant 0 : i32
        %dma_wait3A_137 = tpu.memref_slice %arg4[%add3A, %dma_wait3A_135, %dma_wait3A_136] : memref<32x128x80xi32, #tpu.memory_space<hbm>> -> memref<1x128x80xi32, #tpu.memory_space<hbm>>
        %dma_wait3A_138 = tpu.memref_squeeze %dma_wait3A_137 : memref<1x128x80xi32, #tpu.memory_space<hbm>> -> memref<128x80xi32, #tpu.memory_space<hbm>>
        %dma_wait3A_139 = arith.constant 0 : i32
        %dma_wait3A_140 = tpu.memref_slice %dma_wait3A_138[%mul3A_64, %dma_wait3A_139] : memref<128x80xi32, #tpu.memory_space<hbm>> -> memref<32x80xi32, #tpu.memory_space<hbm>>
        %dma_wait3A_141 = arith.constant 0 : i32
        %dma_wait3A_142 = arith.constant 0 : i32
        %dma_wait3A_143 = tpu.memref_slice %arg4[%add3A, %dma_wait3A_141, %dma_wait3A_142] : memref<32x128x80xi32, #tpu.memory_space<hbm>> -> memref<1x128x80xi32, #tpu.memory_space<hbm>>
        %dma_wait3A_144 = tpu.memref_squeeze %dma_wait3A_143 : memref<1x128x80xi32, #tpu.memory_space<hbm>> -> memref<128x80xi32, #tpu.memory_space<hbm>>
        %dma_wait3A_145 = arith.constant 0 : i32
        %dma_wait3A_146 = tpu.memref_slice %dma_wait3A_144[%mul3A_64, %dma_wait3A_145] : memref<128x80xi32, #tpu.memory_space<hbm>> -> memref<32x80xi32, #tpu.memory_space<hbm>>
        tpu.wait_dma2 semaphore(%run_scoped3A_122 : memref<!tpu.dma_semaphore, #tpu.memory_space<semaphore_mem>>) src(%dma_wait3A_146 : memref<32x80xi32, #tpu.memory_space<hbm>>) dst(%arg7 : memref<32x80xi32, #tpu.memory_space<vmem>>)
        tpu.yield
      }) : () -> ()
      %dma_start3A = arith.constant 0 : i32
      %dma_start3A_65 = arith.constant 0 : i32
      %dma_start3A_66 = arith.constant 0 : i32
      %dma_start3A_67 = arith.constant 0 : i32
      %dma_start3A_68 = tpu.memref_slice %arg8[%dma_start3A_65, %dma_start3A_66, %dma_start3A_67] : memref<4x80x128xf32, #tpu.memory_space<vmem>> -> memref<1x80x128xf32, #tpu.memory_space<vmem>>
      %dma_start3A_69 = tpu.memref_squeeze %dma_start3A_68 : memref<1x80x128xf32, #tpu.memory_space<vmem>> -> memref<80x128xf32, #tpu.memory_space<vmem>>
      %dma_start3A_70 = arith.constant 0 : i32
      %dma_start3A_71 = tpu.memref_slice %arg6[%dma_start3A, %dma_start3A_70] : memref<32x80xi32, #tpu.memory_space<vmem>> -> memref<1x80xi32, #tpu.memory_space<vmem>>
      %dma_start3A_72 = tpu.memref_squeeze %dma_start3A_71 : memref<1x80xi32, #tpu.memory_space<vmem>> -> memref<80xi32, #tpu.memory_space<vmem>>
      %dma_start3A_73 = arith.constant 0 : i32
      %dma_start3A_74 = arith.constant 0 : i32
      %dma_start3A_75 = tpu.memref_slice %arg2[%dma_start3A_73, %dma_start3A_74] : memref<10240x128xf32, #tpu.memory_space<hbm>> -> memref<10240x128xf32, #tpu.memory_space<hbm>>
      tpu.enqueue_indirect_dma source(%dma_start3A_75 : memref<10240x128xf32, #tpu.memory_space<hbm>>) target(%dma_start3A_69 : memref<80x128xf32, #tpu.memory_space<vmem>>) offsets(%dma_start3A_72 : memref<80xi32, #tpu.memory_space<vmem>>) semaphore(%arg10 : memref<!tpu.dma_semaphore, #tpu.memory_space<semaphore_mem>>)
      %dma_start3A_76 = arith.constant 1 : i32
      %dma_start3A_77 = arith.constant 1 : i32
      %dma_start3A_78 = arith.constant 0 : i32
      %dma_start3A_79 = arith.constant 0 : i32
      %dma_start3A_80 = tpu.memref_slice %arg8[%dma_start3A_77, %dma_start3A_78, %dma_start3A_79] : memref<4x80x128xf32, #tpu.memory_space<vmem>> -> memref<1x80x128xf32, #tpu.memory_space<vmem>>
      %dma_start3A_81 = tpu.memref_squeeze %dma_start3A_80 : memref<1x80x128xf32, #tpu.memory_space<vmem>> -> memref<80x128xf32, #tpu.memory_space<vmem>>
      %dma_start3A_82 = arith.constant 0 : i32
      %dma_start3A_83 = tpu.memref_slice %arg6[%dma_start3A_76, %dma_start3A_82] : memref<32x80xi32, #tpu.memory_space<vmem>> -> memref<1x80xi32, #tpu.memory_space<vmem>>
      %dma_start3A_84 = tpu.memref_squeeze %dma_start3A_83 : memref<1x80xi32, #tpu.memory_space<vmem>> -> memref<80xi32, #tpu.memory_space<vmem>>
      %dma_start3A_85 = arith.constant 0 : i32
      %dma_start3A_86 = arith.constant 0 : i32
      %dma_start3A_87 = tpu.memref_slice %arg2[%dma_start3A_85, %dma_start3A_86] : memref<10240x128xf32, #tpu.memory_space<hbm>> -> memref<10240x128xf32, #tpu.memory_space<hbm>>
      tpu.enqueue_indirect_dma source(%dma_start3A_87 : memref<10240x128xf32, #tpu.memory_space<hbm>>) target(%dma_start3A_81 : memref<80x128xf32, #tpu.memory_space<vmem>>) offsets(%dma_start3A_84 : memref<80xi32, #tpu.memory_space<vmem>>) semaphore(%arg11 : memref<!tpu.dma_semaphore, #tpu.memory_space<semaphore_mem>>)
      %dma_start3A_88 = arith.constant 2 : i32
      %dma_start3A_89 = arith.constant 2 : i32
      %dma_start3A_90 = arith.constant 0 : i32
      %dma_start3A_91 = arith.constant 0 : i32
      %dma_start3A_92 = tpu.memref_slice %arg8[%dma_start3A_89, %dma_start3A_90, %dma_start3A_91] : memref<4x80x128xf32, #tpu.memory_space<vmem>> -> memref<1x80x128xf32, #tpu.memory_space<vmem>>
      %dma_start3A_93 = tpu.memref_squeeze %dma_start3A_92 : memref<1x80x128xf32, #tpu.memory_space<vmem>> -> memref<80x128xf32, #tpu.memory_space<vmem>>
      %dma_start3A_94 = arith.constant 0 : i32
      %dma_start3A_95 = tpu.memref_slice %arg6[%dma_start3A_88, %dma_start3A_94] : memref<32x80xi32, #tpu.memory_space<vmem>> -> memref<1x80xi32, #tpu.memory_space<vmem>>
      %dma_start3A_96 = tpu.memref_squeeze %dma_start3A_95 : memref<1x80xi32, #tpu.memory_space<vmem>> -> memref<80xi32, #tpu.memory_space<vmem>>
      %dma_start3A_97 = arith.constant 0 : i32
      %dma_start3A_98 = arith.constant 0 : i32
      %dma_start3A_99 = tpu.memref_slice %arg2[%dma_start3A_97, %dma_start3A_98] : memref<10240x128xf32, #tpu.memory_space<hbm>> -> memref<10240x128xf32, #tpu.memory_space<hbm>>
      tpu.enqueue_indirect_dma source(%dma_start3A_99 : memref<10240x128xf32, #tpu.memory_space<hbm>>) target(%dma_start3A_93 : memref<80x128xf32, #tpu.memory_space<vmem>>) offsets(%dma_start3A_96 : memref<80xi32, #tpu.memory_space<vmem>>) semaphore(%arg12 : memref<!tpu.dma_semaphore, #tpu.memory_space<semaphore_mem>>)
      %scan3A_100 = arith.constant 0 : i32
      %scan3A_101 = arith.constant 0 : i32
      %scan3A_102 = arith.constant 8 : i32
      %scan3A_103 = arith.addi %scan3A_101, %scan3A_102 : i32
      %scan3A_104 = arith.constant 1 : i32
      %scan3A_105 = scf.for %scan3A_122 = %scan3A_101 to %scan3A_103 step %scan3A_104 iter_args(%scan3A_123 = %scan3A_100) -> (i32)  : i32 {
        %mul3A_124 = arith.constant 4 : i32
        %mul3A_125 = arith.muli %mul3A_124, %scan3A_122 : i32
        %add3A_126 = arith.constant 0 : i32
        %add3A_127 = arith.addi %mul3A_125, %add3A_126 : i32
        %dma_wait3A_128 = arith.constant 0 : i32
        %dma_wait3A_129 = arith.constant 0 : i32
        %dma_wait3A_130 = arith.constant 0 : i32
        %dma_wait3A_131 = tpu.memref_slice %arg8[%dma_wait3A_128, %dma_wait3A_129, %dma_wait3A_130] : memref<4x80x128xf32, #tpu.memory_space<vmem>> -> memref<1x80x128xf32, #tpu.memory_space<vmem>>
        %dma_wait3A_132 = tpu.memref_squeeze %dma_wait3A_131 : memref<1x80x128xf32, #tpu.memory_space<vmem>> -> memref<80x128xf32, #tpu.memory_space<vmem>>
        %dma_wait3A_133 = arith.constant 0 : i32
        %dma_wait3A_134 = arith.constant 0 : i32
        %dma_wait3A_135 = tpu.memref_slice %arg2[%dma_wait3A_133, %dma_wait3A_134] : memref<10240x128xf32, #tpu.memory_space<hbm>> -> memref<80x128xf32, #tpu.memory_space<hbm>>
        %dma_wait3A_136 = arith.constant 0 : i32
        %dma_wait3A_137 = arith.constant 0 : i32
        %dma_wait3A_138 = tpu.memref_slice %arg8[%dma_wait3A_128, %dma_wait3A_136, %dma_wait3A_137] : memref<4x80x128xf32, #tpu.memory_space<vmem>> -> memref<1x80x128xf32, #tpu.memory_space<vmem>>
        %dma_wait3A_139 = tpu.memref_squeeze %dma_wait3A_138 : memref<1x80x128xf32, #tpu.memory_space<vmem>> -> memref<80x128xf32, #tpu.memory_space<vmem>>
        %dma_wait3A_140 = arith.constant 0 : i32
        %dma_wait3A_141 = arith.constant 0 : i32
        %dma_wait3A_142 = tpu.memref_slice %arg2[%dma_wait3A_140, %dma_wait3A_141] : memref<10240x128xf32, #tpu.memory_space<hbm>> -> memref<80x128xf32, #tpu.memory_space<hbm>>
        tpu.wait_dma2 semaphore(%arg10 : memref<!tpu.dma_semaphore, #tpu.memory_space<semaphore_mem>>) src(%dma_wait3A_142 : memref<80x128xf32, #tpu.memory_space<hbm>>) dst(%dma_wait3A_139 : memref<80x128xf32, #tpu.memory_space<vmem>>)
        %gt3A = arith.constant 0 : i32
        %gt3A_143 = arith.cmpi sgt, %scan3A_122, %gt3A : i32
        %convert_element_type3A = arith.extui %gt3A_143 : i1 to i32
        %cond3A = arith.constant 0 : i32
        %cond3A_144 = arith.cmpi ne, %convert_element_type3A, %cond3A : i32
        scf.if %cond3A_144 {
          %dma_wait3A_320 = arith.constant 3 : i32
          %dma_wait3A_321 = arith.constant 0 : i32
          %dma_wait3A_322 = arith.constant 0 : i32
          %dma_wait3A_323 = tpu.memref_slice %arg8[%dma_wait3A_320, %dma_wait3A_321, %dma_wait3A_322] : memref<4x80x128xf32, #tpu.memory_space<vmem>> -> memref<1x80x128xf32, #tpu.memory_space<vmem>>
          %dma_wait3A_324 = tpu.memref_squeeze %dma_wait3A_323 : memref<1x80x128xf32, #tpu.memory_space<vmem>> -> memref<80x128xf32, #tpu.memory_space<vmem>>
          %dma_wait3A_325 = arith.constant 0 : i32
          %dma_wait3A_326 = arith.constant 0 : i32
          %dma_wait3A_327 = tpu.memref_slice %arg2[%dma_wait3A_325, %dma_wait3A_326] : memref<10240x128xf32, #tpu.memory_space<hbm>> -> memref<80x128xf32, #tpu.memory_space<hbm>>
          %dma_wait3A_328 = arith.constant 0 : i32
          %dma_wait3A_329 = arith.constant 0 : i32
          %dma_wait3A_330 = tpu.memref_slice %arg8[%dma_wait3A_320, %dma_wait3A_328, %dma_wait3A_329] : memref<4x80x128xf32, #tpu.memory_space<vmem>> -> memref<1x80x128xf32, #tpu.memory_space<vmem>>
          %dma_wait3A_331 = tpu.memref_squeeze %dma_wait3A_330 : memref<1x80x128xf32, #tpu.memory_space<vmem>> -> memref<80x128xf32, #tpu.memory_space<vmem>>
          %dma_wait3A_332 = arith.constant 0 : i32
          %dma_wait3A_333 = arith.constant 0 : i32
          %dma_wait3A_334 = tpu.memref_slice %arg2[%dma_wait3A_332, %dma_wait3A_333] : memref<10240x128xf32, #tpu.memory_space<hbm>> -> memref<80x128xf32, #tpu.memory_space<hbm>>
          tpu.wait_dma2 semaphore(%arg17 : memref<!tpu.dma_semaphore, #tpu.memory_space<semaphore_mem>>) src(%dma_wait3A_334 : memref<80x128xf32, #tpu.memory_space<hbm>>) dst(%dma_wait3A_331 : memref<80x128xf32, #tpu.memory_space<vmem>>)
        } else {
        }
        %add3A_145 = arith.constant 4 : i32
        %add3A_146 = arith.addi %add3A_127, %add3A_145 : i32
        %sub3A = arith.constant 1 : i32
        %sub3A_147 = arith.subi %add3A_146, %sub3A : i32
        %dma_start3A_148 = arith.constant 3 : i32
        %dma_start3A_149 = arith.constant 0 : i32
        %dma_start3A_150 = arith.constant 0 : i32
        %dma_start3A_151 = tpu.memref_slice %arg8[%dma_start3A_148, %dma_start3A_149, %dma_start3A_150] : memref<4x80x128xf32, #tpu.memory_space<vmem>> -> memref<1x80x128xf32, #tpu.memory_space<vmem>>
        %dma_start3A_152 = tpu.memref_squeeze %dma_start3A_151 : memref<1x80x128xf32, #tpu.memory_space<vmem>> -> memref<80x128xf32, #tpu.memory_space<vmem>>
        %dma_start3A_153 = arith.constant 0 : i32
        %dma_start3A_154 = tpu.memref_slice %arg6[%sub3A_147, %dma_start3A_153] : memref<32x80xi32, #tpu.memory_space<vmem>> -> memref<1x80xi32, #tpu.memory_space<vmem>>
        %dma_start3A_155 = tpu.memref_squeeze %dma_start3A_154 : memref<1x80xi32, #tpu.memory_space<vmem>> -> memref<80xi32, #tpu.memory_space<vmem>>
        %dma_start3A_156 = arith.constant 0 : i32
        %dma_start3A_157 = arith.constant 0 : i32
        %dma_start3A_158 = tpu.memref_slice %arg2[%dma_start3A_156, %dma_start3A_157] : memref<10240x128xf32, #tpu.memory_space<hbm>> -> memref<10240x128xf32, #tpu.memory_space<hbm>>
        tpu.enqueue_indirect_dma source(%dma_start3A_158 : memref<10240x128xf32, #tpu.memory_space<hbm>>) target(%dma_start3A_152 : memref<80x128xf32, #tpu.memory_space<vmem>>) offsets(%dma_start3A_155 : memref<80xi32, #tpu.memory_space<vmem>>) semaphore(%arg13 : memref<!tpu.dma_semaphore, #tpu.memory_space<semaphore_mem>>)
        %dma_start3A_159 = arith.constant 0 : i32
        %dma_start3A_160 = arith.constant 0 : i32
        %dma_start3A_161 = arith.constant 0 : i32
        %dma_start3A_162 = tpu.memref_slice %arg8[%dma_start3A_159, %dma_start3A_160, %dma_start3A_161] : memref<4x80x128xf32, #tpu.memory_space<vmem>> -> memref<1x80x128xf32, #tpu.memory_space<vmem>>
        %dma_start3A_163 = tpu.memref_squeeze %dma_start3A_162 : memref<1x80x128xf32, #tpu.memory_space<vmem>> -> memref<80x128xf32, #tpu.memory_space<vmem>>
        %dma_start3A_164 = arith.constant 0 : i32
        %dma_start3A_165 = tpu.memref_slice %arg7[%add3A_127, %dma_start3A_164] : memref<32x80xi32, #tpu.memory_space<vmem>> -> memref<1x80xi32, #tpu.memory_space<vmem>>
        %dma_start3A_166 = tpu.memref_squeeze %dma_start3A_165 : memref<1x80xi32, #tpu.memory_space<vmem>> -> memref<80xi32, #tpu.memory_space<vmem>>
        %dma_start3A_167 = arith.constant 0 : i32
        %dma_start3A_168 = arith.constant 0 : i32
        %dma_start3A_169 = tpu.memref_slice %arg9[%dma_start3A_167, %dma_start3A_168] : memref<10240x128xf32, #tpu.memory_space<vmem_shared>> -> memref<10240x128xf32, #tpu.memory_space<vmem_shared>>
        tpu.enqueue_indirect_dma source(%dma_start3A_163 : memref<80x128xf32, #tpu.memory_space<vmem>>) target(%dma_start3A_169 : memref<10240x128xf32, #tpu.memory_space<vmem_shared>>) offsets(%dma_start3A_166 : memref<80xi32, #tpu.memory_space<vmem>>) semaphore(%arg14 : memref<!tpu.dma_semaphore, #tpu.memory_space<semaphore_mem>>) {add = true}
        %mul3A_170 = arith.constant 4 : i32
        %mul3A_171 = arith.muli %mul3A_170, %scan3A_122 : i32
        %add3A_172 = arith.constant 1 : i32
        %add3A_173 = arith.addi %mul3A_171, %add3A_172 : i32
        %dma_wait3A_174 = arith.constant 1 : i32
        %dma_wait3A_175 = arith.constant 0 : i32
        %dma_wait3A_176 = arith.constant 0 : i32
        %dma_wait3A_177 = tpu.memref_slice %arg8[%dma_wait3A_174, %dma_wait3A_175, %dma_wait3A_176] : memref<4x80x128xf32, #tpu.memory_space<vmem>> -> memref<1x80x128xf32, #tpu.memory_space<vmem>>
        %dma_wait3A_178 = tpu.memref_squeeze %dma_wait3A_177 : memref<1x80x128xf32, #tpu.memory_space<vmem>> -> memref<80x128xf32, #tpu.memory_space<vmem>>
        %dma_wait3A_179 = arith.constant 0 : i32
        %dma_wait3A_180 = arith.constant 0 : i32
        %dma_wait3A_181 = tpu.memref_slice %arg2[%dma_wait3A_179, %dma_wait3A_180] : memref<10240x128xf32, #tpu.memory_space<hbm>> -> memref<80x128xf32, #tpu.memory_space<hbm>>
        %dma_wait3A_182 = arith.constant 0 : i32
        %dma_wait3A_183 = arith.constant 0 : i32
        %dma_wait3A_184 = tpu.memref_slice %arg8[%dma_wait3A_174, %dma_wait3A_182, %dma_wait3A_183] : memref<4x80x128xf32, #tpu.memory_space<vmem>> -> memref<1x80x128xf32, #tpu.memory_space<vmem>>
        %dma_wait3A_185 = tpu.memref_squeeze %dma_wait3A_184 : memref<1x80x128xf32, #tpu.memory_space<vmem>> -> memref<80x128xf32, #tpu.memory_space<vmem>>
        %dma_wait3A_186 = arith.constant 0 : i32
        %dma_wait3A_187 = arith.constant 0 : i32
        %dma_wait3A_188 = tpu.memref_slice %arg2[%dma_wait3A_186, %dma_wait3A_187] : memref<10240x128xf32, #tpu.memory_space<hbm>> -> memref<80x128xf32, #tpu.memory_space<hbm>>
        tpu.wait_dma2 semaphore(%arg11 : memref<!tpu.dma_semaphore, #tpu.memory_space<semaphore_mem>>) src(%dma_wait3A_188 : memref<80x128xf32, #tpu.memory_space<hbm>>) dst(%dma_wait3A_185 : memref<80x128xf32, #tpu.memory_space<vmem>>)
        %dma_wait3A_189 = arith.constant 0 : i32
        %dma_wait3A_190 = arith.constant 0 : i32
        %dma_wait3A_191 = arith.constant 0 : i32
        %dma_wait3A_192 = tpu.memref_slice %arg8[%dma_wait3A_189, %dma_wait3A_190, %dma_wait3A_191] : memref<4x80x128xf32, #tpu.memory_space<vmem>> -> memref<1x80x128xf32, #tpu.memory_space<vmem>>
        %dma_wait3A_193 = tpu.memref_squeeze %dma_wait3A_192 : memref<1x80x128xf32, #tpu.memory_space<vmem>> -> memref<80x128xf32, #tpu.memory_space<vmem>>
        %dma_wait3A_194 = arith.constant 0 : i32
        %dma_wait3A_195 = arith.constant 0 : i32
        %dma_wait3A_196 = tpu.memref_slice %arg2[%dma_wait3A_194, %dma_wait3A_195] : memref<10240x128xf32, #tpu.memory_space<hbm>> -> memref<80x128xf32, #tpu.memory_space<hbm>>
        %dma_wait3A_197 = arith.constant 0 : i32
        %dma_wait3A_198 = arith.constant 0 : i32
        %dma_wait3A_199 = tpu.memref_slice %arg8[%dma_wait3A_189, %dma_wait3A_197, %dma_wait3A_198] : memref<4x80x128xf32, #tpu.memory_space<vmem>> -> memref<1x80x128xf32, #tpu.memory_space<vmem>>
        %dma_wait3A_200 = tpu.memref_squeeze %dma_wait3A_199 : memref<1x80x128xf32, #tpu.memory_space<vmem>> -> memref<80x128xf32, #tpu.memory_space<vmem>>
        %dma_wait3A_201 = arith.constant 0 : i32
        %dma_wait3A_202 = arith.constant 0 : i32
        %dma_wait3A_203 = tpu.memref_slice %arg2[%dma_wait3A_201, %dma_wait3A_202] : memref<10240x128xf32, #tpu.memory_space<hbm>> -> memref<80x128xf32, #tpu.memory_space<hbm>>
        tpu.wait_dma2 semaphore(%arg14 : memref<!tpu.dma_semaphore, #tpu.memory_space<semaphore_mem>>) src(%dma_wait3A_203 : memref<80x128xf32, #tpu.memory_space<hbm>>) dst(%dma_wait3A_200 : memref<80x128xf32, #tpu.memory_space<vmem>>)
        %lt3A = arith.constant 7 : i32
        %lt3A_204 = arith.cmpi slt, %scan3A_122, %lt3A : i32
        %convert_element_type3A_205 = arith.extui %lt3A_204 : i1 to i32
        %cond3A_206 = arith.constant 0 : i32
        %cond3A_207 = arith.cmpi ne, %convert_element_type3A_205, %cond3A_206 : i32
        scf.if %cond3A_207 {
          %add3A_320 = arith.constant 4 : i32
          %add3A_321 = arith.addi %add3A_173, %add3A_320 : i32
          %sub3A_322 = arith.constant 1 : i32
          %sub3A_323 = arith.subi %add3A_321, %sub3A_322 : i32
          %dma_start3A_324 = arith.constant 0 : i32
          %dma_start3A_325 = arith.constant 0 : i32
          %dma_start3A_326 = arith.constant 0 : i32
          %dma_start3A_327 = tpu.memref_slice %arg8[%dma_start3A_324, %dma_start3A_325, %dma_start3A_326] : memref<4x80x128xf32, #tpu.memory_space<vmem>> -> memref<1x80x128xf32, #tpu.memory_space<vmem>>
          %dma_start3A_328 = tpu.memref_squeeze %dma_start3A_327 : memref<1x80x128xf32, #tpu.memory_space<vmem>> -> memref<80x128xf32, #tpu.memory_space<vmem>>
          %dma_start3A_329 = arith.constant 0 : i32
          %dma_start3A_330 = tpu.memref_slice %arg6[%sub3A_323, %dma_start3A_329] : memref<32x80xi32, #tpu.memory_space<vmem>> -> memref<1x80xi32, #tpu.memory_space<vmem>>
          %dma_start3A_331 = tpu.memref_squeeze %dma_start3A_330 : memref<1x80xi32, #tpu.memory_space<vmem>> -> memref<80xi32, #tpu.memory_space<vmem>>
          %dma_start3A_332 = arith.constant 0 : i32
          %dma_start3A_333 = arith.constant 0 : i32
          %dma_start3A_334 = tpu.memref_slice %arg2[%dma_start3A_332, %dma_start3A_333] : memref<10240x128xf32, #tpu.memory_space<hbm>> -> memref<10240x128xf32, #tpu.memory_space<hbm>>
          tpu.enqueue_indirect_dma source(%dma_start3A_334 : memref<10240x128xf32, #tpu.memory_space<hbm>>) target(%dma_start3A_328 : memref<80x128xf32, #tpu.memory_space<vmem>>) offsets(%dma_start3A_331 : memref<80xi32, #tpu.memory_space<vmem>>) semaphore(%arg10 : memref<!tpu.dma_semaphore, #tpu.memory_space<semaphore_mem>>)
        } else {
        }
        %dma_start3A_208 = arith.constant 1 : i32
        %dma_start3A_209 = arith.constant 0 : i32
        %dma_start3A_210 = arith.constant 0 : i32
        %dma_start3A_211 = tpu.memref_slice %arg8[%dma_start3A_208, %dma_start3A_209, %dma_start3A_210] : memref<4x80x128xf32, #tpu.memory_space<vmem>> -> memref<1x80x128xf32, #tpu.memory_space<vmem>>
        %dma_start3A_212 = tpu.memref_squeeze %dma_start3A_211 : memref<1x80x128xf32, #tpu.memory_space<vmem>> -> memref<80x128xf32, #tpu.memory_space<vmem>>
        %dma_start3A_213 = arith.constant 0 : i32
        %dma_start3A_214 = tpu.memref_slice %arg7[%add3A_173, %dma_start3A_213] : memref<32x80xi32, #tpu.memory_space<vmem>> -> memref<1x80xi32, #tpu.memory_space<vmem>>
        %dma_start3A_215 = tpu.memref_squeeze %dma_start3A_214 : memref<1x80xi32, #tpu.memory_space<vmem>> -> memref<80xi32, #tpu.memory_space<vmem>>
        %dma_start3A_216 = arith.constant 0 : i32
        %dma_start3A_217 = arith.constant 0 : i32
        %dma_start3A_218 = tpu.memref_slice %arg9[%dma_start3A_216, %dma_start3A_217] : memref<10240x128xf32, #tpu.memory_space<vmem_shared>> -> memref<10240x128xf32, #tpu.memory_space<vmem_shared>>
        tpu.enqueue_indirect_dma source(%dma_start3A_212 : memref<80x128xf32, #tpu.memory_space<vmem>>) target(%dma_start3A_218 : memref<10240x128xf32, #tpu.memory_space<vmem_shared>>) offsets(%dma_start3A_215 : memref<80xi32, #tpu.memory_space<vmem>>) semaphore(%arg15 : memref<!tpu.dma_semaphore, #tpu.memory_space<semaphore_mem>>) {add = true}
        %mul3A_219 = arith.constant 4 : i32
        %mul3A_220 = arith.muli %mul3A_219, %scan3A_122 : i32
        %add3A_221 = arith.constant 2 : i32
        %add3A_222 = arith.addi %mul3A_220, %add3A_221 : i32
        %dma_wait3A_223 = arith.constant 2 : i32
        %dma_wait3A_224 = arith.constant 0 : i32
        %dma_wait3A_225 = arith.constant 0 : i32
        %dma_wait3A_226 = tpu.memref_slice %arg8[%dma_wait3A_223, %dma_wait3A_224, %dma_wait3A_225] : memref<4x80x128xf32, #tpu.memory_space<vmem>> -> memref<1x80x128xf32, #tpu.memory_space<vmem>>
        %dma_wait3A_227 = tpu.memref_squeeze %dma_wait3A_226 : memref<1x80x128xf32, #tpu.memory_space<vmem>> -> memref<80x128xf32, #tpu.memory_space<vmem>>
        %dma_wait3A_228 = arith.constant 0 : i32
        %dma_wait3A_229 = arith.constant 0 : i32
        %dma_wait3A_230 = tpu.memref_slice %arg2[%dma_wait3A_228, %dma_wait3A_229] : memref<10240x128xf32, #tpu.memory_space<hbm>> -> memref<80x128xf32, #tpu.memory_space<hbm>>
        %dma_wait3A_231 = arith.constant 0 : i32
        %dma_wait3A_232 = arith.constant 0 : i32
        %dma_wait3A_233 = tpu.memref_slice %arg8[%dma_wait3A_223, %dma_wait3A_231, %dma_wait3A_232] : memref<4x80x128xf32, #tpu.memory_space<vmem>> -> memref<1x80x128xf32, #tpu.memory_space<vmem>>
        %dma_wait3A_234 = tpu.memref_squeeze %dma_wait3A_233 : memref<1x80x128xf32, #tpu.memory_space<vmem>> -> memref<80x128xf32, #tpu.memory_space<vmem>>
        %dma_wait3A_235 = arith.constant 0 : i32
        %dma_wait3A_236 = arith.constant 0 : i32
        %dma_wait3A_237 = tpu.memref_slice %arg2[%dma_wait3A_235, %dma_wait3A_236] : memref<10240x128xf32, #tpu.memory_space<hbm>> -> memref<80x128xf32, #tpu.memory_space<hbm>>
        tpu.wait_dma2 semaphore(%arg12 : memref<!tpu.dma_semaphore, #tpu.memory_space<semaphore_mem>>) src(%dma_wait3A_237 : memref<80x128xf32, #tpu.memory_space<hbm>>) dst(%dma_wait3A_234 : memref<80x128xf32, #tpu.memory_space<vmem>>)
        %dma_wait3A_238 = arith.constant 1 : i32
        %dma_wait3A_239 = arith.constant 0 : i32
        %dma_wait3A_240 = arith.constant 0 : i32
        %dma_wait3A_241 = tpu.memref_slice %arg8[%dma_wait3A_238, %dma_wait3A_239, %dma_wait3A_240] : memref<4x80x128xf32, #tpu.memory_space<vmem>> -> memref<1x80x128xf32, #tpu.memory_space<vmem>>
        %dma_wait3A_242 = tpu.memref_squeeze %dma_wait3A_241 : memref<1x80x128xf32, #tpu.memory_space<vmem>> -> memref<80x128xf32, #tpu.memory_space<vmem>>
        %dma_wait3A_243 = arith.constant 0 : i32
        %dma_wait3A_244 = arith.constant 0 : i32
        %dma_wait3A_245 = tpu.memref_slice %arg2[%dma_wait3A_243, %dma_wait3A_244] : memref<10240x128xf32, #tpu.memory_space<hbm>> -> memref<80x128xf32, #tpu.memory_space<hbm>>
        %dma_wait3A_246 = arith.constant 0 : i32
        %dma_wait3A_247 = arith.constant 0 : i32
        %dma_wait3A_248 = tpu.memref_slice %arg8[%dma_wait3A_238, %dma_wait3A_246, %dma_wait3A_247] : memref<4x80x128xf32, #tpu.memory_space<vmem>> -> memref<1x80x128xf32, #tpu.memory_space<vmem>>
        %dma_wait3A_249 = tpu.memref_squeeze %dma_wait3A_248 : memref<1x80x128xf32, #tpu.memory_space<vmem>> -> memref<80x128xf32, #tpu.memory_space<vmem>>
        %dma_wait3A_250 = arith.constant 0 : i32
        %dma_wait3A_251 = arith.constant 0 : i32
        %dma_wait3A_252 = tpu.memref_slice %arg2[%dma_wait3A_250, %dma_wait3A_251] : memref<10240x128xf32, #tpu.memory_space<hbm>> -> memref<80x128xf32, #tpu.memory_space<hbm>>
        tpu.wait_dma2 semaphore(%arg15 : memref<!tpu.dma_semaphore, #tpu.memory_space<semaphore_mem>>) src(%dma_wait3A_252 : memref<80x128xf32, #tpu.memory_space<hbm>>) dst(%dma_wait3A_249 : memref<80x128xf32, #tpu.memory_space<vmem>>)
        %lt3A_253 = arith.constant 7 : i32
        %lt3A_254 = arith.cmpi slt, %scan3A_122, %lt3A_253 : i32
        %convert_element_type3A_255 = arith.extui %lt3A_254 : i1 to i32
        %cond3A_256 = arith.constant 0 : i32
        %cond3A_257 = arith.cmpi ne, %convert_element_type3A_255, %cond3A_256 : i32
        scf.if %cond3A_257 {
          %add3A_320 = arith.constant 4 : i32
          %add3A_321 = arith.addi %add3A_222, %add3A_320 : i32
          %sub3A_322 = arith.constant 1 : i32
          %sub3A_323 = arith.subi %add3A_321, %sub3A_322 : i32
          %dma_start3A_324 = arith.constant 1 : i32
          %dma_start3A_325 = arith.constant 0 : i32
          %dma_start3A_326 = arith.constant 0 : i32
          %dma_start3A_327 = tpu.memref_slice %arg8[%dma_start3A_324, %dma_start3A_325, %dma_start3A_326] : memref<4x80x128xf32, #tpu.memory_space<vmem>> -> memref<1x80x128xf32, #tpu.memory_space<vmem>>
          %dma_start3A_328 = tpu.memref_squeeze %dma_start3A_327 : memref<1x80x128xf32, #tpu.memory_space<vmem>> -> memref<80x128xf32, #tpu.memory_space<vmem>>
          %dma_start3A_329 = arith.constant 0 : i32
          %dma_start3A_330 = tpu.memref_slice %arg6[%sub3A_323, %dma_start3A_329] : memref<32x80xi32, #tpu.memory_space<vmem>> -> memref<1x80xi32, #tpu.memory_space<vmem>>
          %dma_start3A_331 = tpu.memref_squeeze %dma_start3A_330 : memref<1x80xi32, #tpu.memory_space<vmem>> -> memref<80xi32, #tpu.memory_space<vmem>>
          %dma_start3A_332 = arith.constant 0 : i32
          %dma_start3A_333 = arith.constant 0 : i32
          %dma_start3A_334 = tpu.memref_slice %arg2[%dma_start3A_332, %dma_start3A_333] : memref<10240x128xf32, #tpu.memory_space<hbm>> -> memref<10240x128xf32, #tpu.memory_space<hbm>>
          tpu.enqueue_indirect_dma source(%dma_start3A_334 : memref<10240x128xf32, #tpu.memory_space<hbm>>) target(%dma_start3A_328 : memref<80x128xf32, #tpu.memory_space<vmem>>) offsets(%dma_start3A_331 : memref<80xi32, #tpu.memory_space<vmem>>) semaphore(%arg11 : memref<!tpu.dma_semaphore, #tpu.memory_space<semaphore_mem>>)
        } else {
        }
        %dma_start3A_258 = arith.constant 2 : i32
        %dma_start3A_259 = arith.constant 0 : i32
        %dma_start3A_260 = arith.constant 0 : i32
        %dma_start3A_261 = tpu.memref_slice %arg8[%dma_start3A_258, %dma_start3A_259, %dma_start3A_260] : memref<4x80x128xf32, #tpu.memory_space<vmem>> -> memref<1x80x128xf32, #tpu.memory_space<vmem>>
        %dma_start3A_262 = tpu.memref_squeeze %dma_start3A_261 : memref<1x80x128xf32, #tpu.memory_space<vmem>> -> memref<80x128xf32, #tpu.memory_space<vmem>>
        %dma_start3A_263 = arith.constant 0 : i32
        %dma_start3A_264 = tpu.memref_slice %arg7[%add3A_222, %dma_start3A_263] : memref<32x80xi32, #tpu.memory_space<vmem>> -> memref<1x80xi32, #tpu.memory_space<vmem>>
        %dma_start3A_265 = tpu.memref_squeeze %dma_start3A_264 : memref<1x80xi32, #tpu.memory_space<vmem>> -> memref<80xi32, #tpu.memory_space<vmem>>
        %dma_start3A_266 = arith.constant 0 : i32
        %dma_start3A_267 = arith.constant 0 : i32
        %dma_start3A_268 = tpu.memref_slice %arg9[%dma_start3A_266, %dma_start3A_267] : memref<10240x128xf32, #tpu.memory_space<vmem_shared>> -> memref<10240x128xf32, #tpu.memory_space<vmem_shared>>
        tpu.enqueue_indirect_dma source(%dma_start3A_262 : memref<80x128xf32, #tpu.memory_space<vmem>>) target(%dma_start3A_268 : memref<10240x128xf32, #tpu.memory_space<vmem_shared>>) offsets(%dma_start3A_265 : memref<80xi32, #tpu.memory_space<vmem>>) semaphore(%arg16 : memref<!tpu.dma_semaphore, #tpu.memory_space<semaphore_mem>>) {add = true}
        %mul3A_269 = arith.constant 4 : i32
        %mul3A_270 = arith.muli %mul3A_269, %scan3A_122 : i32
        %add3A_271 = arith.constant 3 : i32
        %add3A_272 = arith.addi %mul3A_270, %add3A_271 : i32
        %dma_wait3A_273 = arith.constant 3 : i32
        %dma_wait3A_274 = arith.constant 0 : i32
        %dma_wait3A_275 = arith.constant 0 : i32
        %dma_wait3A_276 = tpu.memref_slice %arg8[%dma_wait3A_273, %dma_wait3A_274, %dma_wait3A_275] : memref<4x80x128xf32, #tpu.memory_space<vmem>> -> memref<1x80x128xf32, #tpu.memory_space<vmem>>
        %dma_wait3A_277 = tpu.memref_squeeze %dma_wait3A_276 : memref<1x80x128xf32, #tpu.memory_space<vmem>> -> memref<80x128xf32, #tpu.memory_space<vmem>>
        %dma_wait3A_278 = arith.constant 0 : i32
        %dma_wait3A_279 = arith.constant 0 : i32
        %dma_wait3A_280 = tpu.memref_slice %arg2[%dma_wait3A_278, %dma_wait3A_279] : memref<10240x128xf32, #tpu.memory_space<hbm>> -> memref<80x128xf32, #tpu.memory_space<hbm>>
        %dma_wait3A_281 = arith.constant 0 : i32
        %dma_wait3A_282 = arith.constant 0 : i32
        %dma_wait3A_283 = tpu.memref_slice %arg8[%dma_wait3A_273, %dma_wait3A_281, %dma_wait3A_282] : memref<4x80x128xf32, #tpu.memory_space<vmem>> -> memref<1x80x128xf32, #tpu.memory_space<vmem>>
        %dma_wait3A_284 = tpu.memref_squeeze %dma_wait3A_283 : memref<1x80x128xf32, #tpu.memory_space<vmem>> -> memref<80x128xf32, #tpu.memory_space<vmem>>
        %dma_wait3A_285 = arith.constant 0 : i32
        %dma_wait3A_286 = arith.constant 0 : i32
        %dma_wait3A_287 = tpu.memref_slice %arg2[%dma_wait3A_285, %dma_wait3A_286] : memref<10240x128xf32, #tpu.memory_space<hbm>> -> memref<80x128xf32, #tpu.memory_space<hbm>>
        tpu.wait_dma2 semaphore(%arg13 : memref<!tpu.dma_semaphore, #tpu.memory_space<semaphore_mem>>) src(%dma_wait3A_287 : memref<80x128xf32, #tpu.memory_space<hbm>>) dst(%dma_wait3A_284 : memref<80x128xf32, #tpu.memory_space<vmem>>)
        %dma_wait3A_288 = arith.constant 2 : i32
        %dma_wait3A_289 = arith.constant 0 : i32
        %dma_wait3A_290 = arith.constant 0 : i32
        %dma_wait3A_291 = tpu.memref_slice %arg8[%dma_wait3A_288, %dma_wait3A_289, %dma_wait3A_290] : memref<4x80x128xf32, #tpu.memory_space<vmem>> -> memref<1x80x128xf32, #tpu.memory_space<vmem>>
        %dma_wait3A_292 = tpu.memref_squeeze %dma_wait3A_291 : memref<1x80x128xf32, #tpu.memory_space<vmem>> -> memref<80x128xf32, #tpu.memory_space<vmem>>
        %dma_wait3A_293 = arith.constant 0 : i32
        %dma_wait3A_294 = arith.constant 0 : i32
        %dma_wait3A_295 = tpu.memref_slice %arg2[%dma_wait3A_293, %dma_wait3A_294] : memref<10240x128xf32, #tpu.memory_space<hbm>> -> memref<80x128xf32, #tpu.memory_space<hbm>>
        %dma_wait3A_296 = arith.constant 0 : i32
        %dma_wait3A_297 = arith.constant 0 : i32
        %dma_wait3A_298 = tpu.memref_slice %arg8[%dma_wait3A_288, %dma_wait3A_296, %dma_wait3A_297] : memref<4x80x128xf32, #tpu.memory_space<vmem>> -> memref<1x80x128xf32, #tpu.memory_space<vmem>>
        %dma_wait3A_299 = tpu.memref_squeeze %dma_wait3A_298 : memref<1x80x128xf32, #tpu.memory_space<vmem>> -> memref<80x128xf32, #tpu.memory_space<vmem>>
        %dma_wait3A_300 = arith.constant 0 : i32
        %dma_wait3A_301 = arith.constant 0 : i32
        %dma_wait3A_302 = tpu.memref_slice %arg2[%dma_wait3A_300, %dma_wait3A_301] : memref<10240x128xf32, #tpu.memory_space<hbm>> -> memref<80x128xf32, #tpu.memory_space<hbm>>
        tpu.wait_dma2 semaphore(%arg16 : memref<!tpu.dma_semaphore, #tpu.memory_space<semaphore_mem>>) src(%dma_wait3A_302 : memref<80x128xf32, #tpu.memory_space<hbm>>) dst(%dma_wait3A_299 : memref<80x128xf32, #tpu.memory_space<vmem>>)
        %lt3A_303 = arith.constant 7 : i32
        %lt3A_304 = arith.cmpi slt, %scan3A_122, %lt3A_303 : i32
        %convert_element_type3A_305 = arith.extui %lt3A_304 : i1 to i32
        %cond3A_306 = arith.constant 0 : i32
        %cond3A_307 = arith.cmpi ne, %convert_element_type3A_305, %cond3A_306 : i32
        scf.if %cond3A_307 {
          %add3A_320 = arith.constant 4 : i32
          %add3A_321 = arith.addi %add3A_272, %add3A_320 : i32
          %sub3A_322 = arith.constant 1 : i32
          %sub3A_323 = arith.subi %add3A_321, %sub3A_322 : i32
          %dma_start3A_324 = arith.constant 2 : i32
          %dma_start3A_325 = arith.constant 0 : i32
          %dma_start3A_326 = arith.constant 0 : i32
          %dma_start3A_327 = tpu.memref_slice %arg8[%dma_start3A_324, %dma_start3A_325, %dma_start3A_326] : memref<4x80x128xf32, #tpu.memory_space<vmem>> -> memref<1x80x128xf32, #tpu.memory_space<vmem>>
          %dma_start3A_328 = tpu.memref_squeeze %dma_start3A_327 : memref<1x80x128xf32, #tpu.memory_space<vmem>> -> memref<80x128xf32, #tpu.memory_space<vmem>>
          %dma_start3A_329 = arith.constant 0 : i32
          %dma_start3A_330 = tpu.memref_slice %arg6[%sub3A_323, %dma_start3A_329] : memref<32x80xi32, #tpu.memory_space<vmem>> -> memref<1x80xi32, #tpu.memory_space<vmem>>
          %dma_start3A_331 = tpu.memref_squeeze %dma_start3A_330 : memref<1x80xi32, #tpu.memory_space<vmem>> -> memref<80xi32, #tpu.memory_space<vmem>>
          %dma_start3A_332 = arith.constant 0 : i32
          %dma_start3A_333 = arith.constant 0 : i32
          %dma_start3A_334 = tpu.memref_slice %arg2[%dma_start3A_332, %dma_start3A_333] : memref<10240x128xf32, #tpu.memory_space<hbm>> -> memref<10240x128xf32, #tpu.memory_space<hbm>>
          tpu.enqueue_indirect_dma source(%dma_start3A_334 : memref<10240x128xf32, #tpu.memory_space<hbm>>) target(%dma_start3A_328 : memref<80x128xf32, #tpu.memory_space<vmem>>) offsets(%dma_start3A_331 : memref<80xi32, #tpu.memory_space<vmem>>) semaphore(%arg12 : memref<!tpu.dma_semaphore, #tpu.memory_space<semaphore_mem>>)
        } else {
        }
        %dma_start3A_308 = arith.constant 3 : i32
        %dma_start3A_309 = arith.constant 0 : i32
        %dma_start3A_310 = arith.constant 0 : i32
        %dma_start3A_311 = tpu.memref_slice %arg8[%dma_start3A_308, %dma_start3A_309, %dma_start3A_310] : memref<4x80x128xf32, #tpu.memory_space<vmem>> -> memref<1x80x128xf32, #tpu.memory_space<vmem>>
        %dma_start3A_312 = tpu.memref_squeeze %dma_start3A_311 : memref<1x80x128xf32, #tpu.memory_space<vmem>> -> memref<80x128xf32, #tpu.memory_space<vmem>>
        %dma_start3A_313 = arith.constant 0 : i32
        %dma_start3A_314 = tpu.memref_slice %arg7[%add3A_272, %dma_start3A_313] : memref<32x80xi32, #tpu.memory_space<vmem>> -> memref<1x80xi32, #tpu.memory_space<vmem>>
        %dma_start3A_315 = tpu.memref_squeeze %dma_start3A_314 : memref<1x80xi32, #tpu.memory_space<vmem>> -> memref<80xi32, #tpu.memory_space<vmem>>
        %dma_start3A_316 = arith.constant 0 : i32
        %dma_start3A_317 = arith.constant 0 : i32
        %dma_start3A_318 = tpu.memref_slice %arg9[%dma_start3A_316, %dma_start3A_317] : memref<10240x128xf32, #tpu.memory_space<vmem_shared>> -> memref<10240x128xf32, #tpu.memory_space<vmem_shared>>
        tpu.enqueue_indirect_dma source(%dma_start3A_312 : memref<80x128xf32, #tpu.memory_space<vmem>>) target(%dma_start3A_318 : memref<10240x128xf32, #tpu.memory_space<vmem_shared>>) offsets(%dma_start3A_315 : memref<80xi32, #tpu.memory_space<vmem>>) semaphore(%arg17 : memref<!tpu.dma_semaphore, #tpu.memory_space<semaphore_mem>>) {add = true}
        %scan3A_319 = arith.constant 0 : i32
        scf.yield %scan3A_319 : i32
      }
      %scan3A_106 = arith.constant 8 : i32
      %dma_wait3A = arith.constant 3 : i32
      %dma_wait3A_107 = arith.constant 0 : i32
      %dma_wait3A_108 = arith.constant 0 : i32
      %dma_wait3A_109 = tpu.memref_slice %arg8[%dma_wait3A, %dma_wait3A_107, %dma_wait3A_108] : memref<4x80x128xf32, #tpu.memory_space<vmem>> -> memref<1x80x128xf32, #tpu.memory_space<vmem>>
      %dma_wait3A_110 = tpu.memref_squeeze %dma_wait3A_109 : memref<1x80x128xf32, #tpu.memory_space<vmem>> -> memref<80x128xf32, #tpu.memory_space<vmem>>
      %dma_wait3A_111 = arith.constant 0 : i32
      %dma_wait3A_112 = arith.constant 0 : i32
      %dma_wait3A_113 = tpu.memref_slice %arg2[%dma_wait3A_111, %dma_wait3A_112] : memref<10240x128xf32, #tpu.memory_space<hbm>> -> memref<80x128xf32, #tpu.memory_space<hbm>>
      %dma_wait3A_114 = arith.constant 0 : i32
      %dma_wait3A_115 = arith.constant 0 : i32
      %dma_wait3A_116 = tpu.memref_slice %arg8[%dma_wait3A, %dma_wait3A_114, %dma_wait3A_115] : memref<4x80x128xf32, #tpu.memory_space<vmem>> -> memref<1x80x128xf32, #tpu.memory_space<vmem>>
      %dma_wait3A_117 = tpu.memref_squeeze %dma_wait3A_116 : memref<1x80x128xf32, #tpu.memory_space<vmem>> -> memref<80x128xf32, #tpu.memory_space<vmem>>
      %dma_wait3A_118 = arith.constant 0 : i32
      %dma_wait3A_119 = arith.constant 0 : i32
      %dma_wait3A_120 = tpu.memref_slice %arg2[%dma_wait3A_118, %dma_wait3A_119] : memref<10240x128xf32, #tpu.memory_space<hbm>> -> memref<80x128xf32, #tpu.memory_space<hbm>>
      tpu.wait_dma2 semaphore(%arg17 : memref<!tpu.dma_semaphore, #tpu.memory_space<semaphore_mem>>) src(%dma_wait3A_120 : memref<80x128xf32, #tpu.memory_space<hbm>>) dst(%dma_wait3A_117 : memref<80x128xf32, #tpu.memory_space<vmem>>)
      %scan3A_121 = arith.constant 0 : i32
      scf.yield %scan3A_121 : i32
    }
    %scan3A_53 = arith.constant 4 : i32
    %barrier3A_54 = arith.constant 0 : index
    tpu.barrier barrier_id(%barrier3A_54)
    %mul3A_55 = arith.constant 640 : i32
    %mul3A_56 = arith.muli %arg1, %mul3A_55 : i32
    %mul3A_57 = arith.constant 640 : i32
    %mul3A_58 = arith.muli %arg1, %mul3A_57 : i32
    "tpu.region"() ({
      %run_scoped3A_59 = tpu.sem_alloc : memref<!tpu.dma_semaphore, #tpu.memory_space<semaphore_mem>>
      %dma_start3A = arith.constant 0 : i32
      %dma_start3A_60 = arith.constant 0 : i32
      %dma_start3A_61 = tpu.memref_slice %arg5[%arg0, %dma_start3A, %dma_start3A_60] : memref<2x10240x128xf32, #tpu.memory_space<hbm>> -> memref<1x10240x128xf32, #tpu.memory_space<hbm>>
      %dma_start3A_62 = tpu.memref_squeeze %dma_start3A_61 : memref<1x10240x128xf32, #tpu.memory_space<hbm>> -> memref<10240x128xf32, #tpu.memory_space<hbm>>
      %dma_start3A_63 = arith.constant 0 : i32
      %dma_start3A_64 = tpu.memref_slice %dma_start3A_62[%mul3A_58, %dma_start3A_63] : memref<10240x128xf32, #tpu.memory_space<hbm>> -> memref<640x128xf32, #tpu.memory_space<hbm>>
      %dma_start3A_65 = arith.constant 0 : i32
      %dma_start3A_66 = tpu.memref_slice %arg9[%mul3A_56, %dma_start3A_65] : memref<10240x128xf32, #tpu.memory_space<vmem_shared>> -> memref<640x128xf32, #tpu.memory_space<vmem_shared>>
      tpu.enqueue_dma source(%dma_start3A_66 : memref<640x128xf32, #tpu.memory_space<vmem_shared>>) target(%dma_start3A_64 : memref<640x128xf32, #tpu.memory_space<hbm>>) target_semaphore(%run_scoped3A_59 : memref<!tpu.dma_semaphore, #tpu.memory_space<semaphore_mem>>)
      %dma_wait3A = arith.constant 0 : i32
      %dma_wait3A_67 = arith.constant 0 : i32
      %dma_wait3A_68 = tpu.memref_slice %arg5[%arg0, %dma_wait3A, %dma_wait3A_67] : memref<2x10240x128xf32, #tpu.memory_space<hbm>> -> memref<1x10240x128xf32, #tpu.memory_space<hbm>>
      %dma_wait3A_69 = tpu.memref_squeeze %dma_wait3A_68 : memref<1x10240x128xf32, #tpu.memory_space<hbm>> -> memref<10240x128xf32, #tpu.memory_space<hbm>>
      %dma_wait3A_70 = arith.constant 0 : i32
      %dma_wait3A_71 = tpu.memref_slice %dma_wait3A_69[%mul3A_58, %dma_wait3A_70] : memref<10240x128xf32, #tpu.memory_space<hbm>> -> memref<640x128xf32, #tpu.memory_space<hbm>>
      %dma_wait3A_72 = arith.constant 0 : i32
      %dma_wait3A_73 = tpu.memref_slice %arg9[%mul3A_56, %dma_wait3A_72] : memref<10240x128xf32, #tpu.memory_space<vmem_shared>> -> memref<640x128xf32, #tpu.memory_space<vmem_shared>>
      tpu.wait_dma2 semaphore(%run_scoped3A_59 : memref<!tpu.dma_semaphore, #tpu.memory_space<semaphore_mem>>) src(%dma_wait3A_73 : memref<640x128xf32, #tpu.memory_space<vmem_shared>>) dst(%dma_wait3A_71 : memref<640x128xf32, #tpu.memory_space<hbm>>)
      tpu.yield
    }) : () -> ()
    return
  }
}

#map = affine_map<(d0, d1) -> (0, 0)>
#map1 = affine_map<(d0, d1) -> (0, 0, 0)>
module attributes {stable_mosaic.version = 14 : i64} {
  func.func @_sc_propagate(%arg0: i32, %arg1: i32, %arg2: memref<10240x128xf32, #tpu.memory_space<hbm>>, %arg3: memref<32x128x80xi32, #tpu.memory_space<hbm>>, %arg4: memref<32x128x80xi32, #tpu.memory_space<hbm>>, %arg5: memref<2x10240x128xf32, #tpu.memory_space<hbm>>, %arg6: memref<32x80xi32, #tpu.memory_space<vmem>>, %arg7: memref<32x80xi32, #tpu.memory_space<vmem>>, %arg8: memref<4x80x128xf32, #tpu.memory_space<vmem>>, %arg9: memref<10240x128xf32, #tpu.memory_space<vmem_shared>>, %arg10: memref<!tpu.dma_semaphore, #tpu.memory_space<semaphore_mem>>, %arg11: memref<!tpu.dma_semaphore, #tpu.memory_space<semaphore_mem>>, %arg12: memref<!tpu.dma_semaphore, #tpu.memory_space<semaphore_mem>>, %arg13: memref<!tpu.dma_semaphore, #tpu.memory_space<semaphore_mem>>, %arg14: memref<!tpu.dma_semaphore, #tpu.memory_space<semaphore_mem>>, %arg15: memref<!tpu.dma_semaphore, #tpu.memory_space<semaphore_mem>>, %arg16: memref<!tpu.dma_semaphore, #tpu.memory_space<semaphore_mem>>, %arg17: memref<!tpu.dma_semaphore, #tpu.memory_space<semaphore_mem>>) attributes {dimension_semantics = [#tpu.dimension_semantics<core_parallel>, #tpu.dimension_semantics<subcore_parallel>], iteration_bounds = array<i64: 2, 16>, scalar_prefetch = 0 : i64, scratch_operands = 12 : i64, tpu.core_type = #tpu.core_type<sc_vector_subcore>, window_params = [{transform_indices = #map}, {transform_indices = #map1}, {transform_indices = #map1}, {transform_indices = #map1}]} {
    %mul3A = arith.constant 16 : i32
    %mul3A_0 = arith.muli %arg0, %mul3A : i32
    %add3A = arith.addi %mul3A_0, %arg1 : i32
    %broadcast_in_dim3A = arith.constant 0.000000e+00 : f32
    %broadcast_in_dim3A_1 = vector.broadcast %broadcast_in_dim3A : f32 to vector<16xf32>
    %scan3A = arith.constant 0 : i32
    %scan3A_2 = arith.constant 0 : i32
    %scan3A_3 = arith.constant 80 : i32
    %scan3A_4 = arith.addi %scan3A_2, %scan3A_3 : i32
    %scan3A_5 = arith.constant 1 : i32
    %scan3A_6 = scf.for %scan3A_59 = %scan3A_2 to %scan3A_4 step %scan3A_5 iter_args(%scan3A_60 = %scan3A) -> (i32)  : i32 {
      %swap3A = arith.constant 0 : i32
      %swap3A_61 = arith.index_cast %swap3A : i32 to index
      %swap3A_62 = arith.index_cast %scan3A_59 : i32 to index
      %swap3A_63 = arith.constant 0 : index
      %swap3A_64 = tpu.vector_load %arg8[%swap3A_61, %swap3A_62, %swap3A_63] {strides = array<i32>} : memref<4x80x128xf32, #tpu.memory_space<vmem>>, vector<1x1x16xf32>,
      %swap3A_65 = vector.shape_cast %swap3A_64 : vector<1x1x16xf32> to vector<16xf32>
      %swap3A_66 = vector.shape_cast %broadcast_in_dim3A_1 : vector<16xf32> to vector<1x1x16xf32>
      tpu.vector_store %arg8[%swap3A_61, %swap3A_62, %swap3A_63], %swap3A_66 {strides = array<i32>} : memref<4x80x128xf32, #tpu.memory_space<vmem>>, vector<1x1x16xf32>,
      %swap3A_67 = arith.constant 0 : i32
      %swap3A_68 = arith.index_cast %swap3A_67 : i32 to index
      %swap3A_69 = arith.index_cast %scan3A_59 : i32 to index
      %swap3A_70 = arith.constant 16 : index
      %swap3A_71 = tpu.vector_load %arg8[%swap3A_68, %swap3A_69, %swap3A_70] {strides = array<i32>} : memref<4x80x128xf32, #tpu.memory_space<vmem>>, vector<1x1x16xf32>,
      %swap3A_72 = vector.shape_cast %swap3A_71 : vector<1x1x16xf32> to vector<16xf32>
      %swap3A_73 = vector.shape_cast %broadcast_in_dim3A_1 : vector<16xf32> to vector<1x1x16xf32>
      tpu.vector_store %arg8[%swap3A_68, %swap3A_69, %swap3A_70], %swap3A_73 {strides = array<i32>} : memref<4x80x128xf32, #tpu.memory_space<vmem>>, vector<1x1x16xf32>,
      %swap3A_74 = arith.constant 0 : i32
      %swap3A_75 = arith.index_cast %swap3A_74 : i32 to index
      %swap3A_76 = arith.index_cast %scan3A_59 : i32 to index
      %swap3A_77 = arith.constant 32 : index
      %swap3A_78 = tpu.vector_load %arg8[%swap3A_75, %swap3A_76, %swap3A_77] {strides = array<i32>} : memref<4x80x128xf32, #tpu.memory_space<vmem>>, vector<1x1x16xf32>,
      %swap3A_79 = vector.shape_cast %swap3A_78 : vector<1x1x16xf32> to vector<16xf32>
      %swap3A_80 = vector.shape_cast %broadcast_in_dim3A_1 : vector<16xf32> to vector<1x1x16xf32>
      tpu.vector_store %arg8[%swap3A_75, %swap3A_76, %swap3A_77], %swap3A_80 {strides = array<i32>} : memref<4x80x128xf32, #tpu.memory_space<vmem>>, vector<1x1x16xf32>,
      %swap3A_81 = arith.constant 0 : i32
      %swap3A_82 = arith.index_cast %swap3A_81 : i32 to index
      %swap3A_83 = arith.index_cast %scan3A_59 : i32 to index
      %swap3A_84 = arith.constant 48 : index
      %swap3A_85 = tpu.vector_load %arg8[%swap3A_82, %swap3A_83, %swap3A_84] {strides = array<i32>} : memref<4x80x128xf32, #tpu.memory_space<vmem>>, vector<1x1x16xf32>,
      %swap3A_86 = vector.shape_cast %swap3A_85 : vector<1x1x16xf32> to vector<16xf32>
      %swap3A_87 = vector.shape_cast %broadcast_in_dim3A_1 : vector<16xf32> to vector<1x1x16xf32>
      tpu.vector_store %arg8[%swap3A_82, %swap3A_83, %swap3A_84], %swap3A_87 {strides = array<i32>} : memref<4x80x128xf32, #tpu.memory_space<vmem>>, vector<1x1x16xf32>,
      %swap3A_88 = arith.constant 0 : i32
      %swap3A_89 = arith.index_cast %swap3A_88 : i32 to index
      %swap3A_90 = arith.index_cast %scan3A_59 : i32 to index
      %swap3A_91 = arith.constant 64 : index
      %swap3A_92 = tpu.vector_load %arg8[%swap3A_89, %swap3A_90, %swap3A_91] {strides = array<i32>} : memref<4x80x128xf32, #tpu.memory_space<vmem>>, vector<1x1x16xf32>,
      %swap3A_93 = vector.shape_cast %swap3A_92 : vector<1x1x16xf32> to vector<16xf32>
      %swap3A_94 = vector.shape_cast %broadcast_in_dim3A_1 : vector<16xf32> to vector<1x1x16xf32>
      tpu.vector_store %arg8[%swap3A_89, %swap3A_90, %swap3A_91], %swap3A_94 {strides = array<i32>} : memref<4x80x128xf32, #tpu.memory_space<vmem>>, vector<1x1x16xf32>,
      %swap3A_95 = arith.constant 0 : i32
      %swap3A_96 = arith.index_cast %swap3A_95 : i32 to index
      %swap3A_97 = arith.index_cast %scan3A_59 : i32 to index
      %swap3A_98 = arith.constant 80 : index
      %swap3A_99 = tpu.vector_load %arg8[%swap3A_96, %swap3A_97, %swap3A_98] {strides = array<i32>} : memref<4x80x128xf32, #tpu.memory_space<vmem>>, vector<1x1x16xf32>,
      %swap3A_100 = vector.shape_cast %swap3A_99 : vector<1x1x16xf32> to vector<16xf32>
      %swap3A_101 = vector.shape_cast %broadcast_in_dim3A_1 : vector<16xf32> to vector<1x1x16xf32>
      tpu.vector_store %arg8[%swap3A_96, %swap3A_97, %swap3A_98], %swap3A_101 {strides = array<i32>} : memref<4x80x128xf32, #tpu.memory_space<vmem>>, vector<1x1x16xf32>,
      %swap3A_102 = arith.constant 0 : i32
      %swap3A_103 = arith.index_cast %swap3A_102 : i32 to index
      %swap3A_104 = arith.index_cast %scan3A_59 : i32 to index
      %swap3A_105 = arith.constant 96 : index
      %swap3A_106 = tpu.vector_load %arg8[%swap3A_103, %swap3A_104, %swap3A_105] {strides = array<i32>} : memref<4x80x128xf32, #tpu.memory_space<vmem>>, vector<1x1x16xf32>,
      %swap3A_107 = vector.shape_cast %swap3A_106 : vector<1x1x16xf32> to vector<16xf32>
      %swap3A_108 = vector.shape_cast %broadcast_in_dim3A_1 : vector<16xf32> to vector<1x1x16xf32>
      tpu.vector_store %arg8[%swap3A_103, %swap3A_104, %swap3A_105], %swap3A_108 {strides = array<i32>} : memref<4x80x128xf32, #tpu.memory_space<vmem>>, vector<1x1x16xf32>,
      %swap3A_109 = arith.constant 0 : i32
      %swap3A_110 = arith.index_cast %swap3A_109 : i32 to index
      %swap3A_111 = arith.index_cast %scan3A_59 : i32 to index
      %swap3A_112 = arith.constant 112 : index
      %swap3A_113 = tpu.vector_load %arg8[%swap3A_110, %swap3A_111, %swap3A_112] {strides = array<i32>} : memref<4x80x128xf32, #tpu.memory_space<vmem>>, vector<1x1x16xf32>,
      %swap3A_114 = vector.shape_cast %swap3A_113 : vector<1x1x16xf32> to vector<16xf32>
      %swap3A_115 = vector.shape_cast %broadcast_in_dim3A_1 : vector<16xf32> to vector<1x1x16xf32>
      tpu.vector_store %arg8[%swap3A_110, %swap3A_111, %swap3A_112], %swap3A_115 {strides = array<i32>} : memref<4x80x128xf32, #tpu.memory_space<vmem>>, vector<1x1x16xf32>,
      %scan3A_116 = arith.constant 0 : i32
      scf.yield %scan3A_116 : i32
    }
    %scan3A_7 = arith.constant 80 : i32
    %mul3A_8 = arith.constant 640 : i32
    %mul3A_9 = arith.muli %arg1, %mul3A_8 : i32
    %add3A_10 = arith.constant 0 : i32
    %add3A_11 = arith.addi %mul3A_9, %add3A_10 : i32
    %run_scoped3A = arith.constant 0 : i32
    "tpu.region"() ({
      %run_scoped3A_59 = tpu.sem_alloc : memref<!tpu.dma_semaphore, #tpu.memory_space<semaphore_mem>>
      %dma_start3A = arith.constant 0 : i32
      %dma_start3A_60 = arith.constant 0 : i32
      %dma_start3A_61 = tpu.memref_slice %arg8[%run_scoped3A, %dma_start3A, %dma_start3A_60] : memref<4x80x128xf32, #tpu.memory_space<vmem>> -> memref<1x80x128xf32, #tpu.memory_space<vmem>>
      %dma_start3A_62 = tpu.memref_squeeze %dma_start3A_61 : memref<1x80x128xf32, #tpu.memory_space<vmem>> -> memref<80x128xf32, #tpu.memory_space<vmem>>
      %dma_start3A_63 = arith.constant 0 : i32
      %dma_start3A_64 = tpu.memref_slice %arg9[%add3A_11, %dma_start3A_63] : memref<10240x128xf32, #tpu.memory_space<vmem_shared>> -> memref<80x128xf32, #tpu.memory_space<vmem_shared>>
      %dma_start3A_65 = arith.constant 0 : i32
      %dma_start3A_66 = tpu.memref_slice %arg9[%add3A_11, %dma_start3A_65] : memref<10240x128xf32, #tpu.memory_space<vmem_shared>> -> memref<80x128xf32, #tpu.memory_space<vmem_shared>>
      %dma_start3A_67 = arith.constant 0 : i32
      %dma_start3A_68 = arith.constant 0 : i32
      %dma_start3A_69 = tpu.memref_slice %arg8[%run_scoped3A, %dma_start3A_67, %dma_start3A_68] : memref<4x80x128xf32, #tpu.memory_space<vmem>> -> memref<1x80x128xf32, #tpu.memory_space<vmem>>
      %dma_start3A_70 = tpu.memref_squeeze %dma_start3A_69 : memref<1x80x128xf32, #tpu.memory_space<vmem>> -> memref<80x128xf32, #tpu.memory_space<vmem>>
      tpu.enqueue_dma source(%dma_start3A_70 : memref<80x128xf32, #tpu.memory_space<vmem>>) target(%dma_start3A_66 : memref<80x128xf32, #tpu.memory_space<vmem_shared>>) target_semaphore(%run_scoped3A_59 : memref<!tpu.dma_semaphore, #tpu.memory_space<semaphore_mem>>)
      %dma_wait3A = arith.constant 0 : i32
      %dma_wait3A_71 = arith.constant 0 : i32
      %dma_wait3A_72 = tpu.memref_slice %arg8[%run_scoped3A, %dma_wait3A, %dma_wait3A_71] : memref<4x80x128xf32, #tpu.memory_space<vmem>> -> memref<1x80x128xf32, #tpu.memory_space<vmem>>
      %dma_wait3A_73 = tpu.memref_squeeze %dma_wait3A_72 : memref<1x80x128xf32, #tpu.memory_space<vmem>> -> memref<80x128xf32, #tpu.memory_space<vmem>>
      %dma_wait3A_74 = arith.constant 0 : i32
      %dma_wait3A_75 = tpu.memref_slice %arg9[%add3A_11, %dma_wait3A_74] : memref<10240x128xf32, #tpu.memory_space<vmem_shared>> -> memref<80x128xf32, #tpu.memory_space<vmem_shared>>
      %dma_wait3A_76 = arith.constant 0 : i32
      %dma_wait3A_77 = tpu.memref_slice %arg9[%add3A_11, %dma_wait3A_76] : memref<10240x128xf32, #tpu.memory_space<vmem_shared>> -> memref<80x128xf32, #tpu.memory_space<vmem_shared>>
      %dma_wait3A_78 = arith.constant 0 : i32
      %dma_wait3A_79 = arith.constant 0 : i32
      %dma_wait3A_80 = tpu.memref_slice %arg8[%run_scoped3A, %dma_wait3A_78, %dma_wait3A_79] : memref<4x80x128xf32, #tpu.memory_space<vmem>> -> memref<1x80x128xf32, #tpu.memory_space<vmem>>
      %dma_wait3A_81 = tpu.memref_squeeze %dma_wait3A_80 : memref<1x80x128xf32, #tpu.memory_space<vmem>> -> memref<80x128xf32, #tpu.memory_space<vmem>>
      tpu.wait_dma2 semaphore(%run_scoped3A_59 : memref<!tpu.dma_semaphore, #tpu.memory_space<semaphore_mem>>) src(%dma_wait3A_81 : memref<80x128xf32, #tpu.memory_space<vmem>>) dst(%dma_wait3A_77 : memref<80x128xf32, #tpu.memory_space<vmem_shared>>)
      tpu.yield
    }) : () -> ()
    %mul3A_12 = arith.constant 640 : i32
    %mul3A_13 = arith.muli %arg1, %mul3A_12 : i32
    %add3A_14 = arith.constant 80 : i32
    %add3A_15 = arith.addi %mul3A_13, %add3A_14 : i32
    %run_scoped3A_16 = arith.constant 0 : i32
    "tpu.region"() ({
      %run_scoped3A_59 = tpu.sem_alloc : memref<!tpu.dma_semaphore, #tpu.memory_space<semaphore_mem>>
      %dma_start3A = arith.constant 0 : i32
      %dma_start3A_60 = arith.constant 0 : i32
      %dma_start3A_61 = tpu.memref_slice %arg8[%run_scoped3A_16, %dma_start3A, %dma_start3A_60] : memref<4x80x128xf32, #tpu.memory_space<vmem>> -> memref<1x80x128xf32, #tpu.memory_space<vmem>>
      %dma_start3A_62 = tpu.memref_squeeze %dma_start3A_61 : memref<1x80x128xf32, #tpu.memory_space<vmem>> -> memref<80x128xf32, #tpu.memory_space<vmem>>
      %dma_start3A_63 = arith.constant 0 : i32
      %dma_start3A_64 = tpu.memref_slice %arg9[%add3A_15, %dma_start3A_63] : memref<10240x128xf32, #tpu.memory_space<vmem_shared>> -> memref<80x128xf32, #tpu.memory_space<vmem_shared>>
      %dma_start3A_65 = arith.constant 0 : i32
      %dma_start3A_66 = tpu.memref_slice %arg9[%add3A_15, %dma_start3A_65] : memref<10240x128xf32, #tpu.memory_space<vmem_shared>> -> memref<80x128xf32, #tpu.memory_space<vmem_shared>>
      %dma_start3A_67 = arith.constant 0 : i32
      %dma_start3A_68 = arith.constant 0 : i32
      %dma_start3A_69 = tpu.memref_slice %arg8[%run_scoped3A_16, %dma_start3A_67, %dma_start3A_68] : memref<4x80x128xf32, #tpu.memory_space<vmem>> -> memref<1x80x128xf32, #tpu.memory_space<vmem>>
      %dma_start3A_70 = tpu.memref_squeeze %dma_start3A_69 : memref<1x80x128xf32, #tpu.memory_space<vmem>> -> memref<80x128xf32, #tpu.memory_space<vmem>>
      tpu.enqueue_dma source(%dma_start3A_70 : memref<80x128xf32, #tpu.memory_space<vmem>>) target(%dma_start3A_66 : memref<80x128xf32, #tpu.memory_space<vmem_shared>>) target_semaphore(%run_scoped3A_59 : memref<!tpu.dma_semaphore, #tpu.memory_space<semaphore_mem>>)
      %dma_wait3A = arith.constant 0 : i32
      %dma_wait3A_71 = arith.constant 0 : i32
      %dma_wait3A_72 = tpu.memref_slice %arg8[%run_scoped3A_16, %dma_wait3A, %dma_wait3A_71] : memref<4x80x128xf32, #tpu.memory_space<vmem>> -> memref<1x80x128xf32, #tpu.memory_space<vmem>>
      %dma_wait3A_73 = tpu.memref_squeeze %dma_wait3A_72 : memref<1x80x128xf32, #tpu.memory_space<vmem>> -> memref<80x128xf32, #tpu.memory_space<vmem>>
      %dma_wait3A_74 = arith.constant 0 : i32
      %dma_wait3A_75 = tpu.memref_slice %arg9[%add3A_15, %dma_wait3A_74] : memref<10240x128xf32, #tpu.memory_space<vmem_shared>> -> memref<80x128xf32, #tpu.memory_space<vmem_shared>>
      %dma_wait3A_76 = arith.constant 0 : i32
      %dma_wait3A_77 = tpu.memref_slice %arg9[%add3A_15, %dma_wait3A_76] : memref<10240x128xf32, #tpu.memory_space<vmem_shared>> -> memref<80x128xf32, #tpu.memory_space<vmem_shared>>
      %dma_wait3A_78 = arith.constant 0 : i32
      %dma_wait3A_79 = arith.constant 0 : i32
      %dma_wait3A_80 = tpu.memref_slice %arg8[%run_scoped3A_16, %dma_wait3A_78, %dma_wait3A_79] : memref<4x80x128xf32, #tpu.memory_space<vmem>> -> memref<1x80x128xf32, #tpu.memory_space<vmem>>
      %dma_wait3A_81 = tpu.memref_squeeze %dma_wait3A_80 : memref<1x80x128xf32, #tpu.memory_space<vmem>> -> memref<80x128xf32, #tpu.memory_space<vmem>>
      tpu.wait_dma2 semaphore(%run_scoped3A_59 : memref<!tpu.dma_semaphore, #tpu.memory_space<semaphore_mem>>) src(%dma_wait3A_81 : memref<80x128xf32, #tpu.memory_space<vmem>>) dst(%dma_wait3A_77 : memref<80x128xf32, #tpu.memory_space<vmem_shared>>)
      tpu.yield
    }) : () -> ()
    %mul3A_17 = arith.constant 640 : i32
    %mul3A_18 = arith.muli %arg1, %mul3A_17 : i32
    %add3A_19 = arith.constant 160 : i32
    %add3A_20 = arith.addi %mul3A_18, %add3A_19 : i32
    %run_scoped3A_21 = arith.constant 0 : i32
    "tpu.region"() ({
      %run_scoped3A_59 = tpu.sem_alloc : memref<!tpu.dma_semaphore, #tpu.memory_space<semaphore_mem>>
      %dma_start3A = arith.constant 0 : i32
      %dma_start3A_60 = arith.constant 0 : i32
      %dma_start3A_61 = tpu.memref_slice %arg8[%run_scoped3A_21, %dma_start3A, %dma_start3A_60] : memref<4x80x128xf32, #tpu.memory_space<vmem>> -> memref<1x80x128xf32, #tpu.memory_space<vmem>>
      %dma_start3A_62 = tpu.memref_squeeze %dma_start3A_61 : memref<1x80x128xf32, #tpu.memory_space<vmem>> -> memref<80x128xf32, #tpu.memory_space<vmem>>
      %dma_start3A_63 = arith.constant 0 : i32
      %dma_start3A_64 = tpu.memref_slice %arg9[%add3A_20, %dma_start3A_63] : memref<10240x128xf32, #tpu.memory_space<vmem_shared>> -> memref<80x128xf32, #tpu.memory_space<vmem_shared>>
      %dma_start3A_65 = arith.constant 0 : i32
      %dma_start3A_66 = tpu.memref_slice %arg9[%add3A_20, %dma_start3A_65] : memref<10240x128xf32, #tpu.memory_space<vmem_shared>> -> memref<80x128xf32, #tpu.memory_space<vmem_shared>>
      %dma_start3A_67 = arith.constant 0 : i32
      %dma_start3A_68 = arith.constant 0 : i32
      %dma_start3A_69 = tpu.memref_slice %arg8[%run_scoped3A_21, %dma_start3A_67, %dma_start3A_68] : memref<4x80x128xf32, #tpu.memory_space<vmem>> -> memref<1x80x128xf32, #tpu.memory_space<vmem>>
      %dma_start3A_70 = tpu.memref_squeeze %dma_start3A_69 : memref<1x80x128xf32, #tpu.memory_space<vmem>> -> memref<80x128xf32, #tpu.memory_space<vmem>>
      tpu.enqueue_dma source(%dma_start3A_70 : memref<80x128xf32, #tpu.memory_space<vmem>>) target(%dma_start3A_66 : memref<80x128xf32, #tpu.memory_space<vmem_shared>>) target_semaphore(%run_scoped3A_59 : memref<!tpu.dma_semaphore, #tpu.memory_space<semaphore_mem>>)
      %dma_wait3A = arith.constant 0 : i32
      %dma_wait3A_71 = arith.constant 0 : i32
      %dma_wait3A_72 = tpu.memref_slice %arg8[%run_scoped3A_21, %dma_wait3A, %dma_wait3A_71] : memref<4x80x128xf32, #tpu.memory_space<vmem>> -> memref<1x80x128xf32, #tpu.memory_space<vmem>>
      %dma_wait3A_73 = tpu.memref_squeeze %dma_wait3A_72 : memref<1x80x128xf32, #tpu.memory_space<vmem>> -> memref<80x128xf32, #tpu.memory_space<vmem>>
      %dma_wait3A_74 = arith.constant 0 : i32
      %dma_wait3A_75 = tpu.memref_slice %arg9[%add3A_20, %dma_wait3A_74] : memref<10240x128xf32, #tpu.memory_space<vmem_shared>> -> memref<80x128xf32, #tpu.memory_space<vmem_shared>>
      %dma_wait3A_76 = arith.constant 0 : i32
      %dma_wait3A_77 = tpu.memref_slice %arg9[%add3A_20, %dma_wait3A_76] : memref<10240x128xf32, #tpu.memory_space<vmem_shared>> -> memref<80x128xf32, #tpu.memory_space<vmem_shared>>
      %dma_wait3A_78 = arith.constant 0 : i32
      %dma_wait3A_79 = arith.constant 0 : i32
      %dma_wait3A_80 = tpu.memref_slice %arg8[%run_scoped3A_21, %dma_wait3A_78, %dma_wait3A_79] : memref<4x80x128xf32, #tpu.memory_space<vmem>> -> memref<1x80x128xf32, #tpu.memory_space<vmem>>
      %dma_wait3A_81 = tpu.memref_squeeze %dma_wait3A_80 : memref<1x80x128xf32, #tpu.memory_space<vmem>> -> memref<80x128xf32, #tpu.memory_space<vmem>>
      tpu.wait_dma2 semaphore(%run_scoped3A_59 : memref<!tpu.dma_semaphore, #tpu.memory_space<semaphore_mem>>) src(%dma_wait3A_81 : memref<80x128xf32, #tpu.memory_space<vmem>>) dst(%dma_wait3A_77 : memref<80x128xf32, #tpu.memory_space<vmem_shared>>)
      tpu.yield
    }) : () -> ()
    %mul3A_22 = arith.constant 640 : i32
    %mul3A_23 = arith.muli %arg1, %mul3A_22 : i32
    %add3A_24 = arith.constant 240 : i32
    %add3A_25 = arith.addi %mul3A_23, %add3A_24 : i32
    %run_scoped3A_26 = arith.constant 0 : i32
    "tpu.region"() ({
      %run_scoped3A_59 = tpu.sem_alloc : memref<!tpu.dma_semaphore, #tpu.memory_space<semaphore_mem>>
      %dma_start3A = arith.constant 0 : i32
      %dma_start3A_60 = arith.constant 0 : i32
      %dma_start3A_61 = tpu.memref_slice %arg8[%run_scoped3A_26, %dma_start3A, %dma_start3A_60] : memref<4x80x128xf32, #tpu.memory_space<vmem>> -> memref<1x80x128xf32, #tpu.memory_space<vmem>>
      %dma_start3A_62 = tpu.memref_squeeze %dma_start3A_61 : memref<1x80x128xf32, #tpu.memory_space<vmem>> -> memref<80x128xf32, #tpu.memory_space<vmem>>
      %dma_start3A_63 = arith.constant 0 : i32
      %dma_start3A_64 = tpu.memref_slice %arg9[%add3A_25, %dma_start3A_63] : memref<10240x128xf32, #tpu.memory_space<vmem_shared>> -> memref<80x128xf32, #tpu.memory_space<vmem_shared>>
      %dma_start3A_65 = arith.constant 0 : i32
      %dma_start3A_66 = tpu.memref_slice %arg9[%add3A_25, %dma_start3A_65] : memref<10240x128xf32, #tpu.memory_space<vmem_shared>> -> memref<80x128xf32, #tpu.memory_space<vmem_shared>>
      %dma_start3A_67 = arith.constant 0 : i32
      %dma_start3A_68 = arith.constant 0 : i32
      %dma_start3A_69 = tpu.memref_slice %arg8[%run_scoped3A_26, %dma_start3A_67, %dma_start3A_68] : memref<4x80x128xf32, #tpu.memory_space<vmem>> -> memref<1x80x128xf32, #tpu.memory_space<vmem>>
      %dma_start3A_70 = tpu.memref_squeeze %dma_start3A_69 : memref<1x80x128xf32, #tpu.memory_space<vmem>> -> memref<80x128xf32, #tpu.memory_space<vmem>>
      tpu.enqueue_dma source(%dma_start3A_70 : memref<80x128xf32, #tpu.memory_space<vmem>>) target(%dma_start3A_66 : memref<80x128xf32, #tpu.memory_space<vmem_shared>>) target_semaphore(%run_scoped3A_59 : memref<!tpu.dma_semaphore, #tpu.memory_space<semaphore_mem>>)
      %dma_wait3A = arith.constant 0 : i32
      %dma_wait3A_71 = arith.constant 0 : i32
      %dma_wait3A_72 = tpu.memref_slice %arg8[%run_scoped3A_26, %dma_wait3A, %dma_wait3A_71] : memref<4x80x128xf32, #tpu.memory_space<vmem>> -> memref<1x80x128xf32, #tpu.memory_space<vmem>>
      %dma_wait3A_73 = tpu.memref_squeeze %dma_wait3A_72 : memref<1x80x128xf32, #tpu.memory_space<vmem>> -> memref<80x128xf32, #tpu.memory_space<vmem>>
      %dma_wait3A_74 = arith.constant 0 : i32
      %dma_wait3A_75 = tpu.memref_slice %arg9[%add3A_25, %dma_wait3A_74] : memref<10240x128xf32, #tpu.memory_space<vmem_shared>> -> memref<80x128xf32, #tpu.memory_space<vmem_shared>>
      %dma_wait3A_76 = arith.constant 0 : i32
      %dma_wait3A_77 = tpu.memref_slice %arg9[%add3A_25, %dma_wait3A_76] : memref<10240x128xf32, #tpu.memory_space<vmem_shared>> -> memref<80x128xf32, #tpu.memory_space<vmem_shared>>
      %dma_wait3A_78 = arith.constant 0 : i32
      %dma_wait3A_79 = arith.constant 0 : i32
      %dma_wait3A_80 = tpu.memref_slice %arg8[%run_scoped3A_26, %dma_wait3A_78, %dma_wait3A_79] : memref<4x80x128xf32, #tpu.memory_space<vmem>> -> memref<1x80x128xf32, #tpu.memory_space<vmem>>
      %dma_wait3A_81 = tpu.memref_squeeze %dma_wait3A_80 : memref<1x80x128xf32, #tpu.memory_space<vmem>> -> memref<80x128xf32, #tpu.memory_space<vmem>>
      tpu.wait_dma2 semaphore(%run_scoped3A_59 : memref<!tpu.dma_semaphore, #tpu.memory_space<semaphore_mem>>) src(%dma_wait3A_81 : memref<80x128xf32, #tpu.memory_space<vmem>>) dst(%dma_wait3A_77 : memref<80x128xf32, #tpu.memory_space<vmem_shared>>)
      tpu.yield
    }) : () -> ()
    %mul3A_27 = arith.constant 640 : i32
    %mul3A_28 = arith.muli %arg1, %mul3A_27 : i32
    %add3A_29 = arith.constant 320 : i32
    %add3A_30 = arith.addi %mul3A_28, %add3A_29 : i32
    %run_scoped3A_31 = arith.constant 0 : i32
    "tpu.region"() ({
      %run_scoped3A_59 = tpu.sem_alloc : memref<!tpu.dma_semaphore, #tpu.memory_space<semaphore_mem>>
      %dma_start3A = arith.constant 0 : i32
      %dma_start3A_60 = arith.constant 0 : i32
      %dma_start3A_61 = tpu.memref_slice %arg8[%run_scoped3A_31, %dma_start3A, %dma_start3A_60] : memref<4x80x128xf32, #tpu.memory_space<vmem>> -> memref<1x80x128xf32, #tpu.memory_space<vmem>>
      %dma_start3A_62 = tpu.memref_squeeze %dma_start3A_61 : memref<1x80x128xf32, #tpu.memory_space<vmem>> -> memref<80x128xf32, #tpu.memory_space<vmem>>
      %dma_start3A_63 = arith.constant 0 : i32
      %dma_start3A_64 = tpu.memref_slice %arg9[%add3A_30, %dma_start3A_63] : memref<10240x128xf32, #tpu.memory_space<vmem_shared>> -> memref<80x128xf32, #tpu.memory_space<vmem_shared>>
      %dma_start3A_65 = arith.constant 0 : i32
      %dma_start3A_66 = tpu.memref_slice %arg9[%add3A_30, %dma_start3A_65] : memref<10240x128xf32, #tpu.memory_space<vmem_shared>> -> memref<80x128xf32, #tpu.memory_space<vmem_shared>>
      %dma_start3A_67 = arith.constant 0 : i32
      %dma_start3A_68 = arith.constant 0 : i32
      %dma_start3A_69 = tpu.memref_slice %arg8[%run_scoped3A_31, %dma_start3A_67, %dma_start3A_68] : memref<4x80x128xf32, #tpu.memory_space<vmem>> -> memref<1x80x128xf32, #tpu.memory_space<vmem>>
      %dma_start3A_70 = tpu.memref_squeeze %dma_start3A_69 : memref<1x80x128xf32, #tpu.memory_space<vmem>> -> memref<80x128xf32, #tpu.memory_space<vmem>>
      tpu.enqueue_dma source(%dma_start3A_70 : memref<80x128xf32, #tpu.memory_space<vmem>>) target(%dma_start3A_66 : memref<80x128xf32, #tpu.memory_space<vmem_shared>>) target_semaphore(%run_scoped3A_59 : memref<!tpu.dma_semaphore, #tpu.memory_space<semaphore_mem>>)
      %dma_wait3A = arith.constant 0 : i32
      %dma_wait3A_71 = arith.constant 0 : i32
      %dma_wait3A_72 = tpu.memref_slice %arg8[%run_scoped3A_31, %dma_wait3A, %dma_wait3A_71] : memref<4x80x128xf32, #tpu.memory_space<vmem>> -> memref<1x80x128xf32, #tpu.memory_space<vmem>>
      %dma_wait3A_73 = tpu.memref_squeeze %dma_wait3A_72 : memref<1x80x128xf32, #tpu.memory_space<vmem>> -> memref<80x128xf32, #tpu.memory_space<vmem>>
      %dma_wait3A_74 = arith.constant 0 : i32
      %dma_wait3A_75 = tpu.memref_slice %arg9[%add3A_30, %dma_wait3A_74] : memref<10240x128xf32, #tpu.memory_space<vmem_shared>> -> memref<80x128xf32, #tpu.memory_space<vmem_shared>>
      %dma_wait3A_76 = arith.constant 0 : i32
      %dma_wait3A_77 = tpu.memref_slice %arg9[%add3A_30, %dma_wait3A_76] : memref<10240x128xf32, #tpu.memory_space<vmem_shared>> -> memref<80x128xf32, #tpu.memory_space<vmem_shared>>
      %dma_wait3A_78 = arith.constant 0 : i32
      %dma_wait3A_79 = arith.constant 0 : i32
      %dma_wait3A_80 = tpu.memref_slice %arg8[%run_scoped3A_31, %dma_wait3A_78, %dma_wait3A_79] : memref<4x80x128xf32, #tpu.memory_space<vmem>> -> memref<1x80x128xf32, #tpu.memory_space<vmem>>
      %dma_wait3A_81 = tpu.memref_squeeze %dma_wait3A_80 : memref<1x80x128xf32, #tpu.memory_space<vmem>> -> memref<80x128xf32, #tpu.memory_space<vmem>>
      tpu.wait_dma2 semaphore(%run_scoped3A_59 : memref<!tpu.dma_semaphore, #tpu.memory_space<semaphore_mem>>) src(%dma_wait3A_81 : memref<80x128xf32, #tpu.memory_space<vmem>>) dst(%dma_wait3A_77 : memref<80x128xf32, #tpu.memory_space<vmem_shared>>)
      tpu.yield
    }) : () -> ()
    %mul3A_32 = arith.constant 640 : i32
    %mul3A_33 = arith.muli %arg1, %mul3A_32 : i32
    %add3A_34 = arith.constant 400 : i32
    %add3A_35 = arith.addi %mul3A_33, %add3A_34 : i32
    %run_scoped3A_36 = arith.constant 0 : i32
    "tpu.region"() ({
      %run_scoped3A_59 = tpu.sem_alloc : memref<!tpu.dma_semaphore, #tpu.memory_space<semaphore_mem>>
      %dma_start3A = arith.constant 0 : i32
      %dma_start3A_60 = arith.constant 0 : i32
      %dma_start3A_61 = tpu.memref_slice %arg8[%run_scoped3A_36, %dma_start3A, %dma_start3A_60] : memref<4x80x128xf32, #tpu.memory_space<vmem>> -> memref<1x80x128xf32, #tpu.memory_space<vmem>>
      %dma_start3A_62 = tpu.memref_squeeze %dma_start3A_61 : memref<1x80x128xf32, #tpu.memory_space<vmem>> -> memref<80x128xf32, #tpu.memory_space<vmem>>
      %dma_start3A_63 = arith.constant 0 : i32
      %dma_start3A_64 = tpu.memref_slice %arg9[%add3A_35, %dma_start3A_63] : memref<10240x128xf32, #tpu.memory_space<vmem_shared>> -> memref<80x128xf32, #tpu.memory_space<vmem_shared>>
      %dma_start3A_65 = arith.constant 0 : i32
      %dma_start3A_66 = tpu.memref_slice %arg9[%add3A_35, %dma_start3A_65] : memref<10240x128xf32, #tpu.memory_space<vmem_shared>> -> memref<80x128xf32, #tpu.memory_space<vmem_shared>>
      %dma_start3A_67 = arith.constant 0 : i32
      %dma_start3A_68 = arith.constant 0 : i32
      %dma_start3A_69 = tpu.memref_slice %arg8[%run_scoped3A_36, %dma_start3A_67, %dma_start3A_68] : memref<4x80x128xf32, #tpu.memory_space<vmem>> -> memref<1x80x128xf32, #tpu.memory_space<vmem>>
      %dma_start3A_70 = tpu.memref_squeeze %dma_start3A_69 : memref<1x80x128xf32, #tpu.memory_space<vmem>> -> memref<80x128xf32, #tpu.memory_space<vmem>>
      tpu.enqueue_dma source(%dma_start3A_70 : memref<80x128xf32, #tpu.memory_space<vmem>>) target(%dma_start3A_66 : memref<80x128xf32, #tpu.memory_space<vmem_shared>>) target_semaphore(%run_scoped3A_59 : memref<!tpu.dma_semaphore, #tpu.memory_space<semaphore_mem>>)
      %dma_wait3A = arith.constant 0 : i32
      %dma_wait3A_71 = arith.constant 0 : i32
      %dma_wait3A_72 = tpu.memref_slice %arg8[%run_scoped3A_36, %dma_wait3A, %dma_wait3A_71] : memref<4x80x128xf32, #tpu.memory_space<vmem>> -> memref<1x80x128xf32, #tpu.memory_space<vmem>>
      %dma_wait3A_73 = tpu.memref_squeeze %dma_wait3A_72 : memref<1x80x128xf32, #tpu.memory_space<vmem>> -> memref<80x128xf32, #tpu.memory_space<vmem>>
      %dma_wait3A_74 = arith.constant 0 : i32
      %dma_wait3A_75 = tpu.memref_slice %arg9[%add3A_35, %dma_wait3A_74] : memref<10240x128xf32, #tpu.memory_space<vmem_shared>> -> memref<80x128xf32, #tpu.memory_space<vmem_shared>>
      %dma_wait3A_76 = arith.constant 0 : i32
      %dma_wait3A_77 = tpu.memref_slice %arg9[%add3A_35, %dma_wait3A_76] : memref<10240x128xf32, #tpu.memory_space<vmem_shared>> -> memref<80x128xf32, #tpu.memory_space<vmem_shared>>
      %dma_wait3A_78 = arith.constant 0 : i32
      %dma_wait3A_79 = arith.constant 0 : i32
      %dma_wait3A_80 = tpu.memref_slice %arg8[%run_scoped3A_36, %dma_wait3A_78, %dma_wait3A_79] : memref<4x80x128xf32, #tpu.memory_space<vmem>> -> memref<1x80x128xf32, #tpu.memory_space<vmem>>
      %dma_wait3A_81 = tpu.memref_squeeze %dma_wait3A_80 : memref<1x80x128xf32, #tpu.memory_space<vmem>> -> memref<80x128xf32, #tpu.memory_space<vmem>>
      tpu.wait_dma2 semaphore(%run_scoped3A_59 : memref<!tpu.dma_semaphore, #tpu.memory_space<semaphore_mem>>) src(%dma_wait3A_81 : memref<80x128xf32, #tpu.memory_space<vmem>>) dst(%dma_wait3A_77 : memref<80x128xf32, #tpu.memory_space<vmem_shared>>)
      tpu.yield
    }) : () -> ()
    %mul3A_37 = arith.constant 640 : i32
    %mul3A_38 = arith.muli %arg1, %mul3A_37 : i32
    %add3A_39 = arith.constant 480 : i32
    %add3A_40 = arith.addi %mul3A_38, %add3A_39 : i32
    %run_scoped3A_41 = arith.constant 0 : i32
    "tpu.region"() ({
      %run_scoped3A_59 = tpu.sem_alloc : memref<!tpu.dma_semaphore, #tpu.memory_space<semaphore_mem>>
      %dma_start3A = arith.constant 0 : i32
      %dma_start3A_60 = arith.constant 0 : i32
      %dma_start3A_61 = tpu.memref_slice %arg8[%run_scoped3A_41, %dma_start3A, %dma_start3A_60] : memref<4x80x128xf32, #tpu.memory_space<vmem>> -> memref<1x80x128xf32, #tpu.memory_space<vmem>>
      %dma_start3A_62 = tpu.memref_squeeze %dma_start3A_61 : memref<1x80x128xf32, #tpu.memory_space<vmem>> -> memref<80x128xf32, #tpu.memory_space<vmem>>
      %dma_start3A_63 = arith.constant 0 : i32
      %dma_start3A_64 = tpu.memref_slice %arg9[%add3A_40, %dma_start3A_63] : memref<10240x128xf32, #tpu.memory_space<vmem_shared>> -> memref<80x128xf32, #tpu.memory_space<vmem_shared>>
      %dma_start3A_65 = arith.constant 0 : i32
      %dma_start3A_66 = tpu.memref_slice %arg9[%add3A_40, %dma_start3A_65] : memref<10240x128xf32, #tpu.memory_space<vmem_shared>> -> memref<80x128xf32, #tpu.memory_space<vmem_shared>>
      %dma_start3A_67 = arith.constant 0 : i32
      %dma_start3A_68 = arith.constant 0 : i32
      %dma_start3A_69 = tpu.memref_slice %arg8[%run_scoped3A_41, %dma_start3A_67, %dma_start3A_68] : memref<4x80x128xf32, #tpu.memory_space<vmem>> -> memref<1x80x128xf32, #tpu.memory_space<vmem>>
      %dma_start3A_70 = tpu.memref_squeeze %dma_start3A_69 : memref<1x80x128xf32, #tpu.memory_space<vmem>> -> memref<80x128xf32, #tpu.memory_space<vmem>>
      tpu.enqueue_dma source(%dma_start3A_70 : memref<80x128xf32, #tpu.memory_space<vmem>>) target(%dma_start3A_66 : memref<80x128xf32, #tpu.memory_space<vmem_shared>>) target_semaphore(%run_scoped3A_59 : memref<!tpu.dma_semaphore, #tpu.memory_space<semaphore_mem>>)
      %dma_wait3A = arith.constant 0 : i32
      %dma_wait3A_71 = arith.constant 0 : i32
      %dma_wait3A_72 = tpu.memref_slice %arg8[%run_scoped3A_41, %dma_wait3A, %dma_wait3A_71] : memref<4x80x128xf32, #tpu.memory_space<vmem>> -> memref<1x80x128xf32, #tpu.memory_space<vmem>>
      %dma_wait3A_73 = tpu.memref_squeeze %dma_wait3A_72 : memref<1x80x128xf32, #tpu.memory_space<vmem>> -> memref<80x128xf32, #tpu.memory_space<vmem>>
      %dma_wait3A_74 = arith.constant 0 : i32
      %dma_wait3A_75 = tpu.memref_slice %arg9[%add3A_40, %dma_wait3A_74] : memref<10240x128xf32, #tpu.memory_space<vmem_shared>> -> memref<80x128xf32, #tpu.memory_space<vmem_shared>>
      %dma_wait3A_76 = arith.constant 0 : i32
      %dma_wait3A_77 = tpu.memref_slice %arg9[%add3A_40, %dma_wait3A_76] : memref<10240x128xf32, #tpu.memory_space<vmem_shared>> -> memref<80x128xf32, #tpu.memory_space<vmem_shared>>
      %dma_wait3A_78 = arith.constant 0 : i32
      %dma_wait3A_79 = arith.constant 0 : i32
      %dma_wait3A_80 = tpu.memref_slice %arg8[%run_scoped3A_41, %dma_wait3A_78, %dma_wait3A_79] : memref<4x80x128xf32, #tpu.memory_space<vmem>> -> memref<1x80x128xf32, #tpu.memory_space<vmem>>
      %dma_wait3A_81 = tpu.memref_squeeze %dma_wait3A_80 : memref<1x80x128xf32, #tpu.memory_space<vmem>> -> memref<80x128xf32, #tpu.memory_space<vmem>>
      tpu.wait_dma2 semaphore(%run_scoped3A_59 : memref<!tpu.dma_semaphore, #tpu.memory_space<semaphore_mem>>) src(%dma_wait3A_81 : memref<80x128xf32, #tpu.memory_space<vmem>>) dst(%dma_wait3A_77 : memref<80x128xf32, #tpu.memory_space<vmem_shared>>)
      tpu.yield
    }) : () -> ()
    %mul3A_42 = arith.constant 640 : i32
    %mul3A_43 = arith.muli %arg1, %mul3A_42 : i32
    %add3A_44 = arith.constant 560 : i32
    %add3A_45 = arith.addi %mul3A_43, %add3A_44 : i32
    %run_scoped3A_46 = arith.constant 0 : i32
    "tpu.region"() ({
      %run_scoped3A_59 = tpu.sem_alloc : memref<!tpu.dma_semaphore, #tpu.memory_space<semaphore_mem>>
      %dma_start3A = arith.constant 0 : i32
      %dma_start3A_60 = arith.constant 0 : i32
      %dma_start3A_61 = tpu.memref_slice %arg8[%run_scoped3A_46, %dma_start3A, %dma_start3A_60] : memref<4x80x128xf32, #tpu.memory_space<vmem>> -> memref<1x80x128xf32, #tpu.memory_space<vmem>>
      %dma_start3A_62 = tpu.memref_squeeze %dma_start3A_61 : memref<1x80x128xf32, #tpu.memory_space<vmem>> -> memref<80x128xf32, #tpu.memory_space<vmem>>
      %dma_start3A_63 = arith.constant 0 : i32
      %dma_start3A_64 = tpu.memref_slice %arg9[%add3A_45, %dma_start3A_63] : memref<10240x128xf32, #tpu.memory_space<vmem_shared>> -> memref<80x128xf32, #tpu.memory_space<vmem_shared>>
      %dma_start3A_65 = arith.constant 0 : i32
      %dma_start3A_66 = tpu.memref_slice %arg9[%add3A_45, %dma_start3A_65] : memref<10240x128xf32, #tpu.memory_space<vmem_shared>> -> memref<80x128xf32, #tpu.memory_space<vmem_shared>>
      %dma_start3A_67 = arith.constant 0 : i32
      %dma_start3A_68 = arith.constant 0 : i32
      %dma_start3A_69 = tpu.memref_slice %arg8[%run_scoped3A_46, %dma_start3A_67, %dma_start3A_68] : memref<4x80x128xf32, #tpu.memory_space<vmem>> -> memref<1x80x128xf32, #tpu.memory_space<vmem>>
      %dma_start3A_70 = tpu.memref_squeeze %dma_start3A_69 : memref<1x80x128xf32, #tpu.memory_space<vmem>> -> memref<80x128xf32, #tpu.memory_space<vmem>>
      tpu.enqueue_dma source(%dma_start3A_70 : memref<80x128xf32, #tpu.memory_space<vmem>>) target(%dma_start3A_66 : memref<80x128xf32, #tpu.memory_space<vmem_shared>>) target_semaphore(%run_scoped3A_59 : memref<!tpu.dma_semaphore, #tpu.memory_space<semaphore_mem>>)
      %dma_wait3A = arith.constant 0 : i32
      %dma_wait3A_71 = arith.constant 0 : i32
      %dma_wait3A_72 = tpu.memref_slice %arg8[%run_scoped3A_46, %dma_wait3A, %dma_wait3A_71] : memref<4x80x128xf32, #tpu.memory_space<vmem>> -> memref<1x80x128xf32, #tpu.memory_space<vmem>>
      %dma_wait3A_73 = tpu.memref_squeeze %dma_wait3A_72 : memref<1x80x128xf32, #tpu.memory_space<vmem>> -> memref<80x128xf32, #tpu.memory_space<vmem>>
      %dma_wait3A_74 = arith.constant 0 : i32
      %dma_wait3A_75 = tpu.memref_slice %arg9[%add3A_45, %dma_wait3A_74] : memref<10240x128xf32, #tpu.memory_space<vmem_shared>> -> memref<80x128xf32, #tpu.memory_space<vmem_shared>>
      %dma_wait3A_76 = arith.constant 0 : i32
      %dma_wait3A_77 = tpu.memref_slice %arg9[%add3A_45, %dma_wait3A_76] : memref<10240x128xf32, #tpu.memory_space<vmem_shared>> -> memref<80x128xf32, #tpu.memory_space<vmem_shared>>
      %dma_wait3A_78 = arith.constant 0 : i32
      %dma_wait3A_79 = arith.constant 0 : i32
      %dma_wait3A_80 = tpu.memref_slice %arg8[%run_scoped3A_46, %dma_wait3A_78, %dma_wait3A_79] : memref<4x80x128xf32, #tpu.memory_space<vmem>> -> memref<1x80x128xf32, #tpu.memory_space<vmem>>
      %dma_wait3A_81 = tpu.memref_squeeze %dma_wait3A_80 : memref<1x80x128xf32, #tpu.memory_space<vmem>> -> memref<80x128xf32, #tpu.memory_space<vmem>>
      tpu.wait_dma2 semaphore(%run_scoped3A_59 : memref<!tpu.dma_semaphore, #tpu.memory_space<semaphore_mem>>) src(%dma_wait3A_81 : memref<80x128xf32, #tpu.memory_space<vmem>>) dst(%dma_wait3A_77 : memref<80x128xf32, #tpu.memory_space<vmem_shared>>)
      tpu.yield
    }) : () -> ()
    %barrier3A = arith.constant 0 : index
    tpu.barrier barrier_id(%barrier3A)
    %scan3A_47 = arith.constant 0 : i32
    %scan3A_48 = arith.constant 0 : i32
    %scan3A_49 = arith.constant 4 : i32
    %scan3A_50 = arith.addi %scan3A_48, %scan3A_49 : i32
    %scan3A_51 = arith.constant 1 : i32
    %scan3A_52 = scf.for %scan3A_59 = %scan3A_48 to %scan3A_50 step %scan3A_51 iter_args(%scan3A_60 = %scan3A_47) -> (i32)  : i32 {
      %mul3A_61 = arith.constant 32 : i32
      %mul3A_62 = arith.muli %scan3A_59, %mul3A_61 : i32
      "tpu.region"() ({
        %run_scoped3A_122 = tpu.sem_alloc : memref<!tpu.dma_semaphore, #tpu.memory_space<semaphore_mem>>
        %dma_start3A_123 = arith.constant 0 : i32
        %dma_start3A_124 = arith.constant 0 : i32
        %dma_start3A_125 = tpu.memref_slice %arg3[%add3A, %dma_start3A_123, %dma_start3A_124] : memref<32x128x80xi32, #tpu.memory_space<hbm>> -> memref<1x128x80xi32, #tpu.memory_space<hbm>>
        %dma_start3A_126 = tpu.memref_squeeze %dma_start3A_125 : memref<1x128x80xi32, #tpu.memory_space<hbm>> -> memref<128x80xi32, #tpu.memory_space<hbm>>
        %dma_start3A_127 = arith.constant 0 : i32
        %dma_start3A_128 = tpu.memref_slice %dma_start3A_126[%mul3A_62, %dma_start3A_127] : memref<128x80xi32, #tpu.memory_space<hbm>> -> memref<32x80xi32, #tpu.memory_space<hbm>>
        %dma_start3A_129 = arith.constant 0 : i32
        %dma_start3A_130 = arith.constant 0 : i32
        %dma_start3A_131 = tpu.memref_slice %arg3[%add3A, %dma_start3A_129, %dma_start3A_130] : memref<32x128x80xi32, #tpu.memory_space<hbm>> -> memref<1x128x80xi32, #tpu.memory_space<hbm>>
        %dma_start3A_132 = tpu.memref_squeeze %dma_start3A_131 : memref<1x128x80xi32, #tpu.memory_space<hbm>> -> memref<128x80xi32, #tpu.memory_space<hbm>>
        %dma_start3A_133 = arith.constant 0 : i32
        %dma_start3A_134 = tpu.memref_slice %dma_start3A_132[%mul3A_62, %dma_start3A_133] : memref<128x80xi32, #tpu.memory_space<hbm>> -> memref<32x80xi32, #tpu.memory_space<hbm>>
        tpu.enqueue_dma source(%dma_start3A_134 : memref<32x80xi32, #tpu.memory_space<hbm>>) target(%arg6 : memref<32x80xi32, #tpu.memory_space<vmem>>) target_semaphore(%run_scoped3A_122 : memref<!tpu.dma_semaphore, #tpu.memory_space<semaphore_mem>>)
        %dma_wait3A_135 = arith.constant 0 : i32
        %dma_wait3A_136 = arith.constant 0 : i32
        %dma_wait3A_137 = tpu.memref_slice %arg3[%add3A, %dma_wait3A_135, %dma_wait3A_136] : memref<32x128x80xi32, #tpu.memory_space<hbm>> -> memref<1x128x80xi32, #tpu.memory_space<hbm>>
        %dma_wait3A_138 = tpu.memref_squeeze %dma_wait3A_137 : memref<1x128x80xi32, #tpu.memory_space<hbm>> -> memref<128x80xi32, #tpu.memory_space<hbm>>
        %dma_wait3A_139 = arith.constant 0 : i32
        %dma_wait3A_140 = tpu.memref_slice %dma_wait3A_138[%mul3A_62, %dma_wait3A_139] : memref<128x80xi32, #tpu.memory_space<hbm>> -> memref<32x80xi32, #tpu.memory_space<hbm>>
        %dma_wait3A_141 = arith.constant 0 : i32
        %dma_wait3A_142 = arith.constant 0 : i32
        %dma_wait3A_143 = tpu.memref_slice %arg3[%add3A, %dma_wait3A_141, %dma_wait3A_142] : memref<32x128x80xi32, #tpu.memory_space<hbm>> -> memref<1x128x80xi32, #tpu.memory_space<hbm>>
        %dma_wait3A_144 = tpu.memref_squeeze %dma_wait3A_143 : memref<1x128x80xi32, #tpu.memory_space<hbm>> -> memref<128x80xi32, #tpu.memory_space<hbm>>
        %dma_wait3A_145 = arith.constant 0 : i32
        %dma_wait3A_146 = tpu.memref_slice %dma_wait3A_144[%mul3A_62, %dma_wait3A_145] : memref<128x80xi32, #tpu.memory_space<hbm>> -> memref<32x80xi32, #tpu.memory_space<hbm>>
        tpu.wait_dma2 semaphore(%run_scoped3A_122 : memref<!tpu.dma_semaphore, #tpu.memory_space<semaphore_mem>>) src(%dma_wait3A_146 : memref<32x80xi32, #tpu.memory_space<hbm>>) dst(%arg6 : memref<32x80xi32, #tpu.memory_space<vmem>>)
        tpu.yield
      }) : () -> ()
      %mul3A_63 = arith.constant 32 : i32
      %mul3A_64 = arith.muli %scan3A_59, %mul3A_63 : i32
      "tpu.region"() ({
        %run_scoped3A_122 = tpu.sem_alloc : memref<!tpu.dma_semaphore, #tpu.memory_space<semaphore_mem>>
        %dma_start3A_123 = arith.constant 0 : i32
        %dma_start3A_124 = arith.constant 0 : i32
        %dma_start3A_125 = tpu.memref_slice %arg4[%add3A, %dma_start3A_123, %dma_start3A_124] : memref<32x128x80xi32, #tpu.memory_space<hbm>> -> memref<1x128x80xi32, #tpu.memory_space<hbm>>
        %dma_start3A_126 = tpu.memref_squeeze %dma_start3A_125 : memref<1x128x80xi32, #tpu.memory_space<hbm>> -> memref<128x80xi32, #tpu.memory_space<hbm>>
        %dma_start3A_127 = arith.constant 0 : i32
        %dma_start3A_128 = tpu.memref_slice %dma_start3A_126[%mul3A_64, %dma_start3A_127] : memref<128x80xi32, #tpu.memory_space<hbm>> -> memref<32x80xi32, #tpu.memory_space<hbm>>
        %dma_start3A_129 = arith.constant 0 : i32
        %dma_start3A_130 = arith.constant 0 : i32
        %dma_start3A_131 = tpu.memref_slice %arg4[%add3A, %dma_start3A_129, %dma_start3A_130] : memref<32x128x80xi32, #tpu.memory_space<hbm>> -> memref<1x128x80xi32, #tpu.memory_space<hbm>>
        %dma_start3A_132 = tpu.memref_squeeze %dma_start3A_131 : memref<1x128x80xi32, #tpu.memory_space<hbm>> -> memref<128x80xi32, #tpu.memory_space<hbm>>
        %dma_start3A_133 = arith.constant 0 : i32
        %dma_start3A_134 = tpu.memref_slice %dma_start3A_132[%mul3A_64, %dma_start3A_133] : memref<128x80xi32, #tpu.memory_space<hbm>> -> memref<32x80xi32, #tpu.memory_space<hbm>>
        tpu.enqueue_dma source(%dma_start3A_134 : memref<32x80xi32, #tpu.memory_space<hbm>>) target(%arg7 : memref<32x80xi32, #tpu.memory_space<vmem>>) target_semaphore(%run_scoped3A_122 : memref<!tpu.dma_semaphore, #tpu.memory_space<semaphore_mem>>)
        %dma_wait3A_135 = arith.constant 0 : i32
        %dma_wait3A_136 = arith.constant 0 : i32
        %dma_wait3A_137 = tpu.memref_slice %arg4[%add3A, %dma_wait3A_135, %dma_wait3A_136] : memref<32x128x80xi32, #tpu.memory_space<hbm>> -> memref<1x128x80xi32, #tpu.memory_space<hbm>>
        %dma_wait3A_138 = tpu.memref_squeeze %dma_wait3A_137 : memref<1x128x80xi32, #tpu.memory_space<hbm>> -> memref<128x80xi32, #tpu.memory_space<hbm>>
        %dma_wait3A_139 = arith.constant 0 : i32
        %dma_wait3A_140 = tpu.memref_slice %dma_wait3A_138[%mul3A_64, %dma_wait3A_139] : memref<128x80xi32, #tpu.memory_space<hbm>> -> memref<32x80xi32, #tpu.memory_space<hbm>>
        %dma_wait3A_141 = arith.constant 0 : i32
        %dma_wait3A_142 = arith.constant 0 : i32
        %dma_wait3A_143 = tpu.memref_slice %arg4[%add3A, %dma_wait3A_141, %dma_wait3A_142] : memref<32x128x80xi32, #tpu.memory_space<hbm>> -> memref<1x128x80xi32, #tpu.memory_space<hbm>>
        %dma_wait3A_144 = tpu.memref_squeeze %dma_wait3A_143 : memref<1x128x80xi32, #tpu.memory_space<hbm>> -> memref<128x80xi32, #tpu.memory_space<hbm>>
        %dma_wait3A_145 = arith.constant 0 : i32
        %dma_wait3A_146 = tpu.memref_slice %dma_wait3A_144[%mul3A_64, %dma_wait3A_145] : memref<128x80xi32, #tpu.memory_space<hbm>> -> memref<32x80xi32, #tpu.memory_space<hbm>>
        tpu.wait_dma2 semaphore(%run_scoped3A_122 : memref<!tpu.dma_semaphore, #tpu.memory_space<semaphore_mem>>) src(%dma_wait3A_146 : memref<32x80xi32, #tpu.memory_space<hbm>>) dst(%arg7 : memref<32x80xi32, #tpu.memory_space<vmem>>)
        tpu.yield
      }) : () -> ()
      %dma_start3A = arith.constant 0 : i32
      %dma_start3A_65 = arith.constant 0 : i32
      %dma_start3A_66 = arith.constant 0 : i32
      %dma_start3A_67 = arith.constant 0 : i32
      %dma_start3A_68 = tpu.memref_slice %arg8[%dma_start3A_65, %dma_start3A_66, %dma_start3A_67] : memref<4x80x128xf32, #tpu.memory_space<vmem>> -> memref<1x80x128xf32, #tpu.memory_space<vmem>>
      %dma_start3A_69 = tpu.memref_squeeze %dma_start3A_68 : memref<1x80x128xf32, #tpu.memory_space<vmem>> -> memref<80x128xf32, #tpu.memory_space<vmem>>
      %dma_start3A_70 = arith.constant 0 : i32
      %dma_start3A_71 = tpu.memref_slice %arg6[%dma_start3A, %dma_start3A_70] : memref<32x80xi32, #tpu.memory_space<vmem>> -> memref<1x80xi32, #tpu.memory_space<vmem>>
      %dma_start3A_72 = tpu.memref_squeeze %dma_start3A_71 : memref<1x80xi32, #tpu.memory_space<vmem>> -> memref<80xi32, #tpu.memory_space<vmem>>
      %dma_start3A_73 = arith.constant 0 : i32
      %dma_start3A_74 = arith.constant 0 : i32
      %dma_start3A_75 = tpu.memref_slice %arg2[%dma_start3A_73, %dma_start3A_74] : memref<10240x128xf32, #tpu.memory_space<hbm>> -> memref<10240x128xf32, #tpu.memory_space<hbm>>
      tpu.enqueue_indirect_dma source(%dma_start3A_75 : memref<10240x128xf32, #tpu.memory_space<hbm>>) target(%dma_start3A_69 : memref<80x128xf32, #tpu.memory_space<vmem>>) offsets(%dma_start3A_72 : memref<80xi32, #tpu.memory_space<vmem>>) semaphore(%arg10 : memref<!tpu.dma_semaphore, #tpu.memory_space<semaphore_mem>>)
      %dma_start3A_76 = arith.constant 1 : i32
      %dma_start3A_77 = arith.constant 1 : i32
      %dma_start3A_78 = arith.constant 0 : i32
      %dma_start3A_79 = arith.constant 0 : i32
      %dma_start3A_80 = tpu.memref_slice %arg8[%dma_start3A_77, %dma_start3A_78, %dma_start3A_79] : memref<4x80x128xf32, #tpu.memory_space<vmem>> -> memref<1x80x128xf32, #tpu.memory_space<vmem>>
      %dma_start3A_81 = tpu.memref_squeeze %dma_start3A_80 : memref<1x80x128xf32, #tpu.memory_space<vmem>> -> memref<80x128xf32, #tpu.memory_space<vmem>>
      %dma_start3A_82 = arith.constant 0 : i32
      %dma_start3A_83 = tpu.memref_slice %arg6[%dma_start3A_76, %dma_start3A_82] : memref<32x80xi32, #tpu.memory_space<vmem>> -> memref<1x80xi32, #tpu.memory_space<vmem>>
      %dma_start3A_84 = tpu.memref_squeeze %dma_start3A_83 : memref<1x80xi32, #tpu.memory_space<vmem>> -> memref<80xi32, #tpu.memory_space<vmem>>
      %dma_start3A_85 = arith.constant 0 : i32
      %dma_start3A_86 = arith.constant 0 : i32
      %dma_start3A_87 = tpu.memref_slice %arg2[%dma_start3A_85, %dma_start3A_86] : memref<10240x128xf32, #tpu.memory_space<hbm>> -> memref<10240x128xf32, #tpu.memory_space<hbm>>
      tpu.enqueue_indirect_dma source(%dma_start3A_87 : memref<10240x128xf32, #tpu.memory_space<hbm>>) target(%dma_start3A_81 : memref<80x128xf32, #tpu.memory_space<vmem>>) offsets(%dma_start3A_84 : memref<80xi32, #tpu.memory_space<vmem>>) semaphore(%arg11 : memref<!tpu.dma_semaphore, #tpu.memory_space<semaphore_mem>>)
      %dma_start3A_88 = arith.constant 2 : i32
      %dma_start3A_89 = arith.constant 2 : i32
      %dma_start3A_90 = arith.constant 0 : i32
      %dma_start3A_91 = arith.constant 0 : i32
      %dma_start3A_92 = tpu.memref_slice %arg8[%dma_start3A_89, %dma_start3A_90, %dma_start3A_91] : memref<4x80x128xf32, #tpu.memory_space<vmem>> -> memref<1x80x128xf32, #tpu.memory_space<vmem>>
      %dma_start3A_93 = tpu.memref_squeeze %dma_start3A_92 : memref<1x80x128xf32, #tpu.memory_space<vmem>> -> memref<80x128xf32, #tpu.memory_space<vmem>>
      %dma_start3A_94 = arith.constant 0 : i32
      %dma_start3A_95 = tpu.memref_slice %arg6[%dma_start3A_88, %dma_start3A_94] : memref<32x80xi32, #tpu.memory_space<vmem>> -> memref<1x80xi32, #tpu.memory_space<vmem>>
      %dma_start3A_96 = tpu.memref_squeeze %dma_start3A_95 : memref<1x80xi32, #tpu.memory_space<vmem>> -> memref<80xi32, #tpu.memory_space<vmem>>
      %dma_start3A_97 = arith.constant 0 : i32
      %dma_start3A_98 = arith.constant 0 : i32
      %dma_start3A_99 = tpu.memref_slice %arg2[%dma_start3A_97, %dma_start3A_98] : memref<10240x128xf32, #tpu.memory_space<hbm>> -> memref<10240x128xf32, #tpu.memory_space<hbm>>
      tpu.enqueue_indirect_dma source(%dma_start3A_99 : memref<10240x128xf32, #tpu.memory_space<hbm>>) target(%dma_start3A_93 : memref<80x128xf32, #tpu.memory_space<vmem>>) offsets(%dma_start3A_96 : memref<80xi32, #tpu.memory_space<vmem>>) semaphore(%arg12 : memref<!tpu.dma_semaphore, #tpu.memory_space<semaphore_mem>>)
      %scan3A_100 = arith.constant 0 : i32
      %scan3A_101 = arith.constant 0 : i32
      %scan3A_102 = arith.constant 8 : i32
      %scan3A_103 = arith.addi %scan3A_101, %scan3A_102 : i32
      %scan3A_104 = arith.constant 1 : i32
      %scan3A_105 = scf.for %scan3A_122 = %scan3A_101 to %scan3A_103 step %scan3A_104 iter_args(%scan3A_123 = %scan3A_100) -> (i32)  : i32 {
        %mul3A_124 = arith.constant 4 : i32
        %mul3A_125 = arith.muli %mul3A_124, %scan3A_122 : i32
        %add3A_126 = arith.constant 0 : i32
        %add3A_127 = arith.addi %mul3A_125, %add3A_126 : i32
        %dma_wait3A_128 = arith.constant 0 : i32
        %dma_wait3A_129 = arith.constant 0 : i32
        %dma_wait3A_130 = arith.constant 0 : i32
        %dma_wait3A_131 = tpu.memref_slice %arg8[%dma_wait3A_128, %dma_wait3A_129, %dma_wait3A_130] : memref<4x80x128xf32, #tpu.memory_space<vmem>> -> memref<1x80x128xf32, #tpu.memory_space<vmem>>
        %dma_wait3A_132 = tpu.memref_squeeze %dma_wait3A_131 : memref<1x80x128xf32, #tpu.memory_space<vmem>> -> memref<80x128xf32, #tpu.memory_space<vmem>>
        %dma_wait3A_133 = arith.constant 0 : i32
        %dma_wait3A_134 = arith.constant 0 : i32
        %dma_wait3A_135 = tpu.memref_slice %arg2[%dma_wait3A_133, %dma_wait3A_134] : memref<10240x128xf32, #tpu.memory_space<hbm>> -> memref<80x128xf32, #tpu.memory_space<hbm>>
        %dma_wait3A_136 = arith.constant 0 : i32
        %dma_wait3A_137 = arith.constant 0 : i32
        %dma_wait3A_138 = tpu.memref_slice %arg8[%dma_wait3A_128, %dma_wait3A_136, %dma_wait3A_137] : memref<4x80x128xf32, #tpu.memory_space<vmem>> -> memref<1x80x128xf32, #tpu.memory_space<vmem>>
        %dma_wait3A_139 = tpu.memref_squeeze %dma_wait3A_138 : memref<1x80x128xf32, #tpu.memory_space<vmem>> -> memref<80x128xf32, #tpu.memory_space<vmem>>
        %dma_wait3A_140 = arith.constant 0 : i32
        %dma_wait3A_141 = arith.constant 0 : i32
        %dma_wait3A_142 = tpu.memref_slice %arg2[%dma_wait3A_140, %dma_wait3A_141] : memref<10240x128xf32, #tpu.memory_space<hbm>> -> memref<80x128xf32, #tpu.memory_space<hbm>>
        tpu.wait_dma2 semaphore(%arg10 : memref<!tpu.dma_semaphore, #tpu.memory_space<semaphore_mem>>) src(%dma_wait3A_142 : memref<80x128xf32, #tpu.memory_space<hbm>>) dst(%dma_wait3A_139 : memref<80x128xf32, #tpu.memory_space<vmem>>)
        %gt3A = arith.constant 0 : i32
        %gt3A_143 = arith.cmpi sgt, %scan3A_122, %gt3A : i32
        %convert_element_type3A = arith.extui %gt3A_143 : i1 to i32
        %cond3A = arith.constant 0 : i32
        %cond3A_144 = arith.cmpi ne, %convert_element_type3A, %cond3A : i32
        scf.if %cond3A_144 {
          %dma_wait3A_320 = arith.constant 3 : i32
          %dma_wait3A_321 = arith.constant 0 : i32
          %dma_wait3A_322 = arith.constant 0 : i32
          %dma_wait3A_323 = tpu.memref_slice %arg8[%dma_wait3A_320, %dma_wait3A_321, %dma_wait3A_322] : memref<4x80x128xf32, #tpu.memory_space<vmem>> -> memref<1x80x128xf32, #tpu.memory_space<vmem>>
          %dma_wait3A_324 = tpu.memref_squeeze %dma_wait3A_323 : memref<1x80x128xf32, #tpu.memory_space<vmem>> -> memref<80x128xf32, #tpu.memory_space<vmem>>
          %dma_wait3A_325 = arith.constant 0 : i32
          %dma_wait3A_326 = arith.constant 0 : i32
          %dma_wait3A_327 = tpu.memref_slice %arg2[%dma_wait3A_325, %dma_wait3A_326] : memref<10240x128xf32, #tpu.memory_space<hbm>> -> memref<80x128xf32, #tpu.memory_space<hbm>>
          %dma_wait3A_328 = arith.constant 0 : i32
          %dma_wait3A_329 = arith.constant 0 : i32
          %dma_wait3A_330 = tpu.memref_slice %arg8[%dma_wait3A_320, %dma_wait3A_328, %dma_wait3A_329] : memref<4x80x128xf32, #tpu.memory_space<vmem>> -> memref<1x80x128xf32, #tpu.memory_space<vmem>>
          %dma_wait3A_331 = tpu.memref_squeeze %dma_wait3A_330 : memref<1x80x128xf32, #tpu.memory_space<vmem>> -> memref<80x128xf32, #tpu.memory_space<vmem>>
          %dma_wait3A_332 = arith.constant 0 : i32
          %dma_wait3A_333 = arith.constant 0 : i32
          %dma_wait3A_334 = tpu.memref_slice %arg2[%dma_wait3A_332, %dma_wait3A_333] : memref<10240x128xf32, #tpu.memory_space<hbm>> -> memref<80x128xf32, #tpu.memory_space<hbm>>
          tpu.wait_dma2 semaphore(%arg17 : memref<!tpu.dma_semaphore, #tpu.memory_space<semaphore_mem>>) src(%dma_wait3A_334 : memref<80x128xf32, #tpu.memory_space<hbm>>) dst(%dma_wait3A_331 : memref<80x128xf32, #tpu.memory_space<vmem>>)
        } else {
        }
        %add3A_145 = arith.constant 4 : i32
        %add3A_146 = arith.addi %add3A_127, %add3A_145 : i32
        %sub3A = arith.constant 1 : i32
        %sub3A_147 = arith.subi %add3A_146, %sub3A : i32
        %dma_start3A_148 = arith.constant 3 : i32
        %dma_start3A_149 = arith.constant 0 : i32
        %dma_start3A_150 = arith.constant 0 : i32
        %dma_start3A_151 = tpu.memref_slice %arg8[%dma_start3A_148, %dma_start3A_149, %dma_start3A_150] : memref<4x80x128xf32, #tpu.memory_space<vmem>> -> memref<1x80x128xf32, #tpu.memory_space<vmem>>
        %dma_start3A_152 = tpu.memref_squeeze %dma_start3A_151 : memref<1x80x128xf32, #tpu.memory_space<vmem>> -> memref<80x128xf32, #tpu.memory_space<vmem>>
        %dma_start3A_153 = arith.constant 0 : i32
        %dma_start3A_154 = tpu.memref_slice %arg6[%sub3A_147, %dma_start3A_153] : memref<32x80xi32, #tpu.memory_space<vmem>> -> memref<1x80xi32, #tpu.memory_space<vmem>>
        %dma_start3A_155 = tpu.memref_squeeze %dma_start3A_154 : memref<1x80xi32, #tpu.memory_space<vmem>> -> memref<80xi32, #tpu.memory_space<vmem>>
        %dma_start3A_156 = arith.constant 0 : i32
        %dma_start3A_157 = arith.constant 0 : i32
        %dma_start3A_158 = tpu.memref_slice %arg2[%dma_start3A_156, %dma_start3A_157] : memref<10240x128xf32, #tpu.memory_space<hbm>> -> memref<10240x128xf32, #tpu.memory_space<hbm>>
        tpu.enqueue_indirect_dma source(%dma_start3A_158 : memref<10240x128xf32, #tpu.memory_space<hbm>>) target(%dma_start3A_152 : memref<80x128xf32, #tpu.memory_space<vmem>>) offsets(%dma_start3A_155 : memref<80xi32, #tpu.memory_space<vmem>>) semaphore(%arg13 : memref<!tpu.dma_semaphore, #tpu.memory_space<semaphore_mem>>)
        %dma_start3A_159 = arith.constant 0 : i32
        %dma_start3A_160 = arith.constant 0 : i32
        %dma_start3A_161 = arith.constant 0 : i32
        %dma_start3A_162 = tpu.memref_slice %arg8[%dma_start3A_159, %dma_start3A_160, %dma_start3A_161] : memref<4x80x128xf32, #tpu.memory_space<vmem>> -> memref<1x80x128xf32, #tpu.memory_space<vmem>>
        %dma_start3A_163 = tpu.memref_squeeze %dma_start3A_162 : memref<1x80x128xf32, #tpu.memory_space<vmem>> -> memref<80x128xf32, #tpu.memory_space<vmem>>
        %dma_start3A_164 = arith.constant 0 : i32
        %dma_start3A_165 = tpu.memref_slice %arg7[%add3A_127, %dma_start3A_164] : memref<32x80xi32, #tpu.memory_space<vmem>> -> memref<1x80xi32, #tpu.memory_space<vmem>>
        %dma_start3A_166 = tpu.memref_squeeze %dma_start3A_165 : memref<1x80xi32, #tpu.memory_space<vmem>> -> memref<80xi32, #tpu.memory_space<vmem>>
        %dma_start3A_167 = arith.constant 0 : i32
        %dma_start3A_168 = arith.constant 0 : i32
        %dma_start3A_169 = tpu.memref_slice %arg9[%dma_start3A_167, %dma_start3A_168] : memref<10240x128xf32, #tpu.memory_space<vmem_shared>> -> memref<10240x128xf32, #tpu.memory_space<vmem_shared>>
        tpu.enqueue_indirect_dma source(%dma_start3A_163 : memref<80x128xf32, #tpu.memory_space<vmem>>) target(%dma_start3A_169 : memref<10240x128xf32, #tpu.memory_space<vmem_shared>>) offsets(%dma_start3A_166 : memref<80xi32, #tpu.memory_space<vmem>>) semaphore(%arg14 : memref<!tpu.dma_semaphore, #tpu.memory_space<semaphore_mem>>) {add = true}
        %mul3A_170 = arith.constant 4 : i32
        %mul3A_171 = arith.muli %mul3A_170, %scan3A_122 : i32
        %add3A_172 = arith.constant 1 : i32
        %add3A_173 = arith.addi %mul3A_171, %add3A_172 : i32
        %dma_wait3A_174 = arith.constant 1 : i32
        %dma_wait3A_175 = arith.constant 0 : i32
        %dma_wait3A_176 = arith.constant 0 : i32
        %dma_wait3A_177 = tpu.memref_slice %arg8[%dma_wait3A_174, %dma_wait3A_175, %dma_wait3A_176] : memref<4x80x128xf32, #tpu.memory_space<vmem>> -> memref<1x80x128xf32, #tpu.memory_space<vmem>>
        %dma_wait3A_178 = tpu.memref_squeeze %dma_wait3A_177 : memref<1x80x128xf32, #tpu.memory_space<vmem>> -> memref<80x128xf32, #tpu.memory_space<vmem>>
        %dma_wait3A_179 = arith.constant 0 : i32
        %dma_wait3A_180 = arith.constant 0 : i32
        %dma_wait3A_181 = tpu.memref_slice %arg2[%dma_wait3A_179, %dma_wait3A_180] : memref<10240x128xf32, #tpu.memory_space<hbm>> -> memref<80x128xf32, #tpu.memory_space<hbm>>
        %dma_wait3A_182 = arith.constant 0 : i32
        %dma_wait3A_183 = arith.constant 0 : i32
        %dma_wait3A_184 = tpu.memref_slice %arg8[%dma_wait3A_174, %dma_wait3A_182, %dma_wait3A_183] : memref<4x80x128xf32, #tpu.memory_space<vmem>> -> memref<1x80x128xf32, #tpu.memory_space<vmem>>
        %dma_wait3A_185 = tpu.memref_squeeze %dma_wait3A_184 : memref<1x80x128xf32, #tpu.memory_space<vmem>> -> memref<80x128xf32, #tpu.memory_space<vmem>>
        %dma_wait3A_186 = arith.constant 0 : i32
        %dma_wait3A_187 = arith.constant 0 : i32
        %dma_wait3A_188 = tpu.memref_slice %arg2[%dma_wait3A_186, %dma_wait3A_187] : memref<10240x128xf32, #tpu.memory_space<hbm>> -> memref<80x128xf32, #tpu.memory_space<hbm>>
        tpu.wait_dma2 semaphore(%arg11 : memref<!tpu.dma_semaphore, #tpu.memory_space<semaphore_mem>>) src(%dma_wait3A_188 : memref<80x128xf32, #tpu.memory_space<hbm>>) dst(%dma_wait3A_185 : memref<80x128xf32, #tpu.memory_space<vmem>>)
        %dma_wait3A_189 = arith.constant 0 : i32
        %dma_wait3A_190 = arith.constant 0 : i32
        %dma_wait3A_191 = arith.constant 0 : i32
        %dma_wait3A_192 = tpu.memref_slice %arg8[%dma_wait3A_189, %dma_wait3A_190, %dma_wait3A_191] : memref<4x80x128xf32, #tpu.memory_space<vmem>> -> memref<1x80x128xf32, #tpu.memory_space<vmem>>
        %dma_wait3A_193 = tpu.memref_squeeze %dma_wait3A_192 : memref<1x80x128xf32, #tpu.memory_space<vmem>> -> memref<80x128xf32, #tpu.memory_space<vmem>>
        %dma_wait3A_194 = arith.constant 0 : i32
        %dma_wait3A_195 = arith.constant 0 : i32
        %dma_wait3A_196 = tpu.memref_slice %arg2[%dma_wait3A_194, %dma_wait3A_195] : memref<10240x128xf32, #tpu.memory_space<hbm>> -> memref<80x128xf32, #tpu.memory_space<hbm>>
        %dma_wait3A_197 = arith.constant 0 : i32
        %dma_wait3A_198 = arith.constant 0 : i32
        %dma_wait3A_199 = tpu.memref_slice %arg8[%dma_wait3A_189, %dma_wait3A_197, %dma_wait3A_198] : memref<4x80x128xf32, #tpu.memory_space<vmem>> -> memref<1x80x128xf32, #tpu.memory_space<vmem>>
        %dma_wait3A_200 = tpu.memref_squeeze %dma_wait3A_199 : memref<1x80x128xf32, #tpu.memory_space<vmem>> -> memref<80x128xf32, #tpu.memory_space<vmem>>
        %dma_wait3A_201 = arith.constant 0 : i32
        %dma_wait3A_202 = arith.constant 0 : i32
        %dma_wait3A_203 = tpu.memref_slice %arg2[%dma_wait3A_201, %dma_wait3A_202] : memref<10240x128xf32, #tpu.memory_space<hbm>> -> memref<80x128xf32, #tpu.memory_space<hbm>>
        tpu.wait_dma2 semaphore(%arg14 : memref<!tpu.dma_semaphore, #tpu.memory_space<semaphore_mem>>) src(%dma_wait3A_203 : memref<80x128xf32, #tpu.memory_space<hbm>>) dst(%dma_wait3A_200 : memref<80x128xf32, #tpu.memory_space<vmem>>)
        %lt3A = arith.constant 7 : i32
        %lt3A_204 = arith.cmpi slt, %scan3A_122, %lt3A : i32
        %convert_element_type3A_205 = arith.extui %lt3A_204 : i1 to i32
        %cond3A_206 = arith.constant 0 : i32
        %cond3A_207 = arith.cmpi ne, %convert_element_type3A_205, %cond3A_206 : i32
        scf.if %cond3A_207 {
          %add3A_320 = arith.constant 4 : i32
          %add3A_321 = arith.addi %add3A_173, %add3A_320 : i32
          %sub3A_322 = arith.constant 1 : i32
          %sub3A_323 = arith.subi %add3A_321, %sub3A_322 : i32
          %dma_start3A_324 = arith.constant 0 : i32
          %dma_start3A_325 = arith.constant 0 : i32
          %dma_start3A_326 = arith.constant 0 : i32
          %dma_start3A_327 = tpu.memref_slice %arg8[%dma_start3A_324, %dma_start3A_325, %dma_start3A_326] : memref<4x80x128xf32, #tpu.memory_space<vmem>> -> memref<1x80x128xf32, #tpu.memory_space<vmem>>
          %dma_start3A_328 = tpu.memref_squeeze %dma_start3A_327 : memref<1x80x128xf32, #tpu.memory_space<vmem>> -> memref<80x128xf32, #tpu.memory_space<vmem>>
          %dma_start3A_329 = arith.constant 0 : i32
          %dma_start3A_330 = tpu.memref_slice %arg6[%sub3A_323, %dma_start3A_329] : memref<32x80xi32, #tpu.memory_space<vmem>> -> memref<1x80xi32, #tpu.memory_space<vmem>>
          %dma_start3A_331 = tpu.memref_squeeze %dma_start3A_330 : memref<1x80xi32, #tpu.memory_space<vmem>> -> memref<80xi32, #tpu.memory_space<vmem>>
          %dma_start3A_332 = arith.constant 0 : i32
          %dma_start3A_333 = arith.constant 0 : i32
          %dma_start3A_334 = tpu.memref_slice %arg2[%dma_start3A_332, %dma_start3A_333] : memref<10240x128xf32, #tpu.memory_space<hbm>> -> memref<10240x128xf32, #tpu.memory_space<hbm>>
          tpu.enqueue_indirect_dma source(%dma_start3A_334 : memref<10240x128xf32, #tpu.memory_space<hbm>>) target(%dma_start3A_328 : memref<80x128xf32, #tpu.memory_space<vmem>>) offsets(%dma_start3A_331 : memref<80xi32, #tpu.memory_space<vmem>>) semaphore(%arg10 : memref<!tpu.dma_semaphore, #tpu.memory_space<semaphore_mem>>)
        } else {
        }
        %dma_start3A_208 = arith.constant 1 : i32
        %dma_start3A_209 = arith.constant 0 : i32
        %dma_start3A_210 = arith.constant 0 : i32
        %dma_start3A_211 = tpu.memref_slice %arg8[%dma_start3A_208, %dma_start3A_209, %dma_start3A_210] : memref<4x80x128xf32, #tpu.memory_space<vmem>> -> memref<1x80x128xf32, #tpu.memory_space<vmem>>
        %dma_start3A_212 = tpu.memref_squeeze %dma_start3A_211 : memref<1x80x128xf32, #tpu.memory_space<vmem>> -> memref<80x128xf32, #tpu.memory_space<vmem>>
        %dma_start3A_213 = arith.constant 0 : i32
        %dma_start3A_214 = tpu.memref_slice %arg7[%add3A_173, %dma_start3A_213] : memref<32x80xi32, #tpu.memory_space<vmem>> -> memref<1x80xi32, #tpu.memory_space<vmem>>
        %dma_start3A_215 = tpu.memref_squeeze %dma_start3A_214 : memref<1x80xi32, #tpu.memory_space<vmem>> -> memref<80xi32, #tpu.memory_space<vmem>>
        %dma_start3A_216 = arith.constant 0 : i32
        %dma_start3A_217 = arith.constant 0 : i32
        %dma_start3A_218 = tpu.memref_slice %arg9[%dma_start3A_216, %dma_start3A_217] : memref<10240x128xf32, #tpu.memory_space<vmem_shared>> -> memref<10240x128xf32, #tpu.memory_space<vmem_shared>>
        tpu.enqueue_indirect_dma source(%dma_start3A_212 : memref<80x128xf32, #tpu.memory_space<vmem>>) target(%dma_start3A_218 : memref<10240x128xf32, #tpu.memory_space<vmem_shared>>) offsets(%dma_start3A_215 : memref<80xi32, #tpu.memory_space<vmem>>) semaphore(%arg15 : memref<!tpu.dma_semaphore, #tpu.memory_space<semaphore_mem>>) {add = true}
        %mul3A_219 = arith.constant 4 : i32
        %mul3A_220 = arith.muli %mul3A_219, %scan3A_122 : i32
        %add3A_221 = arith.constant 2 : i32
        %add3A_222 = arith.addi %mul3A_220, %add3A_221 : i32
        %dma_wait3A_223 = arith.constant 2 : i32
        %dma_wait3A_224 = arith.constant 0 : i32
        %dma_wait3A_225 = arith.constant 0 : i32
        %dma_wait3A_226 = tpu.memref_slice %arg8[%dma_wait3A_223, %dma_wait3A_224, %dma_wait3A_225] : memref<4x80x128xf32, #tpu.memory_space<vmem>> -> memref<1x80x128xf32, #tpu.memory_space<vmem>>
        %dma_wait3A_227 = tpu.memref_squeeze %dma_wait3A_226 : memref<1x80x128xf32, #tpu.memory_space<vmem>> -> memref<80x128xf32, #tpu.memory_space<vmem>>
        %dma_wait3A_228 = arith.constant 0 : i32
        %dma_wait3A_229 = arith.constant 0 : i32
        %dma_wait3A_230 = tpu.memref_slice %arg2[%dma_wait3A_228, %dma_wait3A_229] : memref<10240x128xf32, #tpu.memory_space<hbm>> -> memref<80x128xf32, #tpu.memory_space<hbm>>
        %dma_wait3A_231 = arith.constant 0 : i32
        %dma_wait3A_232 = arith.constant 0 : i32
        %dma_wait3A_233 = tpu.memref_slice %arg8[%dma_wait3A_223, %dma_wait3A_231, %dma_wait3A_232] : memref<4x80x128xf32, #tpu.memory_space<vmem>> -> memref<1x80x128xf32, #tpu.memory_space<vmem>>
        %dma_wait3A_234 = tpu.memref_squeeze %dma_wait3A_233 : memref<1x80x128xf32, #tpu.memory_space<vmem>> -> memref<80x128xf32, #tpu.memory_space<vmem>>
        %dma_wait3A_235 = arith.constant 0 : i32
        %dma_wait3A_236 = arith.constant 0 : i32
        %dma_wait3A_237 = tpu.memref_slice %arg2[%dma_wait3A_235, %dma_wait3A_236] : memref<10240x128xf32, #tpu.memory_space<hbm>> -> memref<80x128xf32, #tpu.memory_space<hbm>>
        tpu.wait_dma2 semaphore(%arg12 : memref<!tpu.dma_semaphore, #tpu.memory_space<semaphore_mem>>) src(%dma_wait3A_237 : memref<80x128xf32, #tpu.memory_space<hbm>>) dst(%dma_wait3A_234 : memref<80x128xf32, #tpu.memory_space<vmem>>)
        %dma_wait3A_238 = arith.constant 1 : i32
        %dma_wait3A_239 = arith.constant 0 : i32
        %dma_wait3A_240 = arith.constant 0 : i32
        %dma_wait3A_241 = tpu.memref_slice %arg8[%dma_wait3A_238, %dma_wait3A_239, %dma_wait3A_240] : memref<4x80x128xf32, #tpu.memory_space<vmem>> -> memref<1x80x128xf32, #tpu.memory_space<vmem>>
        %dma_wait3A_242 = tpu.memref_squeeze %dma_wait3A_241 : memref<1x80x128xf32, #tpu.memory_space<vmem>> -> memref<80x128xf32, #tpu.memory_space<vmem>>
        %dma_wait3A_243 = arith.constant 0 : i32
        %dma_wait3A_244 = arith.constant 0 : i32
        %dma_wait3A_245 = tpu.memref_slice %arg2[%dma_wait3A_243, %dma_wait3A_244] : memref<10240x128xf32, #tpu.memory_space<hbm>> -> memref<80x128xf32, #tpu.memory_space<hbm>>
        %dma_wait3A_246 = arith.constant 0 : i32
        %dma_wait3A_247 = arith.constant 0 : i32
        %dma_wait3A_248 = tpu.memref_slice %arg8[%dma_wait3A_238, %dma_wait3A_246, %dma_wait3A_247] : memref<4x80x128xf32, #tpu.memory_space<vmem>> -> memref<1x80x128xf32, #tpu.memory_space<vmem>>
        %dma_wait3A_249 = tpu.memref_squeeze %dma_wait3A_248 : memref<1x80x128xf32, #tpu.memory_space<vmem>> -> memref<80x128xf32, #tpu.memory_space<vmem>>
        %dma_wait3A_250 = arith.constant 0 : i32
        %dma_wait3A_251 = arith.constant 0 : i32
        %dma_wait3A_252 = tpu.memref_slice %arg2[%dma_wait3A_250, %dma_wait3A_251] : memref<10240x128xf32, #tpu.memory_space<hbm>> -> memref<80x128xf32, #tpu.memory_space<hbm>>
        tpu.wait_dma2 semaphore(%arg15 : memref<!tpu.dma_semaphore, #tpu.memory_space<semaphore_mem>>) src(%dma_wait3A_252 : memref<80x128xf32, #tpu.memory_space<hbm>>) dst(%dma_wait3A_249 : memref<80x128xf32, #tpu.memory_space<vmem>>)
        %lt3A_253 = arith.constant 7 : i32
        %lt3A_254 = arith.cmpi slt, %scan3A_122, %lt3A_253 : i32
        %convert_element_type3A_255 = arith.extui %lt3A_254 : i1 to i32
        %cond3A_256 = arith.constant 0 : i32
        %cond3A_257 = arith.cmpi ne, %convert_element_type3A_255, %cond3A_256 : i32
        scf.if %cond3A_257 {
          %add3A_320 = arith.constant 4 : i32
          %add3A_321 = arith.addi %add3A_222, %add3A_320 : i32
          %sub3A_322 = arith.constant 1 : i32
          %sub3A_323 = arith.subi %add3A_321, %sub3A_322 : i32
          %dma_start3A_324 = arith.constant 1 : i32
          %dma_start3A_325 = arith.constant 0 : i32
          %dma_start3A_326 = arith.constant 0 : i32
          %dma_start3A_327 = tpu.memref_slice %arg8[%dma_start3A_324, %dma_start3A_325, %dma_start3A_326] : memref<4x80x128xf32, #tpu.memory_space<vmem>> -> memref<1x80x128xf32, #tpu.memory_space<vmem>>
          %dma_start3A_328 = tpu.memref_squeeze %dma_start3A_327 : memref<1x80x128xf32, #tpu.memory_space<vmem>> -> memref<80x128xf32, #tpu.memory_space<vmem>>
          %dma_start3A_329 = arith.constant 0 : i32
          %dma_start3A_330 = tpu.memref_slice %arg6[%sub3A_323, %dma_start3A_329] : memref<32x80xi32, #tpu.memory_space<vmem>> -> memref<1x80xi32, #tpu.memory_space<vmem>>
          %dma_start3A_331 = tpu.memref_squeeze %dma_start3A_330 : memref<1x80xi32, #tpu.memory_space<vmem>> -> memref<80xi32, #tpu.memory_space<vmem>>
          %dma_start3A_332 = arith.constant 0 : i32
          %dma_start3A_333 = arith.constant 0 : i32
          %dma_start3A_334 = tpu.memref_slice %arg2[%dma_start3A_332, %dma_start3A_333] : memref<10240x128xf32, #tpu.memory_space<hbm>> -> memref<10240x128xf32, #tpu.memory_space<hbm>>
          tpu.enqueue_indirect_dma source(%dma_start3A_334 : memref<10240x128xf32, #tpu.memory_space<hbm>>) target(%dma_start3A_328 : memref<80x128xf32, #tpu.memory_space<vmem>>) offsets(%dma_start3A_331 : memref<80xi32, #tpu.memory_space<vmem>>) semaphore(%arg11 : memref<!tpu.dma_semaphore, #tpu.memory_space<semaphore_mem>>)
        } else {
        }
        %dma_start3A_258 = arith.constant 2 : i32
        %dma_start3A_259 = arith.constant 0 : i32
        %dma_start3A_260 = arith.constant 0 : i32
        %dma_start3A_261 = tpu.memref_slice %arg8[%dma_start3A_258, %dma_start3A_259, %dma_start3A_260] : memref<4x80x128xf32, #tpu.memory_space<vmem>> -> memref<1x80x128xf32, #tpu.memory_space<vmem>>
        %dma_start3A_262 = tpu.memref_squeeze %dma_start3A_261 : memref<1x80x128xf32, #tpu.memory_space<vmem>> -> memref<80x128xf32, #tpu.memory_space<vmem>>
        %dma_start3A_263 = arith.constant 0 : i32
        %dma_start3A_264 = tpu.memref_slice %arg7[%add3A_222, %dma_start3A_263] : memref<32x80xi32, #tpu.memory_space<vmem>> -> memref<1x80xi32, #tpu.memory_space<vmem>>
        %dma_start3A_265 = tpu.memref_squeeze %dma_start3A_264 : memref<1x80xi32, #tpu.memory_space<vmem>> -> memref<80xi32, #tpu.memory_space<vmem>>
        %dma_start3A_266 = arith.constant 0 : i32
        %dma_start3A_267 = arith.constant 0 : i32
        %dma_start3A_268 = tpu.memref_slice %arg9[%dma_start3A_266, %dma_start3A_267] : memref<10240x128xf32, #tpu.memory_space<vmem_shared>> -> memref<10240x128xf32, #tpu.memory_space<vmem_shared>>
        tpu.enqueue_indirect_dma source(%dma_start3A_262 : memref<80x128xf32, #tpu.memory_space<vmem>>) target(%dma_start3A_268 : memref<10240x128xf32, #tpu.memory_space<vmem_shared>>) offsets(%dma_start3A_265 : memref<80xi32, #tpu.memory_space<vmem>>) semaphore(%arg16 : memref<!tpu.dma_semaphore, #tpu.memory_space<semaphore_mem>>) {add = true}
        %mul3A_269 = arith.constant 4 : i32
        %mul3A_270 = arith.muli %mul3A_269, %scan3A_122 : i32
        %add3A_271 = arith.constant 3 : i32
        %add3A_272 = arith.addi %mul3A_270, %add3A_271 : i32
        %dma_wait3A_273 = arith.constant 3 : i32
        %dma_wait3A_274 = arith.constant 0 : i32
        %dma_wait3A_275 = arith.constant 0 : i32
        %dma_wait3A_276 = tpu.memref_slice %arg8[%dma_wait3A_273, %dma_wait3A_274, %dma_wait3A_275] : memref<4x80x128xf32, #tpu.memory_space<vmem>> -> memref<1x80x128xf32, #tpu.memory_space<vmem>>
        %dma_wait3A_277 = tpu.memref_squeeze %dma_wait3A_276 : memref<1x80x128xf32, #tpu.memory_space<vmem>> -> memref<80x128xf32, #tpu.memory_space<vmem>>
        %dma_wait3A_278 = arith.constant 0 : i32
        %dma_wait3A_279 = arith.constant 0 : i32
        %dma_wait3A_280 = tpu.memref_slice %arg2[%dma_wait3A_278, %dma_wait3A_279] : memref<10240x128xf32, #tpu.memory_space<hbm>> -> memref<80x128xf32, #tpu.memory_space<hbm>>
        %dma_wait3A_281 = arith.constant 0 : i32
        %dma_wait3A_282 = arith.constant 0 : i32
        %dma_wait3A_283 = tpu.memref_slice %arg8[%dma_wait3A_273, %dma_wait3A_281, %dma_wait3A_282] : memref<4x80x128xf32, #tpu.memory_space<vmem>> -> memref<1x80x128xf32, #tpu.memory_space<vmem>>
        %dma_wait3A_284 = tpu.memref_squeeze %dma_wait3A_283 : memref<1x80x128xf32, #tpu.memory_space<vmem>> -> memref<80x128xf32, #tpu.memory_space<vmem>>
        %dma_wait3A_285 = arith.constant 0 : i32
        %dma_wait3A_286 = arith.constant 0 : i32
        %dma_wait3A_287 = tpu.memref_slice %arg2[%dma_wait3A_285, %dma_wait3A_286] : memref<10240x128xf32, #tpu.memory_space<hbm>> -> memref<80x128xf32, #tpu.memory_space<hbm>>
        tpu.wait_dma2 semaphore(%arg13 : memref<!tpu.dma_semaphore, #tpu.memory_space<semaphore_mem>>) src(%dma_wait3A_287 : memref<80x128xf32, #tpu.memory_space<hbm>>) dst(%dma_wait3A_284 : memref<80x128xf32, #tpu.memory_space<vmem>>)
        %dma_wait3A_288 = arith.constant 2 : i32
        %dma_wait3A_289 = arith.constant 0 : i32
        %dma_wait3A_290 = arith.constant 0 : i32
        %dma_wait3A_291 = tpu.memref_slice %arg8[%dma_wait3A_288, %dma_wait3A_289, %dma_wait3A_290] : memref<4x80x128xf32, #tpu.memory_space<vmem>> -> memref<1x80x128xf32, #tpu.memory_space<vmem>>
        %dma_wait3A_292 = tpu.memref_squeeze %dma_wait3A_291 : memref<1x80x128xf32, #tpu.memory_space<vmem>> -> memref<80x128xf32, #tpu.memory_space<vmem>>
        %dma_wait3A_293 = arith.constant 0 : i32
        %dma_wait3A_294 = arith.constant 0 : i32
        %dma_wait3A_295 = tpu.memref_slice %arg2[%dma_wait3A_293, %dma_wait3A_294] : memref<10240x128xf32, #tpu.memory_space<hbm>> -> memref<80x128xf32, #tpu.memory_space<hbm>>
        %dma_wait3A_296 = arith.constant 0 : i32
        %dma_wait3A_297 = arith.constant 0 : i32
        %dma_wait3A_298 = tpu.memref_slice %arg8[%dma_wait3A_288, %dma_wait3A_296, %dma_wait3A_297] : memref<4x80x128xf32, #tpu.memory_space<vmem>> -> memref<1x80x128xf32, #tpu.memory_space<vmem>>
        %dma_wait3A_299 = tpu.memref_squeeze %dma_wait3A_298 : memref<1x80x128xf32, #tpu.memory_space<vmem>> -> memref<80x128xf32, #tpu.memory_space<vmem>>
        %dma_wait3A_300 = arith.constant 0 : i32
        %dma_wait3A_301 = arith.constant 0 : i32
        %dma_wait3A_302 = tpu.memref_slice %arg2[%dma_wait3A_300, %dma_wait3A_301] : memref<10240x128xf32, #tpu.memory_space<hbm>> -> memref<80x128xf32, #tpu.memory_space<hbm>>
        tpu.wait_dma2 semaphore(%arg16 : memref<!tpu.dma_semaphore, #tpu.memory_space<semaphore_mem>>) src(%dma_wait3A_302 : memref<80x128xf32, #tpu.memory_space<hbm>>) dst(%dma_wait3A_299 : memref<80x128xf32, #tpu.memory_space<vmem>>)
        %lt3A_303 = arith.constant 7 : i32
        %lt3A_304 = arith.cmpi slt, %scan3A_122, %lt3A_303 : i32
        %convert_element_type3A_305 = arith.extui %lt3A_304 : i1 to i32
        %cond3A_306 = arith.constant 0 : i32
        %cond3A_307 = arith.cmpi ne, %convert_element_type3A_305, %cond3A_306 : i32
        scf.if %cond3A_307 {
          %add3A_320 = arith.constant 4 : i32
          %add3A_321 = arith.addi %add3A_272, %add3A_320 : i32
          %sub3A_322 = arith.constant 1 : i32
          %sub3A_323 = arith.subi %add3A_321, %sub3A_322 : i32
          %dma_start3A_324 = arith.constant 2 : i32
          %dma_start3A_325 = arith.constant 0 : i32
          %dma_start3A_326 = arith.constant 0 : i32
          %dma_start3A_327 = tpu.memref_slice %arg8[%dma_start3A_324, %dma_start3A_325, %dma_start3A_326] : memref<4x80x128xf32, #tpu.memory_space<vmem>> -> memref<1x80x128xf32, #tpu.memory_space<vmem>>
          %dma_start3A_328 = tpu.memref_squeeze %dma_start3A_327 : memref<1x80x128xf32, #tpu.memory_space<vmem>> -> memref<80x128xf32, #tpu.memory_space<vmem>>
          %dma_start3A_329 = arith.constant 0 : i32
          %dma_start3A_330 = tpu.memref_slice %arg6[%sub3A_323, %dma_start3A_329] : memref<32x80xi32, #tpu.memory_space<vmem>> -> memref<1x80xi32, #tpu.memory_space<vmem>>
          %dma_start3A_331 = tpu.memref_squeeze %dma_start3A_330 : memref<1x80xi32, #tpu.memory_space<vmem>> -> memref<80xi32, #tpu.memory_space<vmem>>
          %dma_start3A_332 = arith.constant 0 : i32
          %dma_start3A_333 = arith.constant 0 : i32
          %dma_start3A_334 = tpu.memref_slice %arg2[%dma_start3A_332, %dma_start3A_333] : memref<10240x128xf32, #tpu.memory_space<hbm>> -> memref<10240x128xf32, #tpu.memory_space<hbm>>
          tpu.enqueue_indirect_dma source(%dma_start3A_334 : memref<10240x128xf32, #tpu.memory_space<hbm>>) target(%dma_start3A_328 : memref<80x128xf32, #tpu.memory_space<vmem>>) offsets(%dma_start3A_331 : memref<80xi32, #tpu.memory_space<vmem>>) semaphore(%arg12 : memref<!tpu.dma_semaphore, #tpu.memory_space<semaphore_mem>>)
        } else {
        }
        %dma_start3A_308 = arith.constant 3 : i32
        %dma_start3A_309 = arith.constant 0 : i32
        %dma_start3A_310 = arith.constant 0 : i32
        %dma_start3A_311 = tpu.memref_slice %arg8[%dma_start3A_308, %dma_start3A_309, %dma_start3A_310] : memref<4x80x128xf32, #tpu.memory_space<vmem>> -> memref<1x80x128xf32, #tpu.memory_space<vmem>>
        %dma_start3A_312 = tpu.memref_squeeze %dma_start3A_311 : memref<1x80x128xf32, #tpu.memory_space<vmem>> -> memref<80x128xf32, #tpu.memory_space<vmem>>
        %dma_start3A_313 = arith.constant 0 : i32
        %dma_start3A_314 = tpu.memref_slice %arg7[%add3A_272, %dma_start3A_313] : memref<32x80xi32, #tpu.memory_space<vmem>> -> memref<1x80xi32, #tpu.memory_space<vmem>>
        %dma_start3A_315 = tpu.memref_squeeze %dma_start3A_314 : memref<1x80xi32, #tpu.memory_space<vmem>> -> memref<80xi32, #tpu.memory_space<vmem>>
        %dma_start3A_316 = arith.constant 0 : i32
        %dma_start3A_317 = arith.constant 0 : i32
        %dma_start3A_318 = tpu.memref_slice %arg9[%dma_start3A_316, %dma_start3A_317] : memref<10240x128xf32, #tpu.memory_space<vmem_shared>> -> memref<10240x128xf32, #tpu.memory_space<vmem_shared>>
        tpu.enqueue_indirect_dma source(%dma_start3A_312 : memref<80x128xf32, #tpu.memory_space<vmem>>) target(%dma_start3A_318 : memref<10240x128xf32, #tpu.memory_space<vmem_shared>>) offsets(%dma_start3A_315 : memref<80xi32, #tpu.memory_space<vmem>>) semaphore(%arg17 : memref<!tpu.dma_semaphore, #tpu.memory_space<semaphore_mem>>) {add = true}
        %scan3A_319 = arith.constant 0 : i32
        scf.yield %scan3A_319 : i32
      }
      %scan3A_106 = arith.constant 8 : i32
      %dma_wait3A = arith.constant 3 : i32
      %dma_wait3A_107 = arith.constant 0 : i32
      %dma_wait3A_108 = arith.constant 0 : i32
      %dma_wait3A_109 = tpu.memref_slice %arg8[%dma_wait3A, %dma_wait3A_107, %dma_wait3A_108] : memref<4x80x128xf32, #tpu.memory_space<vmem>> -> memref<1x80x128xf32, #tpu.memory_space<vmem>>
      %dma_wait3A_110 = tpu.memref_squeeze %dma_wait3A_109 : memref<1x80x128xf32, #tpu.memory_space<vmem>> -> memref<80x128xf32, #tpu.memory_space<vmem>>
      %dma_wait3A_111 = arith.constant 0 : i32
      %dma_wait3A_112 = arith.constant 0 : i32
      %dma_wait3A_113 = tpu.memref_slice %arg2[%dma_wait3A_111, %dma_wait3A_112] : memref<10240x128xf32, #tpu.memory_space<hbm>> -> memref<80x128xf32, #tpu.memory_space<hbm>>
      %dma_wait3A_114 = arith.constant 0 : i32
      %dma_wait3A_115 = arith.constant 0 : i32
      %dma_wait3A_116 = tpu.memref_slice %arg8[%dma_wait3A, %dma_wait3A_114, %dma_wait3A_115] : memref<4x80x128xf32, #tpu.memory_space<vmem>> -> memref<1x80x128xf32, #tpu.memory_space<vmem>>
      %dma_wait3A_117 = tpu.memref_squeeze %dma_wait3A_116 : memref<1x80x128xf32, #tpu.memory_space<vmem>> -> memref<80x128xf32, #tpu.memory_space<vmem>>
      %dma_wait3A_118 = arith.constant 0 : i32
      %dma_wait3A_119 = arith.constant 0 : i32
      %dma_wait3A_120 = tpu.memref_slice %arg2[%dma_wait3A_118, %dma_wait3A_119] : memref<10240x128xf32, #tpu.memory_space<hbm>> -> memref<80x128xf32, #tpu.memory_space<hbm>>
      tpu.wait_dma2 semaphore(%arg17 : memref<!tpu.dma_semaphore, #tpu.memory_space<semaphore_mem>>) src(%dma_wait3A_120 : memref<80x128xf32, #tpu.memory_space<hbm>>) dst(%dma_wait3A_117 : memref<80x128xf32, #tpu.memory_space<vmem>>)
      %scan3A_121 = arith.constant 0 : i32
      scf.yield %scan3A_121 : i32
    }
    %scan3A_53 = arith.constant 4 : i32
    %barrier3A_54 = arith.constant 0 : index
    tpu.barrier barrier_id(%barrier3A_54)
    %mul3A_55 = arith.constant 640 : i32
    %mul3A_56 = arith.muli %arg1, %mul3A_55 : i32
    %mul3A_57 = arith.constant 640 : i32
    %mul3A_58 = arith.muli %arg1, %mul3A_57 : i32
    "tpu.region"() ({
      %run_scoped3A_59 = tpu.sem_alloc : memref<!tpu.dma_semaphore, #tpu.memory_space<semaphore_mem>>
      %dma_start3A = arith.constant 0 : i32
      %dma_start3A_60 = arith.constant 0 : i32
      %dma_start3A_61 = tpu.memref_slice %arg5[%arg0, %dma_start3A, %dma_start3A_60] : memref<2x10240x128xf32, #tpu.memory_space<hbm>> -> memref<1x10240x128xf32, #tpu.memory_space<hbm>>
      %dma_start3A_62 = tpu.memref_squeeze %dma_start3A_61 : memref<1x10240x128xf32, #tpu.memory_space<hbm>> -> memref<10240x128xf32, #tpu.memory_space<hbm>>
      %dma_start3A_63 = arith.constant 0 : i32
      %dma_start3A_64 = tpu.memref_slice %dma_start3A_62[%mul3A_58, %dma_start3A_63] : memref<10240x128xf32, #tpu.memory_space<hbm>> -> memref<640x128xf32, #tpu.memory_space<hbm>>
      %dma_start3A_65 = arith.constant 0 : i32
      %dma_start3A_66 = tpu.memref_slice %arg9[%mul3A_56, %dma_start3A_65] : memref<10240x128xf32, #tpu.memory_space<vmem_shared>> -> memref<640x128xf32, #tpu.memory_space<vmem_shared>>
      tpu.enqueue_dma source(%dma_start3A_66 : memref<640x128xf32, #tpu.memory_space<vmem_shared>>) target(%dma_start3A_64 : memref<640x128xf32, #tpu.memory_space<hbm>>) target_semaphore(%run_scoped3A_59 : memref<!tpu.dma_semaphore, #tpu.memory_space<semaphore_mem>>)
      %dma_wait3A = arith.constant 0 : i32
      %dma_wait3A_67 = arith.constant 0 : i32
      %dma_wait3A_68 = tpu.memref_slice %arg5[%arg0, %dma_wait3A, %dma_wait3A_67] : memref<2x10240x128xf32, #tpu.memory_space<hbm>> -> memref<1x10240x128xf32, #tpu.memory_space<hbm>>
      %dma_wait3A_69 = tpu.memref_squeeze %dma_wait3A_68 : memref<1x10240x128xf32, #tpu.memory_space<hbm>> -> memref<10240x128xf32, #tpu.memory_space<hbm>>
      %dma_wait3A_70 = arith.constant 0 : i32
      %dma_wait3A_71 = tpu.memref_slice %dma_wait3A_69[%mul3A_58, %dma_wait3A_70] : memref<10240x128xf32, #tpu.memory_space<hbm>> -> memref<640x128xf32, #tpu.memory_space<hbm>>
      %dma_wait3A_72 = arith.constant 0 : i32
      %dma_wait3A_73 = tpu.memref_slice %arg9[%mul3A_56, %dma_wait3A_72] : memref<10240x128xf32, #tpu.memory_space<vmem_shared>> -> memref<640x128xf32, #tpu.memory_space<vmem_shared>>
      tpu.wait_dma2 semaphore(%run_scoped3A_59 : memref<!tpu.dma_semaphore, #tpu.memory_space<semaphore_mem>>) src(%dma_wait3A_73 : memref<640x128xf32, #tpu.memory_space<vmem_shared>>) dst(%dma_wait3A_71 : memref<640x128xf32, #tpu.memory_space<hbm>>)
      tpu.yield
    }) : () -> ()
    return
  }
}

#map = affine_map<(d0, d1) -> (0, 0)>
#map1 = affine_map<(d0, d1) -> (0, 0, 0)>
module attributes {stable_mosaic.version = 14 : i64} {
  func.func @_sc_propagate(%arg0: i32, %arg1: i32, %arg2: memref<10240x128xf32, #tpu.memory_space<hbm>>, %arg3: memref<32x128x80xi32, #tpu.memory_space<hbm>>, %arg4: memref<32x128x80xi32, #tpu.memory_space<hbm>>, %arg5: memref<2x10240x128xf32, #tpu.memory_space<hbm>>, %arg6: memref<32x80xi32, #tpu.memory_space<vmem>>, %arg7: memref<32x80xi32, #tpu.memory_space<vmem>>, %arg8: memref<4x80x128xf32, #tpu.memory_space<vmem>>, %arg9: memref<10240x128xf32, #tpu.memory_space<vmem_shared>>, %arg10: memref<!tpu.dma_semaphore, #tpu.memory_space<semaphore_mem>>, %arg11: memref<!tpu.dma_semaphore, #tpu.memory_space<semaphore_mem>>, %arg12: memref<!tpu.dma_semaphore, #tpu.memory_space<semaphore_mem>>, %arg13: memref<!tpu.dma_semaphore, #tpu.memory_space<semaphore_mem>>, %arg14: memref<!tpu.dma_semaphore, #tpu.memory_space<semaphore_mem>>, %arg15: memref<!tpu.dma_semaphore, #tpu.memory_space<semaphore_mem>>, %arg16: memref<!tpu.dma_semaphore, #tpu.memory_space<semaphore_mem>>, %arg17: memref<!tpu.dma_semaphore, #tpu.memory_space<semaphore_mem>>) attributes {dimension_semantics = [#tpu.dimension_semantics<core_parallel>, #tpu.dimension_semantics<subcore_parallel>], iteration_bounds = array<i64: 2, 16>, scalar_prefetch = 0 : i64, scratch_operands = 12 : i64, tpu.core_type = #tpu.core_type<sc_vector_subcore>, window_params = [{transform_indices = #map}, {transform_indices = #map1}, {transform_indices = #map1}, {transform_indices = #map1}]} {
    %mul3A = arith.constant 16 : i32
    %mul3A_0 = arith.muli %arg0, %mul3A : i32
    %add3A = arith.addi %mul3A_0, %arg1 : i32
    %broadcast_in_dim3A = arith.constant 0.000000e+00 : f32
    %broadcast_in_dim3A_1 = vector.broadcast %broadcast_in_dim3A : f32 to vector<16xf32>
    %scan3A = arith.constant 0 : i32
    %scan3A_2 = arith.constant 0 : i32
    %scan3A_3 = arith.constant 80 : i32
    %scan3A_4 = arith.addi %scan3A_2, %scan3A_3 : i32
    %scan3A_5 = arith.constant 1 : i32
    %scan3A_6 = scf.for %scan3A_59 = %scan3A_2 to %scan3A_4 step %scan3A_5 iter_args(%scan3A_60 = %scan3A) -> (i32)  : i32 {
      %swap3A = arith.constant 0 : i32
      %swap3A_61 = arith.index_cast %swap3A : i32 to index
      %swap3A_62 = arith.index_cast %scan3A_59 : i32 to index
      %swap3A_63 = arith.constant 0 : index
      %swap3A_64 = tpu.vector_load %arg8[%swap3A_61, %swap3A_62, %swap3A_63] {strides = array<i32>} : memref<4x80x128xf32, #tpu.memory_space<vmem>>, vector<1x1x16xf32>,
      %swap3A_65 = vector.shape_cast %swap3A_64 : vector<1x1x16xf32> to vector<16xf32>
      %swap3A_66 = vector.shape_cast %broadcast_in_dim3A_1 : vector<16xf32> to vector<1x1x16xf32>
      tpu.vector_store %arg8[%swap3A_61, %swap3A_62, %swap3A_63], %swap3A_66 {strides = array<i32>} : memref<4x80x128xf32, #tpu.memory_space<vmem>>, vector<1x1x16xf32>,
      %swap3A_67 = arith.constant 0 : i32
      %swap3A_68 = arith.index_cast %swap3A_67 : i32 to index
      %swap3A_69 = arith.index_cast %scan3A_59 : i32 to index
      %swap3A_70 = arith.constant 16 : index
      %swap3A_71 = tpu.vector_load %arg8[%swap3A_68, %swap3A_69, %swap3A_70] {strides = array<i32>} : memref<4x80x128xf32, #tpu.memory_space<vmem>>, vector<1x1x16xf32>,
      %swap3A_72 = vector.shape_cast %swap3A_71 : vector<1x1x16xf32> to vector<16xf32>
      %swap3A_73 = vector.shape_cast %broadcast_in_dim3A_1 : vector<16xf32> to vector<1x1x16xf32>
      tpu.vector_store %arg8[%swap3A_68, %swap3A_69, %swap3A_70], %swap3A_73 {strides = array<i32>} : memref<4x80x128xf32, #tpu.memory_space<vmem>>, vector<1x1x16xf32>,
      %swap3A_74 = arith.constant 0 : i32
      %swap3A_75 = arith.index_cast %swap3A_74 : i32 to index
      %swap3A_76 = arith.index_cast %scan3A_59 : i32 to index
      %swap3A_77 = arith.constant 32 : index
      %swap3A_78 = tpu.vector_load %arg8[%swap3A_75, %swap3A_76, %swap3A_77] {strides = array<i32>} : memref<4x80x128xf32, #tpu.memory_space<vmem>>, vector<1x1x16xf32>,
      %swap3A_79 = vector.shape_cast %swap3A_78 : vector<1x1x16xf32> to vector<16xf32>
      %swap3A_80 = vector.shape_cast %broadcast_in_dim3A_1 : vector<16xf32> to vector<1x1x16xf32>
      tpu.vector_store %arg8[%swap3A_75, %swap3A_76, %swap3A_77], %swap3A_80 {strides = array<i32>} : memref<4x80x128xf32, #tpu.memory_space<vmem>>, vector<1x1x16xf32>,
      %swap3A_81 = arith.constant 0 : i32
      %swap3A_82 = arith.index_cast %swap3A_81 : i32 to index
      %swap3A_83 = arith.index_cast %scan3A_59 : i32 to index
      %swap3A_84 = arith.constant 48 : index
      %swap3A_85 = tpu.vector_load %arg8[%swap3A_82, %swap3A_83, %swap3A_84] {strides = array<i32>} : memref<4x80x128xf32, #tpu.memory_space<vmem>>, vector<1x1x16xf32>,
      %swap3A_86 = vector.shape_cast %swap3A_85 : vector<1x1x16xf32> to vector<16xf32>
      %swap3A_87 = vector.shape_cast %broadcast_in_dim3A_1 : vector<16xf32> to vector<1x1x16xf32>
      tpu.vector_store %arg8[%swap3A_82, %swap3A_83, %swap3A_84], %swap3A_87 {strides = array<i32>} : memref<4x80x128xf32, #tpu.memory_space<vmem>>, vector<1x1x16xf32>,
      %swap3A_88 = arith.constant 0 : i32
      %swap3A_89 = arith.index_cast %swap3A_88 : i32 to index
      %swap3A_90 = arith.index_cast %scan3A_59 : i32 to index
      %swap3A_91 = arith.constant 64 : index
      %swap3A_92 = tpu.vector_load %arg8[%swap3A_89, %swap3A_90, %swap3A_91] {strides = array<i32>} : memref<4x80x128xf32, #tpu.memory_space<vmem>>, vector<1x1x16xf32>,
      %swap3A_93 = vector.shape_cast %swap3A_92 : vector<1x1x16xf32> to vector<16xf32>
      %swap3A_94 = vector.shape_cast %broadcast_in_dim3A_1 : vector<16xf32> to vector<1x1x16xf32>
      tpu.vector_store %arg8[%swap3A_89, %swap3A_90, %swap3A_91], %swap3A_94 {strides = array<i32>} : memref<4x80x128xf32, #tpu.memory_space<vmem>>, vector<1x1x16xf32>,
      %swap3A_95 = arith.constant 0 : i32
      %swap3A_96 = arith.index_cast %swap3A_95 : i32 to index
      %swap3A_97 = arith.index_cast %scan3A_59 : i32 to index
      %swap3A_98 = arith.constant 80 : index
      %swap3A_99 = tpu.vector_load %arg8[%swap3A_96, %swap3A_97, %swap3A_98] {strides = array<i32>} : memref<4x80x128xf32, #tpu.memory_space<vmem>>, vector<1x1x16xf32>,
      %swap3A_100 = vector.shape_cast %swap3A_99 : vector<1x1x16xf32> to vector<16xf32>
      %swap3A_101 = vector.shape_cast %broadcast_in_dim3A_1 : vector<16xf32> to vector<1x1x16xf32>
      tpu.vector_store %arg8[%swap3A_96, %swap3A_97, %swap3A_98], %swap3A_101 {strides = array<i32>} : memref<4x80x128xf32, #tpu.memory_space<vmem>>, vector<1x1x16xf32>,
      %swap3A_102 = arith.constant 0 : i32
      %swap3A_103 = arith.index_cast %swap3A_102 : i32 to index
      %swap3A_104 = arith.index_cast %scan3A_59 : i32 to index
      %swap3A_105 = arith.constant 96 : index
      %swap3A_106 = tpu.vector_load %arg8[%swap3A_103, %swap3A_104, %swap3A_105] {strides = array<i32>} : memref<4x80x128xf32, #tpu.memory_space<vmem>>, vector<1x1x16xf32>,
      %swap3A_107 = vector.shape_cast %swap3A_106 : vector<1x1x16xf32> to vector<16xf32>
      %swap3A_108 = vector.shape_cast %broadcast_in_dim3A_1 : vector<16xf32> to vector<1x1x16xf32>
      tpu.vector_store %arg8[%swap3A_103, %swap3A_104, %swap3A_105], %swap3A_108 {strides = array<i32>} : memref<4x80x128xf32, #tpu.memory_space<vmem>>, vector<1x1x16xf32>,
      %swap3A_109 = arith.constant 0 : i32
      %swap3A_110 = arith.index_cast %swap3A_109 : i32 to index
      %swap3A_111 = arith.index_cast %scan3A_59 : i32 to index
      %swap3A_112 = arith.constant 112 : index
      %swap3A_113 = tpu.vector_load %arg8[%swap3A_110, %swap3A_111, %swap3A_112] {strides = array<i32>} : memref<4x80x128xf32, #tpu.memory_space<vmem>>, vector<1x1x16xf32>,
      %swap3A_114 = vector.shape_cast %swap3A_113 : vector<1x1x16xf32> to vector<16xf32>
      %swap3A_115 = vector.shape_cast %broadcast_in_dim3A_1 : vector<16xf32> to vector<1x1x16xf32>
      tpu.vector_store %arg8[%swap3A_110, %swap3A_111, %swap3A_112], %swap3A_115 {strides = array<i32>} : memref<4x80x128xf32, #tpu.memory_space<vmem>>, vector<1x1x16xf32>,
      %scan3A_116 = arith.constant 0 : i32
      scf.yield %scan3A_116 : i32
    }
    %scan3A_7 = arith.constant 80 : i32
    %mul3A_8 = arith.constant 640 : i32
    %mul3A_9 = arith.muli %arg1, %mul3A_8 : i32
    %add3A_10 = arith.constant 0 : i32
    %add3A_11 = arith.addi %mul3A_9, %add3A_10 : i32
    %run_scoped3A = arith.constant 0 : i32
    "tpu.region"() ({
      %run_scoped3A_59 = tpu.sem_alloc : memref<!tpu.dma_semaphore, #tpu.memory_space<semaphore_mem>>
      %dma_start3A = arith.constant 0 : i32
      %dma_start3A_60 = arith.constant 0 : i32
      %dma_start3A_61 = tpu.memref_slice %arg8[%run_scoped3A, %dma_start3A, %dma_start3A_60] : memref<4x80x128xf32, #tpu.memory_space<vmem>> -> memref<1x80x128xf32, #tpu.memory_space<vmem>>
      %dma_start3A_62 = tpu.memref_squeeze %dma_start3A_61 : memref<1x80x128xf32, #tpu.memory_space<vmem>> -> memref<80x128xf32, #tpu.memory_space<vmem>>
      %dma_start3A_63 = arith.constant 0 : i32
      %dma_start3A_64 = tpu.memref_slice %arg9[%add3A_11, %dma_start3A_63] : memref<10240x128xf32, #tpu.memory_space<vmem_shared>> -> memref<80x128xf32, #tpu.memory_space<vmem_shared>>
      %dma_start3A_65 = arith.constant 0 : i32
      %dma_start3A_66 = tpu.memref_slice %arg9[%add3A_11, %dma_start3A_65] : memref<10240x128xf32, #tpu.memory_space<vmem_shared>> -> memref<80x128xf32, #tpu.memory_space<vmem_shared>>
      %dma_start3A_67 = arith.constant 0 : i32
      %dma_start3A_68 = arith.constant 0 : i32
      %dma_start3A_69 = tpu.memref_slice %arg8[%run_scoped3A, %dma_start3A_67, %dma_start3A_68] : memref<4x80x128xf32, #tpu.memory_space<vmem>> -> memref<1x80x128xf32, #tpu.memory_space<vmem>>
      %dma_start3A_70 = tpu.memref_squeeze %dma_start3A_69 : memref<1x80x128xf32, #tpu.memory_space<vmem>> -> memref<80x128xf32, #tpu.memory_space<vmem>>
      tpu.enqueue_dma source(%dma_start3A_70 : memref<80x128xf32, #tpu.memory_space<vmem>>) target(%dma_start3A_66 : memref<80x128xf32, #tpu.memory_space<vmem_shared>>) target_semaphore(%run_scoped3A_59 : memref<!tpu.dma_semaphore, #tpu.memory_space<semaphore_mem>>)
      %dma_wait3A = arith.constant 0 : i32
      %dma_wait3A_71 = arith.constant 0 : i32
      %dma_wait3A_72 = tpu.memref_slice %arg8[%run_scoped3A, %dma_wait3A, %dma_wait3A_71] : memref<4x80x128xf32, #tpu.memory_space<vmem>> -> memref<1x80x128xf32, #tpu.memory_space<vmem>>
      %dma_wait3A_73 = tpu.memref_squeeze %dma_wait3A_72 : memref<1x80x128xf32, #tpu.memory_space<vmem>> -> memref<80x128xf32, #tpu.memory_space<vmem>>
      %dma_wait3A_74 = arith.constant 0 : i32
      %dma_wait3A_75 = tpu.memref_slice %arg9[%add3A_11, %dma_wait3A_74] : memref<10240x128xf32, #tpu.memory_space<vmem_shared>> -> memref<80x128xf32, #tpu.memory_space<vmem_shared>>
      %dma_wait3A_76 = arith.constant 0 : i32
      %dma_wait3A_77 = tpu.memref_slice %arg9[%add3A_11, %dma_wait3A_76] : memref<10240x128xf32, #tpu.memory_space<vmem_shared>> -> memref<80x128xf32, #tpu.memory_space<vmem_shared>>
      %dma_wait3A_78 = arith.constant 0 : i32
      %dma_wait3A_79 = arith.constant 0 : i32
      %dma_wait3A_80 = tpu.memref_slice %arg8[%run_scoped3A, %dma_wait3A_78, %dma_wait3A_79] : memref<4x80x128xf32, #tpu.memory_space<vmem>> -> memref<1x80x128xf32, #tpu.memory_space<vmem>>
      %dma_wait3A_81 = tpu.memref_squeeze %dma_wait3A_80 : memref<1x80x128xf32, #tpu.memory_space<vmem>> -> memref<80x128xf32, #tpu.memory_space<vmem>>
      tpu.wait_dma2 semaphore(%run_scoped3A_59 : memref<!tpu.dma_semaphore, #tpu.memory_space<semaphore_mem>>) src(%dma_wait3A_81 : memref<80x128xf32, #tpu.memory_space<vmem>>) dst(%dma_wait3A_77 : memref<80x128xf32, #tpu.memory_space<vmem_shared>>)
      tpu.yield
    }) : () -> ()
    %mul3A_12 = arith.constant 640 : i32
    %mul3A_13 = arith.muli %arg1, %mul3A_12 : i32
    %add3A_14 = arith.constant 80 : i32
    %add3A_15 = arith.addi %mul3A_13, %add3A_14 : i32
    %run_scoped3A_16 = arith.constant 0 : i32
    "tpu.region"() ({
      %run_scoped3A_59 = tpu.sem_alloc : memref<!tpu.dma_semaphore, #tpu.memory_space<semaphore_mem>>
      %dma_start3A = arith.constant 0 : i32
      %dma_start3A_60 = arith.constant 0 : i32
      %dma_start3A_61 = tpu.memref_slice %arg8[%run_scoped3A_16, %dma_start3A, %dma_start3A_60] : memref<4x80x128xf32, #tpu.memory_space<vmem>> -> memref<1x80x128xf32, #tpu.memory_space<vmem>>
      %dma_start3A_62 = tpu.memref_squeeze %dma_start3A_61 : memref<1x80x128xf32, #tpu.memory_space<vmem>> -> memref<80x128xf32, #tpu.memory_space<vmem>>
      %dma_start3A_63 = arith.constant 0 : i32
      %dma_start3A_64 = tpu.memref_slice %arg9[%add3A_15, %dma_start3A_63] : memref<10240x128xf32, #tpu.memory_space<vmem_shared>> -> memref<80x128xf32, #tpu.memory_space<vmem_shared>>
      %dma_start3A_65 = arith.constant 0 : i32
      %dma_start3A_66 = tpu.memref_slice %arg9[%add3A_15, %dma_start3A_65] : memref<10240x128xf32, #tpu.memory_space<vmem_shared>> -> memref<80x128xf32, #tpu.memory_space<vmem_shared>>
      %dma_start3A_67 = arith.constant 0 : i32
      %dma_start3A_68 = arith.constant 0 : i32
      %dma_start3A_69 = tpu.memref_slice %arg8[%run_scoped3A_16, %dma_start3A_67, %dma_start3A_68] : memref<4x80x128xf32, #tpu.memory_space<vmem>> -> memref<1x80x128xf32, #tpu.memory_space<vmem>>
      %dma_start3A_70 = tpu.memref_squeeze %dma_start3A_69 : memref<1x80x128xf32, #tpu.memory_space<vmem>> -> memref<80x128xf32, #tpu.memory_space<vmem>>
      tpu.enqueue_dma source(%dma_start3A_70 : memref<80x128xf32, #tpu.memory_space<vmem>>) target(%dma_start3A_66 : memref<80x128xf32, #tpu.memory_space<vmem_shared>>) target_semaphore(%run_scoped3A_59 : memref<!tpu.dma_semaphore, #tpu.memory_space<semaphore_mem>>)
      %dma_wait3A = arith.constant 0 : i32
      %dma_wait3A_71 = arith.constant 0 : i32
      %dma_wait3A_72 = tpu.memref_slice %arg8[%run_scoped3A_16, %dma_wait3A, %dma_wait3A_71] : memref<4x80x128xf32, #tpu.memory_space<vmem>> -> memref<1x80x128xf32, #tpu.memory_space<vmem>>
      %dma_wait3A_73 = tpu.memref_squeeze %dma_wait3A_72 : memref<1x80x128xf32, #tpu.memory_space<vmem>> -> memref<80x128xf32, #tpu.memory_space<vmem>>
      %dma_wait3A_74 = arith.constant 0 : i32
      %dma_wait3A_75 = tpu.memref_slice %arg9[%add3A_15, %dma_wait3A_74] : memref<10240x128xf32, #tpu.memory_space<vmem_shared>> -> memref<80x128xf32, #tpu.memory_space<vmem_shared>>
      %dma_wait3A_76 = arith.constant 0 : i32
      %dma_wait3A_77 = tpu.memref_slice %arg9[%add3A_15, %dma_wait3A_76] : memref<10240x128xf32, #tpu.memory_space<vmem_shared>> -> memref<80x128xf32, #tpu.memory_space<vmem_shared>>
      %dma_wait3A_78 = arith.constant 0 : i32
      %dma_wait3A_79 = arith.constant 0 : i32
      %dma_wait3A_80 = tpu.memref_slice %arg8[%run_scoped3A_16, %dma_wait3A_78, %dma_wait3A_79] : memref<4x80x128xf32, #tpu.memory_space<vmem>> -> memref<1x80x128xf32, #tpu.memory_space<vmem>>
      %dma_wait3A_81 = tpu.memref_squeeze %dma_wait3A_80 : memref<1x80x128xf32, #tpu.memory_space<vmem>> -> memref<80x128xf32, #tpu.memory_space<vmem>>
      tpu.wait_dma2 semaphore(%run_scoped3A_59 : memref<!tpu.dma_semaphore, #tpu.memory_space<semaphore_mem>>) src(%dma_wait3A_81 : memref<80x128xf32, #tpu.memory_space<vmem>>) dst(%dma_wait3A_77 : memref<80x128xf32, #tpu.memory_space<vmem_shared>>)
      tpu.yield
    }) : () -> ()
    %mul3A_17 = arith.constant 640 : i32
    %mul3A_18 = arith.muli %arg1, %mul3A_17 : i32
    %add3A_19 = arith.constant 160 : i32
    %add3A_20 = arith.addi %mul3A_18, %add3A_19 : i32
    %run_scoped3A_21 = arith.constant 0 : i32
    "tpu.region"() ({
      %run_scoped3A_59 = tpu.sem_alloc : memref<!tpu.dma_semaphore, #tpu.memory_space<semaphore_mem>>
      %dma_start3A = arith.constant 0 : i32
      %dma_start3A_60 = arith.constant 0 : i32
      %dma_start3A_61 = tpu.memref_slice %arg8[%run_scoped3A_21, %dma_start3A, %dma_start3A_60] : memref<4x80x128xf32, #tpu.memory_space<vmem>> -> memref<1x80x128xf32, #tpu.memory_space<vmem>>
      %dma_start3A_62 = tpu.memref_squeeze %dma_start3A_61 : memref<1x80x128xf32, #tpu.memory_space<vmem>> -> memref<80x128xf32, #tpu.memory_space<vmem>>
      %dma_start3A_63 = arith.constant 0 : i32
      %dma_start3A_64 = tpu.memref_slice %arg9[%add3A_20, %dma_start3A_63] : memref<10240x128xf32, #tpu.memory_space<vmem_shared>> -> memref<80x128xf32, #tpu.memory_space<vmem_shared>>
      %dma_start3A_65 = arith.constant 0 : i32
      %dma_start3A_66 = tpu.memref_slice %arg9[%add3A_20, %dma_start3A_65] : memref<10240x128xf32, #tpu.memory_space<vmem_shared>> -> memref<80x128xf32, #tpu.memory_space<vmem_shared>>
      %dma_start3A_67 = arith.constant 0 : i32
      %dma_start3A_68 = arith.constant 0 : i32
      %dma_start3A_69 = tpu.memref_slice %arg8[%run_scoped3A_21, %dma_start3A_67, %dma_start3A_68] : memref<4x80x128xf32, #tpu.memory_space<vmem>> -> memref<1x80x128xf32, #tpu.memory_space<vmem>>
      %dma_start3A_70 = tpu.memref_squeeze %dma_start3A_69 : memref<1x80x128xf32, #tpu.memory_space<vmem>> -> memref<80x128xf32, #tpu.memory_space<vmem>>
      tpu.enqueue_dma source(%dma_start3A_70 : memref<80x128xf32, #tpu.memory_space<vmem>>) target(%dma_start3A_66 : memref<80x128xf32, #tpu.memory_space<vmem_shared>>) target_semaphore(%run_scoped3A_59 : memref<!tpu.dma_semaphore, #tpu.memory_space<semaphore_mem>>)
      %dma_wait3A = arith.constant 0 : i32
      %dma_wait3A_71 = arith.constant 0 : i32
      %dma_wait3A_72 = tpu.memref_slice %arg8[%run_scoped3A_21, %dma_wait3A, %dma_wait3A_71] : memref<4x80x128xf32, #tpu.memory_space<vmem>> -> memref<1x80x128xf32, #tpu.memory_space<vmem>>
      %dma_wait3A_73 = tpu.memref_squeeze %dma_wait3A_72 : memref<1x80x128xf32, #tpu.memory_space<vmem>> -> memref<80x128xf32, #tpu.memory_space<vmem>>
      %dma_wait3A_74 = arith.constant 0 : i32
      %dma_wait3A_75 = tpu.memref_slice %arg9[%add3A_20, %dma_wait3A_74] : memref<10240x128xf32, #tpu.memory_space<vmem_shared>> -> memref<80x128xf32, #tpu.memory_space<vmem_shared>>
      %dma_wait3A_76 = arith.constant 0 : i32
      %dma_wait3A_77 = tpu.memref_slice %arg9[%add3A_20, %dma_wait3A_76] : memref<10240x128xf32, #tpu.memory_space<vmem_shared>> -> memref<80x128xf32, #tpu.memory_space<vmem_shared>>
      %dma_wait3A_78 = arith.constant 0 : i32
      %dma_wait3A_79 = arith.constant 0 : i32
      %dma_wait3A_80 = tpu.memref_slice %arg8[%run_scoped3A_21, %dma_wait3A_78, %dma_wait3A_79] : memref<4x80x128xf32, #tpu.memory_space<vmem>> -> memref<1x80x128xf32, #tpu.memory_space<vmem>>
      %dma_wait3A_81 = tpu.memref_squeeze %dma_wait3A_80 : memref<1x80x128xf32, #tpu.memory_space<vmem>> -> memref<80x128xf32, #tpu.memory_space<vmem>>
      tpu.wait_dma2 semaphore(%run_scoped3A_59 : memref<!tpu.dma_semaphore, #tpu.memory_space<semaphore_mem>>) src(%dma_wait3A_81 : memref<80x128xf32, #tpu.memory_space<vmem>>) dst(%dma_wait3A_77 : memref<80x128xf32, #tpu.memory_space<vmem_shared>>)
      tpu.yield
    }) : () -> ()
    %mul3A_22 = arith.constant 640 : i32
    %mul3A_23 = arith.muli %arg1, %mul3A_22 : i32
    %add3A_24 = arith.constant 240 : i32
    %add3A_25 = arith.addi %mul3A_23, %add3A_24 : i32
    %run_scoped3A_26 = arith.constant 0 : i32
    "tpu.region"() ({
      %run_scoped3A_59 = tpu.sem_alloc : memref<!tpu.dma_semaphore, #tpu.memory_space<semaphore_mem>>
      %dma_start3A = arith.constant 0 : i32
      %dma_start3A_60 = arith.constant 0 : i32
      %dma_start3A_61 = tpu.memref_slice %arg8[%run_scoped3A_26, %dma_start3A, %dma_start3A_60] : memref<4x80x128xf32, #tpu.memory_space<vmem>> -> memref<1x80x128xf32, #tpu.memory_space<vmem>>
      %dma_start3A_62 = tpu.memref_squeeze %dma_start3A_61 : memref<1x80x128xf32, #tpu.memory_space<vmem>> -> memref<80x128xf32, #tpu.memory_space<vmem>>
      %dma_start3A_63 = arith.constant 0 : i32
      %dma_start3A_64 = tpu.memref_slice %arg9[%add3A_25, %dma_start3A_63] : memref<10240x128xf32, #tpu.memory_space<vmem_shared>> -> memref<80x128xf32, #tpu.memory_space<vmem_shared>>
      %dma_start3A_65 = arith.constant 0 : i32
      %dma_start3A_66 = tpu.memref_slice %arg9[%add3A_25, %dma_start3A_65] : memref<10240x128xf32, #tpu.memory_space<vmem_shared>> -> memref<80x128xf32, #tpu.memory_space<vmem_shared>>
      %dma_start3A_67 = arith.constant 0 : i32
      %dma_start3A_68 = arith.constant 0 : i32
      %dma_start3A_69 = tpu.memref_slice %arg8[%run_scoped3A_26, %dma_start3A_67, %dma_start3A_68] : memref<4x80x128xf32, #tpu.memory_space<vmem>> -> memref<1x80x128xf32, #tpu.memory_space<vmem>>
      %dma_start3A_70 = tpu.memref_squeeze %dma_start3A_69 : memref<1x80x128xf32, #tpu.memory_space<vmem>> -> memref<80x128xf32, #tpu.memory_space<vmem>>
      tpu.enqueue_dma source(%dma_start3A_70 : memref<80x128xf32, #tpu.memory_space<vmem>>) target(%dma_start3A_66 : memref<80x128xf32, #tpu.memory_space<vmem_shared>>) target_semaphore(%run_scoped3A_59 : memref<!tpu.dma_semaphore, #tpu.memory_space<semaphore_mem>>)
      %dma_wait3A = arith.constant 0 : i32
      %dma_wait3A_71 = arith.constant 0 : i32
      %dma_wait3A_72 = tpu.memref_slice %arg8[%run_scoped3A_26, %dma_wait3A, %dma_wait3A_71] : memref<4x80x128xf32, #tpu.memory_space<vmem>> -> memref<1x80x128xf32, #tpu.memory_space<vmem>>
      %dma_wait3A_73 = tpu.memref_squeeze %dma_wait3A_72 : memref<1x80x128xf32, #tpu.memory_space<vmem>> -> memref<80x128xf32, #tpu.memory_space<vmem>>
      %dma_wait3A_74 = arith.constant 0 : i32
      %dma_wait3A_75 = tpu.memref_slice %arg9[%add3A_25, %dma_wait3A_74] : memref<10240x128xf32, #tpu.memory_space<vmem_shared>> -> memref<80x128xf32, #tpu.memory_space<vmem_shared>>
      %dma_wait3A_76 = arith.constant 0 : i32
      %dma_wait3A_77 = tpu.memref_slice %arg9[%add3A_25, %dma_wait3A_76] : memref<10240x128xf32, #tpu.memory_space<vmem_shared>> -> memref<80x128xf32, #tpu.memory_space<vmem_shared>>
      %dma_wait3A_78 = arith.constant 0 : i32
      %dma_wait3A_79 = arith.constant 0 : i32
      %dma_wait3A_80 = tpu.memref_slice %arg8[%run_scoped3A_26, %dma_wait3A_78, %dma_wait3A_79] : memref<4x80x128xf32, #tpu.memory_space<vmem>> -> memref<1x80x128xf32, #tpu.memory_space<vmem>>
      %dma_wait3A_81 = tpu.memref_squeeze %dma_wait3A_80 : memref<1x80x128xf32, #tpu.memory_space<vmem>> -> memref<80x128xf32, #tpu.memory_space<vmem>>
      tpu.wait_dma2 semaphore(%run_scoped3A_59 : memref<!tpu.dma_semaphore, #tpu.memory_space<semaphore_mem>>) src(%dma_wait3A_81 : memref<80x128xf32, #tpu.memory_space<vmem>>) dst(%dma_wait3A_77 : memref<80x128xf32, #tpu.memory_space<vmem_shared>>)
      tpu.yield
    }) : () -> ()
    %mul3A_27 = arith.constant 640 : i32
    %mul3A_28 = arith.muli %arg1, %mul3A_27 : i32
    %add3A_29 = arith.constant 320 : i32
    %add3A_30 = arith.addi %mul3A_28, %add3A_29 : i32
    %run_scoped3A_31 = arith.constant 0 : i32
    "tpu.region"() ({
      %run_scoped3A_59 = tpu.sem_alloc : memref<!tpu.dma_semaphore, #tpu.memory_space<semaphore_mem>>
      %dma_start3A = arith.constant 0 : i32
      %dma_start3A_60 = arith.constant 0 : i32
      %dma_start3A_61 = tpu.memref_slice %arg8[%run_scoped3A_31, %dma_start3A, %dma_start3A_60] : memref<4x80x128xf32, #tpu.memory_space<vmem>> -> memref<1x80x128xf32, #tpu.memory_space<vmem>>
      %dma_start3A_62 = tpu.memref_squeeze %dma_start3A_61 : memref<1x80x128xf32, #tpu.memory_space<vmem>> -> memref<80x128xf32, #tpu.memory_space<vmem>>
      %dma_start3A_63 = arith.constant 0 : i32
      %dma_start3A_64 = tpu.memref_slice %arg9[%add3A_30, %dma_start3A_63] : memref<10240x128xf32, #tpu.memory_space<vmem_shared>> -> memref<80x128xf32, #tpu.memory_space<vmem_shared>>
      %dma_start3A_65 = arith.constant 0 : i32
      %dma_start3A_66 = tpu.memref_slice %arg9[%add3A_30, %dma_start3A_65] : memref<10240x128xf32, #tpu.memory_space<vmem_shared>> -> memref<80x128xf32, #tpu.memory_space<vmem_shared>>
      %dma_start3A_67 = arith.constant 0 : i32
      %dma_start3A_68 = arith.constant 0 : i32
      %dma_start3A_69 = tpu.memref_slice %arg8[%run_scoped3A_31, %dma_start3A_67, %dma_start3A_68] : memref<4x80x128xf32, #tpu.memory_space<vmem>> -> memref<1x80x128xf32, #tpu.memory_space<vmem>>
      %dma_start3A_70 = tpu.memref_squeeze %dma_start3A_69 : memref<1x80x128xf32, #tpu.memory_space<vmem>> -> memref<80x128xf32, #tpu.memory_space<vmem>>
      tpu.enqueue_dma source(%dma_start3A_70 : memref<80x128xf32, #tpu.memory_space<vmem>>) target(%dma_start3A_66 : memref<80x128xf32, #tpu.memory_space<vmem_shared>>) target_semaphore(%run_scoped3A_59 : memref<!tpu.dma_semaphore, #tpu.memory_space<semaphore_mem>>)
      %dma_wait3A = arith.constant 0 : i32
      %dma_wait3A_71 = arith.constant 0 : i32
      %dma_wait3A_72 = tpu.memref_slice %arg8[%run_scoped3A_31, %dma_wait3A, %dma_wait3A_71] : memref<4x80x128xf32, #tpu.memory_space<vmem>> -> memref<1x80x128xf32, #tpu.memory_space<vmem>>
      %dma_wait3A_73 = tpu.memref_squeeze %dma_wait3A_72 : memref<1x80x128xf32, #tpu.memory_space<vmem>> -> memref<80x128xf32, #tpu.memory_space<vmem>>
      %dma_wait3A_74 = arith.constant 0 : i32
      %dma_wait3A_75 = tpu.memref_slice %arg9[%add3A_30, %dma_wait3A_74] : memref<10240x128xf32, #tpu.memory_space<vmem_shared>> -> memref<80x128xf32, #tpu.memory_space<vmem_shared>>
      %dma_wait3A_76 = arith.constant 0 : i32
      %dma_wait3A_77 = tpu.memref_slice %arg9[%add3A_30, %dma_wait3A_76] : memref<10240x128xf32, #tpu.memory_space<vmem_shared>> -> memref<80x128xf32, #tpu.memory_space<vmem_shared>>
      %dma_wait3A_78 = arith.constant 0 : i32
      %dma_wait3A_79 = arith.constant 0 : i32
      %dma_wait3A_80 = tpu.memref_slice %arg8[%run_scoped3A_31, %dma_wait3A_78, %dma_wait3A_79] : memref<4x80x128xf32, #tpu.memory_space<vmem>> -> memref<1x80x128xf32, #tpu.memory_space<vmem>>
      %dma_wait3A_81 = tpu.memref_squeeze %dma_wait3A_80 : memref<1x80x128xf32, #tpu.memory_space<vmem>> -> memref<80x128xf32, #tpu.memory_space<vmem>>
      tpu.wait_dma2 semaphore(%run_scoped3A_59 : memref<!tpu.dma_semaphore, #tpu.memory_space<semaphore_mem>>) src(%dma_wait3A_81 : memref<80x128xf32, #tpu.memory_space<vmem>>) dst(%dma_wait3A_77 : memref<80x128xf32, #tpu.memory_space<vmem_shared>>)
      tpu.yield
    }) : () -> ()
    %mul3A_32 = arith.constant 640 : i32
    %mul3A_33 = arith.muli %arg1, %mul3A_32 : i32
    %add3A_34 = arith.constant 400 : i32
    %add3A_35 = arith.addi %mul3A_33, %add3A_34 : i32
    %run_scoped3A_36 = arith.constant 0 : i32
    "tpu.region"() ({
      %run_scoped3A_59 = tpu.sem_alloc : memref<!tpu.dma_semaphore, #tpu.memory_space<semaphore_mem>>
      %dma_start3A = arith.constant 0 : i32
      %dma_start3A_60 = arith.constant 0 : i32
      %dma_start3A_61 = tpu.memref_slice %arg8[%run_scoped3A_36, %dma_start3A, %dma_start3A_60] : memref<4x80x128xf32, #tpu.memory_space<vmem>> -> memref<1x80x128xf32, #tpu.memory_space<vmem>>
      %dma_start3A_62 = tpu.memref_squeeze %dma_start3A_61 : memref<1x80x128xf32, #tpu.memory_space<vmem>> -> memref<80x128xf32, #tpu.memory_space<vmem>>
      %dma_start3A_63 = arith.constant 0 : i32
      %dma_start3A_64 = tpu.memref_slice %arg9[%add3A_35, %dma_start3A_63] : memref<10240x128xf32, #tpu.memory_space<vmem_shared>> -> memref<80x128xf32, #tpu.memory_space<vmem_shared>>
      %dma_start3A_65 = arith.constant 0 : i32
      %dma_start3A_66 = tpu.memref_slice %arg9[%add3A_35, %dma_start3A_65] : memref<10240x128xf32, #tpu.memory_space<vmem_shared>> -> memref<80x128xf32, #tpu.memory_space<vmem_shared>>
      %dma_start3A_67 = arith.constant 0 : i32
      %dma_start3A_68 = arith.constant 0 : i32
      %dma_start3A_69 = tpu.memref_slice %arg8[%run_scoped3A_36, %dma_start3A_67, %dma_start3A_68] : memref<4x80x128xf32, #tpu.memory_space<vmem>> -> memref<1x80x128xf32, #tpu.memory_space<vmem>>
      %dma_start3A_70 = tpu.memref_squeeze %dma_start3A_69 : memref<1x80x128xf32, #tpu.memory_space<vmem>> -> memref<80x128xf32, #tpu.memory_space<vmem>>
      tpu.enqueue_dma source(%dma_start3A_70 : memref<80x128xf32, #tpu.memory_space<vmem>>) target(%dma_start3A_66 : memref<80x128xf32, #tpu.memory_space<vmem_shared>>) target_semaphore(%run_scoped3A_59 : memref<!tpu.dma_semaphore, #tpu.memory_space<semaphore_mem>>)
      %dma_wait3A = arith.constant 0 : i32
      %dma_wait3A_71 = arith.constant 0 : i32
      %dma_wait3A_72 = tpu.memref_slice %arg8[%run_scoped3A_36, %dma_wait3A, %dma_wait3A_71] : memref<4x80x128xf32, #tpu.memory_space<vmem>> -> memref<1x80x128xf32, #tpu.memory_space<vmem>>
      %dma_wait3A_73 = tpu.memref_squeeze %dma_wait3A_72 : memref<1x80x128xf32, #tpu.memory_space<vmem>> -> memref<80x128xf32, #tpu.memory_space<vmem>>
      %dma_wait3A_74 = arith.constant 0 : i32
      %dma_wait3A_75 = tpu.memref_slice %arg9[%add3A_35, %dma_wait3A_74] : memref<10240x128xf32, #tpu.memory_space<vmem_shared>> -> memref<80x128xf32, #tpu.memory_space<vmem_shared>>
      %dma_wait3A_76 = arith.constant 0 : i32
      %dma_wait3A_77 = tpu.memref_slice %arg9[%add3A_35, %dma_wait3A_76] : memref<10240x128xf32, #tpu.memory_space<vmem_shared>> -> memref<80x128xf32, #tpu.memory_space<vmem_shared>>
      %dma_wait3A_78 = arith.constant 0 : i32
      %dma_wait3A_79 = arith.constant 0 : i32
      %dma_wait3A_80 = tpu.memref_slice %arg8[%run_scoped3A_36, %dma_wait3A_78, %dma_wait3A_79] : memref<4x80x128xf32, #tpu.memory_space<vmem>> -> memref<1x80x128xf32, #tpu.memory_space<vmem>>
      %dma_wait3A_81 = tpu.memref_squeeze %dma_wait3A_80 : memref<1x80x128xf32, #tpu.memory_space<vmem>> -> memref<80x128xf32, #tpu.memory_space<vmem>>
      tpu.wait_dma2 semaphore(%run_scoped3A_59 : memref<!tpu.dma_semaphore, #tpu.memory_space<semaphore_mem>>) src(%dma_wait3A_81 : memref<80x128xf32, #tpu.memory_space<vmem>>) dst(%dma_wait3A_77 : memref<80x128xf32, #tpu.memory_space<vmem_shared>>)
      tpu.yield
    }) : () -> ()
    %mul3A_37 = arith.constant 640 : i32
    %mul3A_38 = arith.muli %arg1, %mul3A_37 : i32
    %add3A_39 = arith.constant 480 : i32
    %add3A_40 = arith.addi %mul3A_38, %add3A_39 : i32
    %run_scoped3A_41 = arith.constant 0 : i32
    "tpu.region"() ({
      %run_scoped3A_59 = tpu.sem_alloc : memref<!tpu.dma_semaphore, #tpu.memory_space<semaphore_mem>>
      %dma_start3A = arith.constant 0 : i32
      %dma_start3A_60 = arith.constant 0 : i32
      %dma_start3A_61 = tpu.memref_slice %arg8[%run_scoped3A_41, %dma_start3A, %dma_start3A_60] : memref<4x80x128xf32, #tpu.memory_space<vmem>> -> memref<1x80x128xf32, #tpu.memory_space<vmem>>
      %dma_start3A_62 = tpu.memref_squeeze %dma_start3A_61 : memref<1x80x128xf32, #tpu.memory_space<vmem>> -> memref<80x128xf32, #tpu.memory_space<vmem>>
      %dma_start3A_63 = arith.constant 0 : i32
      %dma_start3A_64 = tpu.memref_slice %arg9[%add3A_40, %dma_start3A_63] : memref<10240x128xf32, #tpu.memory_space<vmem_shared>> -> memref<80x128xf32, #tpu.memory_space<vmem_shared>>
      %dma_start3A_65 = arith.constant 0 : i32
      %dma_start3A_66 = tpu.memref_slice %arg9[%add3A_40, %dma_start3A_65] : memref<10240x128xf32, #tpu.memory_space<vmem_shared>> -> memref<80x128xf32, #tpu.memory_space<vmem_shared>>
      %dma_start3A_67 = arith.constant 0 : i32
      %dma_start3A_68 = arith.constant 0 : i32
      %dma_start3A_69 = tpu.memref_slice %arg8[%run_scoped3A_41, %dma_start3A_67, %dma_start3A_68] : memref<4x80x128xf32, #tpu.memory_space<vmem>> -> memref<1x80x128xf32, #tpu.memory_space<vmem>>
      %dma_start3A_70 = tpu.memref_squeeze %dma_start3A_69 : memref<1x80x128xf32, #tpu.memory_space<vmem>> -> memref<80x128xf32, #tpu.memory_space<vmem>>
      tpu.enqueue_dma source(%dma_start3A_70 : memref<80x128xf32, #tpu.memory_space<vmem>>) target(%dma_start3A_66 : memref<80x128xf32, #tpu.memory_space<vmem_shared>>) target_semaphore(%run_scoped3A_59 : memref<!tpu.dma_semaphore, #tpu.memory_space<semaphore_mem>>)
      %dma_wait3A = arith.constant 0 : i32
      %dma_wait3A_71 = arith.constant 0 : i32
      %dma_wait3A_72 = tpu.memref_slice %arg8[%run_scoped3A_41, %dma_wait3A, %dma_wait3A_71] : memref<4x80x128xf32, #tpu.memory_space<vmem>> -> memref<1x80x128xf32, #tpu.memory_space<vmem>>
      %dma_wait3A_73 = tpu.memref_squeeze %dma_wait3A_72 : memref<1x80x128xf32, #tpu.memory_space<vmem>> -> memref<80x128xf32, #tpu.memory_space<vmem>>
      %dma_wait3A_74 = arith.constant 0 : i32
      %dma_wait3A_75 = tpu.memref_slice %arg9[%add3A_40, %dma_wait3A_74] : memref<10240x128xf32, #tpu.memory_space<vmem_shared>> -> memref<80x128xf32, #tpu.memory_space<vmem_shared>>
      %dma_wait3A_76 = arith.constant 0 : i32
      %dma_wait3A_77 = tpu.memref_slice %arg9[%add3A_40, %dma_wait3A_76] : memref<10240x128xf32, #tpu.memory_space<vmem_shared>> -> memref<80x128xf32, #tpu.memory_space<vmem_shared>>
      %dma_wait3A_78 = arith.constant 0 : i32
      %dma_wait3A_79 = arith.constant 0 : i32
      %dma_wait3A_80 = tpu.memref_slice %arg8[%run_scoped3A_41, %dma_wait3A_78, %dma_wait3A_79] : memref<4x80x128xf32, #tpu.memory_space<vmem>> -> memref<1x80x128xf32, #tpu.memory_space<vmem>>
      %dma_wait3A_81 = tpu.memref_squeeze %dma_wait3A_80 : memref<1x80x128xf32, #tpu.memory_space<vmem>> -> memref<80x128xf32, #tpu.memory_space<vmem>>
      tpu.wait_dma2 semaphore(%run_scoped3A_59 : memref<!tpu.dma_semaphore, #tpu.memory_space<semaphore_mem>>) src(%dma_wait3A_81 : memref<80x128xf32, #tpu.memory_space<vmem>>) dst(%dma_wait3A_77 : memref<80x128xf32, #tpu.memory_space<vmem_shared>>)
      tpu.yield
    }) : () -> ()
    %mul3A_42 = arith.constant 640 : i32
    %mul3A_43 = arith.muli %arg1, %mul3A_42 : i32
    %add3A_44 = arith.constant 560 : i32
    %add3A_45 = arith.addi %mul3A_43, %add3A_44 : i32
    %run_scoped3A_46 = arith.constant 0 : i32
    "tpu.region"() ({
      %run_scoped3A_59 = tpu.sem_alloc : memref<!tpu.dma_semaphore, #tpu.memory_space<semaphore_mem>>
      %dma_start3A = arith.constant 0 : i32
      %dma_start3A_60 = arith.constant 0 : i32
      %dma_start3A_61 = tpu.memref_slice %arg8[%run_scoped3A_46, %dma_start3A, %dma_start3A_60] : memref<4x80x128xf32, #tpu.memory_space<vmem>> -> memref<1x80x128xf32, #tpu.memory_space<vmem>>
      %dma_start3A_62 = tpu.memref_squeeze %dma_start3A_61 : memref<1x80x128xf32, #tpu.memory_space<vmem>> -> memref<80x128xf32, #tpu.memory_space<vmem>>
      %dma_start3A_63 = arith.constant 0 : i32
      %dma_start3A_64 = tpu.memref_slice %arg9[%add3A_45, %dma_start3A_63] : memref<10240x128xf32, #tpu.memory_space<vmem_shared>> -> memref<80x128xf32, #tpu.memory_space<vmem_shared>>
      %dma_start3A_65 = arith.constant 0 : i32
      %dma_start3A_66 = tpu.memref_slice %arg9[%add3A_45, %dma_start3A_65] : memref<10240x128xf32, #tpu.memory_space<vmem_shared>> -> memref<80x128xf32, #tpu.memory_space<vmem_shared>>
      %dma_start3A_67 = arith.constant 0 : i32
      %dma_start3A_68 = arith.constant 0 : i32
      %dma_start3A_69 = tpu.memref_slice %arg8[%run_scoped3A_46, %dma_start3A_67, %dma_start3A_68] : memref<4x80x128xf32, #tpu.memory_space<vmem>> -> memref<1x80x128xf32, #tpu.memory_space<vmem>>
      %dma_start3A_70 = tpu.memref_squeeze %dma_start3A_69 : memref<1x80x128xf32, #tpu.memory_space<vmem>> -> memref<80x128xf32, #tpu.memory_space<vmem>>
      tpu.enqueue_dma source(%dma_start3A_70 : memref<80x128xf32, #tpu.memory_space<vmem>>) target(%dma_start3A_66 : memref<80x128xf32, #tpu.memory_space<vmem_shared>>) target_semaphore(%run_scoped3A_59 : memref<!tpu.dma_semaphore, #tpu.memory_space<semaphore_mem>>)
      %dma_wait3A = arith.constant 0 : i32
      %dma_wait3A_71 = arith.constant 0 : i32
      %dma_wait3A_72 = tpu.memref_slice %arg8[%run_scoped3A_46, %dma_wait3A, %dma_wait3A_71] : memref<4x80x128xf32, #tpu.memory_space<vmem>> -> memref<1x80x128xf32, #tpu.memory_space<vmem>>
      %dma_wait3A_73 = tpu.memref_squeeze %dma_wait3A_72 : memref<1x80x128xf32, #tpu.memory_space<vmem>> -> memref<80x128xf32, #tpu.memory_space<vmem>>
      %dma_wait3A_74 = arith.constant 0 : i32
      %dma_wait3A_75 = tpu.memref_slice %arg9[%add3A_45, %dma_wait3A_74] : memref<10240x128xf32, #tpu.memory_space<vmem_shared>> -> memref<80x128xf32, #tpu.memory_space<vmem_shared>>
      %dma_wait3A_76 = arith.constant 0 : i32
      %dma_wait3A_77 = tpu.memref_slice %arg9[%add3A_45, %dma_wait3A_76] : memref<10240x128xf32, #tpu.memory_space<vmem_shared>> -> memref<80x128xf32, #tpu.memory_space<vmem_shared>>
      %dma_wait3A_78 = arith.constant 0 : i32
      %dma_wait3A_79 = arith.constant 0 : i32
      %dma_wait3A_80 = tpu.memref_slice %arg8[%run_scoped3A_46, %dma_wait3A_78, %dma_wait3A_79] : memref<4x80x128xf32, #tpu.memory_space<vmem>> -> memref<1x80x128xf32, #tpu.memory_space<vmem>>
      %dma_wait3A_81 = tpu.memref_squeeze %dma_wait3A_80 : memref<1x80x128xf32, #tpu.memory_space<vmem>> -> memref<80x128xf32, #tpu.memory_space<vmem>>
      tpu.wait_dma2 semaphore(%run_scoped3A_59 : memref<!tpu.dma_semaphore, #tpu.memory_space<semaphore_mem>>) src(%dma_wait3A_81 : memref<80x128xf32, #tpu.memory_space<vmem>>) dst(%dma_wait3A_77 : memref<80x128xf32, #tpu.memory_space<vmem_shared>>)
      tpu.yield
    }) : () -> ()
    %barrier3A = arith.constant 0 : index
    tpu.barrier barrier_id(%barrier3A)
    %scan3A_47 = arith.constant 0 : i32
    %scan3A_48 = arith.constant 0 : i32
    %scan3A_49 = arith.constant 4 : i32
    %scan3A_50 = arith.addi %scan3A_48, %scan3A_49 : i32
    %scan3A_51 = arith.constant 1 : i32
    %scan3A_52 = scf.for %scan3A_59 = %scan3A_48 to %scan3A_50 step %scan3A_51 iter_args(%scan3A_60 = %scan3A_47) -> (i32)  : i32 {
      %mul3A_61 = arith.constant 32 : i32
      %mul3A_62 = arith.muli %scan3A_59, %mul3A_61 : i32
      "tpu.region"() ({
        %run_scoped3A_122 = tpu.sem_alloc : memref<!tpu.dma_semaphore, #tpu.memory_space<semaphore_mem>>
        %dma_start3A_123 = arith.constant 0 : i32
        %dma_start3A_124 = arith.constant 0 : i32
        %dma_start3A_125 = tpu.memref_slice %arg3[%add3A, %dma_start3A_123, %dma_start3A_124] : memref<32x128x80xi32, #tpu.memory_space<hbm>> -> memref<1x128x80xi32, #tpu.memory_space<hbm>>
        %dma_start3A_126 = tpu.memref_squeeze %dma_start3A_125 : memref<1x128x80xi32, #tpu.memory_space<hbm>> -> memref<128x80xi32, #tpu.memory_space<hbm>>
        %dma_start3A_127 = arith.constant 0 : i32
        %dma_start3A_128 = tpu.memref_slice %dma_start3A_126[%mul3A_62, %dma_start3A_127] : memref<128x80xi32, #tpu.memory_space<hbm>> -> memref<32x80xi32, #tpu.memory_space<hbm>>
        %dma_start3A_129 = arith.constant 0 : i32
        %dma_start3A_130 = arith.constant 0 : i32
        %dma_start3A_131 = tpu.memref_slice %arg3[%add3A, %dma_start3A_129, %dma_start3A_130] : memref<32x128x80xi32, #tpu.memory_space<hbm>> -> memref<1x128x80xi32, #tpu.memory_space<hbm>>
        %dma_start3A_132 = tpu.memref_squeeze %dma_start3A_131 : memref<1x128x80xi32, #tpu.memory_space<hbm>> -> memref<128x80xi32, #tpu.memory_space<hbm>>
        %dma_start3A_133 = arith.constant 0 : i32
        %dma_start3A_134 = tpu.memref_slice %dma_start3A_132[%mul3A_62, %dma_start3A_133] : memref<128x80xi32, #tpu.memory_space<hbm>> -> memref<32x80xi32, #tpu.memory_space<hbm>>
        tpu.enqueue_dma source(%dma_start3A_134 : memref<32x80xi32, #tpu.memory_space<hbm>>) target(%arg6 : memref<32x80xi32, #tpu.memory_space<vmem>>) target_semaphore(%run_scoped3A_122 : memref<!tpu.dma_semaphore, #tpu.memory_space<semaphore_mem>>)
        %dma_wait3A_135 = arith.constant 0 : i32
        %dma_wait3A_136 = arith.constant 0 : i32
        %dma_wait3A_137 = tpu.memref_slice %arg3[%add3A, %dma_wait3A_135, %dma_wait3A_136] : memref<32x128x80xi32, #tpu.memory_space<hbm>> -> memref<1x128x80xi32, #tpu.memory_space<hbm>>
        %dma_wait3A_138 = tpu.memref_squeeze %dma_wait3A_137 : memref<1x128x80xi32, #tpu.memory_space<hbm>> -> memref<128x80xi32, #tpu.memory_space<hbm>>
        %dma_wait3A_139 = arith.constant 0 : i32
        %dma_wait3A_140 = tpu.memref_slice %dma_wait3A_138[%mul3A_62, %dma_wait3A_139] : memref<128x80xi32, #tpu.memory_space<hbm>> -> memref<32x80xi32, #tpu.memory_space<hbm>>
        %dma_wait3A_141 = arith.constant 0 : i32
        %dma_wait3A_142 = arith.constant 0 : i32
        %dma_wait3A_143 = tpu.memref_slice %arg3[%add3A, %dma_wait3A_141, %dma_wait3A_142] : memref<32x128x80xi32, #tpu.memory_space<hbm>> -> memref<1x128x80xi32, #tpu.memory_space<hbm>>
        %dma_wait3A_144 = tpu.memref_squeeze %dma_wait3A_143 : memref<1x128x80xi32, #tpu.memory_space<hbm>> -> memref<128x80xi32, #tpu.memory_space<hbm>>
        %dma_wait3A_145 = arith.constant 0 : i32
        %dma_wait3A_146 = tpu.memref_slice %dma_wait3A_144[%mul3A_62, %dma_wait3A_145] : memref<128x80xi32, #tpu.memory_space<hbm>> -> memref<32x80xi32, #tpu.memory_space<hbm>>
        tpu.wait_dma2 semaphore(%run_scoped3A_122 : memref<!tpu.dma_semaphore, #tpu.memory_space<semaphore_mem>>) src(%dma_wait3A_146 : memref<32x80xi32, #tpu.memory_space<hbm>>) dst(%arg6 : memref<32x80xi32, #tpu.memory_space<vmem>>)
        tpu.yield
      }) : () -> ()
      %mul3A_63 = arith.constant 32 : i32
      %mul3A_64 = arith.muli %scan3A_59, %mul3A_63 : i32
      "tpu.region"() ({
        %run_scoped3A_122 = tpu.sem_alloc : memref<!tpu.dma_semaphore, #tpu.memory_space<semaphore_mem>>
        %dma_start3A_123 = arith.constant 0 : i32
        %dma_start3A_124 = arith.constant 0 : i32
        %dma_start3A_125 = tpu.memref_slice %arg4[%add3A, %dma_start3A_123, %dma_start3A_124] : memref<32x128x80xi32, #tpu.memory_space<hbm>> -> memref<1x128x80xi32, #tpu.memory_space<hbm>>
        %dma_start3A_126 = tpu.memref_squeeze %dma_start3A_125 : memref<1x128x80xi32, #tpu.memory_space<hbm>> -> memref<128x80xi32, #tpu.memory_space<hbm>>
        %dma_start3A_127 = arith.constant 0 : i32
        %dma_start3A_128 = tpu.memref_slice %dma_start3A_126[%mul3A_64, %dma_start3A_127] : memref<128x80xi32, #tpu.memory_space<hbm>> -> memref<32x80xi32, #tpu.memory_space<hbm>>
        %dma_start3A_129 = arith.constant 0 : i32
        %dma_start3A_130 = arith.constant 0 : i32
        %dma_start3A_131 = tpu.memref_slice %arg4[%add3A, %dma_start3A_129, %dma_start3A_130] : memref<32x128x80xi32, #tpu.memory_space<hbm>> -> memref<1x128x80xi32, #tpu.memory_space<hbm>>
        %dma_start3A_132 = tpu.memref_squeeze %dma_start3A_131 : memref<1x128x80xi32, #tpu.memory_space<hbm>> -> memref<128x80xi32, #tpu.memory_space<hbm>>
        %dma_start3A_133 = arith.constant 0 : i32
        %dma_start3A_134 = tpu.memref_slice %dma_start3A_132[%mul3A_64, %dma_start3A_133] : memref<128x80xi32, #tpu.memory_space<hbm>> -> memref<32x80xi32, #tpu.memory_space<hbm>>
        tpu.enqueue_dma source(%dma_start3A_134 : memref<32x80xi32, #tpu.memory_space<hbm>>) target(%arg7 : memref<32x80xi32, #tpu.memory_space<vmem>>) target_semaphore(%run_scoped3A_122 : memref<!tpu.dma_semaphore, #tpu.memory_space<semaphore_mem>>)
        %dma_wait3A_135 = arith.constant 0 : i32
        %dma_wait3A_136 = arith.constant 0 : i32
        %dma_wait3A_137 = tpu.memref_slice %arg4[%add3A, %dma_wait3A_135, %dma_wait3A_136] : memref<32x128x80xi32, #tpu.memory_space<hbm>> -> memref<1x128x80xi32, #tpu.memory_space<hbm>>
        %dma_wait3A_138 = tpu.memref_squeeze %dma_wait3A_137 : memref<1x128x80xi32, #tpu.memory_space<hbm>> -> memref<128x80xi32, #tpu.memory_space<hbm>>
        %dma_wait3A_139 = arith.constant 0 : i32
        %dma_wait3A_140 = tpu.memref_slice %dma_wait3A_138[%mul3A_64, %dma_wait3A_139] : memref<128x80xi32, #tpu.memory_space<hbm>> -> memref<32x80xi32, #tpu.memory_space<hbm>>
        %dma_wait3A_141 = arith.constant 0 : i32
        %dma_wait3A_142 = arith.constant 0 : i32
        %dma_wait3A_143 = tpu.memref_slice %arg4[%add3A, %dma_wait3A_141, %dma_wait3A_142] : memref<32x128x80xi32, #tpu.memory_space<hbm>> -> memref<1x128x80xi32, #tpu.memory_space<hbm>>
        %dma_wait3A_144 = tpu.memref_squeeze %dma_wait3A_143 : memref<1x128x80xi32, #tpu.memory_space<hbm>> -> memref<128x80xi32, #tpu.memory_space<hbm>>
        %dma_wait3A_145 = arith.constant 0 : i32
        %dma_wait3A_146 = tpu.memref_slice %dma_wait3A_144[%mul3A_64, %dma_wait3A_145] : memref<128x80xi32, #tpu.memory_space<hbm>> -> memref<32x80xi32, #tpu.memory_space<hbm>>
        tpu.wait_dma2 semaphore(%run_scoped3A_122 : memref<!tpu.dma_semaphore, #tpu.memory_space<semaphore_mem>>) src(%dma_wait3A_146 : memref<32x80xi32, #tpu.memory_space<hbm>>) dst(%arg7 : memref<32x80xi32, #tpu.memory_space<vmem>>)
        tpu.yield
      }) : () -> ()
      %dma_start3A = arith.constant 0 : i32
      %dma_start3A_65 = arith.constant 0 : i32
      %dma_start3A_66 = arith.constant 0 : i32
      %dma_start3A_67 = arith.constant 0 : i32
      %dma_start3A_68 = tpu.memref_slice %arg8[%dma_start3A_65, %dma_start3A_66, %dma_start3A_67] : memref<4x80x128xf32, #tpu.memory_space<vmem>> -> memref<1x80x128xf32, #tpu.memory_space<vmem>>
      %dma_start3A_69 = tpu.memref_squeeze %dma_start3A_68 : memref<1x80x128xf32, #tpu.memory_space<vmem>> -> memref<80x128xf32, #tpu.memory_space<vmem>>
      %dma_start3A_70 = arith.constant 0 : i32
      %dma_start3A_71 = tpu.memref_slice %arg6[%dma_start3A, %dma_start3A_70] : memref<32x80xi32, #tpu.memory_space<vmem>> -> memref<1x80xi32, #tpu.memory_space<vmem>>
      %dma_start3A_72 = tpu.memref_squeeze %dma_start3A_71 : memref<1x80xi32, #tpu.memory_space<vmem>> -> memref<80xi32, #tpu.memory_space<vmem>>
      %dma_start3A_73 = arith.constant 0 : i32
      %dma_start3A_74 = arith.constant 0 : i32
      %dma_start3A_75 = tpu.memref_slice %arg2[%dma_start3A_73, %dma_start3A_74] : memref<10240x128xf32, #tpu.memory_space<hbm>> -> memref<10240x128xf32, #tpu.memory_space<hbm>>
      tpu.enqueue_indirect_dma source(%dma_start3A_75 : memref<10240x128xf32, #tpu.memory_space<hbm>>) target(%dma_start3A_69 : memref<80x128xf32, #tpu.memory_space<vmem>>) offsets(%dma_start3A_72 : memref<80xi32, #tpu.memory_space<vmem>>) semaphore(%arg10 : memref<!tpu.dma_semaphore, #tpu.memory_space<semaphore_mem>>)
      %dma_start3A_76 = arith.constant 1 : i32
      %dma_start3A_77 = arith.constant 1 : i32
      %dma_start3A_78 = arith.constant 0 : i32
      %dma_start3A_79 = arith.constant 0 : i32
      %dma_start3A_80 = tpu.memref_slice %arg8[%dma_start3A_77, %dma_start3A_78, %dma_start3A_79] : memref<4x80x128xf32, #tpu.memory_space<vmem>> -> memref<1x80x128xf32, #tpu.memory_space<vmem>>
      %dma_start3A_81 = tpu.memref_squeeze %dma_start3A_80 : memref<1x80x128xf32, #tpu.memory_space<vmem>> -> memref<80x128xf32, #tpu.memory_space<vmem>>
      %dma_start3A_82 = arith.constant 0 : i32
      %dma_start3A_83 = tpu.memref_slice %arg6[%dma_start3A_76, %dma_start3A_82] : memref<32x80xi32, #tpu.memory_space<vmem>> -> memref<1x80xi32, #tpu.memory_space<vmem>>
      %dma_start3A_84 = tpu.memref_squeeze %dma_start3A_83 : memref<1x80xi32, #tpu.memory_space<vmem>> -> memref<80xi32, #tpu.memory_space<vmem>>
      %dma_start3A_85 = arith.constant 0 : i32
      %dma_start3A_86 = arith.constant 0 : i32
      %dma_start3A_87 = tpu.memref_slice %arg2[%dma_start3A_85, %dma_start3A_86] : memref<10240x128xf32, #tpu.memory_space<hbm>> -> memref<10240x128xf32, #tpu.memory_space<hbm>>
      tpu.enqueue_indirect_dma source(%dma_start3A_87 : memref<10240x128xf32, #tpu.memory_space<hbm>>) target(%dma_start3A_81 : memref<80x128xf32, #tpu.memory_space<vmem>>) offsets(%dma_start3A_84 : memref<80xi32, #tpu.memory_space<vmem>>) semaphore(%arg11 : memref<!tpu.dma_semaphore, #tpu.memory_space<semaphore_mem>>)
      %dma_start3A_88 = arith.constant 2 : i32
      %dma_start3A_89 = arith.constant 2 : i32
      %dma_start3A_90 = arith.constant 0 : i32
      %dma_start3A_91 = arith.constant 0 : i32
      %dma_start3A_92 = tpu.memref_slice %arg8[%dma_start3A_89, %dma_start3A_90, %dma_start3A_91] : memref<4x80x128xf32, #tpu.memory_space<vmem>> -> memref<1x80x128xf32, #tpu.memory_space<vmem>>
      %dma_start3A_93 = tpu.memref_squeeze %dma_start3A_92 : memref<1x80x128xf32, #tpu.memory_space<vmem>> -> memref<80x128xf32, #tpu.memory_space<vmem>>
      %dma_start3A_94 = arith.constant 0 : i32
      %dma_start3A_95 = tpu.memref_slice %arg6[%dma_start3A_88, %dma_start3A_94] : memref<32x80xi32, #tpu.memory_space<vmem>> -> memref<1x80xi32, #tpu.memory_space<vmem>>
      %dma_start3A_96 = tpu.memref_squeeze %dma_start3A_95 : memref<1x80xi32, #tpu.memory_space<vmem>> -> memref<80xi32, #tpu.memory_space<vmem>>
      %dma_start3A_97 = arith.constant 0 : i32
      %dma_start3A_98 = arith.constant 0 : i32
      %dma_start3A_99 = tpu.memref_slice %arg2[%dma_start3A_97, %dma_start3A_98] : memref<10240x128xf32, #tpu.memory_space<hbm>> -> memref<10240x128xf32, #tpu.memory_space<hbm>>
      tpu.enqueue_indirect_dma source(%dma_start3A_99 : memref<10240x128xf32, #tpu.memory_space<hbm>>) target(%dma_start3A_93 : memref<80x128xf32, #tpu.memory_space<vmem>>) offsets(%dma_start3A_96 : memref<80xi32, #tpu.memory_space<vmem>>) semaphore(%arg12 : memref<!tpu.dma_semaphore, #tpu.memory_space<semaphore_mem>>)
      %scan3A_100 = arith.constant 0 : i32
      %scan3A_101 = arith.constant 0 : i32
      %scan3A_102 = arith.constant 8 : i32
      %scan3A_103 = arith.addi %scan3A_101, %scan3A_102 : i32
      %scan3A_104 = arith.constant 1 : i32
      %scan3A_105 = scf.for %scan3A_122 = %scan3A_101 to %scan3A_103 step %scan3A_104 iter_args(%scan3A_123 = %scan3A_100) -> (i32)  : i32 {
        %mul3A_124 = arith.constant 4 : i32
        %mul3A_125 = arith.muli %mul3A_124, %scan3A_122 : i32
        %add3A_126 = arith.constant 0 : i32
        %add3A_127 = arith.addi %mul3A_125, %add3A_126 : i32
        %dma_wait3A_128 = arith.constant 0 : i32
        %dma_wait3A_129 = arith.constant 0 : i32
        %dma_wait3A_130 = arith.constant 0 : i32
        %dma_wait3A_131 = tpu.memref_slice %arg8[%dma_wait3A_128, %dma_wait3A_129, %dma_wait3A_130] : memref<4x80x128xf32, #tpu.memory_space<vmem>> -> memref<1x80x128xf32, #tpu.memory_space<vmem>>
        %dma_wait3A_132 = tpu.memref_squeeze %dma_wait3A_131 : memref<1x80x128xf32, #tpu.memory_space<vmem>> -> memref<80x128xf32, #tpu.memory_space<vmem>>
        %dma_wait3A_133 = arith.constant 0 : i32
        %dma_wait3A_134 = arith.constant 0 : i32
        %dma_wait3A_135 = tpu.memref_slice %arg2[%dma_wait3A_133, %dma_wait3A_134] : memref<10240x128xf32, #tpu.memory_space<hbm>> -> memref<80x128xf32, #tpu.memory_space<hbm>>
        %dma_wait3A_136 = arith.constant 0 : i32
        %dma_wait3A_137 = arith.constant 0 : i32
        %dma_wait3A_138 = tpu.memref_slice %arg8[%dma_wait3A_128, %dma_wait3A_136, %dma_wait3A_137] : memref<4x80x128xf32, #tpu.memory_space<vmem>> -> memref<1x80x128xf32, #tpu.memory_space<vmem>>
        %dma_wait3A_139 = tpu.memref_squeeze %dma_wait3A_138 : memref<1x80x128xf32, #tpu.memory_space<vmem>> -> memref<80x128xf32, #tpu.memory_space<vmem>>
        %dma_wait3A_140 = arith.constant 0 : i32
        %dma_wait3A_141 = arith.constant 0 : i32
        %dma_wait3A_142 = tpu.memref_slice %arg2[%dma_wait3A_140, %dma_wait3A_141] : memref<10240x128xf32, #tpu.memory_space<hbm>> -> memref<80x128xf32, #tpu.memory_space<hbm>>
        tpu.wait_dma2 semaphore(%arg10 : memref<!tpu.dma_semaphore, #tpu.memory_space<semaphore_mem>>) src(%dma_wait3A_142 : memref<80x128xf32, #tpu.memory_space<hbm>>) dst(%dma_wait3A_139 : memref<80x128xf32, #tpu.memory_space<vmem>>)
        %gt3A = arith.constant 0 : i32
        %gt3A_143 = arith.cmpi sgt, %scan3A_122, %gt3A : i32
        %convert_element_type3A = arith.extui %gt3A_143 : i1 to i32
        %cond3A = arith.constant 0 : i32
        %cond3A_144 = arith.cmpi ne, %convert_element_type3A, %cond3A : i32
        scf.if %cond3A_144 {
          %dma_wait3A_320 = arith.constant 3 : i32
          %dma_wait3A_321 = arith.constant 0 : i32
          %dma_wait3A_322 = arith.constant 0 : i32
          %dma_wait3A_323 = tpu.memref_slice %arg8[%dma_wait3A_320, %dma_wait3A_321, %dma_wait3A_322] : memref<4x80x128xf32, #tpu.memory_space<vmem>> -> memref<1x80x128xf32, #tpu.memory_space<vmem>>
          %dma_wait3A_324 = tpu.memref_squeeze %dma_wait3A_323 : memref<1x80x128xf32, #tpu.memory_space<vmem>> -> memref<80x128xf32, #tpu.memory_space<vmem>>
          %dma_wait3A_325 = arith.constant 0 : i32
          %dma_wait3A_326 = arith.constant 0 : i32
          %dma_wait3A_327 = tpu.memref_slice %arg2[%dma_wait3A_325, %dma_wait3A_326] : memref<10240x128xf32, #tpu.memory_space<hbm>> -> memref<80x128xf32, #tpu.memory_space<hbm>>
          %dma_wait3A_328 = arith.constant 0 : i32
          %dma_wait3A_329 = arith.constant 0 : i32
          %dma_wait3A_330 = tpu.memref_slice %arg8[%dma_wait3A_320, %dma_wait3A_328, %dma_wait3A_329] : memref<4x80x128xf32, #tpu.memory_space<vmem>> -> memref<1x80x128xf32, #tpu.memory_space<vmem>>
          %dma_wait3A_331 = tpu.memref_squeeze %dma_wait3A_330 : memref<1x80x128xf32, #tpu.memory_space<vmem>> -> memref<80x128xf32, #tpu.memory_space<vmem>>
          %dma_wait3A_332 = arith.constant 0 : i32
          %dma_wait3A_333 = arith.constant 0 : i32
          %dma_wait3A_334 = tpu.memref_slice %arg2[%dma_wait3A_332, %dma_wait3A_333] : memref<10240x128xf32, #tpu.memory_space<hbm>> -> memref<80x128xf32, #tpu.memory_space<hbm>>
          tpu.wait_dma2 semaphore(%arg17 : memref<!tpu.dma_semaphore, #tpu.memory_space<semaphore_mem>>) src(%dma_wait3A_334 : memref<80x128xf32, #tpu.memory_space<hbm>>) dst(%dma_wait3A_331 : memref<80x128xf32, #tpu.memory_space<vmem>>)
        } else {
        }
        %add3A_145 = arith.constant 4 : i32
        %add3A_146 = arith.addi %add3A_127, %add3A_145 : i32
        %sub3A = arith.constant 1 : i32
        %sub3A_147 = arith.subi %add3A_146, %sub3A : i32
        %dma_start3A_148 = arith.constant 3 : i32
        %dma_start3A_149 = arith.constant 0 : i32
        %dma_start3A_150 = arith.constant 0 : i32
        %dma_start3A_151 = tpu.memref_slice %arg8[%dma_start3A_148, %dma_start3A_149, %dma_start3A_150] : memref<4x80x128xf32, #tpu.memory_space<vmem>> -> memref<1x80x128xf32, #tpu.memory_space<vmem>>
        %dma_start3A_152 = tpu.memref_squeeze %dma_start3A_151 : memref<1x80x128xf32, #tpu.memory_space<vmem>> -> memref<80x128xf32, #tpu.memory_space<vmem>>
        %dma_start3A_153 = arith.constant 0 : i32
        %dma_start3A_154 = tpu.memref_slice %arg6[%sub3A_147, %dma_start3A_153] : memref<32x80xi32, #tpu.memory_space<vmem>> -> memref<1x80xi32, #tpu.memory_space<vmem>>
        %dma_start3A_155 = tpu.memref_squeeze %dma_start3A_154 : memref<1x80xi32, #tpu.memory_space<vmem>> -> memref<80xi32, #tpu.memory_space<vmem>>
        %dma_start3A_156 = arith.constant 0 : i32
        %dma_start3A_157 = arith.constant 0 : i32
        %dma_start3A_158 = tpu.memref_slice %arg2[%dma_start3A_156, %dma_start3A_157] : memref<10240x128xf32, #tpu.memory_space<hbm>> -> memref<10240x128xf32, #tpu.memory_space<hbm>>
        tpu.enqueue_indirect_dma source(%dma_start3A_158 : memref<10240x128xf32, #tpu.memory_space<hbm>>) target(%dma_start3A_152 : memref<80x128xf32, #tpu.memory_space<vmem>>) offsets(%dma_start3A_155 : memref<80xi32, #tpu.memory_space<vmem>>) semaphore(%arg13 : memref<!tpu.dma_semaphore, #tpu.memory_space<semaphore_mem>>)
        %dma_start3A_159 = arith.constant 0 : i32
        %dma_start3A_160 = arith.constant 0 : i32
        %dma_start3A_161 = arith.constant 0 : i32
        %dma_start3A_162 = tpu.memref_slice %arg8[%dma_start3A_159, %dma_start3A_160, %dma_start3A_161] : memref<4x80x128xf32, #tpu.memory_space<vmem>> -> memref<1x80x128xf32, #tpu.memory_space<vmem>>
        %dma_start3A_163 = tpu.memref_squeeze %dma_start3A_162 : memref<1x80x128xf32, #tpu.memory_space<vmem>> -> memref<80x128xf32, #tpu.memory_space<vmem>>
        %dma_start3A_164 = arith.constant 0 : i32
        %dma_start3A_165 = tpu.memref_slice %arg7[%add3A_127, %dma_start3A_164] : memref<32x80xi32, #tpu.memory_space<vmem>> -> memref<1x80xi32, #tpu.memory_space<vmem>>
        %dma_start3A_166 = tpu.memref_squeeze %dma_start3A_165 : memref<1x80xi32, #tpu.memory_space<vmem>> -> memref<80xi32, #tpu.memory_space<vmem>>
        %dma_start3A_167 = arith.constant 0 : i32
        %dma_start3A_168 = arith.constant 0 : i32
        %dma_start3A_169 = tpu.memref_slice %arg9[%dma_start3A_167, %dma_start3A_168] : memref<10240x128xf32, #tpu.memory_space<vmem_shared>> -> memref<10240x128xf32, #tpu.memory_space<vmem_shared>>
        tpu.enqueue_indirect_dma source(%dma_start3A_163 : memref<80x128xf32, #tpu.memory_space<vmem>>) target(%dma_start3A_169 : memref<10240x128xf32, #tpu.memory_space<vmem_shared>>) offsets(%dma_start3A_166 : memref<80xi32, #tpu.memory_space<vmem>>) semaphore(%arg14 : memref<!tpu.dma_semaphore, #tpu.memory_space<semaphore_mem>>) {add = true}
        %mul3A_170 = arith.constant 4 : i32
        %mul3A_171 = arith.muli %mul3A_170, %scan3A_122 : i32
        %add3A_172 = arith.constant 1 : i32
        %add3A_173 = arith.addi %mul3A_171, %add3A_172 : i32
        %dma_wait3A_174 = arith.constant 1 : i32
        %dma_wait3A_175 = arith.constant 0 : i32
        %dma_wait3A_176 = arith.constant 0 : i32
        %dma_wait3A_177 = tpu.memref_slice %arg8[%dma_wait3A_174, %dma_wait3A_175, %dma_wait3A_176] : memref<4x80x128xf32, #tpu.memory_space<vmem>> -> memref<1x80x128xf32, #tpu.memory_space<vmem>>
        %dma_wait3A_178 = tpu.memref_squeeze %dma_wait3A_177 : memref<1x80x128xf32, #tpu.memory_space<vmem>> -> memref<80x128xf32, #tpu.memory_space<vmem>>
        %dma_wait3A_179 = arith.constant 0 : i32
        %dma_wait3A_180 = arith.constant 0 : i32
        %dma_wait3A_181 = tpu.memref_slice %arg2[%dma_wait3A_179, %dma_wait3A_180] : memref<10240x128xf32, #tpu.memory_space<hbm>> -> memref<80x128xf32, #tpu.memory_space<hbm>>
        %dma_wait3A_182 = arith.constant 0 : i32
        %dma_wait3A_183 = arith.constant 0 : i32
        %dma_wait3A_184 = tpu.memref_slice %arg8[%dma_wait3A_174, %dma_wait3A_182, %dma_wait3A_183] : memref<4x80x128xf32, #tpu.memory_space<vmem>> -> memref<1x80x128xf32, #tpu.memory_space<vmem>>
        %dma_wait3A_185 = tpu.memref_squeeze %dma_wait3A_184 : memref<1x80x128xf32, #tpu.memory_space<vmem>> -> memref<80x128xf32, #tpu.memory_space<vmem>>
        %dma_wait3A_186 = arith.constant 0 : i32
        %dma_wait3A_187 = arith.constant 0 : i32
        %dma_wait3A_188 = tpu.memref_slice %arg2[%dma_wait3A_186, %dma_wait3A_187] : memref<10240x128xf32, #tpu.memory_space<hbm>> -> memref<80x128xf32, #tpu.memory_space<hbm>>
        tpu.wait_dma2 semaphore(%arg11 : memref<!tpu.dma_semaphore, #tpu.memory_space<semaphore_mem>>) src(%dma_wait3A_188 : memref<80x128xf32, #tpu.memory_space<hbm>>) dst(%dma_wait3A_185 : memref<80x128xf32, #tpu.memory_space<vmem>>)
        %dma_wait3A_189 = arith.constant 0 : i32
        %dma_wait3A_190 = arith.constant 0 : i32
        %dma_wait3A_191 = arith.constant 0 : i32
        %dma_wait3A_192 = tpu.memref_slice %arg8[%dma_wait3A_189, %dma_wait3A_190, %dma_wait3A_191] : memref<4x80x128xf32, #tpu.memory_space<vmem>> -> memref<1x80x128xf32, #tpu.memory_space<vmem>>
        %dma_wait3A_193 = tpu.memref_squeeze %dma_wait3A_192 : memref<1x80x128xf32, #tpu.memory_space<vmem>> -> memref<80x128xf32, #tpu.memory_space<vmem>>
        %dma_wait3A_194 = arith.constant 0 : i32
        %dma_wait3A_195 = arith.constant 0 : i32
        %dma_wait3A_196 = tpu.memref_slice %arg2[%dma_wait3A_194, %dma_wait3A_195] : memref<10240x128xf32, #tpu.memory_space<hbm>> -> memref<80x128xf32, #tpu.memory_space<hbm>>
        %dma_wait3A_197 = arith.constant 0 : i32
        %dma_wait3A_198 = arith.constant 0 : i32
        %dma_wait3A_199 = tpu.memref_slice %arg8[%dma_wait3A_189, %dma_wait3A_197, %dma_wait3A_198] : memref<4x80x128xf32, #tpu.memory_space<vmem>> -> memref<1x80x128xf32, #tpu.memory_space<vmem>>
        %dma_wait3A_200 = tpu.memref_squeeze %dma_wait3A_199 : memref<1x80x128xf32, #tpu.memory_space<vmem>> -> memref<80x128xf32, #tpu.memory_space<vmem>>
        %dma_wait3A_201 = arith.constant 0 : i32
        %dma_wait3A_202 = arith.constant 0 : i32
        %dma_wait3A_203 = tpu.memref_slice %arg2[%dma_wait3A_201, %dma_wait3A_202] : memref<10240x128xf32, #tpu.memory_space<hbm>> -> memref<80x128xf32, #tpu.memory_space<hbm>>
        tpu.wait_dma2 semaphore(%arg14 : memref<!tpu.dma_semaphore, #tpu.memory_space<semaphore_mem>>) src(%dma_wait3A_203 : memref<80x128xf32, #tpu.memory_space<hbm>>) dst(%dma_wait3A_200 : memref<80x128xf32, #tpu.memory_space<vmem>>)
        %lt3A = arith.constant 7 : i32
        %lt3A_204 = arith.cmpi slt, %scan3A_122, %lt3A : i32
        %convert_element_type3A_205 = arith.extui %lt3A_204 : i1 to i32
        %cond3A_206 = arith.constant 0 : i32
        %cond3A_207 = arith.cmpi ne, %convert_element_type3A_205, %cond3A_206 : i32
        scf.if %cond3A_207 {
          %add3A_320 = arith.constant 4 : i32
          %add3A_321 = arith.addi %add3A_173, %add3A_320 : i32
          %sub3A_322 = arith.constant 1 : i32
          %sub3A_323 = arith.subi %add3A_321, %sub3A_322 : i32
          %dma_start3A_324 = arith.constant 0 : i32
          %dma_start3A_325 = arith.constant 0 : i32
          %dma_start3A_326 = arith.constant 0 : i32
          %dma_start3A_327 = tpu.memref_slice %arg8[%dma_start3A_324, %dma_start3A_325, %dma_start3A_326] : memref<4x80x128xf32, #tpu.memory_space<vmem>> -> memref<1x80x128xf32, #tpu.memory_space<vmem>>
          %dma_start3A_328 = tpu.memref_squeeze %dma_start3A_327 : memref<1x80x128xf32, #tpu.memory_space<vmem>> -> memref<80x128xf32, #tpu.memory_space<vmem>>
          %dma_start3A_329 = arith.constant 0 : i32
          %dma_start3A_330 = tpu.memref_slice %arg6[%sub3A_323, %dma_start3A_329] : memref<32x80xi32, #tpu.memory_space<vmem>> -> memref<1x80xi32, #tpu.memory_space<vmem>>
          %dma_start3A_331 = tpu.memref_squeeze %dma_start3A_330 : memref<1x80xi32, #tpu.memory_space<vmem>> -> memref<80xi32, #tpu.memory_space<vmem>>
          %dma_start3A_332 = arith.constant 0 : i32
          %dma_start3A_333 = arith.constant 0 : i32
          %dma_start3A_334 = tpu.memref_slice %arg2[%dma_start3A_332, %dma_start3A_333] : memref<10240x128xf32, #tpu.memory_space<hbm>> -> memref<10240x128xf32, #tpu.memory_space<hbm>>
          tpu.enqueue_indirect_dma source(%dma_start3A_334 : memref<10240x128xf32, #tpu.memory_space<hbm>>) target(%dma_start3A_328 : memref<80x128xf32, #tpu.memory_space<vmem>>) offsets(%dma_start3A_331 : memref<80xi32, #tpu.memory_space<vmem>>) semaphore(%arg10 : memref<!tpu.dma_semaphore, #tpu.memory_space<semaphore_mem>>)
        } else {
        }
        %dma_start3A_208 = arith.constant 1 : i32
        %dma_start3A_209 = arith.constant 0 : i32
        %dma_start3A_210 = arith.constant 0 : i32
        %dma_start3A_211 = tpu.memref_slice %arg8[%dma_start3A_208, %dma_start3A_209, %dma_start3A_210] : memref<4x80x128xf32, #tpu.memory_space<vmem>> -> memref<1x80x128xf32, #tpu.memory_space<vmem>>
        %dma_start3A_212 = tpu.memref_squeeze %dma_start3A_211 : memref<1x80x128xf32, #tpu.memory_space<vmem>> -> memref<80x128xf32, #tpu.memory_space<vmem>>
        %dma_start3A_213 = arith.constant 0 : i32
        %dma_start3A_214 = tpu.memref_slice %arg7[%add3A_173, %dma_start3A_213] : memref<32x80xi32, #tpu.memory_space<vmem>> -> memref<1x80xi32, #tpu.memory_space<vmem>>
        %dma_start3A_215 = tpu.memref_squeeze %dma_start3A_214 : memref<1x80xi32, #tpu.memory_space<vmem>> -> memref<80xi32, #tpu.memory_space<vmem>>
        %dma_start3A_216 = arith.constant 0 : i32
        %dma_start3A_217 = arith.constant 0 : i32
        %dma_start3A_218 = tpu.memref_slice %arg9[%dma_start3A_216, %dma_start3A_217] : memref<10240x128xf32, #tpu.memory_space<vmem_shared>> -> memref<10240x128xf32, #tpu.memory_space<vmem_shared>>
        tpu.enqueue_indirect_dma source(%dma_start3A_212 : memref<80x128xf32, #tpu.memory_space<vmem>>) target(%dma_start3A_218 : memref<10240x128xf32, #tpu.memory_space<vmem_shared>>) offsets(%dma_start3A_215 : memref<80xi32, #tpu.memory_space<vmem>>) semaphore(%arg15 : memref<!tpu.dma_semaphore, #tpu.memory_space<semaphore_mem>>) {add = true}
        %mul3A_219 = arith.constant 4 : i32
        %mul3A_220 = arith.muli %mul3A_219, %scan3A_122 : i32
        %add3A_221 = arith.constant 2 : i32
        %add3A_222 = arith.addi %mul3A_220, %add3A_221 : i32
        %dma_wait3A_223 = arith.constant 2 : i32
        %dma_wait3A_224 = arith.constant 0 : i32
        %dma_wait3A_225 = arith.constant 0 : i32
        %dma_wait3A_226 = tpu.memref_slice %arg8[%dma_wait3A_223, %dma_wait3A_224, %dma_wait3A_225] : memref<4x80x128xf32, #tpu.memory_space<vmem>> -> memref<1x80x128xf32, #tpu.memory_space<vmem>>
        %dma_wait3A_227 = tpu.memref_squeeze %dma_wait3A_226 : memref<1x80x128xf32, #tpu.memory_space<vmem>> -> memref<80x128xf32, #tpu.memory_space<vmem>>
        %dma_wait3A_228 = arith.constant 0 : i32
        %dma_wait3A_229 = arith.constant 0 : i32
        %dma_wait3A_230 = tpu.memref_slice %arg2[%dma_wait3A_228, %dma_wait3A_229] : memref<10240x128xf32, #tpu.memory_space<hbm>> -> memref<80x128xf32, #tpu.memory_space<hbm>>
        %dma_wait3A_231 = arith.constant 0 : i32
        %dma_wait3A_232 = arith.constant 0 : i32
        %dma_wait3A_233 = tpu.memref_slice %arg8[%dma_wait3A_223, %dma_wait3A_231, %dma_wait3A_232] : memref<4x80x128xf32, #tpu.memory_space<vmem>> -> memref<1x80x128xf32, #tpu.memory_space<vmem>>
        %dma_wait3A_234 = tpu.memref_squeeze %dma_wait3A_233 : memref<1x80x128xf32, #tpu.memory_space<vmem>> -> memref<80x128xf32, #tpu.memory_space<vmem>>
        %dma_wait3A_235 = arith.constant 0 : i32
        %dma_wait3A_236 = arith.constant 0 : i32
        %dma_wait3A_237 = tpu.memref_slice %arg2[%dma_wait3A_235, %dma_wait3A_236] : memref<10240x128xf32, #tpu.memory_space<hbm>> -> memref<80x128xf32, #tpu.memory_space<hbm>>
        tpu.wait_dma2 semaphore(%arg12 : memref<!tpu.dma_semaphore, #tpu.memory_space<semaphore_mem>>) src(%dma_wait3A_237 : memref<80x128xf32, #tpu.memory_space<hbm>>) dst(%dma_wait3A_234 : memref<80x128xf32, #tpu.memory_space<vmem>>)
        %dma_wait3A_238 = arith.constant 1 : i32
        %dma_wait3A_239 = arith.constant 0 : i32
        %dma_wait3A_240 = arith.constant 0 : i32
        %dma_wait3A_241 = tpu.memref_slice %arg8[%dma_wait3A_238, %dma_wait3A_239, %dma_wait3A_240] : memref<4x80x128xf32, #tpu.memory_space<vmem>> -> memref<1x80x128xf32, #tpu.memory_space<vmem>>
        %dma_wait3A_242 = tpu.memref_squeeze %dma_wait3A_241 : memref<1x80x128xf32, #tpu.memory_space<vmem>> -> memref<80x128xf32, #tpu.memory_space<vmem>>
        %dma_wait3A_243 = arith.constant 0 : i32
        %dma_wait3A_244 = arith.constant 0 : i32
        %dma_wait3A_245 = tpu.memref_slice %arg2[%dma_wait3A_243, %dma_wait3A_244] : memref<10240x128xf32, #tpu.memory_space<hbm>> -> memref<80x128xf32, #tpu.memory_space<hbm>>
        %dma_wait3A_246 = arith.constant 0 : i32
        %dma_wait3A_247 = arith.constant 0 : i32
        %dma_wait3A_248 = tpu.memref_slice %arg8[%dma_wait3A_238, %dma_wait3A_246, %dma_wait3A_247] : memref<4x80x128xf32, #tpu.memory_space<vmem>> -> memref<1x80x128xf32, #tpu.memory_space<vmem>>
        %dma_wait3A_249 = tpu.memref_squeeze %dma_wait3A_248 : memref<1x80x128xf32, #tpu.memory_space<vmem>> -> memref<80x128xf32, #tpu.memory_space<vmem>>
        %dma_wait3A_250 = arith.constant 0 : i32
        %dma_wait3A_251 = arith.constant 0 : i32
        %dma_wait3A_252 = tpu.memref_slice %arg2[%dma_wait3A_250, %dma_wait3A_251] : memref<10240x128xf32, #tpu.memory_space<hbm>> -> memref<80x128xf32, #tpu.memory_space<hbm>>
        tpu.wait_dma2 semaphore(%arg15 : memref<!tpu.dma_semaphore, #tpu.memory_space<semaphore_mem>>) src(%dma_wait3A_252 : memref<80x128xf32, #tpu.memory_space<hbm>>) dst(%dma_wait3A_249 : memref<80x128xf32, #tpu.memory_space<vmem>>)
        %lt3A_253 = arith.constant 7 : i32
        %lt3A_254 = arith.cmpi slt, %scan3A_122, %lt3A_253 : i32
        %convert_element_type3A_255 = arith.extui %lt3A_254 : i1 to i32
        %cond3A_256 = arith.constant 0 : i32
        %cond3A_257 = arith.cmpi ne, %convert_element_type3A_255, %cond3A_256 : i32
        scf.if %cond3A_257 {
          %add3A_320 = arith.constant 4 : i32
          %add3A_321 = arith.addi %add3A_222, %add3A_320 : i32
          %sub3A_322 = arith.constant 1 : i32
          %sub3A_323 = arith.subi %add3A_321, %sub3A_322 : i32
          %dma_start3A_324 = arith.constant 1 : i32
          %dma_start3A_325 = arith.constant 0 : i32
          %dma_start3A_326 = arith.constant 0 : i32
          %dma_start3A_327 = tpu.memref_slice %arg8[%dma_start3A_324, %dma_start3A_325, %dma_start3A_326] : memref<4x80x128xf32, #tpu.memory_space<vmem>> -> memref<1x80x128xf32, #tpu.memory_space<vmem>>
          %dma_start3A_328 = tpu.memref_squeeze %dma_start3A_327 : memref<1x80x128xf32, #tpu.memory_space<vmem>> -> memref<80x128xf32, #tpu.memory_space<vmem>>
          %dma_start3A_329 = arith.constant 0 : i32
          %dma_start3A_330 = tpu.memref_slice %arg6[%sub3A_323, %dma_start3A_329] : memref<32x80xi32, #tpu.memory_space<vmem>> -> memref<1x80xi32, #tpu.memory_space<vmem>>
          %dma_start3A_331 = tpu.memref_squeeze %dma_start3A_330 : memref<1x80xi32, #tpu.memory_space<vmem>> -> memref<80xi32, #tpu.memory_space<vmem>>
          %dma_start3A_332 = arith.constant 0 : i32
          %dma_start3A_333 = arith.constant 0 : i32
          %dma_start3A_334 = tpu.memref_slice %arg2[%dma_start3A_332, %dma_start3A_333] : memref<10240x128xf32, #tpu.memory_space<hbm>> -> memref<10240x128xf32, #tpu.memory_space<hbm>>
          tpu.enqueue_indirect_dma source(%dma_start3A_334 : memref<10240x128xf32, #tpu.memory_space<hbm>>) target(%dma_start3A_328 : memref<80x128xf32, #tpu.memory_space<vmem>>) offsets(%dma_start3A_331 : memref<80xi32, #tpu.memory_space<vmem>>) semaphore(%arg11 : memref<!tpu.dma_semaphore, #tpu.memory_space<semaphore_mem>>)
        } else {
        }
        %dma_start3A_258 = arith.constant 2 : i32
        %dma_start3A_259 = arith.constant 0 : i32
        %dma_start3A_260 = arith.constant 0 : i32
        %dma_start3A_261 = tpu.memref_slice %arg8[%dma_start3A_258, %dma_start3A_259, %dma_start3A_260] : memref<4x80x128xf32, #tpu.memory_space<vmem>> -> memref<1x80x128xf32, #tpu.memory_space<vmem>>
        %dma_start3A_262 = tpu.memref_squeeze %dma_start3A_261 : memref<1x80x128xf32, #tpu.memory_space<vmem>> -> memref<80x128xf32, #tpu.memory_space<vmem>>
        %dma_start3A_263 = arith.constant 0 : i32
        %dma_start3A_264 = tpu.memref_slice %arg7[%add3A_222, %dma_start3A_263] : memref<32x80xi32, #tpu.memory_space<vmem>> -> memref<1x80xi32, #tpu.memory_space<vmem>>
        %dma_start3A_265 = tpu.memref_squeeze %dma_start3A_264 : memref<1x80xi32, #tpu.memory_space<vmem>> -> memref<80xi32, #tpu.memory_space<vmem>>
        %dma_start3A_266 = arith.constant 0 : i32
        %dma_start3A_267 = arith.constant 0 : i32
        %dma_start3A_268 = tpu.memref_slice %arg9[%dma_start3A_266, %dma_start3A_267] : memref<10240x128xf32, #tpu.memory_space<vmem_shared>> -> memref<10240x128xf32, #tpu.memory_space<vmem_shared>>
        tpu.enqueue_indirect_dma source(%dma_start3A_262 : memref<80x128xf32, #tpu.memory_space<vmem>>) target(%dma_start3A_268 : memref<10240x128xf32, #tpu.memory_space<vmem_shared>>) offsets(%dma_start3A_265 : memref<80xi32, #tpu.memory_space<vmem>>) semaphore(%arg16 : memref<!tpu.dma_semaphore, #tpu.memory_space<semaphore_mem>>) {add = true}
        %mul3A_269 = arith.constant 4 : i32
        %mul3A_270 = arith.muli %mul3A_269, %scan3A_122 : i32
        %add3A_271 = arith.constant 3 : i32
        %add3A_272 = arith.addi %mul3A_270, %add3A_271 : i32
        %dma_wait3A_273 = arith.constant 3 : i32
        %dma_wait3A_274 = arith.constant 0 : i32
        %dma_wait3A_275 = arith.constant 0 : i32
        %dma_wait3A_276 = tpu.memref_slice %arg8[%dma_wait3A_273, %dma_wait3A_274, %dma_wait3A_275] : memref<4x80x128xf32, #tpu.memory_space<vmem>> -> memref<1x80x128xf32, #tpu.memory_space<vmem>>
        %dma_wait3A_277 = tpu.memref_squeeze %dma_wait3A_276 : memref<1x80x128xf32, #tpu.memory_space<vmem>> -> memref<80x128xf32, #tpu.memory_space<vmem>>
        %dma_wait3A_278 = arith.constant 0 : i32
        %dma_wait3A_279 = arith.constant 0 : i32
        %dma_wait3A_280 = tpu.memref_slice %arg2[%dma_wait3A_278, %dma_wait3A_279] : memref<10240x128xf32, #tpu.memory_space<hbm>> -> memref<80x128xf32, #tpu.memory_space<hbm>>
        %dma_wait3A_281 = arith.constant 0 : i32
        %dma_wait3A_282 = arith.constant 0 : i32
        %dma_wait3A_283 = tpu.memref_slice %arg8[%dma_wait3A_273, %dma_wait3A_281, %dma_wait3A_282] : memref<4x80x128xf32, #tpu.memory_space<vmem>> -> memref<1x80x128xf32, #tpu.memory_space<vmem>>
        %dma_wait3A_284 = tpu.memref_squeeze %dma_wait3A_283 : memref<1x80x128xf32, #tpu.memory_space<vmem>> -> memref<80x128xf32, #tpu.memory_space<vmem>>
        %dma_wait3A_285 = arith.constant 0 : i32
        %dma_wait3A_286 = arith.constant 0 : i32
        %dma_wait3A_287 = tpu.memref_slice %arg2[%dma_wait3A_285, %dma_wait3A_286] : memref<10240x128xf32, #tpu.memory_space<hbm>> -> memref<80x128xf32, #tpu.memory_space<hbm>>
        tpu.wait_dma2 semaphore(%arg13 : memref<!tpu.dma_semaphore, #tpu.memory_space<semaphore_mem>>) src(%dma_wait3A_287 : memref<80x128xf32, #tpu.memory_space<hbm>>) dst(%dma_wait3A_284 : memref<80x128xf32, #tpu.memory_space<vmem>>)
        %dma_wait3A_288 = arith.constant 2 : i32
        %dma_wait3A_289 = arith.constant 0 : i32
        %dma_wait3A_290 = arith.constant 0 : i32
        %dma_wait3A_291 = tpu.memref_slice %arg8[%dma_wait3A_288, %dma_wait3A_289, %dma_wait3A_290] : memref<4x80x128xf32, #tpu.memory_space<vmem>> -> memref<1x80x128xf32, #tpu.memory_space<vmem>>
        %dma_wait3A_292 = tpu.memref_squeeze %dma_wait3A_291 : memref<1x80x128xf32, #tpu.memory_space<vmem>> -> memref<80x128xf32, #tpu.memory_space<vmem>>
        %dma_wait3A_293 = arith.constant 0 : i32
        %dma_wait3A_294 = arith.constant 0 : i32
        %dma_wait3A_295 = tpu.memref_slice %arg2[%dma_wait3A_293, %dma_wait3A_294] : memref<10240x128xf32, #tpu.memory_space<hbm>> -> memref<80x128xf32, #tpu.memory_space<hbm>>
        %dma_wait3A_296 = arith.constant 0 : i32
        %dma_wait3A_297 = arith.constant 0 : i32
        %dma_wait3A_298 = tpu.memref_slice %arg8[%dma_wait3A_288, %dma_wait3A_296, %dma_wait3A_297] : memref<4x80x128xf32, #tpu.memory_space<vmem>> -> memref<1x80x128xf32, #tpu.memory_space<vmem>>
        %dma_wait3A_299 = tpu.memref_squeeze %dma_wait3A_298 : memref<1x80x128xf32, #tpu.memory_space<vmem>> -> memref<80x128xf32, #tpu.memory_space<vmem>>
        %dma_wait3A_300 = arith.constant 0 : i32
        %dma_wait3A_301 = arith.constant 0 : i32
        %dma_wait3A_302 = tpu.memref_slice %arg2[%dma_wait3A_300, %dma_wait3A_301] : memref<10240x128xf32, #tpu.memory_space<hbm>> -> memref<80x128xf32, #tpu.memory_space<hbm>>
        tpu.wait_dma2 semaphore(%arg16 : memref<!tpu.dma_semaphore, #tpu.memory_space<semaphore_mem>>) src(%dma_wait3A_302 : memref<80x128xf32, #tpu.memory_space<hbm>>) dst(%dma_wait3A_299 : memref<80x128xf32, #tpu.memory_space<vmem>>)
        %lt3A_303 = arith.constant 7 : i32
        %lt3A_304 = arith.cmpi slt, %scan3A_122, %lt3A_303 : i32
        %convert_element_type3A_305 = arith.extui %lt3A_304 : i1 to i32
        %cond3A_306 = arith.constant 0 : i32
        %cond3A_307 = arith.cmpi ne, %convert_element_type3A_305, %cond3A_306 : i32
        scf.if %cond3A_307 {
          %add3A_320 = arith.constant 4 : i32
          %add3A_321 = arith.addi %add3A_272, %add3A_320 : i32
          %sub3A_322 = arith.constant 1 : i32
          %sub3A_323 = arith.subi %add3A_321, %sub3A_322 : i32
          %dma_start3A_324 = arith.constant 2 : i32
          %dma_start3A_325 = arith.constant 0 : i32
          %dma_start3A_326 = arith.constant 0 : i32
          %dma_start3A_327 = tpu.memref_slice %arg8[%dma_start3A_324, %dma_start3A_325, %dma_start3A_326] : memref<4x80x128xf32, #tpu.memory_space<vmem>> -> memref<1x80x128xf32, #tpu.memory_space<vmem>>
          %dma_start3A_328 = tpu.memref_squeeze %dma_start3A_327 : memref<1x80x128xf32, #tpu.memory_space<vmem>> -> memref<80x128xf32, #tpu.memory_space<vmem>>
          %dma_start3A_329 = arith.constant 0 : i32
          %dma_start3A_330 = tpu.memref_slice %arg6[%sub3A_323, %dma_start3A_329] : memref<32x80xi32, #tpu.memory_space<vmem>> -> memref<1x80xi32, #tpu.memory_space<vmem>>
          %dma_start3A_331 = tpu.memref_squeeze %dma_start3A_330 : memref<1x80xi32, #tpu.memory_space<vmem>> -> memref<80xi32, #tpu.memory_space<vmem>>
          %dma_start3A_332 = arith.constant 0 : i32
          %dma_start3A_333 = arith.constant 0 : i32
          %dma_start3A_334 = tpu.memref_slice %arg2[%dma_start3A_332, %dma_start3A_333] : memref<10240x128xf32, #tpu.memory_space<hbm>> -> memref<10240x128xf32, #tpu.memory_space<hbm>>
          tpu.enqueue_indirect_dma source(%dma_start3A_334 : memref<10240x128xf32, #tpu.memory_space<hbm>>) target(%dma_start3A_328 : memref<80x128xf32, #tpu.memory_space<vmem>>) offsets(%dma_start3A_331 : memref<80xi32, #tpu.memory_space<vmem>>) semaphore(%arg12 : memref<!tpu.dma_semaphore, #tpu.memory_space<semaphore_mem>>)
        } else {
        }
        %dma_start3A_308 = arith.constant 3 : i32
        %dma_start3A_309 = arith.constant 0 : i32
        %dma_start3A_310 = arith.constant 0 : i32
        %dma_start3A_311 = tpu.memref_slice %arg8[%dma_start3A_308, %dma_start3A_309, %dma_start3A_310] : memref<4x80x128xf32, #tpu.memory_space<vmem>> -> memref<1x80x128xf32, #tpu.memory_space<vmem>>
        %dma_start3A_312 = tpu.memref_squeeze %dma_start3A_311 : memref<1x80x128xf32, #tpu.memory_space<vmem>> -> memref<80x128xf32, #tpu.memory_space<vmem>>
        %dma_start3A_313 = arith.constant 0 : i32
        %dma_start3A_314 = tpu.memref_slice %arg7[%add3A_272, %dma_start3A_313] : memref<32x80xi32, #tpu.memory_space<vmem>> -> memref<1x80xi32, #tpu.memory_space<vmem>>
        %dma_start3A_315 = tpu.memref_squeeze %dma_start3A_314 : memref<1x80xi32, #tpu.memory_space<vmem>> -> memref<80xi32, #tpu.memory_space<vmem>>
        %dma_start3A_316 = arith.constant 0 : i32
        %dma_start3A_317 = arith.constant 0 : i32
        %dma_start3A_318 = tpu.memref_slice %arg9[%dma_start3A_316, %dma_start3A_317] : memref<10240x128xf32, #tpu.memory_space<vmem_shared>> -> memref<10240x128xf32, #tpu.memory_space<vmem_shared>>
        tpu.enqueue_indirect_dma source(%dma_start3A_312 : memref<80x128xf32, #tpu.memory_space<vmem>>) target(%dma_start3A_318 : memref<10240x128xf32, #tpu.memory_space<vmem_shared>>) offsets(%dma_start3A_315 : memref<80xi32, #tpu.memory_space<vmem>>) semaphore(%arg17 : memref<!tpu.dma_semaphore, #tpu.memory_space<semaphore_mem>>) {add = true}
        %scan3A_319 = arith.constant 0 : i32
        scf.yield %scan3A_319 : i32
      }
      %scan3A_106 = arith.constant 8 : i32
      %dma_wait3A = arith.constant 3 : i32
      %dma_wait3A_107 = arith.constant 0 : i32
      %dma_wait3A_108 = arith.constant 0 : i32
      %dma_wait3A_109 = tpu.memref_slice %arg8[%dma_wait3A, %dma_wait3A_107, %dma_wait3A_108] : memref<4x80x128xf32, #tpu.memory_space<vmem>> -> memref<1x80x128xf32, #tpu.memory_space<vmem>>
      %dma_wait3A_110 = tpu.memref_squeeze %dma_wait3A_109 : memref<1x80x128xf32, #tpu.memory_space<vmem>> -> memref<80x128xf32, #tpu.memory_space<vmem>>
      %dma_wait3A_111 = arith.constant 0 : i32
      %dma_wait3A_112 = arith.constant 0 : i32
      %dma_wait3A_113 = tpu.memref_slice %arg2[%dma_wait3A_111, %dma_wait3A_112] : memref<10240x128xf32, #tpu.memory_space<hbm>> -> memref<80x128xf32, #tpu.memory_space<hbm>>
      %dma_wait3A_114 = arith.constant 0 : i32
      %dma_wait3A_115 = arith.constant 0 : i32
      %dma_wait3A_116 = tpu.memref_slice %arg8[%dma_wait3A, %dma_wait3A_114, %dma_wait3A_115] : memref<4x80x128xf32, #tpu.memory_space<vmem>> -> memref<1x80x128xf32, #tpu.memory_space<vmem>>
      %dma_wait3A_117 = tpu.memref_squeeze %dma_wait3A_116 : memref<1x80x128xf32, #tpu.memory_space<vmem>> -> memref<80x128xf32, #tpu.memory_space<vmem>>
      %dma_wait3A_118 = arith.constant 0 : i32
      %dma_wait3A_119 = arith.constant 0 : i32
      %dma_wait3A_120 = tpu.memref_slice %arg2[%dma_wait3A_118, %dma_wait3A_119] : memref<10240x128xf32, #tpu.memory_space<hbm>> -> memref<80x128xf32, #tpu.memory_space<hbm>>
      tpu.wait_dma2 semaphore(%arg17 : memref<!tpu.dma_semaphore, #tpu.memory_space<semaphore_mem>>) src(%dma_wait3A_120 : memref<80x128xf32, #tpu.memory_space<hbm>>) dst(%dma_wait3A_117 : memref<80x128xf32, #tpu.memory_space<vmem>>)
      %scan3A_121 = arith.constant 0 : i32
      scf.yield %scan3A_121 : i32
    }
    %scan3A_53 = arith.constant 4 : i32
    %barrier3A_54 = arith.constant 0 : index
    tpu.barrier barrier_id(%barrier3A_54)
    %mul3A_55 = arith.constant 640 : i32
    %mul3A_56 = arith.muli %arg1, %mul3A_55 : i32
    %mul3A_57 = arith.constant 640 : i32
    %mul3A_58 = arith.muli %arg1, %mul3A_57 : i32
    "tpu.region"() ({
      %run_scoped3A_59 = tpu.sem_alloc : memref<!tpu.dma_semaphore, #tpu.memory_space<semaphore_mem>>
      %dma_start3A = arith.constant 0 : i32
      %dma_start3A_60 = arith.constant 0 : i32
      %dma_start3A_61 = tpu.memref_slice %arg5[%arg0, %dma_start3A, %dma_start3A_60] : memref<2x10240x128xf32, #tpu.memory_space<hbm>> -> memref<1x10240x128xf32, #tpu.memory_space<hbm>>
      %dma_start3A_62 = tpu.memref_squeeze %dma_start3A_61 : memref<1x10240x128xf32, #tpu.memory_space<hbm>> -> memref<10240x128xf32, #tpu.memory_space<hbm>>
      %dma_start3A_63 = arith.constant 0 : i32
      %dma_start3A_64 = tpu.memref_slice %dma_start3A_62[%mul3A_58, %dma_start3A_63] : memref<10240x128xf32, #tpu.memory_space<hbm>> -> memref<640x128xf32, #tpu.memory_space<hbm>>
      %dma_start3A_65 = arith.constant 0 : i32
      %dma_start3A_66 = tpu.memref_slice %arg9[%mul3A_56, %dma_start3A_65] : memref<10240x128xf32, #tpu.memory_space<vmem_shared>> -> memref<640x128xf32, #tpu.memory_space<vmem_shared>>
      tpu.enqueue_dma source(%dma_start3A_66 : memref<640x128xf32, #tpu.memory_space<vmem_shared>>) target(%dma_start3A_64 : memref<640x128xf32, #tpu.memory_space<hbm>>) target_semaphore(%run_scoped3A_59 : memref<!tpu.dma_semaphore, #tpu.memory_space<semaphore_mem>>)
      %dma_wait3A = arith.constant 0 : i32
      %dma_wait3A_67 = arith.constant 0 : i32
      %dma_wait3A_68 = tpu.memref_slice %arg5[%arg0, %dma_wait3A, %dma_wait3A_67] : memref<2x10240x128xf32, #tpu.memory_space<hbm>> -> memref<1x10240x128xf32, #tpu.memory_space<hbm>>
      %dma_wait3A_69 = tpu.memref_squeeze %dma_wait3A_68 : memref<1x10240x128xf32, #tpu.memory_space<hbm>> -> memref<10240x128xf32, #tpu.memory_space<hbm>>
      %dma_wait3A_70 = arith.constant 0 : i32
      %dma_wait3A_71 = tpu.memref_slice %dma_wait3A_69[%mul3A_58, %dma_wait3A_70] : memref<10240x128xf32, #tpu.memory_space<hbm>> -> memref<640x128xf32, #tpu.memory_space<hbm>>
      %dma_wait3A_72 = arith.constant 0 : i32
      %dma_wait3A_73 = tpu.memref_slice %arg9[%mul3A_56, %dma_wait3A_72] : memref<10240x128xf32, #tpu.memory_space<vmem_shared>> -> memref<640x128xf32, #tpu.memory_space<vmem_shared>>
      tpu.wait_dma2 semaphore(%run_scoped3A_59 : memref<!tpu.dma_semaphore, #tpu.memory_space<semaphore_mem>>) src(%dma_wait3A_73 : memref<640x128xf32, #tpu.memory_space<vmem_shared>>) dst(%dma_wait3A_71 : memref<640x128xf32, #tpu.memory_space<hbm>>)
      tpu.yield
    }) : () -> ()
    return
  }
}

module attributes {stable_mosaic.version = 14 : i64} {
  func.func @_k1_body(%arg0: i32, %arg1: memref<512x128xf32, #tpu.memory_space<vmem>>, %arg2: memref<128x128xf32, #tpu.memory_space<vmem>>, %arg3: memref<2x512x1xf32, #tpu.memory_space<vmem>>, %arg4: memref<512x128xf32, #tpu.memory_space<vmem>>, %arg5: memref<512x1xf32, #tpu.memory_space<vmem>>) attributes {dimension_semantics = [#tpu.dimension_semantics<arbitrary>], iteration_bounds = array<i64: 20>, scalar_prefetch = 0 : i64, scratch_operands = 0 : i64, tpu.core_type = #tpu.core_type<tc>, window_params = [{transform_indices = @transform_0, window_bounds = array<i64: 512, 128>}, {pipeline_mode = #tpu.pipeline_mode<synchronous>, transform_indices = @transform_1, window_bounds = array<i64: 128, 128>}, {transform_indices = @transform_2, window_bounds = array<i64: 2, 512, 1>}, {transform_indices = @transform_3, window_bounds = array<i64: 512, 128>}, {transform_indices = @transform_4, window_bounds = array<i64: 512, 1>}]} {
    %get3A = arith.constant 0 : index
    %get3A_0 = arith.constant 0 : index
    %get3A_1 = arith.constant 0 : index
    %get3A_2 = vector.load %arg3[%get3A, %get3A_0, %get3A_1] : memref<2x512x1xf32, #tpu.memory_space<vmem>>, vector<1x512x1xf32>
    %get3A_3 = vector.shape_cast %get3A_2 : vector<1x512x1xf32> to vector<512x1xf32>
    %get3A_4 = arith.constant 1 : index
    %get3A_5 = arith.constant 0 : index
    %get3A_6 = arith.constant 0 : index
    %get3A_7 = vector.load %arg3[%get3A_4, %get3A_5, %get3A_6] : memref<2x512x1xf32, #tpu.memory_space<vmem>>, vector<1x512x1xf32>
    %get3A_8 = vector.shape_cast %get3A_7 : vector<1x512x1xf32> to vector<512x1xf32>
    %add3A = arith.addf %get3A_3, %get3A_8 : vector<512x1xf32>
    %add3A_9 = arith.constant 1.000000e+00 : f32
    %add3A_10 = vector.broadcast %add3A_9 : f32 to vector<512x1xf32>
    %add3A_11 = arith.addf %add3A, %add3A_10 : vector<512x1xf32>
    %rsqrt3A = math.rsqrt %add3A_11 : vector<512x1xf32>
    %swap3A = arith.constant 0 : index
    %swap3A_12 = arith.constant 0 : index
    %swap3A_13 = vector.load %arg5[%swap3A, %swap3A_12] : memref<512x1xf32, #tpu.memory_space<vmem>>, vector<512x1xf32>
    tpu.vector_store %arg5[%swap3A, %swap3A_12], %rsqrt3A {strides = array<i32>} : memref<512x1xf32, #tpu.memory_space<vmem>>, vector<512x1xf32>,
    %get3A_14 = arith.constant 0 : index
    %get3A_15 = arith.constant 0 : index
    %get3A_16 = vector.load %arg1[%get3A_14, %get3A_15] : memref<512x128xf32, #tpu.memory_space<vmem>>, vector<512x128xf32>
    %get3A_17 = arith.constant 0 : index
    %get3A_18 = arith.constant 0 : index
    %get3A_19 = vector.load %arg2[%get3A_17, %get3A_18] : memref<128x128xf32, #tpu.memory_space<vmem>>, vector<128x128xf32>
    %dot_general3A = arith.constant dense<0.000000e+00> : vector<512x128xf32>
    %dot_general3A_20 = tpu.matmul %get3A_16, %get3A_19, %dot_general3A {dimension_numbers = #tpu.dot_dimension_numbers<[1], [0], [0], [1], [0, 0, 1, 1], [], []>, transpose_lhs_hint = false} : vector<512x128xf32>, vector<128x128xf32>, vector<512x128xf32> -> vector<512x128xf32>
    %mul3A = vector.broadcast %rsqrt3A : vector<512x1xf32> to vector<512x128xf32>
    %mul3A_21 = arith.mulf %dot_general3A_20, %mul3A : vector<512x128xf32>
    %swap3A_22 = arith.constant 0 : index
    %swap3A_23 = arith.constant 0 : index
    %swap3A_24 = vector.load %arg4[%swap3A_22, %swap3A_23] : memref<512x128xf32, #tpu.memory_space<vmem>>, vector<512x128xf32>
    tpu.vector_store %arg4[%swap3A_22, %swap3A_23], %mul3A_21 {strides = array<i32>} : memref<512x128xf32, #tpu.memory_space<vmem>>, vector<512x128xf32>,
    return
  }
  func.func @transform_0(%arg0: i32) -> (i32, i32) {
    %c0_i32 = arith.constant 0 : i32
    %c0_i32_0 = arith.constant 0 : i32
    return %arg0, %c0_i32 : i32, i32
  }
  func.func @transform_1(%arg0: i32) -> (i32, i32) {
    %c0_i32 = arith.constant 0 : i32
    %c0_i32_0 = arith.constant 0 : i32
    %c0_i32_1 = arith.constant 0 : i32
    return %c0_i32, %c0_i32_0 : i32, i32
  }
  func.func @transform_2(%arg0: i32) -> (i32, i32, i32) {
    %c0_i32 = arith.constant 0 : i32
    %c0_i32_0 = arith.constant 0 : i32
    %c0_i32_1 = arith.constant 0 : i32
    return %c0_i32, %arg0, %c0_i32_0 : i32, i32, i32
  }
  func.func @transform_3(%arg0: i32) -> (i32, i32) {
    %c0_i32 = arith.constant 0 : i32
    %c0_i32_0 = arith.constant 0 : i32
    return %arg0, %c0_i32 : i32, i32
  }
  func.func @transform_4(%arg0: i32) -> (i32, i32) {
    %c0_i32 = arith.constant 0 : i32
    %c0_i32_0 = arith.constant 0 : i32
    return %arg0, %c0_i32 : i32, i32
  }
}

module attributes {stable_mosaic.version = 14 : i64} {
  func.func @_k4_body(%arg0: i32, %arg1: memref<2x512x128xf32, #tpu.memory_space<vmem>>, %arg2: memref<512x128xf32, #tpu.memory_space<vmem>>, %arg3: memref<512x1xf32, #tpu.memory_space<vmem>>, %arg4: memref<1x128xf32, #tpu.memory_space<vmem>>, %arg5: memref<1x512xi32, #tpu.memory_space<vmem>>, %arg6: memref<128x1xf32, #tpu.memory_space<vmem>>, %arg7: memref<1x1xf32, #tpu.memory_space<vmem>>, %arg8: memref<64x1xf32, #tpu.memory_space<vmem>>, %arg9: memref<64x128xf32, #tpu.memory_space<vmem>>, %arg10: memref<64x128xf32, #tpu.memory_space<vmem>>) attributes {dimension_semantics = [#tpu.dimension_semantics<arbitrary>], iteration_bounds = array<i64: 20>, scalar_prefetch = 0 : i64, scratch_operands = 2 : i64, tpu.core_type = #tpu.core_type<tc>, window_params = [{transform_indices = @transform_0, window_bounds = array<i64: 2, 512, 128>}, {transform_indices = @transform_1, window_bounds = array<i64: 512, 128>}, {transform_indices = @transform_2, window_bounds = array<i64: 512, 1>}, {pipeline_mode = #tpu.pipeline_mode<synchronous>, transform_indices = @transform_3, window_bounds = array<i64: 1, 128>}, {transform_indices = @transform_4, window_bounds = array<i64: 1, 512>}, {pipeline_mode = #tpu.pipeline_mode<synchronous>, transform_indices = @transform_5, window_bounds = array<i64: 128, 1>}, {pipeline_mode = #tpu.pipeline_mode<synchronous>, transform_indices = @transform_6, window_bounds = array<i64: 1, 1>}, {pipeline_mode = #tpu.pipeline_mode<synchronous>, transform_indices = @transform_7, window_bounds = array<i64: 64, 1>}]} {
    %eq3A = arith.constant 0 : i32
    %eq3A_0 = arith.cmpi eq, %arg0, %eq3A : i32
    %convert_element_type3A = arith.extui %eq3A_0 : i1 to i32
    %cond3A = arith.constant 0 : i32
    %cond3A_1 = arith.cmpi ne, %convert_element_type3A, %cond3A : i32
    scf.if %cond3A_1 {
      %broadcast_in_dim3A_54 = arith.constant 0.000000e+00 : f32
      %broadcast_in_dim3A_55 = vector.broadcast %broadcast_in_dim3A_54 : f32 to vector<64x128xf32>
      %swap3A_56 = arith.constant 0 : index
      %swap3A_57 = arith.constant 0 : index
      %swap3A_58 = vector.load %arg9[%swap3A_56, %swap3A_57] : memref<64x128xf32, #tpu.memory_space<vmem>>, vector<64x128xf32>
      tpu.vector_store %arg9[%swap3A_56, %swap3A_57], %broadcast_in_dim3A_55 {strides = array<i32>} : memref<64x128xf32, #tpu.memory_space<vmem>>, vector<64x128xf32>,
      %broadcast_in_dim3A_59 = arith.constant 0.000000e+00 : f32
      %broadcast_in_dim3A_60 = vector.broadcast %broadcast_in_dim3A_59 : f32 to vector<64x128xf32>
      %swap3A_61 = arith.constant 0 : index
      %swap3A_62 = arith.constant 0 : index
      %swap3A_63 = vector.load %arg10[%swap3A_61, %swap3A_62] : memref<64x128xf32, #tpu.memory_space<vmem>>, vector<64x128xf32>
      tpu.vector_store %arg10[%swap3A_61, %swap3A_62], %broadcast_in_dim3A_60 {strides = array<i32>} : memref<64x128xf32, #tpu.memory_space<vmem>>, vector<64x128xf32>,
    } else {
    }
    %get3A = arith.constant 0 : index
    %get3A_2 = arith.constant 0 : index
    %get3A_3 = arith.constant 0 : index
    %get3A_4 = vector.load %arg1[%get3A, %get3A_2, %get3A_3] : memref<2x512x128xf32, #tpu.memory_space<vmem>>, vector<1x512x128xf32>
    %get3A_5 = vector.shape_cast %get3A_4 : vector<1x512x128xf32> to vector<512x128xf32>
    %get3A_6 = arith.constant 1 : index
    %get3A_7 = arith.constant 0 : index
    %get3A_8 = arith.constant 0 : index
    %get3A_9 = vector.load %arg1[%get3A_6, %get3A_7, %get3A_8] : memref<2x512x128xf32, #tpu.memory_space<vmem>>, vector<1x512x128xf32>
    %get3A_10 = vector.shape_cast %get3A_9 : vector<1x512x128xf32> to vector<512x128xf32>
    %add3A = arith.addf %get3A_5, %get3A_10 : vector<512x128xf32>
    %get3A_11 = arith.constant 0 : index
    %get3A_12 = arith.constant 0 : index
    %get3A_13 = vector.load %arg2[%get3A_11, %get3A_12] : memref<512x128xf32, #tpu.memory_space<vmem>>, vector<512x128xf32>
    %add3A_14 = arith.addf %add3A, %get3A_13 : vector<512x128xf32>
    %get3A_15 = arith.constant 0 : index
    %get3A_16 = arith.constant 0 : index
    %get3A_17 = vector.load %arg3[%get3A_15, %get3A_16] : memref<512x1xf32, #tpu.memory_space<vmem>>, vector<512x1xf32>
    %mul3A = vector.broadcast %get3A_17 : vector<512x1xf32> to vector<512x128xf32>
    %mul3A_18 = arith.mulf %add3A_14, %mul3A : vector<512x128xf32>
    %get3A_19 = arith.constant 0 : index
    %get3A_20 = arith.constant 0 : index
    %get3A_21 = vector.load %arg4[%get3A_19, %get3A_20] : memref<1x128xf32, #tpu.memory_space<vmem>>, vector<1x128xf32>
    %add3A_22 = vector.broadcast %get3A_21 : vector<1x128xf32> to vector<512x128xf32>
    %add3A_23 = arith.addf %mul3A_18, %add3A_22 : vector<512x128xf32>
    %iota3A = tpu.iota {dimensions = array<i32: 0>} : vector<64x1xi32>
    %get3A_24 = arith.constant 0 : index
    %get3A_25 = arith.constant 0 : index
    %get3A_26 = vector.load %arg5[%get3A_24, %get3A_25] : memref<1x512xi32, #tpu.memory_space<vmem>>, vector<1x512xi32>
    %eq3A_27 = vector.broadcast %get3A_26 : vector<1x512xi32> to vector<64x512xi32>
    %eq3A_28 = vector.broadcast %iota3A : vector<64x1xi32> to vector<64x512xi32>
    %eq3A_29 = arith.cmpi eq, %eq3A_27, %eq3A_28 : vector<64x512xi32>
    %convert_element_type3A_30 = arith.extui %eq3A_29 : vector<64x512xi1> to vector<64x512xi32>
    %convert_element_type3A_31 = arith.sitofp %convert_element_type3A_30 : vector<64x512xi32> to vector<64x512xf32>
    %get3A_32 = arith.constant 0 : index
    %get3A_33 = arith.constant 0 : index
    %get3A_34 = vector.load %arg9[%get3A_32, %get3A_33] : memref<64x128xf32, #tpu.memory_space<vmem>>, vector<64x128xf32>
    %dot_general3A = arith.constant dense<0.000000e+00> : vector<64x128xf32>
    %dot_general3A_35 = tpu.matmul %convert_element_type3A_31, %add3A_23, %dot_general3A {dimension_numbers = #tpu.dot_dimension_numbers<[1], [0], [0], [1], [0, 0, 1, 1], [], []>, transpose_lhs_hint = false} : vector<64x512xf32>, vector<512x128xf32>, vector<64x128xf32> -> vector<64x128xf32>
    %add3A_36 = arith.addf %get3A_34, %dot_general3A_35 : vector<64x128xf32>
    %swap3A = arith.constant 0 : index
    %swap3A_37 = arith.constant 0 : index
    %swap3A_38 = vector.load %arg9[%swap3A, %swap3A_37] : memref<64x128xf32, #tpu.memory_space<vmem>>, vector<64x128xf32>
    tpu.vector_store %arg9[%swap3A, %swap3A_37], %add3A_36 {strides = array<i32>} : memref<64x128xf32, #tpu.memory_space<vmem>>, vector<64x128xf32>,
    %get3A_39 = arith.constant 0 : index
    %get3A_40 = arith.constant 0 : index
    %get3A_41 = vector.load %arg10[%get3A_39, %get3A_40] : memref<64x128xf32, #tpu.memory_space<vmem>>, vector<64x128xf32>
    %broadcast_in_dim3A = arith.constant 1.000000e+00 : f32
    %broadcast_in_dim3A_42 = vector.broadcast %broadcast_in_dim3A : f32 to vector<512x128xf32>
    %dot_general3A_43 = arith.constant dense<0.000000e+00> : vector<64x128xf32>
    %dot_general3A_44 = tpu.matmul %convert_element_type3A_31, %broadcast_in_dim3A_42, %dot_general3A_43 {dimension_numbers = #tpu.dot_dimension_numbers<[1], [0], [0], [1], [0, 0, 1, 1], [], []>, transpose_lhs_hint = false} : vector<64x512xf32>, vector<512x128xf32>, vector<64x128xf32> -> vector<64x128xf32>
    %add3A_45 = arith.addf %get3A_41, %dot_general3A_44 : vector<64x128xf32>
    %swap3A_46 = arith.constant 0 : index
    %swap3A_47 = arith.constant 0 : index
    %swap3A_48 = vector.load %arg10[%swap3A_46, %swap3A_47] : memref<64x128xf32, #tpu.memory_space<vmem>>, vector<64x128xf32>
    tpu.vector_store %arg10[%swap3A_46, %swap3A_47], %add3A_45 {strides = array<i32>} : memref<64x128xf32, #tpu.memory_space<vmem>>, vector<64x128xf32>,
    %eq3A_49 = arith.constant 19 : i32
    %eq3A_50 = arith.cmpi eq, %arg0, %eq3A_49 : i32
    %convert_element_type3A_51 = arith.extui %eq3A_50 : i1 to i32
    %cond3A_52 = arith.constant 0 : i32
    %cond3A_53 = arith.cmpi ne, %convert_element_type3A_51, %cond3A_52 : i32
    scf.if %cond3A_53 {
      %get3A_54 = arith.constant 0 : index
      %get3A_55 = arith.constant 0 : index
      %get3A_56 = vector.load %arg9[%get3A_54, %get3A_55] : memref<64x128xf32, #tpu.memory_space<vmem>>, vector<64x128xf32>
      %get3A_57 = arith.constant 0 : index
      %get3A_58 = arith.constant 0 : index
      %get3A_59 = vector.load %arg10[%get3A_57, %get3A_58] : memref<64x128xf32, #tpu.memory_space<vmem>>, vector<64x128xf32>
      %max3A = arith.constant 1.000000e+00 : f32
      %max3A_60 = vector.broadcast %max3A : f32 to vector<64x128xf32>
      %max3A_61 = arith.maximumf %get3A_59, %max3A_60 : vector<64x128xf32>
      %div3A = arith.divf %get3A_56, %max3A_61 : vector<64x128xf32>
      %get3A_62 = arith.constant 0 : index
      %get3A_63 = arith.constant 0 : index
      %get3A_64 = vector.load %arg6[%get3A_62, %get3A_63] : memref<128x1xf32, #tpu.memory_space<vmem>>, vector<128x1xf32>
      %dot_general3A_65 = arith.constant dense<0.000000e+00> : vector<64x1xf32>
      %dot_general3A_66 = tpu.matmul %div3A, %get3A_64, %dot_general3A_65 {dimension_numbers = #tpu.dot_dimension_numbers<[1], [0], [0], [1], [0, 0, 1, 1], [], []>, transpose_lhs_hint = false} : vector<64x128xf32>, vector<128x1xf32>, vector<64x1xf32> -> vector<64x1xf32>
      %get3A_67 = arith.constant 0 : index
      %get3A_68 = arith.constant 0 : index
      %get3A_69 = vector.load %arg7[%get3A_67, %get3A_68] : memref<1x1xf32, #tpu.memory_space<vmem>>, vector<1x1xf32>
      %add3A_70 = vector.broadcast %get3A_69 : vector<1x1xf32> to vector<64x1xf32>
      %add3A_71 = arith.addf %dot_general3A_66, %add3A_70 : vector<64x1xf32>
      %swap3A_72 = arith.constant 0 : index
      %swap3A_73 = arith.constant 0 : index
      %swap3A_74 = vector.load %arg8[%swap3A_72, %swap3A_73] : memref<64x1xf32, #tpu.memory_space<vmem>>, vector<64x1xf32>
      tpu.vector_store %arg8[%swap3A_72, %swap3A_73], %add3A_71 {strides = array<i32>} : memref<64x1xf32, #tpu.memory_space<vmem>>, vector<64x1xf32>,
    } else {
    }
    return
  }
  func.func @transform_0(%arg0: i32) -> (i32, i32, i32) {
    %c0_i32 = arith.constant 0 : i32
    %c0_i32_0 = arith.constant 0 : i32
    %c0_i32_1 = arith.constant 0 : i32
    return %c0_i32, %arg0, %c0_i32_0 : i32, i32, i32
  }
  func.func @transform_1(%arg0: i32) -> (i32, i32) {
    %c0_i32 = arith.constant 0 : i32
    %c0_i32_0 = arith.constant 0 : i32
    return %arg0, %c0_i32 : i32, i32
  }
  func.func @transform_2(%arg0: i32) -> (i32, i32) {
    %c0_i32 = arith.constant 0 : i32
    %c0_i32_0 = arith.constant 0 : i32
    return %arg0, %c0_i32 : i32, i32
  }
  func.func @transform_3(%arg0: i32) -> (i32, i32) {
    %c0_i32 = arith.constant 0 : i32
    %c0_i32_0 = arith.constant 0 : i32
    %c0_i32_1 = arith.constant 0 : i32
    return %c0_i32, %c0_i32_0 : i32, i32
  }
  func.func @transform_4(%arg0: i32) -> (i32, i32) {
    %c0_i32 = arith.constant 0 : i32
    %c0_i32_0 = arith.constant 0 : i32
    return %c0_i32, %arg0 : i32, i32
  }
  func.func @transform_5(%arg0: i32) -> (i32, i32) {
    %c0_i32 = arith.constant 0 : i32
    %c0_i32_0 = arith.constant 0 : i32
    %c0_i32_1 = arith.constant 0 : i32
    return %c0_i32, %c0_i32_0 : i32, i32
  }
  func.func @transform_6(%arg0: i32) -> (i32, i32) {
    %c0_i32 = arith.constant 0 : i32
    %c0_i32_0 = arith.constant 0 : i32
    %c0_i32_1 = arith.constant 0 : i32
    return %c0_i32, %c0_i32_0 : i32, i32
  }
  func.func @transform_7(%arg0: i32) -> (i32, i32) {
    %c0_i32 = arith.constant 0 : i32
    %c0_i32_0 = arith.constant 0 : i32
    %c0_i32_1 = arith.constant 0 : i32
    return %c0_i32, %c0_i32_0 : i32, i32
  }
}

module attributes {stable_mosaic.version = 14 : i64} {
  func.func @_layer_body(%arg0: i32, %arg1: memref<2x512x128xf32, #tpu.memory_space<vmem>>, %arg2: memref<512x128xf32, #tpu.memory_space<vmem>>, %arg3: memref<512x1xf32, #tpu.memory_space<vmem>>, %arg4: memref<1x128xf32, #tpu.memory_space<vmem>>, %arg5: memref<128x128xf32, #tpu.memory_space<vmem>>, %arg6: memref<512x128xf32, #tpu.memory_space<vmem>>) attributes {dimension_semantics = [#tpu.dimension_semantics<arbitrary>], iteration_bounds = array<i64: 20>, scalar_prefetch = 0 : i64, scratch_operands = 0 : i64, tpu.core_type = #tpu.core_type<tc>, window_params = [{transform_indices = @transform_0, window_bounds = array<i64: 2, 512, 128>}, {transform_indices = @transform_1, window_bounds = array<i64: 512, 128>}, {transform_indices = @transform_2, window_bounds = array<i64: 512, 1>}, {pipeline_mode = #tpu.pipeline_mode<synchronous>, transform_indices = @transform_3, window_bounds = array<i64: 1, 128>}, {pipeline_mode = #tpu.pipeline_mode<synchronous>, transform_indices = @transform_4, window_bounds = array<i64: 128, 128>}, {transform_indices = @transform_5, window_bounds = array<i64: 512, 128>}]} {
    %get3A = arith.constant 0 : index
    %get3A_0 = arith.constant 0 : index
    %get3A_1 = vector.load %arg3[%get3A, %get3A_0] : memref<512x1xf32, #tpu.memory_space<vmem>>, vector<512x1xf32>
    %get3A_2 = arith.constant 0 : index
    %get3A_3 = arith.constant 0 : index
    %get3A_4 = arith.constant 0 : index
    %get3A_5 = vector.load %arg1[%get3A_2, %get3A_3, %get3A_4] : memref<2x512x128xf32, #tpu.memory_space<vmem>>, vector<1x512x128xf32>
    %get3A_6 = vector.shape_cast %get3A_5 : vector<1x512x128xf32> to vector<512x128xf32>
    %get3A_7 = arith.constant 1 : index
    %get3A_8 = arith.constant 0 : index
    %get3A_9 = arith.constant 0 : index
    %get3A_10 = vector.load %arg1[%get3A_7, %get3A_8, %get3A_9] : memref<2x512x128xf32, #tpu.memory_space<vmem>>, vector<1x512x128xf32>
    %get3A_11 = vector.shape_cast %get3A_10 : vector<1x512x128xf32> to vector<512x128xf32>
    %add3A = arith.addf %get3A_6, %get3A_11 : vector<512x128xf32>
    %get3A_12 = arith.constant 0 : index
    %get3A_13 = arith.constant 0 : index
    %get3A_14 = vector.load %arg2[%get3A_12, %get3A_13] : memref<512x128xf32, #tpu.memory_space<vmem>>, vector<512x128xf32>
    %add3A_15 = arith.addf %add3A, %get3A_14 : vector<512x128xf32>
    %mul3A = vector.broadcast %get3A_1 : vector<512x1xf32> to vector<512x128xf32>
    %mul3A_16 = arith.mulf %add3A_15, %mul3A : vector<512x128xf32>
    %get3A_17 = arith.constant 0 : index
    %get3A_18 = arith.constant 0 : index
    %get3A_19 = vector.load %arg4[%get3A_17, %get3A_18] : memref<1x128xf32, #tpu.memory_space<vmem>>, vector<1x128xf32>
    %add3A_20 = vector.broadcast %get3A_19 : vector<1x128xf32> to vector<512x128xf32>
    %add3A_21 = arith.addf %mul3A_16, %add3A_20 : vector<512x128xf32>
    %max3A = arith.constant 0.000000e+00 : f32
    %max3A_22 = vector.broadcast %max3A : f32 to vector<512x128xf32>
    %max3A_23 = arith.maximumf %add3A_21, %max3A_22 : vector<512x128xf32>
    %get3A_24 = arith.constant 0 : index
    %get3A_25 = arith.constant 0 : index
    %get3A_26 = vector.load %arg5[%get3A_24, %get3A_25] : memref<128x128xf32, #tpu.memory_space<vmem>>, vector<128x128xf32>
    %dot_general3A = arith.constant dense<0.000000e+00> : vector<512x128xf32>
    %dot_general3A_27 = tpu.matmul %max3A_23, %get3A_26, %dot_general3A {dimension_numbers = #tpu.dot_dimension_numbers<[1], [0], [0], [1], [0, 0, 1, 1], [], []>, transpose_lhs_hint = false} : vector<512x128xf32>, vector<128x128xf32>, vector<512x128xf32> -> vector<512x128xf32>
    %mul3A_28 = vector.broadcast %get3A_1 : vector<512x1xf32> to vector<512x128xf32>
    %mul3A_29 = arith.mulf %dot_general3A_27, %mul3A_28 : vector<512x128xf32>
    %swap3A = arith.constant 0 : index
    %swap3A_30 = arith.constant 0 : index
    %swap3A_31 = vector.load %arg6[%swap3A, %swap3A_30] : memref<512x128xf32, #tpu.memory_space<vmem>>, vector<512x128xf32>
    tpu.vector_store %arg6[%swap3A, %swap3A_30], %mul3A_29 {strides = array<i32>} : memref<512x128xf32, #tpu.memory_space<vmem>>, vector<512x128xf32>,
    return
  }
  func.func @transform_0(%arg0: i32) -> (i32, i32, i32) {
    %c0_i32 = arith.constant 0 : i32
    %c0_i32_0 = arith.constant 0 : i32
    %c0_i32_1 = arith.constant 0 : i32
    return %c0_i32, %arg0, %c0_i32_0 : i32, i32, i32
  }
  func.func @transform_1(%arg0: i32) -> (i32, i32) {
    %c0_i32 = arith.constant 0 : i32
    %c0_i32_0 = arith.constant 0 : i32
    return %arg0, %c0_i32 : i32, i32
  }
  func.func @transform_2(%arg0: i32) -> (i32, i32) {
    %c0_i32 = arith.constant 0 : i32
    %c0_i32_0 = arith.constant 0 : i32
    return %arg0, %c0_i32 : i32, i32
  }
  func.func @transform_3(%arg0: i32) -> (i32, i32) {
    %c0_i32 = arith.constant 0 : i32
    %c0_i32_0 = arith.constant 0 : i32
    %c0_i32_1 = arith.constant 0 : i32
    return %c0_i32, %c0_i32_0 : i32, i32
  }
  func.func @transform_4(%arg0: i32) -> (i32, i32) {
    %c0_i32 = arith.constant 0 : i32
    %c0_i32_0 = arith.constant 0 : i32
    %c0_i32_1 = arith.constant 0 : i32
    return %c0_i32, %c0_i32_0 : i32, i32
  }
  func.func @transform_5(%arg0: i32) -> (i32, i32) {
    %c0_i32 = arith.constant 0 : i32
    %c0_i32_0 = arith.constant 0 : i32
    return %arg0, %c0_i32 : i32, i32
  }
}

</mosaic_0001>

<sc_bundles>
// kernel: kernel.10.cloned.1.call-start
scs
__scs_entry_jumppad:
0x0: {  	(pc) =	sbr.rel $0x88, $3  }
0x1: {  	(tag) =	ssettag $0x0;
	lr =	simm.s32 $0x1  }
0x2: {  	[smem:$0x3F96] =	sst lr;
	_ =	strace $0xD0000000  }
0x3: {  	_ = 	snop  }
0x4: {  	_ = 	snop  }
0x5: {  	_ = 	snop  }
0x6: {  	_ = 	snop  }
0x7: {  	_ = 	snop  }
__scs_overlays_trampoline_lowered:
0x8: {  	[smem:$0x3FA5] =	sst s0  }
0x9: {  	[smem:$0x3FA6] =	sst s1  }
0xa: {  	[smem:$0x3FA7] =	sst s2  }
0xb: {  	[smem:$0x3FA8] =	sst s3  }
0xc: {  	[smem:$0x3FA9] =	sst s4  }
0xd: {  	[smem:$0x3FAA] =	sst s5  }
0xe: {  	[smem:$0x3FAB] =	sst s6  }
0xf: {  	[smem:$0x3FAC] =	sst s7  }
0x10: {  	[smem:$0x3FAD] =	sst s8  }
0x11: {  	[smem:$0x3FAE] =	sst s9;
	s0 =	simm.s32 @!p0 $0x0  }
0x12: {  	s1 =	sld [smem:$0x3F94];
	s0 =	simm.s32 @p0 $0x1  }
0x13: {  	[smem:$0x3FAF] =	sst s0;
	s0 =	simm.s32 @!p1 $0x0  }
0x14: {  	s2 =	sld [smem:$0x3F93];
	s0 =	simm.s32 @p1 $0x1  }
0x15: {  	[smem:$0x3FB0] =	sst s0;
	s0 =	simm.s32 @!p2 $0x0  }
0x16: {  	s3 =	sld [smem:$0x3FDB];
	s0 =	simm.s32 @p2 $0x1  }
0x17: {  	s4 =	simm.s32 $0x1BF5;
	[smem:$0x3FB2] =	sst s0  }
0x18: {  	s0 =	sld [smem:$0x3F95];
	_ =	swait.ge [sflag:s4], $0x0  }
0x19: {  	s7 =	sld [smem:$0x3F96]  }
0x1a: {  	s8 =	sadd.s32 $0xFFFFE003, lr  }
0x1b: {  	s9 =	sadd.s32 $0xFFFFFEF7, lr;
	s5 =	simm.s32 $0xFFFFFFFF;
	p2 =	slt.u32 s8, $0xFFFFF086  }
0x1c: {  	p1 =	slt.u32 s9, $0xF7A;
	s5 =	simm.s32 @!p2 $0x0  }
0x1d: {  	s5 =	simm.s32 @p1 $0x1;
	p0 =	seq.s32 s7, s2  }
0x1e: {  	s7 =	smul.u32 @!p0 $0xF7A, s2;
	p2 =	seq.s32 @!p0 s5, $0x0  }
0x1f: {  	s9 =	smul.u32 $0xF7A, s1;
	s8 =	simm.s32 @!p0 $0x1BF5;
	p2 =	por !p2, p0  }
0x20: {  	[sflag:s8] =	ssyncset.s32 @!p0 $0xFFFFF086;
	s6 =	sadd.s32 @!p0 s3, s7;
	s7 =	simm.s32 @!p0 $0x108  }
0x21: {  	s3 =	sadd.s32 s3, s9;
	s6 =	sadd.s32 @!p0 $0x88, s6;
	s7 =	simm.s32 @p2 $0x1082  }
0x22: {  	[simem:s7], [sflag:s8] =	dma.local @!p0 [hbm:s6], $0xF7A  }
0x23: {  	s9 =	sor.u32 $0xD0000000, s2;
	s6 =	simm.s32 $0x108;
	_ =	swait.ge @!p0 [sflag:s8], $0x0  }
0x24: {  	s3 =	sadd.s32 $0x88, s3;
	s6 =	simm.s32 @!p1 $0x1082;
	[sflag:s4] =	ssyncset.s32 $0xFFFFF086  }
0x25: {  	[simem:s6], [sflag:s4] =	dma.local [hbm:s3], $0xF7A  }
0x26: {  	[smem:$0x3F96] =	sst s1;
	(tag) =	ssettag s2;
	_ =	strace s9  }
0x27: {  	s1 =	sld [smem:$0x3FA6]  }
0x28: {  	s2 =	sld [smem:$0x3FA7]  }
0x29: {  	s4 =	sld [smem:$0x3FA9]  }
0x2a: {  	p0 =	seq.s32 s5, $0x0;
	s5 =	sld [smem:$0x3FAA]  }
0x2b: {  	s6 =	sld [smem:$0x3FAB]  }
0x2c: {  	s7 =	sld [smem:$0x3FAC]  }
0x2d: {  	s3 =	simm.s32 $0x108;
	s8 =	sld [smem:$0x3FAD]  }
0x2e: {  	s3 =	simm.s32 @!p0 $0x1082;
	s9 =	sld [smem:$0x3FAE]  }
0x2f: {  	lr =	sadd.s32 s0, s3;
	s0 =	sld [smem:$0x3FA5]  }
0x30: {  	s3 =	sld [smem:$0x3FA8]  }
0x31: {  	[smem:$0x3FB1] =	sst s10  }
0x32: {  	s10 =	sld [smem:$0x3FAF];
	_ =	sdelay $0x3  }
0x33: {  	p0 =	seq.s32 s10, $0x1;
	s10 =	sld [smem:$0x3FB1];
	_ =	sdelay $0x3  }
0x34: {  	[smem:$0x3FB1] =	sst s10  }
0x35: {  	s10 =	sld [smem:$0x3FB0];
	_ =	sdelay $0x3  }
0x36: {  	p1 =	seq.s32 s10, $0x1;
	s10 =	sld [smem:$0x3FB1];
	_ =	sdelay $0x3  }
0x37: {  	[smem:$0x3FB1] =	sst s10  }
0x38: {  	s10 =	sld [smem:$0x3FB2]  }
0x39: {  	_ = 	snop;
	(pc) =	sbr.ind lr, $3  }
0x3a: {  	_ = 	snop  }
0x3b: {  	_ = 	snop  }
0x3c: {  	p2 =	seq.s32 s10, $0x1;
	s10 =	sld [smem:$0x3FB1]  }
0x3d: {  	_ =	shalt  }
0x3e: {  	_ =	shalt  }
0x3f: {  	_ =	shalt  }
0x40: {  	_ =	shalt  }
0x41: {  	_ =	shalt  }
0x42: {  	_ =	shalt  }
0x43: {  	_ =	shalt  }
0x44: {  	_ =	shalt  }
0x45: {  	_ =	shalt  }
0x46: {  	_ =	shalt  }
0x47: {  	_ =	shalt  }
0x48: {  	_ =	shalt  }
0x49: {  	_ =	shalt  }
0x4a: {  	_ =	shalt  }
0x4b: {  	_ =	shalt  }
0x4c: {  	_ =	shalt  }
0x4d: {  	_ =	shalt  }
0x4e: {  	_ =	shalt  }
0x4f: {  	_ =	shalt  }
0x50: {  	_ =	shalt  }
0x51: {  	_ =	shalt  }
0x52: {  	_ =	shalt  }
0x53: {  	_ =	shalt  }
0x54: {  	_ =	shalt  }
0x55: {  	_ =	shalt  }
0x56: {  	_ =	shalt  }
0x57: {  	_ =	shalt  }
0x58: {  	_ =	shalt  }
0x59: {  	_ =	shalt  }
0x5a: {  	_ =	shalt  }
0x5b: {  	_ =	shalt  }
0x5c: {  	_ =	shalt  }
0x5d: {  	_ =	shalt  }
0x5e: {  	_ =	shalt  }
0x5f: {  	_ =	shalt  }
0x60: {  	_ =	shalt  }
0x61: {  	_ =	shalt  }
0x62: {  	_ =	shalt  }
0x63: {  	_ =	shalt  }
0x64: {  	_ =	shalt  }
0x65: {  	_ =	shalt  }
0x66: {  	_ =	shalt  }
0x67: {  	_ =	shalt  }
0x68: {  	_ =	shalt  }
0x69: {  	_ =	shalt  }
0x6a: {  	_ =	shalt  }
0x6b: {  	_ =	shalt  }
0x6c: {  	_ =	shalt  }
0x6d: {  	_ =	shalt  }
0x6e: {  	_ =	shalt  }
0x6f: {  	_ =	shalt  }
0x70: {  	_ =	shalt  }
0x71: {  	_ =	shalt  }
0x72: {  	_ =	shalt  }
0x73: {  	_ =	shalt  }
0x74: {  	_ =	shalt  }
0x75: {  	_ =	shalt  }
0x76: {  	_ =	shalt  }
0x77: {  	_ =	shalt  }
0x78: {  	_ =	shalt  }
0x79: {  	_ =	shalt  }
0x7a: {  	_ =	shalt  }
0x7b: {  	_ =	shalt  }
0x7c: {  	_ =	shalt  }
0x7d: {  	_ =	shalt  }
0x7e: {  	_ =	shalt  }
0x7f: {  	_ =	shalt  }
0x80: {  	_ =	shalt  }
0x81: {  	_ =	shalt  }
0x82: {  	_ =	shalt  }
0x83: {  	_ =	shalt  }
0x84: {  	_ =	shalt  }
0x85: {  	_ =	shalt  }
0x86: {  	_ =	shalt  }
0x87: {  	_ =	shalt  }
.Lfunc_end0:
.L_simem_size_0:
called_computation_lowered:
.L_overlay_start_0:
0x88: {  	s2 =	sld [smem:$0x3FD9]  }
0x89: {  	s3 =	sld [smem:$0x3FFE];
	_ =	sdelay $0x1  }
0x8a: {  	s1 =	srdreg.scid  }
0x8b: {  	s0 =	sand.u32 $0x1, s1  }
0x8c: {  	s16 =	sshll.u32 s0, $0xA;
	s2 =	sadd.s32 s3, s2  }
0x8d: {  	s2 =	sadd.s32 s2, s16  }
0x8e: {  	[smem:$0x3FBD] =	sst s2  }
0x8f: {  	_ = 	snop  }
0x90: {  	(tm) =	ssettm $0x1  }
0x91: {  	s17 =	sld [smem:$0x3FFB];
	_ =	sdelay $0x3  }
0x92: {  	_ =	strace s17  }
0x93: {  	s2 =	sld [smem:$0x3FFC];
	_ =	sdelay $0x3  }
0x94: {  	_ =	strace s2  }
0x95: {  	s2 =	sld [smem:$0x3FFD];
	_ =	sdelay $0x3  }
0x96: {  	_ =	strace s2  }
0x97: {  	_ =	strace $0x8FFFFFFF  }
0x98: {  	s18 =	sld [smem:$0x3FDB];
	_ =	sdelay $0x1  }
0x99: {  	s19 =	simm.s32 $_scs_section_size  }
0x9a: {  	s4 =	simm.s32 $_size__tile_overlayer_lowered;
	s5 =	simm.s32 $_tile_overlayer_lowered  }
0x9b: {  	s22 =	simm.s32 $0x1BFF;
	s21 =	sshll.u32 s5, $0x1;
	s2 =	sadd.s32 s19, s18  }
0x9c: {  	s6 =	simm.s32 $0x0;
	s20 =	sshll.u32 s4, $0x1;
	s4 =	sadd.s32 s21, s2  }
0x9d: {  	[timem:s6], [sflag:s22] =	dma.local [hbm:s4], s20  }
0x9e: {  	_ =	swait.ge [sflag:s22], s20  }
0x9f: {  	s3 =	ssub.s32 $0x0, s20;
	[sflag:s22] =	ssyncset.done $0x0  }
0xa0: {  	[sflag:s22] =	ssyncadd.s32 s3;
	_ =	sdelay $0x1  }
0xa1: {  	s23 =	simm.s32 $0x1B8B  }
0xa2: {  	_ =	swait.ge [sflag:s23], $0x1  }
0xa3: {  	[sflag:s23] =	ssyncset.done $0x0  }
0xa4: {  	s25 =	simm.s32 $0x1B8E;
	s24 =	sld [smem:$0x3FFE];
	[sflag:s23] =	ssyncadd.s32 $0xFFFFFFFF  }
0xa5: {  	s26 =	simm.s32 $execute0_lowered;
	[smem:$0x3FD2] =	sst s25  }
0xa6: {  	s4 =	sshll.u32 s26, $0x1;
	_ =	strace $0x80000046;
	[dreg:$0x1] =	wrdreg $0xFFFFFFFF  }
0xa7: {  	s28 =	simm.s32 $_size_execute0_lowered;
	s2 =	sadd.s32 s2, s4;
	[dreg:$0x0] =	wrdreg $0x0  }
0xa8: {  	s4 =	sshll.u32 s28, $0x1;
	[dreg:$0x2] =	wrdreg s2  }
0xa9: {  	[dreg:$0x3] =	wrdreg s4  }
0xaa: {  	[dreg:$0x4] =	wrdreg $0xC0  }
0xab: {  	_ =	task [dreg:s6], $0x5FFFF  }
0xac: {  	[dreg:$0x1] =	wrdreg $0xFFFFFFFF  }
0xad: {  	[dreg:$0x0] =	wrdreg $0x60  }
0xae: {  	[dreg:$0x2] =	wrdreg s24  }
0xaf: {  	[dreg:$0x3] =	wrdreg $0x2B000  }
0xb0: {  	[dreg:$0x4] =	wrdreg $0x9  }
0xb1: {  	_ =	task.clear_ibuf [dreg:s6], $0x5FFFF;
	_ =	strace $0x90000046  }
0xb2: {  	s29 =	simm.s32 $0x9;
	_ =	strace $0x80000048  }
0xb3: {  	_ =	swait.ge [sflag:s29], $0x1  }
0xb4: {  	[sflag:s29] =	ssyncadd.s32 $0xFFFFFFFF  }
0xb5: {  	_ =	strace $0x90000048  }
0xb6: {  	_ =	sfence  }
0xb7: {  	s30 =	sld [smem:$0x0];
	_ =	sdelay $0x2  }
0xb8: {  	s31 =	sshll.u32 s1, $0xD;
	s1 =	sshrl.u32 s1, $0x2  }
0xb9: {  	s3 =	sand.u32 $0x4000, s31;
	s1 =	sadd.s32 s1, s30  }
0xba: {  	s0 =	sor.u32 s3, s0;
	s1 =	sshll.u32 s1, $0x11  }
0xbb: {  	s0 =	sor.u32 s1, s0  }
0xbc: {  	s0 =	sadd.s32 $0x8F2B, s0  }
0xbd: {  	[sflag:s0] =	ssyncadd.remote.s32 $0x1  }
0xbe: {  	_ =	sfence.sel $0xFFFF  }
0xbf: {  	[dreg:$0x0] =	wrdreg $0xFFFFFFFF;
	(pc) =	sbr.abs _section_cstart, $3  }
0xc0: {  	[dreg:$0x1] =	wrdreg $0xFFFFFFFF  }
0xc1: {  	_ =	task.clear_ibuf [dreg:s6], $0x2FFFF;
	_ =	strace $0x9FFFFFFF  }
0xc2: {  	(tm) =	ssettm $0x7FFFFFFF  }
0xc3: {  	_ =	shalt  }
tec
execute0_lowered:
.L_overlay_start_1:
0x0: {  	(tag) =	ssettag $0x1  }
0x1: {  	s5 =	rddreg [dreg:$0x0]  }
0x2: {  	s2 =	rddreg [dreg:$0x1]  }
0x3: {  	s0 =	srdreg.scid;
	s1 =	rddreg [dreg:$0x2]  }
0x4: {  	s3 =	simm.s32 $0x0;
	s10 =	simm.s32 $0x2800;
	s11 =	simm.s32 $0x1  }
0x5: {  	s12 =	simm.s32 $0x2;
	s16 =	simm.s32 $0x20;
	s17 =	simm.s32 $0x10  }
0x6: {  	s18 =	simm.s32 $0x0;
	s4 =	sand.u32 $0x1, s0;
	s0 =	stileid.u32  }
0x7: {  	[smem:$0x7FF] =	sst s3;
	s6 =	sshll.u32 s4, $0x4;
	s8 =	smul.u32 $0xA00, s0  }
0x8: {  	s4 =	ssub.s32 $0x2, s4;
	_ =	strace $0x80000047;
	s14 =	smul.u32 $0xA0, s0  }
0x9: {  	s15 =	sshll.u32 s0, $0x6;
	s7 =	sor.u32 s0, s6;
	s9 =	sshrl.u32 s4, $0x1  }
0xa: {  	s6 =	sadd.s32 s6, s5;
	s7 =	smul.u32 $0x500, s7;
	s9 =	ssub.s32 s4, s9  }
0xb: {  	s31 =	sshrl.u32 s8, $0x2;
	s13 =	sadd.s32 $0xDA00, s6;
	s8 =	simm.s32 $0x3  }
0xc: {  	s4 =	sadd.s32 s31, s2;
	s6 =	smax.u32 s9, $0x1;
	s9 =	simm.s32 $0x80  }
0xd: {  	s13 =	sadd.s32 s14, s13;
	s14 =	sor.u32 $0x1C03, s15;
	s7 =	sadd.s32 s7, s5  }
0xe: {  	v0 =	vimm.f32 $1.000000000e+00;
	v1 =	vimm.f32 $0.0e+00;
	s15 =	sshrl.u32 s4, $0x3;
	s5 =	sadd.s32 $0x3A00, s7;
	s7 =	simm.s32 $0x2880  }
.LBB2_1:
0xf: {  	[tilespmem:$0x2800] =	vst v0  }
0x10: {  	[tilespmem:$0x2810] =	vst v0  }
0x11: {  	[tilespmem:$0x2820] =	vst v0  }
0x12: {  	[tilespmem:$0x2830] =	vst v0  }
0x13: {  	[tilespmem:$0x2840] =	vst v0  }
0x14: {  	[tilespmem:$0x2850] =	vst v0  }
0x15: {  	[tilespmem:$0x2860] =	vst v0  }
0x16: {  	[tilespmem:$0x2870] =	vst v0  }
0x17: {  	[tilespmem:$0x2880] =	vst v1  }
0x18: {  	[tilespmem:$0x2890] =	vst v1  }
0x19: {  	[tilespmem:$0x28A0] =	vst v1  }
0x1a: {  	[tilespmem:$0x28B0] =	vst v1  }
0x1b: {  	[tilespmem:$0x28C0] =	vst v1  }
0x1c: {  	[tilespmem:$0x28D0] =	vst v1  }
0x1d: {  	[tilespmem:$0x28E0] =	vst v1  }
0x1e: {  	[tilespmem:$0x28F0] =	vst v1  }
0x1f: {  	[tilespmem:$0x2900] =	vst v1  }
0x20: {  	[tilespmem:$0x2910] =	vst v1  }
0x21: {  	[tilespmem:$0x2920] =	vst v1  }
0x22: {  	[tilespmem:$0x2930] =	vst v1  }
0x23: {  	[tilespmem:$0x2940] =	vst v1  }
0x24: {  	[tilespmem:$0x2950] =	vst v1  }
0x25: {  	[tilespmem:$0x2960] =	vst v1  }
0x26: {  	[tilespmem:$0x2970] =	vst v1  }
0x27: {  	[tilespmem:$0x2980] =	vst v1  }
0x28: {  	[tilespmem:$0x2990] =	vst v1  }
0x29: {  	[tilespmem:$0x29A0] =	vst v1  }
0x2a: {  	[tilespmem:$0x29B0] =	vst v1  }
0x2b: {  	[tilespmem:$0x29C0] =	vst v1  }
0x2c: {  	[tilespmem:$0x29D0] =	vst v1  }
0x2d: {  	[tilespmem:$0x29E0] =	vst v1  }
0x2e: {  	[tilespmem:$0x29F0] =	vst v1  }
0x2f: {  	[tilespmem:$0x2A00] =	vst v1  }
0x30: {  	[tilespmem:$0x2A10] =	vst v1  }
0x31: {  	[tilespmem:$0x2A20] =	vst v1  }
0x32: {  	[tilespmem:$0x2A30] =	vst v1  }
0x33: {  	[tilespmem:$0x2A40] =	vst v1  }
0x34: {  	[tilespmem:$0x2A50] =	vst v1  }
0x35: {  	[tilespmem:$0x2A60] =	vst v1  }
0x36: {  	[tilespmem:$0x2A70] =	vst v1  }
0x37: {  	[tilespmem:$0x2A80] =	vst v1  }
0x38: {  	[tilespmem:$0x2A90] =	vst v1  }
0x39: {  	[tilespmem:$0x2AA0] =	vst v1  }
0x3a: {  	[tilespmem:$0x2AB0] =	vst v1  }
0x3b: {  	[tilespmem:$0x2AC0] =	vst v1  }
0x3c: {  	[tilespmem:$0x2AD0] =	vst v1  }
0x3d: {  	[tilespmem:$0x2AE0] =	vst v1  }
0x3e: {  	[tilespmem:$0x2AF0] =	vst v1  }
0x3f: {  	[spmem:s4] =	stream.linear.scatter [tilespmem:s7], [sflag:$0x3], $0x280, $0x38;
	[tilespmem:$0x2D80] =	vst v63  }
0x40: {  	_ =	swait.ge [sflag:s8], $0x280  }
0x41: {  	[sflag:s8] =	ssyncset.done $0x0  }
0x42: {  	[sflag:s8] =	ssyncadd.s32 $0xFFFFFD80  }
0x43: {  	[tilespmem:s3], [sflag:$0x3] =	stream.linear.gather [hbm4b:s5+s3], $0x2800, $0x38;
	[tilespmem:$0x2D80] =	vst v63  }
0x44: {  	_ =	swait.ge [sflag:s8], $0x2800  }
0x45: {  	[sflag:s8] =	ssyncset.done $0x0  }
0x46: {  	[sflag:s8] =	ssyncadd.s32 $0xFFFFD800  }
0x47: {  	[bflag:$0x0] =	sbarrier.arrive $0xFFFF  }
0x48: {  	[spmem:s2] =	stream.indirect.scatter.add.f32 [tilespmem:s10], [sflag:$0x1], $0x1, s3, s9, $0xb8;
	[tilespmem:$0x2D80] =	vst v63  }
0x49: {  	_ = 	snop  }
0x4a: {  	[spmem:s2] =	stream.indirect.scatter.add.f32 [tilespmem:s10], [sflag:$0x2], $0x1, s9, s9, $0xb8;
	[tilespmem:$0x2D80] =	vst v63  }
0x4b: {  	_ =	swait.ge [sflag:s11], $0x80  }
0x4c: {  	[sflag:s11] =	ssyncset.done $0x0  }
0x4d: {  	s19 =	simm.s32 $0x100;
	[sflag:s11] =	ssyncadd.s32 $0xFFFFFF80  }
0x4e: {  	[spmem:s2] =	stream.indirect.scatter.add.f32 [tilespmem:s10], [sflag:$0x1], $0x1, s19, s9, $0xb8;
	[tilespmem:$0x2D80] =	vst v63  }
0x4f: {  	_ =	swait.ge [sflag:s12], $0x80  }
0x50: {  	[sflag:s12] =	ssyncset.done $0x0  }
0x51: {  	s20 =	simm.s32 $0x180;
	s19 =	simm.s32 $0xFFFF6800;
	[sflag:s12] =	ssyncadd.s32 $0xFFFFFF80  }
.LBB2_2:
0x52: {  	[spmem:s2] =	stream.indirect.scatter.add.f32 [tilespmem:s10], [sflag:$0x2], $0x1, s20, s9, $0xb8;
	[tilespmem:$0x2D80] =	vst v63  }
0x53: {  	s20 =	smov.u32 s19  }
0x54: {  	p0 =	sne.s32 s19, $0xFFFFFC00;
	s19 =	sadd.s32 $0x400, s19;
	_ =	swait.ge [sflag:s11], $0x80  }
0x55: {  	s20 =	sshra.s32 s20, $0x2;
	[sflag:s11] =	ssyncset.done $0x0  }
.Ltmp0:
0x56: {  	s21 =	sadd.s32 $0x2800, s20;
	[sflag:s11] =	ssyncadd.s32 $0xFFFFFF80;
	(pc) =	sbr.rel @p0 .LBB2_2-.Ltmp0, $4  }
0x57: {  	[spmem:s2] =	stream.indirect.scatter.add.f32 [tilespmem:s10], [sflag:$0x1], $0x1, s21, s9, $0xb8;
	[tilespmem:$0x2D80] =	vst v63  }
0x58: {  	_ =	swait.ge [sflag:s12], $0x80  }
0x59: {  	[sflag:s12] =	ssyncset.done $0x0  }
0x5a: {  	s20 =	sadd.s32 $0x2880, s20;
	[sflag:s12] =	ssyncadd.s32 $0xFFFFFF80  }
0x5b: {  	[spmem:s2] =	stream.indirect.scatter.add.f32 [tilespmem:s10], [sflag:$0x2], $0x1, s20, s9, $0xb8;
	[tilespmem:$0x2D80] =	vst v63  }
0x5c: {  	_ =	swait.ge [sflag:s11], $0x80  }
0x5d: {  	[sflag:s11] =	ssyncset.done $0x0  }
0x5e: {  	[sflag:s11] =	ssyncadd.s32 $0xFFFFFF80  }
0x5f: {  	_ =	swait.ge [sflag:s12], $0x80  }
0x60: {  	s18 =	sadd.s32 $0x1, s18;
	[sflag:s12] =	ssyncset.done $0x0  }
0x61: {  	p0 =	sne.s32 s18, s6;
	[sflag:s12] =	ssyncadd.s32 $0xFFFFFF80  }
.Ltmp1:
0x62: {  	[bflag:$0x0] =	sbarrier.arrive $0xFFFF;
	(pc) =	sbr.rel @p0 .LBB2_1-.Ltmp1, $4  }
0x63: {  	[hbm:s13@s16], [sflag:s14] =	dma.strided [spmem:s15@s17], $0x50, s11, $0x10   }
0x64: {  	_ =	swait.ge [sflag:s8], $0x50  }
0x65: {  	[sflag:s8] =	ssyncset.done $0x0  }
0x66: {  	[sflag:s8] =	ssyncadd.s32 $0xFFFFFFB0  }
0x67: {  	_ =	sfence.sel $0x180000  }
0x68: {  	[bflag:$0x0] =	sbarrier.arrive $0xFFFF  }
0x69: {  	p0 =	sne.s32 s0, $0x0;
	_ =	strace $0x90000047  }
0x6a: {  	s0 =	sadd.s32 @!p0 $0x100000, s1;
	[bflag:$0x2] =	sbarrier.arrive $0xFFFF  }
0x6b: {  	[sflag:s0] =	ssyncadd.tile.s32 @!p0 $0x1;
	_ =	shalt  }
.Lfunc_end2:
_tile_overlayer_lowered:
.L_overlay_start_2:
0x6c: {  	(tag) =	ssettag $0x2  }
0x6d: {  	s0 =	rddreg [dreg:$0x0];
	s2 =	stileid.u32  }
0x6e: {  	s1 =	rddreg [dreg:$0x1];
	p0 =	sne.s32 s2, $0x0  }
0x6f: {  	s3 =	rddreg [dreg:$0x2];
	[bflag:$0x3] =	sbarrier.arrive $0xFFFF;
	s2 =	simm.s32 @!p0 $0x1C03  }
0x70: {  	[timem:s3], [sflag:s2] =	dma.local @!p0 [hbm:s0], s1  }
0x71: {  	s0 =	simm.s32 @!p0 $0x3  }
0x72: {  	_ =	swait.ge @!p0 [sflag:s0], s1  }
0x73: {  	s1 =	ssub.s32 @!p0 $0x0, s1;
	[sflag:s0] =	ssyncset.done @!p0 $0x0  }
0x74: {  	[sflag:s0] =	ssyncadd.s32 @!p0 s1  }
0x75: {  	[bflag:$0x3] =	sbarrier.arrive $0xFFFF  }
0x76: {  	_ =	shalt  }

// kernel: kernel.13.cloned.1.call-start
scs
__scs_entry_jumppad:
0x0: {  	(pc) =	sbr.rel $0x88, $3  }
0x1: {  	(tag) =	ssettag $0x0;
	lr =	simm.s32 $0x1  }
0x2: {  	[smem:$0x3F96] =	sst lr;
	_ =	strace $0xD0000000  }
0x3: {  	_ = 	snop  }
0x4: {  	_ = 	snop  }
0x5: {  	_ = 	snop  }
0x6: {  	_ = 	snop  }
0x7: {  	_ = 	snop  }
__scs_overlays_trampoline_lowered:
0x8: {  	[smem:$0x3FA5] =	sst s0  }
0x9: {  	[smem:$0x3FA6] =	sst s1  }
0xa: {  	[smem:$0x3FA7] =	sst s2  }
0xb: {  	[smem:$0x3FA8] =	sst s3  }
0xc: {  	[smem:$0x3FA9] =	sst s4  }
0xd: {  	[smem:$0x3FAA] =	sst s5  }
0xe: {  	[smem:$0x3FAB] =	sst s6  }
0xf: {  	[smem:$0x3FAC] =	sst s7  }
0x10: {  	[smem:$0x3FAD] =	sst s8  }
0x11: {  	[smem:$0x3FAE] =	sst s9;
	s0 =	simm.s32 @!p0 $0x0  }
0x12: {  	s1 =	sld [smem:$0x3F94];
	s0 =	simm.s32 @p0 $0x1  }
0x13: {  	[smem:$0x3FAF] =	sst s0;
	s0 =	simm.s32 @!p1 $0x0  }
0x14: {  	s2 =	sld [smem:$0x3F93];
	s0 =	simm.s32 @p1 $0x1  }
0x15: {  	[smem:$0x3FB0] =	sst s0;
	s0 =	simm.s32 @!p2 $0x0  }
0x16: {  	s3 =	sld [smem:$0x3FDB];
	s0 =	simm.s32 @p2 $0x1  }
0x17: {  	s4 =	simm.s32 $0x1BF5;
	[smem:$0x3FB2] =	sst s0  }
0x18: {  	s0 =	sld [smem:$0x3F95];
	_ =	swait.ge [sflag:s4], $0x0  }
0x19: {  	s7 =	sld [smem:$0x3F96]  }
0x1a: {  	s8 =	sadd.s32 $0xFFFFE003, lr  }
0x1b: {  	s9 =	sadd.s32 $0xFFFFFEF7, lr;
	s5 =	simm.s32 $0xFFFFFFFF;
	p2 =	slt.u32 s8, $0xFFFFF086  }
0x1c: {  	p1 =	slt.u32 s9, $0xF7A;
	s5 =	simm.s32 @!p2 $0x0  }
0x1d: {  	s5 =	simm.s32 @p1 $0x1;
	p0 =	seq.s32 s7, s2  }
0x1e: {  	s7 =	smul.u32 @!p0 $0xF7A, s2;
	p2 =	seq.s32 @!p0 s5, $0x0  }
0x1f: {  	s9 =	smul.u32 $0xF7A, s1;
	s8 =	simm.s32 @!p0 $0x1BF5;
	p2 =	por !p2, p0  }
0x20: {  	[sflag:s8] =	ssyncset.s32 @!p0 $0xFFFFF086;
	s6 =	sadd.s32 @!p0 s3, s7;
	s7 =	simm.s32 @!p0 $0x108  }
0x21: {  	s3 =	sadd.s32 s3, s9;
	s6 =	sadd.s32 @!p0 $0x88, s6;
	s7 =	simm.s32 @p2 $0x1082  }
0x22: {  	[simem:s7], [sflag:s8] =	dma.local @!p0 [hbm:s6], $0xF7A  }
0x23: {  	s9 =	sor.u32 $0xD0000000, s2;
	s6 =	simm.s32 $0x108;
	_ =	swait.ge @!p0 [sflag:s8], $0x0  }
0x24: {  	s3 =	sadd.s32 $0x88, s3;
	s6 =	simm.s32 @!p1 $0x1082;
	[sflag:s4] =	ssyncset.s32 $0xFFFFF086  }
0x25: {  	[simem:s6], [sflag:s4] =	dma.local [hbm:s3], $0xF7A  }
0x26: {  	[smem:$0x3F96] =	sst s1;
	(tag) =	ssettag s2;
	_ =	strace s9  }
0x27: {  	s1 =	sld [smem:$0x3FA6]  }
0x28: {  	s2 =	sld [smem:$0x3FA7]  }
0x29: {  	s4 =	sld [smem:$0x3FA9]  }
0x2a: {  	p0 =	seq.s32 s5, $0x0;
	s5 =	sld [smem:$0x3FAA]  }
0x2b: {  	s6 =	sld [smem:$0x3FAB]  }
0x2c: {  	s7 =	sld [smem:$0x3FAC]  }
0x2d: {  	s3 =	simm.s32 $0x108;
	s8 =	sld [smem:$0x3FAD]  }
0x2e: {  	s3 =	simm.s32 @!p0 $0x1082;
	s9 =	sld [smem:$0x3FAE]  }
0x2f: {  	lr =	sadd.s32 s0, s3;
	s0 =	sld [smem:$0x3FA5]  }
0x30: {  	s3 =	sld [smem:$0x3FA8]  }
0x31: {  	[smem:$0x3FB1] =	sst s10  }
0x32: {  	s10 =	sld [smem:$0x3FAF];
	_ =	sdelay $0x3  }
0x33: {  	p0 =	seq.s32 s10, $0x1;
	s10 =	sld [smem:$0x3FB1];
	_ =	sdelay $0x3  }
0x34: {  	[smem:$0x3FB1] =	sst s10  }
0x35: {  	s10 =	sld [smem:$0x3FB0];
	_ =	sdelay $0x3  }
0x36: {  	p1 =	seq.s32 s10, $0x1;
	s10 =	sld [smem:$0x3FB1];
	_ =	sdelay $0x3  }
0x37: {  	[smem:$0x3FB1] =	sst s10  }
0x38: {  	s10 =	sld [smem:$0x3FB2]  }
0x39: {  	_ = 	snop;
	(pc) =	sbr.ind lr, $3  }
0x3a: {  	_ = 	snop  }
0x3b: {  	_ = 	snop  }
0x3c: {  	p2 =	seq.s32 s10, $0x1;
	s10 =	sld [smem:$0x3FB1]  }
0x3d: {  	_ =	shalt  }
0x3e: {  	_ =	shalt  }
0x3f: {  	_ =	shalt  }
0x40: {  	_ =	shalt  }
0x41: {  	_ =	shalt  }
0x42: {  	_ =	shalt  }
0x43: {  	_ =	shalt  }
0x44: {  	_ =	shalt  }
0x45: {  	_ =	shalt  }
0x46: {  	_ =	shalt  }
0x47: {  	_ =	shalt  }
0x48: {  	_ =	shalt  }
0x49: {  	_ =	shalt  }
0x4a: {  	_ =	shalt  }
0x4b: {  	_ =	shalt  }
0x4c: {  	_ =	shalt  }
0x4d: {  	_ =	shalt  }
0x4e: {  	_ =	shalt  }
0x4f: {  	_ =	shalt  }
0x50: {  	_ =	shalt  }
0x51: {  	_ =	shalt  }
0x52: {  	_ =	shalt  }
0x53: {  	_ =	shalt  }
0x54: {  	_ =	shalt  }
0x55: {  	_ =	shalt  }
0x56: {  	_ =	shalt  }
0x57: {  	_ =	shalt  }
0x58: {  	_ =	shalt  }
0x59: {  	_ =	shalt  }
0x5a: {  	_ =	shalt  }
0x5b: {  	_ =	shalt  }
0x5c: {  	_ =	shalt  }
0x5d: {  	_ =	shalt  }
0x5e: {  	_ =	shalt  }
0x5f: {  	_ =	shalt  }
0x60: {  	_ =	shalt  }
0x61: {  	_ =	shalt  }
0x62: {  	_ =	shalt  }
0x63: {  	_ =	shalt  }
0x64: {  	_ =	shalt  }
0x65: {  	_ =	shalt  }
0x66: {  	_ =	shalt  }
0x67: {  	_ =	shalt  }
0x68: {  	_ =	shalt  }
0x69: {  	_ =	shalt  }
0x6a: {  	_ =	shalt  }
0x6b: {  	_ =	shalt  }
0x6c: {  	_ =	shalt  }
0x6d: {  	_ =	shalt  }
0x6e: {  	_ =	shalt  }
0x6f: {  	_ =	shalt  }
0x70: {  	_ =	shalt  }
0x71: {  	_ =	shalt  }
0x72: {  	_ =	shalt  }
0x73: {  	_ =	shalt  }
0x74: {  	_ =	shalt  }
0x75: {  	_ =	shalt  }
0x76: {  	_ =	shalt  }
0x77: {  	_ =	shalt  }
0x78: {  	_ =	shalt  }
0x79: {  	_ =	shalt  }
0x7a: {  	_ =	shalt  }
0x7b: {  	_ =	shalt  }
0x7c: {  	_ =	shalt  }
0x7d: {  	_ =	shalt  }
0x7e: {  	_ =	shalt  }
0x7f: {  	_ =	shalt  }
0x80: {  	_ =	shalt  }
0x81: {  	_ =	shalt  }
0x82: {  	_ =	shalt  }
0x83: {  	_ =	shalt  }
0x84: {  	_ =	shalt  }
0x85: {  	_ =	shalt  }
0x86: {  	_ =	shalt  }
0x87: {  	_ =	shalt  }
.Lfunc_end0:
.L_simem_size_0:
called_computation.1_lowered:
.L_overlay_start_0:
0x88: {  	s2 =	sld [smem:$0x3FD9]  }
0x89: {  	s3 =	sld [smem:$0x3FFE];
	_ =	sdelay $0x1  }
0x8a: {  	s1 =	srdreg.scid  }
0x8b: {  	s0 =	sand.u32 $0x1, s1  }
0x8c: {  	s16 =	sshll.u32 s0, $0xA;
	s2 =	sadd.s32 s3, s2  }
0x8d: {  	s2 =	sadd.s32 s2, s16  }
0x8e: {  	[smem:$0x3FBD] =	sst s2  }
0x8f: {  	_ = 	snop  }
0x90: {  	(tm) =	ssettm $0x1  }
0x91: {  	s17 =	sld [smem:$0x3FFB];
	_ =	sdelay $0x3  }
0x92: {  	_ =	strace s17  }
0x93: {  	s2 =	sld [smem:$0x3FFC];
	_ =	sdelay $0x3  }
0x94: {  	_ =	strace s2  }
0x95: {  	s2 =	sld [smem:$0x3FFD];
	_ =	sdelay $0x3  }
0x96: {  	_ =	strace s2  }
0x97: {  	_ =	strace $0x8FFFFFFF  }
0x98: {  	s18 =	sld [smem:$0x3FDB];
	_ =	sdelay $0x1  }
0x99: {  	s19 =	simm.s32 $_scs_section_size  }
0x9a: {  	s4 =	simm.s32 $_size__tile_overlayer_lowered;
	s5 =	simm.s32 $_tile_overlayer_lowered  }
0x9b: {  	s22 =	simm.s32 $0x1BFF;
	s21 =	sshll.u32 s5, $0x1;
	s2 =	sadd.s32 s19, s18  }
0x9c: {  	s6 =	simm.s32 $0x0;
	s20 =	sshll.u32 s4, $0x1;
	s4 =	sadd.s32 s21, s2  }
0x9d: {  	[timem:s6], [sflag:s22] =	dma.local [hbm:s4], s20  }
0x9e: {  	_ =	swait.ge [sflag:s22], s20  }
0x9f: {  	s3 =	ssub.s32 $0x0, s20;
	[sflag:s22] =	ssyncset.done $0x0  }
0xa0: {  	[sflag:s22] =	ssyncadd.s32 s3;
	_ =	sdelay $0x1  }
0xa1: {  	s23 =	simm.s32 $0x1B8B  }
0xa2: {  	_ =	swait.ge [sflag:s23], $0x1  }
0xa3: {  	[sflag:s23] =	ssyncset.done $0x0  }
0xa4: {  	s25 =	simm.s32 $0x1B8E;
	s24 =	sld [smem:$0x3FFE];
	[sflag:s23] =	ssyncadd.s32 $0xFFFFFFFF  }
0xa5: {  	s26 =	simm.s32 $execute0_lowered;
	[smem:$0x3FD2] =	sst s25  }
0xa6: {  	s4 =	sshll.u32 s26, $0x1;
	_ =	strace $0x80000049;
	[dreg:$0x1] =	wrdreg $0xFFFFFFFF  }
0xa7: {  	s28 =	simm.s32 $_size_execute0_lowered;
	s2 =	sadd.s32 s2, s4;
	[dreg:$0x0] =	wrdreg $0x0  }
0xa8: {  	s4 =	sshll.u32 s28, $0x1;
	[dreg:$0x2] =	wrdreg s2  }
0xa9: {  	[dreg:$0x3] =	wrdreg s4  }
0xaa: {  	[dreg:$0x4] =	wrdreg $0xC0  }
0xab: {  	_ =	task [dreg:s6], $0x5FFFF  }
0xac: {  	[dreg:$0x1] =	wrdreg $0xFFFFFFFF  }
0xad: {  	[dreg:$0x0] =	wrdreg $0x60  }
0xae: {  	[dreg:$0x2] =	wrdreg s24  }
0xaf: {  	[dreg:$0x3] =	wrdreg $0xC0000  }
0xb0: {  	[dreg:$0x4] =	wrdreg $0x9  }
0xb1: {  	_ =	task.clear_ibuf [dreg:s6], $0x5FFFF;
	_ =	strace $0x90000049  }
0xb2: {  	s29 =	simm.s32 $0x9;
	_ =	strace $0x8000004B  }
0xb3: {  	_ =	swait.ge [sflag:s29], $0x1  }
0xb4: {  	[sflag:s29] =	ssyncadd.s32 $0xFFFFFFFF  }
0xb5: {  	_ =	strace $0x9000004B  }
0xb6: {  	_ =	sfence  }
0xb7: {  	s30 =	sld [smem:$0x0];
	_ =	sdelay $0x2  }
0xb8: {  	s31 =	sshll.u32 s1, $0xD;
	s1 =	sshrl.u32 s1, $0x2  }
0xb9: {  	s3 =	sand.u32 $0x4000, s31;
	s1 =	sadd.s32 s1, s30  }
0xba: {  	s0 =	sor.u32 s3, s0;
	s1 =	sshll.u32 s1, $0x11  }
0xbb: {  	s0 =	sor.u32 s1, s0  }
0xbc: {  	s0 =	sadd.s32 $0x8F2B, s0  }
0xbd: {  	[sflag:s0] =	ssyncadd.remote.s32 $0x1  }
0xbe: {  	_ =	sfence.sel $0xFFFF  }
0xbf: {  	[dreg:$0x0] =	wrdreg $0xFFFFFFFF;
	(pc) =	sbr.abs _section_cstart, $3  }
0xc0: {  	[dreg:$0x1] =	wrdreg $0xFFFFFFFF  }
0xc1: {  	_ =	task.clear_ibuf [dreg:s6], $0x2FFFF;
	_ =	strace $0x9FFFFFFF  }
0xc2: {  	(tm) =	ssettm $0x7FFFFFFF  }
0xc3: {  	_ =	shalt  }
tec
execute0_lowered:
.L_overlay_start_1:
0x0: {  	(tag) =	ssettag $0x1  }
0x1: {  	s0 =	rddreg [dreg:$0x0]  }
0x2: {  	s1 =	rddreg [dreg:$0x1]  }
0x3: {  	s20 =	simm.s32 $0x0;
	s2 =	srdreg.scid;
	s8 =	stileid.u32  }
0x4: {  	s16 =	simm.s32 $0x2000;
	s28 =	simm.s32 $0x9800;
	s29 =	simm.s32 $0x2  }
0x5: {  	s30 =	simm.s32 $0x5;
	s9 =	simm.s32 $0x4;
	s10 =	simm.s32 $0x7  }
0x6: {  	s11 =	simm.s32 $0x300;
	s12 =	simm.s32 $0x1180;
	s15 =	simm.s32 $0x8  }
0x7: {  	[smem:$0x7FF] =	sst s20;
	s2 =	sand.u32 $0x1, s2;
	s6 =	smul.u32 $0x50000, s8  }
0x8: {  	s5 =	sshll.u32 s8, $0xB;
	s4 =	sadd.s32 $0x2E400, s0;
	s31 =	smul.u32 $0x2800, s8  }
0x9: {  	s8 =	simm.s32 $0x1100;
	s3 =	sshll.u32 s2, $0xF;
	_ =	strace $0x8000004A  }
0xa: {  	s17 =	smul.u32 $0x28000, s2;
	s2 =	ssub.s32 $0x2, s2;
	s6 =	sshrl.u32 s6, $0x2  }
0xb: {  	s3 =	sor.u32 s5, s3;
	s7 =	sshrl.u32 s2, $0x1;
	s22 =	sadd.s32 s6, s1  }
0xc: {  	s3 =	sadd.s32 s3, s0;
	s18 =	sadd.s32 $0x2800, s22;
	[dreg:$0x4] =	wrdreg s22  }
0xd: {  	s0 =	sadd.s32 s17, s0;
	s19 =	sadd.s32 $0x5000, s22;
	[dreg:$0x5] =	wrdreg s18  }
0xe: {  	s2 =	ssub.s32 s2, s7;
	s21 =	sadd.s32 $0x7800, s22;
	[dreg:$0x6] =	wrdreg s19  }
0xf: {  	s17 =	simm.s32 $0x9;
	s23 =	sadd.s32 $0xA000, s22;
	[dreg:$0x7] =	wrdreg s21  }
0x10: {  	s6 =	simm.s32 $0x6;
	s24 =	sadd.s32 $0xC800, s22;
	[dreg:$0x8] =	wrdreg s23  }
0x11: {  	s7 =	simm.s32 $0x280;
	s25 =	sadd.s32 $0xF000, s22;
	[dreg:$0x9] =	wrdreg s24  }
0x12: {  	s26 =	sadd.s32 $0x11800, s22;
	s13 =	sadd.s32 $0x1E400, s3;
	[dreg:$0xa] =	wrdreg s25  }
.Ltmp0:
0x13: {  	s2 =	smax.u32 s2, $0x1;
	[dreg:$0xb] =	wrdreg s26;
	(pc) =	sbr.rel .LBB2_1-.Ltmp0, $4  }
0x14: {  	s14 =	sadd.s32 $0xE400, s3;
	s0 =	sadd.s32 $0x56400, s0;
	[dreg:$0xc] =	wrdreg s2  }
0x15: {  	s18 =	simm.s32 $0x1000;
	s19 =	simm.s32 $0x50;
	s21 =	simm.s32 $0x4800  }
0x16: {  	s23 =	simm.s32 $0x7000;
	s0 =	sadd.s32 s31, s0;
	s25 =	simm.s32 $0x1  }
0x17: {  	v0 =	vimm.f32 $0.0e+00;
	s2 =	simm.s32 $0x3;
	s24 =	simm.s32 $0x0;
	[dreg:$0xd] =	wrdreg s0  }
.LBB2_8:
0x18: {  	s0 =	stileid.u32;
	[bflag:$0x0] =	sbarrier.arrive $0xFFFF  }
0x19: {  	s0 =	sshll.u32 s0, $0x6;
	s22 =	rddreg [dreg:$0x4]  }
0x1a: {  	s5 =	rddreg [dreg:$0xd];
	s0 =	sor.u32 $0x1C09, s0;
	s3 =	sshrl.u32 s22, $0x3  }
0x1b: {  	[hbm:s5], [sflag:s0] =	dma.local [spmem:s3], $0x2800  }
0x1c: {  	_ =	swait.ge [sflag:s17], $0x2800  }
0x1d: {  	s20 =	rddreg [dreg:$0x3]  }
0x1e: {  	s31 =	rddreg [dreg:$0xc];
	s20 =	sadd.s32 $0x1, s20  }
0x1f: {  	p0 =	sne.s32 s20, s31  }
.Ltmp1:
0x20: {  	_ = 	snop;
	(pc) =	sbr.rel @!p0 .LBB2_9-.Ltmp1, $3  }
0x21: {  	_ =	sdelay $0x1  }
0x22: {  	[sflag:s17] =	ssyncset.done $0x0  }
0x23: {  	[sflag:s17] =	ssyncadd.s32 $0xFFFFD800  }
.LBB2_1:
0x24: {  	[dreg:$0x3] =	wrdreg s20;
	s3 =	simm.s32 $0x0;
	s5 =	simm.s32 $0x200  }
.LBB2_2:
0x25: {  	p0 =	sne.s32 s5, $0x9E00;
	[tilespmem:s3+$0x2070] =	vst v0  }
0x26: {  	[tilespmem:s3+$0x2000] =	vst v0  }
0x27: {  	[tilespmem:s3+$0x2010] =	vst v0  }
.Ltmp2:
0x28: {  	[tilespmem:s3+$0x2020] =	vst v0;
	(pc) =	sbr.rel @p0 .LBB2_2-.Ltmp2, $4  }
0x29: {  	[tilespmem:s3+$0x2030] =	vst v0  }
0x2a: {  	[tilespmem:s3+$0x2040] =	vst v0  }
0x2b: {  	[tilespmem:s3+$0x2050] =	vst v0  }
0x2c: {  	[tilespmem:s3+$0x2060] =	vst v0;
	s3 =	sshra.s32 s5, $0x2;
	s5 =	sadd.s32 $0x200, s5  }
0x2d: {  	[tilespmem:s3+$0x2070] =	vst v0  }
0x2e: {  	[tilespmem:s3+$0x2000] =	vst v0  }
0x2f: {  	[tilespmem:s3+$0x2010] =	vst v0  }
0x30: {  	[tilespmem:s3+$0x2020] =	vst v0  }
0x31: {  	[tilespmem:s3+$0x2030] =	vst v0  }
0x32: {  	[tilespmem:s3+$0x2040] =	vst v0  }
0x33: {  	[tilespmem:s3+$0x2050] =	vst v0  }
0x34: {  	[tilespmem:s3+$0x2060] =	vst v0  }
0x35: {  	[spmem:s22] =	stream.linear.scatter [tilespmem:s16], [sflag:$0x9], $0x2800, $0x38;
	v63 =	vld [tilespmem:$0x0]  }
0x36: {  	_ =	swait.ge [sflag:s17], $0x2800  }
0x37: {  	[sflag:s17] =	ssyncset.done $0x0  }
0x38: {  	s0 =	rddreg [dreg:$0x5];
	[sflag:s17] =	ssyncadd.s32 $0xFFFFD800  }
0x39: {  	[spmem:s0] =	stream.linear.scatter [tilespmem:s16], [sflag:$0x9], $0x2800, $0x38;
	v63 =	vld [tilespmem:$0x0]  }
0x3a: {  	_ =	swait.ge [sflag:s17], $0x2800  }
0x3b: {  	[sflag:s17] =	ssyncset.done $0x0  }
0x3c: {  	s3 =	rddreg [dreg:$0x6];
	[sflag:s17] =	ssyncadd.s32 $0xFFFFD800  }
0x3d: {  	[spmem:s3] =	stream.linear.scatter [tilespmem:s16], [sflag:$0x9], $0x2800, $0x38;
	v63 =	vld [tilespmem:$0x0]  }
0x3e: {  	_ =	swait.ge [sflag:s17], $0x2800  }
0x3f: {  	[sflag:s17] =	ssyncset.done $0x0  }
0x40: {  	s5 =	rddreg [dreg:$0x7];
	[sflag:s17] =	ssyncadd.s32 $0xFFFFD800  }
0x41: {  	[spmem:s5] =	stream.linear.scatter [tilespmem:s16], [sflag:$0x9], $0x2800, $0x38;
	v63 =	vld [tilespmem:$0x0]  }
0x42: {  	_ =	swait.ge [sflag:s17], $0x2800  }
0x43: {  	[sflag:s17] =	ssyncset.done $0x0  }
0x44: {  	s20 =	rddreg [dreg:$0x8];
	[sflag:s17] =	ssyncadd.s32 $0xFFFFD800  }
0x45: {  	[spmem:s20] =	stream.linear.scatter [tilespmem:s16], [sflag:$0x9], $0x2800, $0x38;
	v63 =	vld [tilespmem:$0x0]  }
0x46: {  	_ =	swait.ge [sflag:s17], $0x2800  }
0x47: {  	[sflag:s17] =	ssyncset.done $0x0  }
0x48: {  	s22 =	rddreg [dreg:$0x9];
	[sflag:s17] =	ssyncadd.s32 $0xFFFFD800  }
0x49: {  	[spmem:s22] =	stream.linear.scatter [tilespmem:s16], [sflag:$0x9], $0x2800, $0x38;
	v63 =	vld [tilespmem:$0x0]  }
0x4a: {  	_ =	swait.ge [sflag:s17], $0x2800  }
0x4b: {  	[sflag:s17] =	ssyncset.done $0x0  }
0x4c: {  	s26 =	rddreg [dreg:$0xa];
	[sflag:s17] =	ssyncadd.s32 $0xFFFFD800  }
0x4d: {  	[spmem:s26] =	stream.linear.scatter [tilespmem:s16], [sflag:$0x9], $0x2800, $0x38;
	v63 =	vld [tilespmem:$0x0]  }
0x4e: {  	_ =	swait.ge [sflag:s17], $0x2800  }
0x4f: {  	[sflag:s17] =	ssyncset.done $0x0  }
0x50: {  	s31 =	rddreg [dreg:$0xb];
	[sflag:s17] =	ssyncadd.s32 $0xFFFFD800  }
0x51: {  	[spmem:s31] =	stream.linear.scatter [tilespmem:s16], [sflag:$0x9], $0x2800, $0x38;
	v63 =	vld [tilespmem:$0x0]  }
.Ltmp3:
0x52: {  	_ =	swait.ge [sflag:s17], $0x2800;
	(pc) =	sbr.rel .LBB2_4-.Ltmp3, $4  }
0x53: {  	[sflag:s17] =	ssyncset.done $0x0  }
0x54: {  	[sflag:s17] =	ssyncadd.s32 $0xFFFFD800  }
0x55: {  	[bflag:$0x0] =	sbarrier.arrive $0xFFFF  }
0x56: {  	s5 =	simm.s32 $0x0  }
.LBB2_7:
0x57: {  	s5 =	sadd.s32 $0x1, s5  }
0x58: {  	p0 =	sne.s32 s5, $0x4  }
.Ltmp4:
0x59: {  	_ = 	snop;
	(pc) =	sbr.rel @!p0 .LBB2_8-.Ltmp4, $4  }
0x5a: {  	[spmem:s1] =	stream.indirect.scatter.add.f32 [tilespmem:s28], [sflag:$0x8], $0x80, s22, s19, $0xb8;
	v63 =	vld [tilespmem:$0x0]  }
0x5b: {  	_ =	swait.ge [sflag:s15], $0x2800  }
0x5c: {  	[sflag:s15] =	ssyncset.done $0x0  }
0x5d: {  	[sflag:s15] =	ssyncadd.s32 $0xFFFFD800  }
.LBB2_4:
0x5e: {  	s3 =	sshll.u32 s5, $0x9  }
0x5f: {  	s20 =	sadd.s32 s3, s13  }
0x60: {  	[tilespmem:s24], [sflag:$0x9] =	stream.linear.gather [hbm4b:s20+s24], $0x1000, $0x38;
	v63 =	vld [tilespmem:$0x0]  }
0x61: {  	_ =	swait.ge [sflag:s17], $0x1000  }
0x62: {  	[sflag:s17] =	ssyncset.done $0x0  }
0x63: {  	s3 =	sadd.s32 s3, s14;
	[sflag:s17] =	ssyncadd.s32 $0xFFFFF000  }
0x64: {  	[tilespmem:s18], [sflag:$0x9] =	stream.linear.gather [hbm4b:s3+s24], $0x1000, $0x38;
	v63 =	vld [tilespmem:$0x0]  }
0x65: {  	_ =	swait.ge [sflag:s17], $0x1000  }
0x66: {  	[sflag:s17] =	ssyncset.done $0x0  }
0x67: {  	[sflag:s17] =	ssyncadd.s32 $0xFFFFF000  }
0x68: {  	[tilespmem:s16], [sflag:$0x1] =	stream.indirect.gather [hbm4b:s4+s19], $0x80, s24, s19, $0xb8;
	v63 =	vld [tilespmem:$0x0]  }
0x69: {  	s0 =	simm.s32 $0x80  }
0x6a: {  	[tilespmem:s21], [sflag:$0x2] =	stream.indirect.gather [hbm4b:s4+s19], $0x80, s0, s19, $0xb8;
	v63 =	vld [tilespmem:$0x0]  }
0x6b: {  	s20 =	simm.s32 $0x100  }
0x6c: {  	[tilespmem:s23], [sflag:$0x3] =	stream.indirect.gather [hbm4b:s4+s19], $0x80, s20, s19, $0xb8;
	v63 =	vld [tilespmem:$0x0]  }
0x6d: {  	_ =	swait.ge [sflag:s25], $0x2800  }
0x6e: {  	[sflag:s25] =	ssyncset.done $0x0  }
0x6f: {  	s22 =	simm.s32 $0x180;
	[sflag:s25] =	ssyncadd.s32 $0xFFFFD800  }
0x70: {  	[tilespmem:s28], [sflag:$0x4] =	stream.indirect.gather [hbm4b:s4+s19], $0x80, s22, s19, $0xb8;
	v63 =	vld [tilespmem:$0x0]  }
0x71: {  	_ = 	snop  }
0x72: {  	[spmem:s1] =	stream.indirect.scatter.add.f32 [tilespmem:s16], [sflag:$0x5], $0x80, s18, s19, $0xb8;
	v63 =	vld [tilespmem:$0x0]  }
0x73: {  	_ =	swait.ge [sflag:s29], $0x2800  }
0x74: {  	[sflag:s29] =	ssyncset.done $0x0  }
0x75: {  	[sflag:s29] =	ssyncadd.s32 $0xFFFFD800  }
0x76: {  	_ =	swait.ge [sflag:s30], $0x2800  }
0x77: {  	[sflag:s30] =	ssyncset.done $0x0  }
0x78: {  	s26 =	simm.s32 $0x200;
	[sflag:s30] =	ssyncadd.s32 $0xFFFFD800  }
0x79: {  	[tilespmem:s16], [sflag:$0x1] =	stream.indirect.gather [hbm4b:s4+s19], $0x80, s26, s19, $0xb8;
	v63 =	vld [tilespmem:$0x0]  }
0x7a: {  	s31 =	simm.s32 $0x1080  }
0x7b: {  	[spmem:s1] =	stream.indirect.scatter.add.f32 [tilespmem:s21], [sflag:$0x6], $0x80, s31, s19, $0xb8;
	v63 =	vld [tilespmem:$0x0]  }
0x7c: {  	_ =	swait.ge [sflag:s2], $0x2800  }
0x7d: {  	[sflag:s2] =	ssyncset.done $0x0  }
0x7e: {  	[sflag:s2] =	ssyncadd.s32 $0xFFFFD800  }
0x7f: {  	_ =	swait.ge [sflag:s6], $0x2800  }
0x80: {  	[sflag:s6] =	ssyncset.done $0x0  }
0x81: {  	[sflag:s6] =	ssyncadd.s32 $0xFFFFD800  }
0x82: {  	[tilespmem:s21], [sflag:$0x2] =	stream.indirect.gather [hbm4b:s4+s19], $0x80, s7, s19, $0xb8;
	v63 =	vld [tilespmem:$0x0]  }
0x83: {  	_ = 	snop  }
0x84: {  	[spmem:s1] =	stream.indirect.scatter.add.f32 [tilespmem:s23], [sflag:$0x7], $0x80, s8, s19, $0xb8;
	v63 =	vld [tilespmem:$0x0]  }
0x85: {  	_ =	swait.ge [sflag:s9], $0x2800  }
0x86: {  	[sflag:s9] =	ssyncset.done $0x0  }
0x87: {  	[sflag:s9] =	ssyncadd.s32 $0xFFFFD800  }
0x88: {  	_ =	swait.ge [sflag:s10], $0x2800  }
0x89: {  	[sflag:s10] =	ssyncset.done $0x0  }
0x8a: {  	[sflag:s10] =	ssyncadd.s32 $0xFFFFD800  }
0x8b: {  	[tilespmem:s23], [sflag:$0x3] =	stream.indirect.gather [hbm4b:s4+s19], $0x80, s11, s19, $0xb8;
	v63 =	vld [tilespmem:$0x0]  }
0x8c: {  	s3 =	simm.s32 $0x0  }
0x8d: {  	[spmem:s1] =	stream.indirect.scatter.add.f32 [tilespmem:s28], [sflag:$0x8], $0x80, s12, s19, $0xb8;
	v63 =	vld [tilespmem:$0x0]  }
.LBB2_5:
0x8e: {  	_ =	swait.ge [sflag:s25], $0x2800  }
0x8f: {  	[sflag:s25] =	ssyncset.done $0x0  }
0x90: {  	[sflag:s25] =	ssyncadd.s32 $0xFFFFD800  }
0x91: {  	_ =	swait.ge [sflag:s15], $0x2800  }
0x92: {  	s20 =	sshra.s32 s3, $0x2;
	[sflag:s15] =	ssyncset.done $0x0  }
0x93: {  	s22 =	sadd.s32 $0x380, s20;
	[sflag:s15] =	ssyncadd.s32 $0xFFFFD800  }
0x94: {  	[tilespmem:s28], [sflag:$0x4] =	stream.indirect.gather [hbm4b:s4+s19], $0x80, s22, s19, $0xb8;
	v63 =	vld [tilespmem:$0x0]  }
0x95: {  	s26 =	sadd.s32 $0x1200, s20  }
0x96: {  	[spmem:s1] =	stream.indirect.scatter.add.f32 [tilespmem:s16], [sflag:$0x5], $0x80, s26, s19, $0xb8;
	v63 =	vld [tilespmem:$0x0]  }
0x97: {  	_ =	swait.ge [sflag:s29], $0x2800  }
0x98: {  	[sflag:s29] =	ssyncset.done $0x0  }
0x99: {  	[sflag:s29] =	ssyncadd.s32 $0xFFFFD800  }
0x9a: {  	p0 =	seq.s32 s3, $0x3000;
	_ =	swait.ge [sflag:s30], $0x2800  }
0x9b: {  	s31 =	simm.s32 @p0 $0x4800;
	s22 =	sshra.s32 @p0 s3, $0x2;
	[sflag:s30] =	ssyncset.done $0x0  }
0x9c: {  	s22 =	sadd.s32 @p0 $0x1280, s22;
	s26 =	simm.s32 @p0 $0x50;
	[sflag:s30] =	ssyncadd.s32 $0xFFFFD800  }
0x9d: {  	[spmem:s1] =	stream.indirect.scatter.add.f32 @p0 [tilespmem:s31], [sflag:$0x6], $0x80, s22, s26, $0xb8;
	v63 =	vld [tilespmem:$0x0]  }
0x9e: {  	s22 =	simm.s32 @p0 $0x3  }
0x9f: {  	_ =	swait.ge @p0 [sflag:s22], $0x2800  }
0xa0: {  	[sflag:s22] =	ssyncset.done @p0 $0x0  }
0xa1: {  	[sflag:s22] =	ssyncadd.s32 @p0 $0xFFFFD800;
	s22 =	simm.s32 @p0 $0x6  }
0xa2: {  	_ =	swait.ge @p0 [sflag:s22], $0x2800  }
0xa3: {  	[sflag:s22] =	ssyncset.done @p0 $0x0  }
0xa4: {  	[sflag:s22] =	ssyncadd.s32 @p0 $0xFFFFD800;
	s22 =	sshra.s32 @!p0 s3, $0x2  }
0xa5: {  	s0 =	simm.s32 @!p0 $0x2000;
	s31 =	simm.s32 @!p0 $0x50;
	s26 =	sadd.s32 @!p0 $0x400, s22  }
0xa6: {  	[tilespmem:s0], [sflag:$0x1] =	stream.indirect.gather @!p0 [hbm4b:s4+s31], $0x80, s26, s31, $0xb8;
	v63 =	vld [tilespmem:$0x0]  }
0xa7: {  	s0 =	sadd.s32 @!p0 $0x1280, s22;
	s26 =	simm.s32 @!p0 $0x4800  }
0xa8: {  	[spmem:s1] =	stream.indirect.scatter.add.f32 @!p0 [tilespmem:s26], [sflag:$0x6], $0x80, s0, s31, $0xb8;
	v63 =	vld [tilespmem:$0x0]  }
0xa9: {  	s0 =	simm.s32 @!p0 $0x3  }
0xaa: {  	_ =	swait.ge @!p0 [sflag:s0], $0x2800  }
0xab: {  	[sflag:s0] =	ssyncset.done @!p0 $0x0  }
0xac: {  	[sflag:s0] =	ssyncadd.s32 @!p0 $0xFFFFD800;
	s0 =	simm.s32 @!p0 $0x6  }
0xad: {  	_ =	swait.ge @!p0 [sflag:s0], $0x2800  }
0xae: {  	[sflag:s0] =	ssyncset.done @!p0 $0x0  }
0xaf: {  	[sflag:s0] =	ssyncadd.s32 @!p0 $0xFFFFD800;
	s0 =	sadd.s32 @!p0 $0x480, s22  }
0xb0: {  	[tilespmem:s26], [sflag:$0x2] =	stream.indirect.gather @!p0 [hbm4b:s4+s31], $0x80, s0, s31, $0xb8;
	v63 =	vld [tilespmem:$0x0]  }
0xb1: {  	s31 =	sadd.s32 $0x1300, s20  }
0xb2: {  	[spmem:s1] =	stream.indirect.scatter.add.f32 [tilespmem:s23], [sflag:$0x7], $0x80, s31, s19, $0xb8;
	v63 =	vld [tilespmem:$0x0]  }
0xb3: {  	_ =	swait.ge [sflag:s9], $0x2800  }
.Ltmp5:
0xb4: {  	[sflag:s9] =	ssyncset.done $0x0;
	(pc) =	sbr.rel @p0 .LBB2_7-.Ltmp5, $4  }
0xb5: {  	[sflag:s9] =	ssyncadd.s32 $0xFFFFD800  }
0xb6: {  	_ =	swait.ge [sflag:s10], $0x2800  }
0xb7: {  	[sflag:s10] =	ssyncset.done $0x0  }
0xb8: {  	s22 =	sadd.s32 $0x1380, s20;
	[sflag:s10] =	ssyncadd.s32 $0xFFFFD800  }
.Ltmp6:
0xb9: {  	(pc) =	sbr.rel .LBB2_5-.Ltmp6, $4  }
0xba: {  	s0 =	sadd.s32 $0x500, s20  }
0xbb: {  	[tilespmem:s23], [sflag:$0x3] =	stream.indirect.gather [hbm4b:s4+s19], $0x80, s0, s19, $0xb8;
	v63 =	vld [tilespmem:$0x0]  }
0xbc: {  	s3 =	sadd.s32 $0x800, s3  }
0xbd: {  	[spmem:s1] =	stream.indirect.scatter.add.f32 [tilespmem:s28], [sflag:$0x8], $0x80, s22, s19, $0xb8;
	v63 =	vld [tilespmem:$0x0]  }
.LBB2_9:
0xbe: {  	_ =	sfence.sel $0x180000  }
0xbf: {  	[bflag:$0x0] =	sbarrier.arrive $0xFFFF  }
0xc0: {  	_ =	strace $0x9000004A  }
0xc1: {  	s0 =	stileid.u32;
	[bflag:$0x2] =	sbarrier.arrive $0xFFFF  }
0xc2: {  	p0 =	sne.s32 s0, $0x0;
	s0 =	rddreg [dreg:$0x2]  }
0xc3: {  	s0 =	sadd.s32 @!p0 $0x100000, s0  }
0xc4: {  	[sflag:s0] =	ssyncadd.tile.s32 @!p0 $0x1;
	_ =	shalt  }
.Lfunc_end2:
_tile_overlayer_lowered:
.L_overlay_start_2:
0xc5: {  	(tag) =	ssettag $0x2  }
0xc6: {  	s0 =	rddreg [dreg:$0x0];
	s2 =	stileid.u32  }
0xc7: {  	s1 =	rddreg [dreg:$0x1];
	p0 =	sne.s32 s2, $0x0  }
0xc8: {  	s3 =	rddreg [dreg:$0x2];
	[bflag:$0x3] =	sbarrier.arrive $0xFFFF;
	s2 =	simm.s32 @!p0 $0x1C09  }
0xc9: {  	[timem:s3], [sflag:s2] =	dma.local @!p0 [hbm:s0], s1  }
0xca: {  	s0 =	simm.s32 @!p0 $0x9  }
0xcb: {  	_ =	swait.ge @!p0 [sflag:s0], s1  }
0xcc: {  	s1 =	ssub.s32 @!p0 $0x0, s1;
	[sflag:s0] =	ssyncset.done @!p0 $0x0  }
0xcd: {  	[sflag:s0] =	ssyncadd.s32 @!p0 s1  }
0xce: {  	[bflag:$0x3] =	sbarrier.arrive $0xFFFF  }
0xcf: {  	_ =	shalt  }

// kernel: kernel.16.cloned.1.call-start
scs
__scs_entry_jumppad:
0x0: {  	(pc) =	sbr.rel $0x88, $3  }
0x1: {  	(tag) =	ssettag $0x0;
	lr =	simm.s32 $0x1  }
0x2: {  	[smem:$0x3F96] =	sst lr;
	_ =	strace $0xD0000000  }
0x3: {  	_ = 	snop  }
0x4: {  	_ = 	snop  }
0x5: {  	_ = 	snop  }
0x6: {  	_ = 	snop  }
0x7: {  	_ = 	snop  }
__scs_overlays_trampoline_lowered:
0x8: {  	[smem:$0x3FA5] =	sst s0  }
0x9: {  	[smem:$0x3FA6] =	sst s1  }
0xa: {  	[smem:$0x3FA7] =	sst s2  }
0xb: {  	[smem:$0x3FA8] =	sst s3  }
0xc: {  	[smem:$0x3FA9] =	sst s4  }
0xd: {  	[smem:$0x3FAA] =	sst s5  }
0xe: {  	[smem:$0x3FAB] =	sst s6  }
0xf: {  	[smem:$0x3FAC] =	sst s7  }
0x10: {  	[smem:$0x3FAD] =	sst s8  }
0x11: {  	[smem:$0x3FAE] =	sst s9;
	s0 =	simm.s32 @!p0 $0x0  }
0x12: {  	s1 =	sld [smem:$0x3F94];
	s0 =	simm.s32 @p0 $0x1  }
0x13: {  	[smem:$0x3FAF] =	sst s0;
	s0 =	simm.s32 @!p1 $0x0  }
0x14: {  	s2 =	sld [smem:$0x3F93];
	s0 =	simm.s32 @p1 $0x1  }
0x15: {  	[smem:$0x3FB0] =	sst s0;
	s0 =	simm.s32 @!p2 $0x0  }
0x16: {  	s3 =	sld [smem:$0x3FDB];
	s0 =	simm.s32 @p2 $0x1  }
0x17: {  	s4 =	simm.s32 $0x1BF5;
	[smem:$0x3FB2] =	sst s0  }
0x18: {  	s0 =	sld [smem:$0x3F95];
	_ =	swait.ge [sflag:s4], $0x0  }
0x19: {  	s7 =	sld [smem:$0x3F96]  }
0x1a: {  	s8 =	sadd.s32 $0xFFFFE003, lr  }
0x1b: {  	s9 =	sadd.s32 $0xFFFFFEF7, lr;
	s5 =	simm.s32 $0xFFFFFFFF;
	p2 =	slt.u32 s8, $0xFFFFF086  }
0x1c: {  	p1 =	slt.u32 s9, $0xF7A;
	s5 =	simm.s32 @!p2 $0x0  }
0x1d: {  	s5 =	simm.s32 @p1 $0x1;
	p0 =	seq.s32 s7, s2  }
0x1e: {  	s7 =	smul.u32 @!p0 $0xF7A, s2;
	p2 =	seq.s32 @!p0 s5, $0x0  }
0x1f: {  	s9 =	smul.u32 $0xF7A, s1;
	s8 =	simm.s32 @!p0 $0x1BF5;
	p2 =	por !p2, p0  }
0x20: {  	[sflag:s8] =	ssyncset.s32 @!p0 $0xFFFFF086;
	s6 =	sadd.s32 @!p0 s3, s7;
	s7 =	simm.s32 @!p0 $0x108  }
0x21: {  	s3 =	sadd.s32 s3, s9;
	s6 =	sadd.s32 @!p0 $0x88, s6;
	s7 =	simm.s32 @p2 $0x1082  }
0x22: {  	[simem:s7], [sflag:s8] =	dma.local @!p0 [hbm:s6], $0xF7A  }
0x23: {  	s9 =	sor.u32 $0xD0000000, s2;
	s6 =	simm.s32 $0x108;
	_ =	swait.ge @!p0 [sflag:s8], $0x0  }
0x24: {  	s3 =	sadd.s32 $0x88, s3;
	s6 =	simm.s32 @!p1 $0x1082;
	[sflag:s4] =	ssyncset.s32 $0xFFFFF086  }
0x25: {  	[simem:s6], [sflag:s4] =	dma.local [hbm:s3], $0xF7A  }
0x26: {  	[smem:$0x3F96] =	sst s1;
	(tag) =	ssettag s2;
	_ =	strace s9  }
0x27: {  	s1 =	sld [smem:$0x3FA6]  }
0x28: {  	s2 =	sld [smem:$0x3FA7]  }
0x29: {  	s4 =	sld [smem:$0x3FA9]  }
0x2a: {  	p0 =	seq.s32 s5, $0x0;
	s5 =	sld [smem:$0x3FAA]  }
0x2b: {  	s6 =	sld [smem:$0x3FAB]  }
0x2c: {  	s7 =	sld [smem:$0x3FAC]  }
0x2d: {  	s3 =	simm.s32 $0x108;
	s8 =	sld [smem:$0x3FAD]  }
0x2e: {  	s3 =	simm.s32 @!p0 $0x1082;
	s9 =	sld [smem:$0x3FAE]  }
0x2f: {  	lr =	sadd.s32 s0, s3;
	s0 =	sld [smem:$0x3FA5]  }
0x30: {  	s3 =	sld [smem:$0x3FA8]  }
0x31: {  	[smem:$0x3FB1] =	sst s10  }
0x32: {  	s10 =	sld [smem:$0x3FAF];
	_ =	sdelay $0x3  }
0x33: {  	p0 =	seq.s32 s10, $0x1;
	s10 =	sld [smem:$0x3FB1];
	_ =	sdelay $0x3  }
0x34: {  	[smem:$0x3FB1] =	sst s10  }
0x35: {  	s10 =	sld [smem:$0x3FB0];
	_ =	sdelay $0x3  }
0x36: {  	p1 =	seq.s32 s10, $0x1;
	s10 =	sld [smem:$0x3FB1];
	_ =	sdelay $0x3  }
0x37: {  	[smem:$0x3FB1] =	sst s10  }
0x38: {  	s10 =	sld [smem:$0x3FB2]  }
0x39: {  	_ = 	snop;
	(pc) =	sbr.ind lr, $3  }
0x3a: {  	_ = 	snop  }
0x3b: {  	_ = 	snop  }
0x3c: {  	p2 =	seq.s32 s10, $0x1;
	s10 =	sld [smem:$0x3FB1]  }
0x3d: {  	_ =	shalt  }
0x3e: {  	_ =	shalt  }
0x3f: {  	_ =	shalt  }
0x40: {  	_ =	shalt  }
0x41: {  	_ =	shalt  }
0x42: {  	_ =	shalt  }
0x43: {  	_ =	shalt  }
0x44: {  	_ =	shalt  }
0x45: {  	_ =	shalt  }
0x46: {  	_ =	shalt  }
0x47: {  	_ =	shalt  }
0x48: {  	_ =	shalt  }
0x49: {  	_ =	shalt  }
0x4a: {  	_ =	shalt  }
0x4b: {  	_ =	shalt  }
0x4c: {  	_ =	shalt  }
0x4d: {  	_ =	shalt  }
0x4e: {  	_ =	shalt  }
0x4f: {  	_ =	shalt  }
0x50: {  	_ =	shalt  }
0x51: {  	_ =	shalt  }
0x52: {  	_ =	shalt  }
0x53: {  	_ =	shalt  }
0x54: {  	_ =	shalt  }
0x55: {  	_ =	shalt  }
0x56: {  	_ =	shalt  }
0x57: {  	_ =	shalt  }
0x58: {  	_ =	shalt  }
0x59: {  	_ =	shalt  }
0x5a: {  	_ =	shalt  }
0x5b: {  	_ =	shalt  }
0x5c: {  	_ =	shalt  }
0x5d: {  	_ =	shalt  }
0x5e: {  	_ =	shalt  }
0x5f: {  	_ =	shalt  }
0x60: {  	_ =	shalt  }
0x61: {  	_ =	shalt  }
0x62: {  	_ =	shalt  }
0x63: {  	_ =	shalt  }
0x64: {  	_ =	shalt  }
0x65: {  	_ =	shalt  }
0x66: {  	_ =	shalt  }
0x67: {  	_ =	shalt  }
0x68: {  	_ =	shalt  }
0x69: {  	_ =	shalt  }
0x6a: {  	_ =	shalt  }
0x6b: {  	_ =	shalt  }
0x6c: {  	_ =	shalt  }
0x6d: {  	_ =	shalt  }
0x6e: {  	_ =	shalt  }
0x6f: {  	_ =	shalt  }
0x70: {  	_ =	shalt  }
0x71: {  	_ =	shalt  }
0x72: {  	_ =	shalt  }
0x73: {  	_ =	shalt  }
0x74: {  	_ =	shalt  }
0x75: {  	_ =	shalt  }
0x76: {  	_ =	shalt  }
0x77: {  	_ =	shalt  }
0x78: {  	_ =	shalt  }
0x79: {  	_ =	shalt  }
0x7a: {  	_ =	shalt  }
0x7b: {  	_ =	shalt  }
0x7c: {  	_ =	shalt  }
0x7d: {  	_ =	shalt  }
0x7e: {  	_ =	shalt  }
0x7f: {  	_ =	shalt  }
0x80: {  	_ =	shalt  }
0x81: {  	_ =	shalt  }
0x82: {  	_ =	shalt  }
0x83: {  	_ =	shalt  }
0x84: {  	_ =	shalt  }
0x85: {  	_ =	shalt  }
0x86: {  	_ =	shalt  }
0x87: {  	_ =	shalt  }
.Lfunc_end0:
.L_simem_size_0:
called_computation.2_lowered:
.L_overlay_start_0:
0x88: {  	s2 =	sld [smem:$0x3FD9]  }
0x89: {  	s3 =	sld [smem:$0x3FFE];
	_ =	sdelay $0x1  }
0x8a: {  	s1 =	srdreg.scid  }
0x8b: {  	s0 =	sand.u32 $0x1, s1  }
0x8c: {  	s16 =	sshll.u32 s0, $0xA;
	s2 =	sadd.s32 s3, s2  }
0x8d: {  	s2 =	sadd.s32 s2, s16  }
0x8e: {  	[smem:$0x3FBD] =	sst s2  }
0x8f: {  	_ = 	snop  }
0x90: {  	(tm) =	ssettm $0x1  }
0x91: {  	s17 =	sld [smem:$0x3FFB];
	_ =	sdelay $0x3  }
0x92: {  	_ =	strace s17  }
0x93: {  	s2 =	sld [smem:$0x3FFC];
	_ =	sdelay $0x3  }
0x94: {  	_ =	strace s2  }
0x95: {  	s2 =	sld [smem:$0x3FFD];
	_ =	sdelay $0x3  }
0x96: {  	_ =	strace s2  }
0x97: {  	_ =	strace $0x8FFFFFFF  }
0x98: {  	s18 =	sld [smem:$0x3FDB];
	_ =	sdelay $0x1  }
0x99: {  	s19 =	simm.s32 $_scs_section_size  }
0x9a: {  	s4 =	simm.s32 $_size__tile_overlayer_lowered;
	s5 =	simm.s32 $_tile_overlayer_lowered  }
0x9b: {  	s22 =	simm.s32 $0x1BFF;
	s21 =	sshll.u32 s5, $0x1;
	s2 =	sadd.s32 s19, s18  }
0x9c: {  	s6 =	simm.s32 $0x0;
	s20 =	sshll.u32 s4, $0x1;
	s4 =	sadd.s32 s21, s2  }
0x9d: {  	[timem:s6], [sflag:s22] =	dma.local [hbm:s4], s20  }
0x9e: {  	_ =	swait.ge [sflag:s22], s20  }
0x9f: {  	s3 =	ssub.s32 $0x0, s20;
	[sflag:s22] =	ssyncset.done $0x0  }
0xa0: {  	[sflag:s22] =	ssyncadd.s32 s3;
	_ =	sdelay $0x1  }
0xa1: {  	s23 =	simm.s32 $0x1B8B  }
0xa2: {  	_ =	swait.ge [sflag:s23], $0x1  }
0xa3: {  	[sflag:s23] =	ssyncset.done $0x0  }
0xa4: {  	s25 =	simm.s32 $0x1B8E;
	s24 =	sld [smem:$0x3FFE];
	[sflag:s23] =	ssyncadd.s32 $0xFFFFFFFF  }
0xa5: {  	s26 =	simm.s32 $execute0_lowered;
	[smem:$0x3FD2] =	sst s25  }
0xa6: {  	s4 =	sshll.u32 s26, $0x1;
	_ =	strace $0x8000004C;
	[dreg:$0x1] =	wrdreg $0xFFFFFFFF  }
0xa7: {  	s28 =	simm.s32 $_size_execute0_lowered;
	s2 =	sadd.s32 s2, s4;
	[dreg:$0x0] =	wrdreg $0x0  }
0xa8: {  	s4 =	sshll.u32 s28, $0x1;
	[dreg:$0x2] =	wrdreg s2  }
0xa9: {  	[dreg:$0x3] =	wrdreg s4  }
0xaa: {  	[dreg:$0x4] =	wrdreg $0xC0  }
0xab: {  	_ =	task [dreg:s6], $0x5FFFF  }
0xac: {  	[dreg:$0x1] =	wrdreg $0xFFFFFFFF  }
0xad: {  	[dreg:$0x0] =	wrdreg $0x60  }
0xae: {  	[dreg:$0x2] =	wrdreg s24  }
0xaf: {  	[dreg:$0x3] =	wrdreg $0xC0000  }
0xb0: {  	[dreg:$0x4] =	wrdreg $0x9  }
0xb1: {  	_ =	task.clear_ibuf [dreg:s6], $0x5FFFF;
	_ =	strace $0x9000004C  }
0xb2: {  	s29 =	simm.s32 $0x9;
	_ =	strace $0x8000004E  }
0xb3: {  	_ =	swait.ge [sflag:s29], $0x1  }
0xb4: {  	[sflag:s29] =	ssyncadd.s32 $0xFFFFFFFF  }
0xb5: {  	_ =	strace $0x9000004E  }
0xb6: {  	_ =	sfence  }
0xb7: {  	s30 =	sld [smem:$0x0];
	_ =	sdelay $0x2  }
0xb8: {  	s31 =	sshll.u32 s1, $0xD;
	s1 =	sshrl.u32 s1, $0x2  }
0xb9: {  	s3 =	sand.u32 $0x4000, s31;
	s1 =	sadd.s32 s1, s30  }
0xba: {  	s0 =	sor.u32 s3, s0;
	s1 =	sshll.u32 s1, $0x11  }
0xbb: {  	s0 =	sor.u32 s1, s0  }
0xbc: {  	s0 =	sadd.s32 $0x8F2B, s0  }
0xbd: {  	[sflag:s0] =	ssyncadd.remote.s32 $0x1  }
0xbe: {  	_ =	sfence.sel $0xFFFF  }
0xbf: {  	[dreg:$0x0] =	wrdreg $0xFFFFFFFF;
	(pc) =	sbr.abs _section_cstart, $3  }
0xc0: {  	[dreg:$0x1] =	wrdreg $0xFFFFFFFF  }
0xc1: {  	_ =	task.clear_ibuf [dreg:s6], $0x2FFFF;
	_ =	strace $0x9FFFFFFF  }
0xc2: {  	(tm) =	ssettm $0x7FFFFFFF  }
0xc3: {  	_ =	shalt  }
tec
execute0_lowered:
.L_overlay_start_1:
0x0: {  	(tag) =	ssettag $0x1  }
0x1: {  	s0 =	rddreg [dreg:$0x0]  }
0x2: {  	s1 =	rddreg [dreg:$0x1]  }
0x3: {  	s20 =	simm.s32 $0x0;
	s2 =	srdreg.scid;
	s8 =	stileid.u32  }
0x4: {  	s16 =	simm.s32 $0x2000;
	s28 =	simm.s32 $0x9800;
	s29 =	simm.s32 $0x2  }
0x5: {  	s30 =	simm.s32 $0x5;
	s9 =	simm.s32 $0x4;
	s10 =	simm.s32 $0x7  }
0x6: {  	s11 =	simm.s32 $0x300;
	s12 =	simm.s32 $0x1180;
	s15 =	simm.s32 $0x8  }
0x7: {  	[smem:$0x7FF] =	sst s20;
	s2 =	sand.u32 $0x1, s2;
	s6 =	smul.u32 $0x50000, s8  }
0x8: {  	s5 =	sshll.u32 s8, $0xB;
	s4 =	sadd.s32 $0x2E400, s0;
	s31 =	smul.u32 $0x2800, s8  }
0x9: {  	s8 =	simm.s32 $0x1100;
	s3 =	sshll.u32 s2, $0xF;
	_ =	strace $0x8000004D  }
0xa: {  	s17 =	smul.u32 $0x28000, s2;
	s2 =	ssub.s32 $0x2, s2;
	s6 =	sshrl.u32 s6, $0x2  }
0xb: {  	s3 =	sor.u32 s5, s3;
	s7 =	sshrl.u32 s2, $0x1;
	s22 =	sadd.s32 s6, s1  }
0xc: {  	s3 =	sadd.s32 s3, s0;
	s18 =	sadd.s32 $0x2800, s22;
	[dreg:$0x4] =	wrdreg s22  }
0xd: {  	s0 =	sadd.s32 s17, s0;
	s19 =	sadd.s32 $0x5000, s22;
	[dreg:$0x5] =	wrdreg s18  }
0xe: {  	s2 =	ssub.s32 s2, s7;
	s21 =	sadd.s32 $0x7800, s22;
	[dreg:$0x6] =	wrdreg s19  }
0xf: {  	s17 =	simm.s32 $0x9;
	s23 =	sadd.s32 $0xA000, s22;
	[dreg:$0x7] =	wrdreg s21  }
0x10: {  	s6 =	simm.s32 $0x6;
	s24 =	sadd.s32 $0xC800, s22;
	[dreg:$0x8] =	wrdreg s23  }
0x11: {  	s7 =	simm.s32 $0x280;
	s25 =	sadd.s32 $0xF000, s22;
	[dreg:$0x9] =	wrdreg s24  }
0x12: {  	s26 =	sadd.s32 $0x11800, s22;
	s13 =	sadd.s32 $0x1E400, s3;
	[dreg:$0xa] =	wrdreg s25  }
.Ltmp0:
0x13: {  	s2 =	smax.u32 s2, $0x1;
	[dreg:$0xb] =	wrdreg s26;
	(pc) =	sbr.rel .LBB2_1-.Ltmp0, $4  }
0x14: {  	s14 =	sadd.s32 $0xE400, s3;
	s0 =	sadd.s32 $0x56400, s0;
	[dreg:$0xc] =	wrdreg s2  }
0x15: {  	s18 =	simm.s32 $0x1000;
	s19 =	simm.s32 $0x50;
	s21 =	simm.s32 $0x4800  }
0x16: {  	s23 =	simm.s32 $0x7000;
	s0 =	sadd.s32 s31, s0;
	s25 =	simm.s32 $0x1  }
0x17: {  	v0 =	vimm.f32 $0.0e+00;
	s2 =	simm.s32 $0x3;
	s24 =	simm.s32 $0x0;
	[dreg:$0xd] =	wrdreg s0  }
.LBB2_8:
0x18: {  	s0 =	stileid.u32;
	[bflag:$0x0] =	sbarrier.arrive $0xFFFF  }
0x19: {  	s0 =	sshll.u32 s0, $0x6;
	s22 =	rddreg [dreg:$0x4]  }
0x1a: {  	s5 =	rddreg [dreg:$0xd];
	s0 =	sor.u32 $0x1C09, s0;
	s3 =	sshrl.u32 s22, $0x3  }
0x1b: {  	[hbm:s5], [sflag:s0] =	dma.local [spmem:s3], $0x2800  }
0x1c: {  	_ =	swait.ge [sflag:s17], $0x2800  }
0x1d: {  	s20 =	rddreg [dreg:$0x3]  }
0x1e: {  	s31 =	rddreg [dreg:$0xc];
	s20 =	sadd.s32 $0x1, s20  }
0x1f: {  	p0 =	sne.s32 s20, s31  }
.Ltmp1:
0x20: {  	_ = 	snop;
	(pc) =	sbr.rel @!p0 .LBB2_9-.Ltmp1, $3  }
0x21: {  	_ =	sdelay $0x1  }
0x22: {  	[sflag:s17] =	ssyncset.done $0x0  }
0x23: {  	[sflag:s17] =	ssyncadd.s32 $0xFFFFD800  }
.LBB2_1:
0x24: {  	[dreg:$0x3] =	wrdreg s20;
	s3 =	simm.s32 $0x0;
	s5 =	simm.s32 $0x200  }
.LBB2_2:
0x25: {  	p0 =	sne.s32 s5, $0x9E00;
	[tilespmem:s3+$0x2070] =	vst v0  }
0x26: {  	[tilespmem:s3+$0x2000] =	vst v0  }
0x27: {  	[tilespmem:s3+$0x2010] =	vst v0  }
.Ltmp2:
0x28: {  	[tilespmem:s3+$0x2020] =	vst v0;
	(pc) =	sbr.rel @p0 .LBB2_2-.Ltmp2, $4  }
0x29: {  	[tilespmem:s3+$0x2030] =	vst v0  }
0x2a: {  	[tilespmem:s3+$0x2040] =	vst v0  }
0x2b: {  	[tilespmem:s3+$0x2050] =	vst v0  }
0x2c: {  	[tilespmem:s3+$0x2060] =	vst v0;
	s3 =	sshra.s32 s5, $0x2;
	s5 =	sadd.s32 $0x200, s5  }
0x2d: {  	[tilespmem:s3+$0x2070] =	vst v0  }
0x2e: {  	[tilespmem:s3+$0x2000] =	vst v0  }
0x2f: {  	[tilespmem:s3+$0x2010] =	vst v0  }
0x30: {  	[tilespmem:s3+$0x2020] =	vst v0  }
0x31: {  	[tilespmem:s3+$0x2030] =	vst v0  }
0x32: {  	[tilespmem:s3+$0x2040] =	vst v0  }
0x33: {  	[tilespmem:s3+$0x2050] =	vst v0  }
0x34: {  	[tilespmem:s3+$0x2060] =	vst v0  }
0x35: {  	[spmem:s22] =	stream.linear.scatter [tilespmem:s16], [sflag:$0x9], $0x2800, $0x38;
	v63 =	vld [tilespmem:$0x0]  }
0x36: {  	_ =	swait.ge [sflag:s17], $0x2800  }
0x37: {  	[sflag:s17] =	ssyncset.done $0x0  }
0x38: {  	s0 =	rddreg [dreg:$0x5];
	[sflag:s17] =	ssyncadd.s32 $0xFFFFD800  }
0x39: {  	[spmem:s0] =	stream.linear.scatter [tilespmem:s16], [sflag:$0x9], $0x2800, $0x38;
	v63 =	vld [tilespmem:$0x0]  }
0x3a: {  	_ =	swait.ge [sflag:s17], $0x2800  }
0x3b: {  	[sflag:s17] =	ssyncset.done $0x0  }
0x3c: {  	s3 =	rddreg [dreg:$0x6];
	[sflag:s17] =	ssyncadd.s32 $0xFFFFD800  }
0x3d: {  	[spmem:s3] =	stream.linear.scatter [tilespmem:s16], [sflag:$0x9], $0x2800, $0x38;
	v63 =	vld [tilespmem:$0x0]  }
0x3e: {  	_ =	swait.ge [sflag:s17], $0x2800  }
0x3f: {  	[sflag:s17] =	ssyncset.done $0x0  }
0x40: {  	s5 =	rddreg [dreg:$0x7];
	[sflag:s17] =	ssyncadd.s32 $0xFFFFD800  }
0x41: {  	[spmem:s5] =	stream.linear.scatter [tilespmem:s16], [sflag:$0x9], $0x2800, $0x38;
	v63 =	vld [tilespmem:$0x0]  }
0x42: {  	_ =	swait.ge [sflag:s17], $0x2800  }
0x43: {  	[sflag:s17] =	ssyncset.done $0x0  }
0x44: {  	s20 =	rddreg [dreg:$0x8];
	[sflag:s17] =	ssyncadd.s32 $0xFFFFD800  }
0x45: {  	[spmem:s20] =	stream.linear.scatter [tilespmem:s16], [sflag:$0x9], $0x2800, $0x38;
	v63 =	vld [tilespmem:$0x0]  }
0x46: {  	_ =	swait.ge [sflag:s17], $0x2800  }
0x47: {  	[sflag:s17] =	ssyncset.done $0x0  }
0x48: {  	s22 =	rddreg [dreg:$0x9];
	[sflag:s17] =	ssyncadd.s32 $0xFFFFD800  }
0x49: {  	[spmem:s22] =	stream.linear.scatter [tilespmem:s16], [sflag:$0x9], $0x2800, $0x38;
	v63 =	vld [tilespmem:$0x0]  }
0x4a: {  	_ =	swait.ge [sflag:s17], $0x2800  }
0x4b: {  	[sflag:s17] =	ssyncset.done $0x0  }
0x4c: {  	s26 =	rddreg [dreg:$0xa];
	[sflag:s17] =	ssyncadd.s32 $0xFFFFD800  }
0x4d: {  	[spmem:s26] =	stream.linear.scatter [tilespmem:s16], [sflag:$0x9], $0x2800, $0x38;
	v63 =	vld [tilespmem:$0x0]  }
0x4e: {  	_ =	swait.ge [sflag:s17], $0x2800  }
0x4f: {  	[sflag:s17] =	ssyncset.done $0x0  }
0x50: {  	s31 =	rddreg [dreg:$0xb];
	[sflag:s17] =	ssyncadd.s32 $0xFFFFD800  }
0x51: {  	[spmem:s31] =	stream.linear.scatter [tilespmem:s16], [sflag:$0x9], $0x2800, $0x38;
	v63 =	vld [tilespmem:$0x0]  }
.Ltmp3:
0x52: {  	_ =	swait.ge [sflag:s17], $0x2800;
	(pc) =	sbr.rel .LBB2_4-.Ltmp3, $4  }
0x53: {  	[sflag:s17] =	ssyncset.done $0x0  }
0x54: {  	[sflag:s17] =	ssyncadd.s32 $0xFFFFD800  }
0x55: {  	[bflag:$0x0] =	sbarrier.arrive $0xFFFF  }
0x56: {  	s5 =	simm.s32 $0x0  }
.LBB2_7:
0x57: {  	s5 =	sadd.s32 $0x1, s5  }
0x58: {  	p0 =	sne.s32 s5, $0x4  }
.Ltmp4:
0x59: {  	_ = 	snop;
	(pc) =	sbr.rel @!p0 .LBB2_8-.Ltmp4, $4  }
0x5a: {  	[spmem:s1] =	stream.indirect.scatter.add.f32 [tilespmem:s28], [sflag:$0x8], $0x80, s22, s19, $0xb8;
	v63 =	vld [tilespmem:$0x0]  }
0x5b: {  	_ =	swait.ge [sflag:s15], $0x2800  }
0x5c: {  	[sflag:s15] =	ssyncset.done $0x0  }
0x5d: {  	[sflag:s15] =	ssyncadd.s32 $0xFFFFD800  }
.LBB2_4:
0x5e: {  	s3 =	sshll.u32 s5, $0x9  }
0x5f: {  	s20 =	sadd.s32 s3, s13  }
0x60: {  	[tilespmem:s24], [sflag:$0x9] =	stream.linear.gather [hbm4b:s20+s24], $0x1000, $0x38;
	v63 =	vld [tilespmem:$0x0]  }
0x61: {  	_ =	swait.ge [sflag:s17], $0x1000  }
0x62: {  	[sflag:s17] =	ssyncset.done $0x0  }
0x63: {  	s3 =	sadd.s32 s3, s14;
	[sflag:s17] =	ssyncadd.s32 $0xFFFFF000  }
0x64: {  	[tilespmem:s18], [sflag:$0x9] =	stream.linear.gather [hbm4b:s3+s24], $0x1000, $0x38;
	v63 =	vld [tilespmem:$0x0]  }
0x65: {  	_ =	swait.ge [sflag:s17], $0x1000  }
0x66: {  	[sflag:s17] =	ssyncset.done $0x0  }
0x67: {  	[sflag:s17] =	ssyncadd.s32 $0xFFFFF000  }
0x68: {  	[tilespmem:s16], [sflag:$0x1] =	stream.indirect.gather [hbm4b:s4+s19], $0x80, s24, s19, $0xb8;
	v63 =	vld [tilespmem:$0x0]  }
0x69: {  	s0 =	simm.s32 $0x80  }
0x6a: {  	[tilespmem:s21], [sflag:$0x2] =	stream.indirect.gather [hbm4b:s4+s19], $0x80, s0, s19, $0xb8;
	v63 =	vld [tilespmem:$0x0]  }
0x6b: {  	s20 =	simm.s32 $0x100  }
0x6c: {  	[tilespmem:s23], [sflag:$0x3] =	stream.indirect.gather [hbm4b:s4+s19], $0x80, s20, s19, $0xb8;
	v63 =	vld [tilespmem:$0x0]  }
0x6d: {  	_ =	swait.ge [sflag:s25], $0x2800  }
0x6e: {  	[sflag:s25] =	ssyncset.done $0x0  }
0x6f: {  	s22 =	simm.s32 $0x180;
	[sflag:s25] =	ssyncadd.s32 $0xFFFFD800  }
0x70: {  	[tilespmem:s28], [sflag:$0x4] =	stream.indirect.gather [hbm4b:s4+s19], $0x80, s22, s19, $0xb8;
	v63 =	vld [tilespmem:$0x0]  }
0x71: {  	_ = 	snop  }
0x72: {  	[spmem:s1] =	stream.indirect.scatter.add.f32 [tilespmem:s16], [sflag:$0x5], $0x80, s18, s19, $0xb8;
	v63 =	vld [tilespmem:$0x0]  }
0x73: {  	_ =	swait.ge [sflag:s29], $0x2800  }
0x74: {  	[sflag:s29] =	ssyncset.done $0x0  }
0x75: {  	[sflag:s29] =	ssyncadd.s32 $0xFFFFD800  }
0x76: {  	_ =	swait.ge [sflag:s30], $0x2800  }
0x77: {  	[sflag:s30] =	ssyncset.done $0x0  }
0x78: {  	s26 =	simm.s32 $0x200;
	[sflag:s30] =	ssyncadd.s32 $0xFFFFD800  }
0x79: {  	[tilespmem:s16], [sflag:$0x1] =	stream.indirect.gather [hbm4b:s4+s19], $0x80, s26, s19, $0xb8;
	v63 =	vld [tilespmem:$0x0]  }
0x7a: {  	s31 =	simm.s32 $0x1080  }
0x7b: {  	[spmem:s1] =	stream.indirect.scatter.add.f32 [tilespmem:s21], [sflag:$0x6], $0x80, s31, s19, $0xb8;
	v63 =	vld [tilespmem:$0x0]  }
0x7c: {  	_ =	swait.ge [sflag:s2], $0x2800  }
0x7d: {  	[sflag:s2] =	ssyncset.done $0x0  }
0x7e: {  	[sflag:s2] =	ssyncadd.s32 $0xFFFFD800  }
0x7f: {  	_ =	swait.ge [sflag:s6], $0x2800  }
0x80: {  	[sflag:s6] =	ssyncset.done $0x0  }
0x81: {  	[sflag:s6] =	ssyncadd.s32 $0xFFFFD800  }
0x82: {  	[tilespmem:s21], [sflag:$0x2] =	stream.indirect.gather [hbm4b:s4+s19], $0x80, s7, s19, $0xb8;
	v63 =	vld [tilespmem:$0x0]  }
0x83: {  	_ = 	snop  }
0x84: {  	[spmem:s1] =	stream.indirect.scatter.add.f32 [tilespmem:s23], [sflag:$0x7], $0x80, s8, s19, $0xb8;
	v63 =	vld [tilespmem:$0x0]  }
0x85: {  	_ =	swait.ge [sflag:s9], $0x2800  }
0x86: {  	[sflag:s9] =	ssyncset.done $0x0  }
0x87: {  	[sflag:s9] =	ssyncadd.s32 $0xFFFFD800  }
0x88: {  	_ =	swait.ge [sflag:s10], $0x2800  }
0x89: {  	[sflag:s10] =	ssyncset.done $0x0  }
0x8a: {  	[sflag:s10] =	ssyncadd.s32 $0xFFFFD800  }
0x8b: {  	[tilespmem:s23], [sflag:$0x3] =	stream.indirect.gather [hbm4b:s4+s19], $0x80, s11, s19, $0xb8;
	v63 =	vld [tilespmem:$0x0]  }
0x8c: {  	s3 =	simm.s32 $0x0  }
0x8d: {  	[spmem:s1] =	stream.indirect.scatter.add.f32 [tilespmem:s28], [sflag:$0x8], $0x80, s12, s19, $0xb8;
	v63 =	vld [tilespmem:$0x0]  }
.LBB2_5:
0x8e: {  	_ =	swait.ge [sflag:s25], $0x2800  }
0x8f: {  	[sflag:s25] =	ssyncset.done $0x0  }
0x90: {  	[sflag:s25] =	ssyncadd.s32 $0xFFFFD800  }
0x91: {  	_ =	swait.ge [sflag:s15], $0x2800  }
0x92: {  	s20 =	sshra.s32 s3, $0x2;
	[sflag:s15] =	ssyncset.done $0x0  }
0x93: {  	s22 =	sadd.s32 $0x380, s20;
	[sflag:s15] =	ssyncadd.s32 $0xFFFFD800  }
0x94: {  	[tilespmem:s28], [sflag:$0x4] =	stream.indirect.gather [hbm4b:s4+s19], $0x80, s22, s19, $0xb8;
	v63 =	vld [tilespmem:$0x0]  }
0x95: {  	s26 =	sadd.s32 $0x1200, s20  }
0x96: {  	[spmem:s1] =	stream.indirect.scatter.add.f32 [tilespmem:s16], [sflag:$0x5], $0x80, s26, s19, $0xb8;
	v63 =	vld [tilespmem:$0x0]  }
0x97: {  	_ =	swait.ge [sflag:s29], $0x2800  }
0x98: {  	[sflag:s29] =	ssyncset.done $0x0  }
0x99: {  	[sflag:s29] =	ssyncadd.s32 $0xFFFFD800  }
0x9a: {  	p0 =	seq.s32 s3, $0x3000;
	_ =	swait.ge [sflag:s30], $0x2800  }
0x9b: {  	s31 =	simm.s32 @p0 $0x4800;
	s22 =	sshra.s32 @p0 s3, $0x2;
	[sflag:s30] =	ssyncset.done $0x0  }
0x9c: {  	s22 =	sadd.s32 @p0 $0x1280, s22;
	s26 =	simm.s32 @p0 $0x50;
	[sflag:s30] =	ssyncadd.s32 $0xFFFFD800  }
0x9d: {  	[spmem:s1] =	stream.indirect.scatter.add.f32 @p0 [tilespmem:s31], [sflag:$0x6], $0x80, s22, s26, $0xb8;
	v63 =	vld [tilespmem:$0x0]  }
0x9e: {  	s22 =	simm.s32 @p0 $0x3  }
0x9f: {  	_ =	swait.ge @p0 [sflag:s22], $0x2800  }
0xa0: {  	[sflag:s22] =	ssyncset.done @p0 $0x0  }
0xa1: {  	[sflag:s22] =	ssyncadd.s32 @p0 $0xFFFFD800;
	s22 =	simm.s32 @p0 $0x6  }
0xa2: {  	_ =	swait.ge @p0 [sflag:s22], $0x2800  }
0xa3: {  	[sflag:s22] =	ssyncset.done @p0 $0x0  }
0xa4: {  	[sflag:s22] =	ssyncadd.s32 @p0 $0xFFFFD800;
	s22 =	sshra.s32 @!p0 s3, $0x2  }
0xa5: {  	s0 =	simm.s32 @!p0 $0x2000;
	s31 =	simm.s32 @!p0 $0x50;
	s26 =	sadd.s32 @!p0 $0x400, s22  }
0xa6: {  	[tilespmem:s0], [sflag:$0x1] =	stream.indirect.gather @!p0 [hbm4b:s4+s31], $0x80, s26, s31, $0xb8;
	v63 =	vld [tilespmem:$0x0]  }
0xa7: {  	s0 =	sadd.s32 @!p0 $0x1280, s22;
	s26 =	simm.s32 @!p0 $0x4800  }
0xa8: {  	[spmem:s1] =	stream.indirect.scatter.add.f32 @!p0 [tilespmem:s26], [sflag:$0x6], $0x80, s0, s31, $0xb8;
	v63 =	vld [tilespmem:$0x0]  }
0xa9: {  	s0 =	simm.s32 @!p0 $0x3  }
0xaa: {  	_ =	swait.ge @!p0 [sflag:s0], $0x2800  }
0xab: {  	[sflag:s0] =	ssyncset.done @!p0 $0x0  }
0xac: {  	[sflag:s0] =	ssyncadd.s32 @!p0 $0xFFFFD800;
	s0 =	simm.s32 @!p0 $0x6  }
0xad: {  	_ =	swait.ge @!p0 [sflag:s0], $0x2800  }
0xae: {  	[sflag:s0] =	ssyncset.done @!p0 $0x0  }
0xaf: {  	[sflag:s0] =	ssyncadd.s32 @!p0 $0xFFFFD800;
	s0 =	sadd.s32 @!p0 $0x480, s22  }
0xb0: {  	[tilespmem:s26], [sflag:$0x2] =	stream.indirect.gather @!p0 [hbm4b:s4+s31], $0x80, s0, s31, $0xb8;
	v63 =	vld [tilespmem:$0x0]  }
0xb1: {  	s31 =	sadd.s32 $0x1300, s20  }
0xb2: {  	[spmem:s1] =	stream.indirect.scatter.add.f32 [tilespmem:s23], [sflag:$0x7], $0x80, s31, s19, $0xb8;
	v63 =	vld [tilespmem:$0x0]  }
0xb3: {  	_ =	swait.ge [sflag:s9], $0x2800  }
.Ltmp5:
0xb4: {  	[sflag:s9] =	ssyncset.done $0x0;
	(pc) =	sbr.rel @p0 .LBB2_7-.Ltmp5, $4  }
0xb5: {  	[sflag:s9] =	ssyncadd.s32 $0xFFFFD800  }
0xb6: {  	_ =	swait.ge [sflag:s10], $0x2800  }
0xb7: {  	[sflag:s10] =	ssyncset.done $0x0  }
0xb8: {  	s22 =	sadd.s32 $0x1380, s20;
	[sflag:s10] =	ssyncadd.s32 $0xFFFFD800  }
.Ltmp6:
0xb9: {  	(pc) =	sbr.rel .LBB2_5-.Ltmp6, $4  }
0xba: {  	s0 =	sadd.s32 $0x500, s20  }
0xbb: {  	[tilespmem:s23], [sflag:$0x3] =	stream.indirect.gather [hbm4b:s4+s19], $0x80, s0, s19, $0xb8;
	v63 =	vld [tilespmem:$0x0]  }
0xbc: {  	s3 =	sadd.s32 $0x800, s3  }
0xbd: {  	[spmem:s1] =	stream.indirect.scatter.add.f32 [tilespmem:s28], [sflag:$0x8], $0x80, s22, s19, $0xb8;
	v63 =	vld [tilespmem:$0x0]  }
.LBB2_9:
0xbe: {  	_ =	sfence.sel $0x180000  }
0xbf: {  	[bflag:$0x0] =	sbarrier.arrive $0xFFFF  }
0xc0: {  	_ =	strace $0x9000004D  }
0xc1: {  	s0 =	stileid.u32;
	[bflag:$0x2] =	sbarrier.arrive $0xFFFF  }
0xc2: {  	p0 =	sne.s32 s0, $0x0;
	s0 =	rddreg [dreg:$0x2]  }
0xc3: {  	s0 =	sadd.s32 @!p0 $0x100000, s0  }
0xc4: {  	[sflag:s0] =	ssyncadd.tile.s32 @!p0 $0x1;
	_ =	shalt  }
.Lfunc_end2:
_tile_overlayer_lowered:
.L_overlay_start_2:
0xc5: {  	(tag) =	ssettag $0x2  }
0xc6: {  	s0 =	rddreg [dreg:$0x0];
	s2 =	stileid.u32  }
0xc7: {  	s1 =	rddreg [dreg:$0x1];
	p0 =	sne.s32 s2, $0x0  }
0xc8: {  	s3 =	rddreg [dreg:$0x2];
	[bflag:$0x3] =	sbarrier.arrive $0xFFFF;
	s2 =	simm.s32 @!p0 $0x1C09  }
0xc9: {  	[timem:s3], [sflag:s2] =	dma.local @!p0 [hbm:s0], s1  }
0xca: {  	s0 =	simm.s32 @!p0 $0x9  }
0xcb: {  	_ =	swait.ge @!p0 [sflag:s0], s1  }
0xcc: {  	s1 =	ssub.s32 @!p0 $0x0, s1;
	[sflag:s0] =	ssyncset.done @!p0 $0x0  }
0xcd: {  	[sflag:s0] =	ssyncadd.s32 @!p0 s1  }
0xce: {  	[bflag:$0x3] =	sbarrier.arrive $0xFFFF  }
0xcf: {  	_ =	shalt  }

// kernel: kernel.19.cloned.1.call-start
scs
__scs_entry_jumppad:
0x0: {  	(pc) =	sbr.rel $0x88, $3  }
0x1: {  	(tag) =	ssettag $0x0;
	lr =	simm.s32 $0x1  }
0x2: {  	[smem:$0x3F96] =	sst lr;
	_ =	strace $0xD0000000  }
0x3: {  	_ = 	snop  }
0x4: {  	_ = 	snop  }
0x5: {  	_ = 	snop  }
0x6: {  	_ = 	snop  }
0x7: {  	_ = 	snop  }
__scs_overlays_trampoline_lowered:
0x8: {  	[smem:$0x3FA5] =	sst s0  }
0x9: {  	[smem:$0x3FA6] =	sst s1  }
0xa: {  	[smem:$0x3FA7] =	sst s2  }
0xb: {  	[smem:$0x3FA8] =	sst s3  }
0xc: {  	[smem:$0x3FA9] =	sst s4  }
0xd: {  	[smem:$0x3FAA] =	sst s5  }
0xe: {  	[smem:$0x3FAB] =	sst s6  }
0xf: {  	[smem:$0x3FAC] =	sst s7  }
0x10: {  	[smem:$0x3FAD] =	sst s8  }
0x11: {  	[smem:$0x3FAE] =	sst s9;
	s0 =	simm.s32 @!p0 $0x0  }
0x12: {  	s1 =	sld [smem:$0x3F94];
	s0 =	simm.s32 @p0 $0x1  }
0x13: {  	[smem:$0x3FAF] =	sst s0;
	s0 =	simm.s32 @!p1 $0x0  }
0x14: {  	s2 =	sld [smem:$0x3F93];
	s0 =	simm.s32 @p1 $0x1  }
0x15: {  	[smem:$0x3FB0] =	sst s0;
	s0 =	simm.s32 @!p2 $0x0  }
0x16: {  	s3 =	sld [smem:$0x3FDB];
	s0 =	simm.s32 @p2 $0x1  }
0x17: {  	s4 =	simm.s32 $0x1BF5;
	[smem:$0x3FB2] =	sst s0  }
0x18: {  	s0 =	sld [smem:$0x3F95];
	_ =	swait.ge [sflag:s4], $0x0  }
0x19: {  	s7 =	sld [smem:$0x3F96]  }
0x1a: {  	s8 =	sadd.s32 $0xFFFFE003, lr  }
0x1b: {  	s9 =	sadd.s32 $0xFFFFFEF7, lr;
	s5 =	simm.s32 $0xFFFFFFFF;
	p2 =	slt.u32 s8, $0xFFFFF086  }
0x1c: {  	p1 =	slt.u32 s9, $0xF7A;
	s5 =	simm.s32 @!p2 $0x0  }
0x1d: {  	s5 =	simm.s32 @p1 $0x1;
	p0 =	seq.s32 s7, s2  }
0x1e: {  	s7 =	smul.u32 @!p0 $0xF7A, s2;
	p2 =	seq.s32 @!p0 s5, $0x0  }
0x1f: {  	s9 =	smul.u32 $0xF7A, s1;
	s8 =	simm.s32 @!p0 $0x1BF5;
	p2 =	por !p2, p0  }
0x20: {  	[sflag:s8] =	ssyncset.s32 @!p0 $0xFFFFF086;
	s6 =	sadd.s32 @!p0 s3, s7;
	s7 =	simm.s32 @!p0 $0x108  }
0x21: {  	s3 =	sadd.s32 s3, s9;
	s6 =	sadd.s32 @!p0 $0x88, s6;
	s7 =	simm.s32 @p2 $0x1082  }
0x22: {  	[simem:s7], [sflag:s8] =	dma.local @!p0 [hbm:s6], $0xF7A  }
0x23: {  	s9 =	sor.u32 $0xD0000000, s2;
	s6 =	simm.s32 $0x108;
	_ =	swait.ge @!p0 [sflag:s8], $0x0  }
0x24: {  	s3 =	sadd.s32 $0x88, s3;
	s6 =	simm.s32 @!p1 $0x1082;
	[sflag:s4] =	ssyncset.s32 $0xFFFFF086  }
0x25: {  	[simem:s6], [sflag:s4] =	dma.local [hbm:s3], $0xF7A  }
0x26: {  	[smem:$0x3F96] =	sst s1;
	(tag) =	ssettag s2;
	_ =	strace s9  }
0x27: {  	s1 =	sld [smem:$0x3FA6]  }
0x28: {  	s2 =	sld [smem:$0x3FA7]  }
0x29: {  	s4 =	sld [smem:$0x3FA9]  }
0x2a: {  	p0 =	seq.s32 s5, $0x0;
	s5 =	sld [smem:$0x3FAA]  }
0x2b: {  	s6 =	sld [smem:$0x3FAB]  }
0x2c: {  	s7 =	sld [smem:$0x3FAC]  }
0x2d: {  	s3 =	simm.s32 $0x108;
	s8 =	sld [smem:$0x3FAD]  }
0x2e: {  	s3 =	simm.s32 @!p0 $0x1082;
	s9 =	sld [smem:$0x3FAE]  }
0x2f: {  	lr =	sadd.s32 s0, s3;
	s0 =	sld [smem:$0x3FA5]  }
0x30: {  	s3 =	sld [smem:$0x3FA8]  }
0x31: {  	[smem:$0x3FB1] =	sst s10  }
0x32: {  	s10 =	sld [smem:$0x3FAF];
	_ =	sdelay $0x3  }
0x33: {  	p0 =	seq.s32 s10, $0x1;
	s10 =	sld [smem:$0x3FB1];
	_ =	sdelay $0x3  }
0x34: {  	[smem:$0x3FB1] =	sst s10  }
0x35: {  	s10 =	sld [smem:$0x3FB0];
	_ =	sdelay $0x3  }
0x36: {  	p1 =	seq.s32 s10, $0x1;
	s10 =	sld [smem:$0x3FB1];
	_ =	sdelay $0x3  }
0x37: {  	[smem:$0x3FB1] =	sst s10  }
0x38: {  	s10 =	sld [smem:$0x3FB2]  }
0x39: {  	_ = 	snop;
	(pc) =	sbr.ind lr, $3  }
0x3a: {  	_ = 	snop  }
0x3b: {  	_ = 	snop  }
0x3c: {  	p2 =	seq.s32 s10, $0x1;
	s10 =	sld [smem:$0x3FB1]  }
0x3d: {  	_ =	shalt  }
0x3e: {  	_ =	shalt  }
0x3f: {  	_ =	shalt  }
0x40: {  	_ =	shalt  }
0x41: {  	_ =	shalt  }
0x42: {  	_ =	shalt  }
0x43: {  	_ =	shalt  }
0x44: {  	_ =	shalt  }
0x45: {  	_ =	shalt  }
0x46: {  	_ =	shalt  }
0x47: {  	_ =	shalt  }
0x48: {  	_ =	shalt  }
0x49: {  	_ =	shalt  }
0x4a: {  	_ =	shalt  }
0x4b: {  	_ =	shalt  }
0x4c: {  	_ =	shalt  }
0x4d: {  	_ =	shalt  }
0x4e: {  	_ =	shalt  }
0x4f: {  	_ =	shalt  }
0x50: {  	_ =	shalt  }
0x51: {  	_ =	shalt  }
0x52: {  	_ =	shalt  }
0x53: {  	_ =	shalt  }
0x54: {  	_ =	shalt  }
0x55: {  	_ =	shalt  }
0x56: {  	_ =	shalt  }
0x57: {  	_ =	shalt  }
0x58: {  	_ =	shalt  }
0x59: {  	_ =	shalt  }
0x5a: {  	_ =	shalt  }
0x5b: {  	_ =	shalt  }
0x5c: {  	_ =	shalt  }
0x5d: {  	_ =	shalt  }
0x5e: {  	_ =	shalt  }
0x5f: {  	_ =	shalt  }
0x60: {  	_ =	shalt  }
0x61: {  	_ =	shalt  }
0x62: {  	_ =	shalt  }
0x63: {  	_ =	shalt  }
0x64: {  	_ =	shalt  }
0x65: {  	_ =	shalt  }
0x66: {  	_ =	shalt  }
0x67: {  	_ =	shalt  }
0x68: {  	_ =	shalt  }
0x69: {  	_ =	shalt  }
0x6a: {  	_ =	shalt  }
0x6b: {  	_ =	shalt  }
0x6c: {  	_ =	shalt  }
0x6d: {  	_ =	shalt  }
0x6e: {  	_ =	shalt  }
0x6f: {  	_ =	shalt  }
0x70: {  	_ =	shalt  }
0x71: {  	_ =	shalt  }
0x72: {  	_ =	shalt  }
0x73: {  	_ =	shalt  }
0x74: {  	_ =	shalt  }
0x75: {  	_ =	shalt  }
0x76: {  	_ =	shalt  }
0x77: {  	_ =	shalt  }
0x78: {  	_ =	shalt  }
0x79: {  	_ =	shalt  }
0x7a: {  	_ =	shalt  }
0x7b: {  	_ =	shalt  }
0x7c: {  	_ =	shalt  }
0x7d: {  	_ =	shalt  }
0x7e: {  	_ =	shalt  }
0x7f: {  	_ =	shalt  }
0x80: {  	_ =	shalt  }
0x81: {  	_ =	shalt  }
0x82: {  	_ =	shalt  }
0x83: {  	_ =	shalt  }
0x84: {  	_ =	shalt  }
0x85: {  	_ =	shalt  }
0x86: {  	_ =	shalt  }
0x87: {  	_ =	shalt  }
.Lfunc_end0:
.L_simem_size_0:
called_computation.3_lowered:
.L_overlay_start_0:
0x88: {  	s2 =	sld [smem:$0x3FD9]  }
0x89: {  	s3 =	sld [smem:$0x3FFE];
	_ =	sdelay $0x1  }
0x8a: {  	s1 =	srdreg.scid  }
0x8b: {  	s0 =	sand.u32 $0x1, s1  }
0x8c: {  	s16 =	sshll.u32 s0, $0xA;
	s2 =	sadd.s32 s3, s2  }
0x8d: {  	s2 =	sadd.s32 s2, s16  }
0x8e: {  	[smem:$0x3FBD] =	sst s2  }
0x8f: {  	_ = 	snop  }
0x90: {  	(tm) =	ssettm $0x1  }
0x91: {  	s17 =	sld [smem:$0x3FFB];
	_ =	sdelay $0x3  }
0x92: {  	_ =	strace s17  }
0x93: {  	s2 =	sld [smem:$0x3FFC];
	_ =	sdelay $0x3  }
0x94: {  	_ =	strace s2  }
0x95: {  	s2 =	sld [smem:$0x3FFD];
	_ =	sdelay $0x3  }
0x96: {  	_ =	strace s2  }
0x97: {  	_ =	strace $0x8FFFFFFF  }
0x98: {  	s18 =	sld [smem:$0x3FDB];
	_ =	sdelay $0x1  }
0x99: {  	s19 =	simm.s32 $_scs_section_size  }
0x9a: {  	s4 =	simm.s32 $_size__tile_overlayer_lowered;
	s5 =	simm.s32 $_tile_overlayer_lowered  }
0x9b: {  	s22 =	simm.s32 $0x1BFF;
	s21 =	sshll.u32 s5, $0x1;
	s2 =	sadd.s32 s19, s18  }
0x9c: {  	s6 =	simm.s32 $0x0;
	s20 =	sshll.u32 s4, $0x1;
	s4 =	sadd.s32 s21, s2  }
0x9d: {  	[timem:s6], [sflag:s22] =	dma.local [hbm:s4], s20  }
0x9e: {  	_ =	swait.ge [sflag:s22], s20  }
0x9f: {  	s3 =	ssub.s32 $0x0, s20;
	[sflag:s22] =	ssyncset.done $0x0  }
0xa0: {  	[sflag:s22] =	ssyncadd.s32 s3;
	_ =	sdelay $0x1  }
0xa1: {  	s23 =	simm.s32 $0x1B8B  }
0xa2: {  	_ =	swait.ge [sflag:s23], $0x1  }
0xa3: {  	[sflag:s23] =	ssyncset.done $0x0  }
0xa4: {  	s25 =	simm.s32 $0x1B8E;
	s24 =	sld [smem:$0x3FFE];
	[sflag:s23] =	ssyncadd.s32 $0xFFFFFFFF  }
0xa5: {  	s26 =	simm.s32 $execute0_lowered;
	[smem:$0x3FD2] =	sst s25  }
0xa6: {  	s4 =	sshll.u32 s26, $0x1;
	_ =	strace $0x8000004F;
	[dreg:$0x1] =	wrdreg $0xFFFFFFFF  }
0xa7: {  	s28 =	simm.s32 $_size_execute0_lowered;
	s2 =	sadd.s32 s2, s4;
	[dreg:$0x0] =	wrdreg $0x0  }
0xa8: {  	s4 =	sshll.u32 s28, $0x1;
	[dreg:$0x2] =	wrdreg s2  }
0xa9: {  	[dreg:$0x3] =	wrdreg s4  }
0xaa: {  	[dreg:$0x4] =	wrdreg $0xC0  }
0xab: {  	_ =	task [dreg:s6], $0x5FFFF  }
0xac: {  	[dreg:$0x1] =	wrdreg $0xFFFFFFFF  }
0xad: {  	[dreg:$0x0] =	wrdreg $0x60  }
0xae: {  	[dreg:$0x2] =	wrdreg s24  }
0xaf: {  	[dreg:$0x3] =	wrdreg $0xC0000  }
0xb0: {  	[dreg:$0x4] =	wrdreg $0x9  }
0xb1: {  	_ =	task.clear_ibuf [dreg:s6], $0x5FFFF;
	_ =	strace $0x9000004F  }
0xb2: {  	s29 =	simm.s32 $0x9;
	_ =	strace $0x80000051  }
0xb3: {  	_ =	swait.ge [sflag:s29], $0x1  }
0xb4: {  	[sflag:s29] =	ssyncadd.s32 $0xFFFFFFFF  }
0xb5: {  	_ =	strace $0x90000051  }
0xb6: {  	_ =	sfence  }
0xb7: {  	s30 =	sld [smem:$0x0];
	_ =	sdelay $0x2  }
0xb8: {  	s31 =	sshll.u32 s1, $0xD;
	s1 =	sshrl.u32 s1, $0x2  }
0xb9: {  	s3 =	sand.u32 $0x4000, s31;
	s1 =	sadd.s32 s1, s30  }
0xba: {  	s0 =	sor.u32 s3, s0;
	s1 =	sshll.u32 s1, $0x11  }
0xbb: {  	s0 =	sor.u32 s1, s0  }
0xbc: {  	s0 =	sadd.s32 $0x8F2B, s0  }
0xbd: {  	[sflag:s0] =	ssyncadd.remote.s32 $0x1  }
0xbe: {  	_ =	sfence.sel $0xFFFF  }
0xbf: {  	[dreg:$0x0] =	wrdreg $0xFFFFFFFF;
	(pc) =	sbr.abs _section_cstart, $3  }
0xc0: {  	[dreg:$0x1] =	wrdreg $0xFFFFFFFF  }
0xc1: {  	_ =	task.clear_ibuf [dreg:s6], $0x2FFFF;
	_ =	strace $0x9FFFFFFF  }
0xc2: {  	(tm) =	ssettm $0x7FFFFFFF  }
0xc3: {  	_ =	shalt  }
tec
execute0_lowered:
.L_overlay_start_1:
0x0: {  	(tag) =	ssettag $0x1  }
0x1: {  	s0 =	rddreg [dreg:$0x0]  }
0x2: {  	s1 =	rddreg [dreg:$0x1]  }
0x3: {  	s20 =	simm.s32 $0x0;
	s2 =	srdreg.scid;
	s8 =	stileid.u32  }
0x4: {  	s16 =	simm.s32 $0x2000;
	s28 =	simm.s32 $0x9800;
	s29 =	simm.s32 $0x2  }
0x5: {  	s30 =	simm.s32 $0x5;
	s9 =	simm.s32 $0x4;
	s10 =	simm.s32 $0x7  }
0x6: {  	s11 =	simm.s32 $0x300;
	s12 =	simm.s32 $0x1180;
	s15 =	simm.s32 $0x8  }
0x7: {  	[smem:$0x7FF] =	sst s20;
	s2 =	sand.u32 $0x1, s2;
	s6 =	smul.u32 $0x50000, s8  }
0x8: {  	s5 =	sshll.u32 s8, $0xB;
	s4 =	sadd.s32 $0x2E400, s0;
	s31 =	smul.u32 $0x2800, s8  }
0x9: {  	s8 =	simm.s32 $0x1100;
	s3 =	sshll.u32 s2, $0xF;
	_ =	strace $0x80000050  }
0xa: {  	s17 =	smul.u32 $0x28000, s2;
	s2 =	ssub.s32 $0x2, s2;
	s6 =	sshrl.u32 s6, $0x2  }
0xb: {  	s3 =	sor.u32 s5, s3;
	s7 =	sshrl.u32 s2, $0x1;
	s22 =	sadd.s32 s6, s1  }
0xc: {  	s3 =	sadd.s32 s3, s0;
	s18 =	sadd.s32 $0x2800, s22;
	[dreg:$0x4] =	wrdreg s22  }
0xd: {  	s0 =	sadd.s32 s17, s0;
	s19 =	sadd.s32 $0x5000, s22;
	[dreg:$0x5] =	wrdreg s18  }
0xe: {  	s2 =	ssub.s32 s2, s7;
	s21 =	sadd.s32 $0x7800, s22;
	[dreg:$0x6] =	wrdreg s19  }
0xf: {  	s17 =	simm.s32 $0x9;
	s23 =	sadd.s32 $0xA000, s22;
	[dreg:$0x7] =	wrdreg s21  }
0x10: {  	s6 =	simm.s32 $0x6;
	s24 =	sadd.s32 $0xC800, s22;
	[dreg:$0x8] =	wrdreg s23  }
0x11: {  	s7 =	simm.s32 $0x280;
	s25 =	sadd.s32 $0xF000, s22;
	[dreg:$0x9] =	wrdreg s24  }
0x12: {  	s26 =	sadd.s32 $0x11800, s22;
	s13 =	sadd.s32 $0x1E400, s3;
	[dreg:$0xa] =	wrdreg s25  }
.Ltmp0:
0x13: {  	s2 =	smax.u32 s2, $0x1;
	[dreg:$0xb] =	wrdreg s26;
	(pc) =	sbr.rel .LBB2_1-.Ltmp0, $4  }
0x14: {  	s14 =	sadd.s32 $0xE400, s3;
	s0 =	sadd.s32 $0x56400, s0;
	[dreg:$0xc] =	wrdreg s2  }
0x15: {  	s18 =	simm.s32 $0x1000;
	s19 =	simm.s32 $0x50;
	s21 =	simm.s32 $0x4800  }
0x16: {  	s23 =	simm.s32 $0x7000;
	s0 =	sadd.s32 s31, s0;
	s25 =	simm.s32 $0x1  }
0x17: {  	v0 =	vimm.f32 $0.0e+00;
	s2 =	simm.s32 $0x3;
	s24 =	simm.s32 $0x0;
	[dreg:$0xd] =	wrdreg s0  }
.LBB2_8:
0x18: {  	s0 =	stileid.u32;
	[bflag:$0x0] =	sbarrier.arrive $0xFFFF  }
0x19: {  	s0 =	sshll.u32 s0, $0x6;
	s22 =	rddreg [dreg:$0x4]  }
0x1a: {  	s5 =	rddreg [dreg:$0xd];
	s0 =	sor.u32 $0x1C09, s0;
	s3 =	sshrl.u32 s22, $0x3  }
0x1b: {  	[hbm:s5], [sflag:s0] =	dma.local [spmem:s3], $0x2800  }
0x1c: {  	_ =	swait.ge [sflag:s17], $0x2800  }
0x1d: {  	s20 =	rddreg [dreg:$0x3]  }
0x1e: {  	s31 =	rddreg [dreg:$0xc];
	s20 =	sadd.s32 $0x1, s20  }
0x1f: {  	p0 =	sne.s32 s20, s31  }
.Ltmp1:
0x20: {  	_ = 	snop;
	(pc) =	sbr.rel @!p0 .LBB2_9-.Ltmp1, $3  }
0x21: {  	_ =	sdelay $0x1  }
0x22: {  	[sflag:s17] =	ssyncset.done $0x0  }
0x23: {  	[sflag:s17] =	ssyncadd.s32 $0xFFFFD800  }
.LBB2_1:
0x24: {  	[dreg:$0x3] =	wrdreg s20;
	s3 =	simm.s32 $0x0;
	s5 =	simm.s32 $0x200  }
.LBB2_2:
0x25: {  	p0 =	sne.s32 s5, $0x9E00;
	[tilespmem:s3+$0x2070] =	vst v0  }
0x26: {  	[tilespmem:s3+$0x2000] =	vst v0  }
0x27: {  	[tilespmem:s3+$0x2010] =	vst v0  }
.Ltmp2:
0x28: {  	[tilespmem:s3+$0x2020] =	vst v0;
	(pc) =	sbr.rel @p0 .LBB2_2-.Ltmp2, $4  }
0x29: {  	[tilespmem:s3+$0x2030] =	vst v0  }
0x2a: {  	[tilespmem:s3+$0x2040] =	vst v0  }
0x2b: {  	[tilespmem:s3+$0x2050] =	vst v0  }
0x2c: {  	[tilespmem:s3+$0x2060] =	vst v0;
	s3 =	sshra.s32 s5, $0x2;
	s5 =	sadd.s32 $0x200, s5  }
0x2d: {  	[tilespmem:s3+$0x2070] =	vst v0  }
0x2e: {  	[tilespmem:s3+$0x2000] =	vst v0  }
0x2f: {  	[tilespmem:s3+$0x2010] =	vst v0  }
0x30: {  	[tilespmem:s3+$0x2020] =	vst v0  }
0x31: {  	[tilespmem:s3+$0x2030] =	vst v0  }
0x32: {  	[tilespmem:s3+$0x2040] =	vst v0  }
0x33: {  	[tilespmem:s3+$0x2050] =	vst v0  }
0x34: {  	[tilespmem:s3+$0x2060] =	vst v0  }
0x35: {  	[spmem:s22] =	stream.linear.scatter [tilespmem:s16], [sflag:$0x9], $0x2800, $0x38;
	v63 =	vld [tilespmem:$0x0]  }
0x36: {  	_ =	swait.ge [sflag:s17], $0x2800  }
0x37: {  	[sflag:s17] =	ssyncset.done $0x0  }
0x38: {  	s0 =	rddreg [dreg:$0x5];
	[sflag:s17] =	ssyncadd.s32 $0xFFFFD800  }
0x39: {  	[spmem:s0] =	stream.linear.scatter [tilespmem:s16], [sflag:$0x9], $0x2800, $0x38;
	v63 =	vld [tilespmem:$0x0]  }
0x3a: {  	_ =	swait.ge [sflag:s17], $0x2800  }
0x3b: {  	[sflag:s17] =	ssyncset.done $0x0  }
0x3c: {  	s3 =	rddreg [dreg:$0x6];
	[sflag:s17] =	ssyncadd.s32 $0xFFFFD800  }
0x3d: {  	[spmem:s3] =	stream.linear.scatter [tilespmem:s16], [sflag:$0x9], $0x2800, $0x38;
	v63 =	vld [tilespmem:$0x0]  }
0x3e: {  	_ =	swait.ge [sflag:s17], $0x2800  }
0x3f: {  	[sflag:s17] =	ssyncset.done $0x0  }
0x40: {  	s5 =	rddreg [dreg:$0x7];
	[sflag:s17] =	ssyncadd.s32 $0xFFFFD800  }
0x41: {  	[spmem:s5] =	stream.linear.scatter [tilespmem:s16], [sflag:$0x9], $0x2800, $0x38;
	v63 =	vld [tilespmem:$0x0]  }
0x42: {  	_ =	swait.ge [sflag:s17], $0x2800  }
0x43: {  	[sflag:s17] =	ssyncset.done $0x0  }
0x44: {  	s20 =	rddreg [dreg:$0x8];
	[sflag:s17] =	ssyncadd.s32 $0xFFFFD800  }
0x45: {  	[spmem:s20] =	stream.linear.scatter [tilespmem:s16], [sflag:$0x9], $0x2800, $0x38;
	v63 =	vld [tilespmem:$0x0]  }
0x46: {  	_ =	swait.ge [sflag:s17], $0x2800  }
0x47: {  	[sflag:s17] =	ssyncset.done $0x0  }
0x48: {  	s22 =	rddreg [dreg:$0x9];
	[sflag:s17] =	ssyncadd.s32 $0xFFFFD800  }
0x49: {  	[spmem:s22] =	stream.linear.scatter [tilespmem:s16], [sflag:$0x9], $0x2800, $0x38;
	v63 =	vld [tilespmem:$0x0]  }
0x4a: {  	_ =	swait.ge [sflag:s17], $0x2800  }
0x4b: {  	[sflag:s17] =	ssyncset.done $0x0  }
0x4c: {  	s26 =	rddreg [dreg:$0xa];
	[sflag:s17] =	ssyncadd.s32 $0xFFFFD800  }
0x4d: {  	[spmem:s26] =	stream.linear.scatter [tilespmem:s16], [sflag:$0x9], $0x2800, $0x38;
	v63 =	vld [tilespmem:$0x0]  }
0x4e: {  	_ =	swait.ge [sflag:s17], $0x2800  }
0x4f: {  	[sflag:s17] =	ssyncset.done $0x0  }
0x50: {  	s31 =	rddreg [dreg:$0xb];
	[sflag:s17] =	ssyncadd.s32 $0xFFFFD800  }
0x51: {  	[spmem:s31] =	stream.linear.scatter [tilespmem:s16], [sflag:$0x9], $0x2800, $0x38;
	v63 =	vld [tilespmem:$0x0]  }
.Ltmp3:
0x52: {  	_ =	swait.ge [sflag:s17], $0x2800;
	(pc) =	sbr.rel .LBB2_4-.Ltmp3, $4  }
0x53: {  	[sflag:s17] =	ssyncset.done $0x0  }
0x54: {  	[sflag:s17] =	ssyncadd.s32 $0xFFFFD800  }
0x55: {  	[bflag:$0x0] =	sbarrier.arrive $0xFFFF  }
0x56: {  	s5 =	simm.s32 $0x0  }
.LBB2_7:
0x57: {  	s5 =	sadd.s32 $0x1, s5  }
0x58: {  	p0 =	sne.s32 s5, $0x4  }
.Ltmp4:
0x59: {  	_ = 	snop;
	(pc) =	sbr.rel @!p0 .LBB2_8-.Ltmp4, $4  }
0x5a: {  	[spmem:s1] =	stream.indirect.scatter.add.f32 [tilespmem:s28], [sflag:$0x8], $0x80, s22, s19, $0xb8;
	v63 =	vld [tilespmem:$0x0]  }
0x5b: {  	_ =	swait.ge [sflag:s15], $0x2800  }
0x5c: {  	[sflag:s15] =	ssyncset.done $0x0  }
0x5d: {  	[sflag:s15] =	ssyncadd.s32 $0xFFFFD800  }
.LBB2_4:
0x5e: {  	s3 =	sshll.u32 s5, $0x9  }
0x5f: {  	s20 =	sadd.s32 s3, s13  }
0x60: {  	[tilespmem:s24], [sflag:$0x9] =	stream.linear.gather [hbm4b:s20+s24], $0x1000, $0x38;
	v63 =	vld [tilespmem:$0x0]  }
0x61: {  	_ =	swait.ge [sflag:s17], $0x1000  }
0x62: {  	[sflag:s17] =	ssyncset.done $0x0  }
0x63: {  	s3 =	sadd.s32 s3, s14;
	[sflag:s17] =	ssyncadd.s32 $0xFFFFF000  }
0x64: {  	[tilespmem:s18], [sflag:$0x9] =	stream.linear.gather [hbm4b:s3+s24], $0x1000, $0x38;
	v63 =	vld [tilespmem:$0x0]  }
0x65: {  	_ =	swait.ge [sflag:s17], $0x1000  }
0x66: {  	[sflag:s17] =	ssyncset.done $0x0  }
0x67: {  	[sflag:s17] =	ssyncadd.s32 $0xFFFFF000  }
0x68: {  	[tilespmem:s16], [sflag:$0x1] =	stream.indirect.gather [hbm4b:s4+s19], $0x80, s24, s19, $0xb8;
	v63 =	vld [tilespmem:$0x0]  }
0x69: {  	s0 =	simm.s32 $0x80  }
0x6a: {  	[tilespmem:s21], [sflag:$0x2] =	stream.indirect.gather [hbm4b:s4+s19], $0x80, s0, s19, $0xb8;
	v63 =	vld [tilespmem:$0x0]  }
0x6b: {  	s20 =	simm.s32 $0x100  }
0x6c: {  	[tilespmem:s23], [sflag:$0x3] =	stream.indirect.gather [hbm4b:s4+s19], $0x80, s20, s19, $0xb8;
	v63 =	vld [tilespmem:$0x0]  }
0x6d: {  	_ =	swait.ge [sflag:s25], $0x2800  }
0x6e: {  	[sflag:s25] =	ssyncset.done $0x0  }
0x6f: {  	s22 =	simm.s32 $0x180;
	[sflag:s25] =	ssyncadd.s32 $0xFFFFD800  }
0x70: {  	[tilespmem:s28], [sflag:$0x4] =	stream.indirect.gather [hbm4b:s4+s19], $0x80, s22, s19, $0xb8;
	v63 =	vld [tilespmem:$0x0]  }
0x71: {  	_ = 	snop  }
0x72: {  	[spmem:s1] =	stream.indirect.scatter.add.f32 [tilespmem:s16], [sflag:$0x5], $0x80, s18, s19, $0xb8;
	v63 =	vld [tilespmem:$0x0]  }
0x73: {  	_ =	swait.ge [sflag:s29], $0x2800  }
0x74: {  	[sflag:s29] =	ssyncset.done $0x0  }
0x75: {  	[sflag:s29] =	ssyncadd.s32 $0xFFFFD800  }
0x76: {  	_ =	swait.ge [sflag:s30], $0x2800  }
0x77: {  	[sflag:s30] =	ssyncset.done $0x0  }
0x78: {  	s26 =	simm.s32 $0x200;
	[sflag:s30] =	ssyncadd.s32 $0xFFFFD800  }
0x79: {  	[tilespmem:s16], [sflag:$0x1] =	stream.indirect.gather [hbm4b:s4+s19], $0x80, s26, s19, $0xb8;
	v63 =	vld [tilespmem:$0x0]  }
0x7a: {  	s31 =	simm.s32 $0x1080  }
0x7b: {  	[spmem:s1] =	stream.indirect.scatter.add.f32 [tilespmem:s21], [sflag:$0x6], $0x80, s31, s19, $0xb8;
	v63 =	vld [tilespmem:$0x0]  }
0x7c: {  	_ =	swait.ge [sflag:s2], $0x2800  }
0x7d: {  	[sflag:s2] =	ssyncset.done $0x0  }
0x7e: {  	[sflag:s2] =	ssyncadd.s32 $0xFFFFD800  }
0x7f: {  	_ =	swait.ge [sflag:s6], $0x2800  }
0x80: {  	[sflag:s6] =	ssyncset.done $0x0  }
0x81: {  	[sflag:s6] =	ssyncadd.s32 $0xFFFFD800  }
0x82: {  	[tilespmem:s21], [sflag:$0x2] =	stream.indirect.gather [hbm4b:s4+s19], $0x80, s7, s19, $0xb8;
	v63 =	vld [tilespmem:$0x0]  }
0x83: {  	_ = 	snop  }
0x84: {  	[spmem:s1] =	stream.indirect.scatter.add.f32 [tilespmem:s23], [sflag:$0x7], $0x80, s8, s19, $0xb8;
	v63 =	vld [tilespmem:$0x0]  }
0x85: {  	_ =	swait.ge [sflag:s9], $0x2800  }
0x86: {  	[sflag:s9] =	ssyncset.done $0x0  }
0x87: {  	[sflag:s9] =	ssyncadd.s32 $0xFFFFD800  }
0x88: {  	_ =	swait.ge [sflag:s10], $0x2800  }
0x89: {  	[sflag:s10] =	ssyncset.done $0x0  }
0x8a: {  	[sflag:s10] =	ssyncadd.s32 $0xFFFFD800  }
0x8b: {  	[tilespmem:s23], [sflag:$0x3] =	stream.indirect.gather [hbm4b:s4+s19], $0x80, s11, s19, $0xb8;
	v63 =	vld [tilespmem:$0x0]  }
0x8c: {  	s3 =	simm.s32 $0x0  }
0x8d: {  	[spmem:s1] =	stream.indirect.scatter.add.f32 [tilespmem:s28], [sflag:$0x8], $0x80, s12, s19, $0xb8;
	v63 =	vld [tilespmem:$0x0]  }
.LBB2_5:
0x8e: {  	_ =	swait.ge [sflag:s25], $0x2800  }
0x8f: {  	[sflag:s25] =	ssyncset.done $0x0  }
0x90: {  	[sflag:s25] =	ssyncadd.s32 $0xFFFFD800  }
0x91: {  	_ =	swait.ge [sflag:s15], $0x2800  }
0x92: {  	s20 =	sshra.s32 s3, $0x2;
	[sflag:s15] =	ssyncset.done $0x0  }
0x93: {  	s22 =	sadd.s32 $0x380, s20;
	[sflag:s15] =	ssyncadd.s32 $0xFFFFD800  }
0x94: {  	[tilespmem:s28], [sflag:$0x4] =	stream.indirect.gather [hbm4b:s4+s19], $0x80, s22, s19, $0xb8;
	v63 =	vld [tilespmem:$0x0]  }
0x95: {  	s26 =	sadd.s32 $0x1200, s20  }
0x96: {  	[spmem:s1] =	stream.indirect.scatter.add.f32 [tilespmem:s16], [sflag:$0x5], $0x80, s26, s19, $0xb8;
	v63 =	vld [tilespmem:$0x0]  }
0x97: {  	_ =	swait.ge [sflag:s29], $0x2800  }
0x98: {  	[sflag:s29] =	ssyncset.done $0x0  }
0x99: {  	[sflag:s29] =	ssyncadd.s32 $0xFFFFD800  }
0x9a: {  	p0 =	seq.s32 s3, $0x3000;
	_ =	swait.ge [sflag:s30], $0x2800  }
0x9b: {  	s31 =	simm.s32 @p0 $0x4800;
	s22 =	sshra.s32 @p0 s3, $0x2;
	[sflag:s30] =	ssyncset.done $0x0  }
0x9c: {  	s22 =	sadd.s32 @p0 $0x1280, s22;
	s26 =	simm.s32 @p0 $0x50;
	[sflag:s30] =	ssyncadd.s32 $0xFFFFD800  }
0x9d: {  	[spmem:s1] =	stream.indirect.scatter.add.f32 @p0 [tilespmem:s31], [sflag:$0x6], $0x80, s22, s26, $0xb8;
	v63 =	vld [tilespmem:$0x0]  }
0x9e: {  	s22 =	simm.s32 @p0 $0x3  }
0x9f: {  	_ =	swait.ge @p0 [sflag:s22], $0x2800  }
0xa0: {  	[sflag:s22] =	ssyncset.done @p0 $0x0  }
0xa1: {  	[sflag:s22] =	ssyncadd.s32 @p0 $0xFFFFD800;
	s22 =	simm.s32 @p0 $0x6  }
0xa2: {  	_ =	swait.ge @p0 [sflag:s22], $0x2800  }
0xa3: {  	[sflag:s22] =	ssyncset.done @p0 $0x0  }
0xa4: {  	[sflag:s22] =	ssyncadd.s32 @p0 $0xFFFFD800;
	s22 =	sshra.s32 @!p0 s3, $0x2  }
0xa5: {  	s0 =	simm.s32 @!p0 $0x2000;
	s31 =	simm.s32 @!p0 $0x50;
	s26 =	sadd.s32 @!p0 $0x400, s22  }
0xa6: {  	[tilespmem:s0], [sflag:$0x1] =	stream.indirect.gather @!p0 [hbm4b:s4+s31], $0x80, s26, s31, $0xb8;
	v63 =	vld [tilespmem:$0x0]  }
0xa7: {  	s0 =	sadd.s32 @!p0 $0x1280, s22;
	s26 =	simm.s32 @!p0 $0x4800  }
0xa8: {  	[spmem:s1] =	stream.indirect.scatter.add.f32 @!p0 [tilespmem:s26], [sflag:$0x6], $0x80, s0, s31, $0xb8;
	v63 =	vld [tilespmem:$0x0]  }
0xa9: {  	s0 =	simm.s32 @!p0 $0x3  }
0xaa: {  	_ =	swait.ge @!p0 [sflag:s0], $0x2800  }
0xab: {  	[sflag:s0] =	ssyncset.done @!p0 $0x0  }
0xac: {  	[sflag:s0] =	ssyncadd.s32 @!p0 $0xFFFFD800;
	s0 =	simm.s32 @!p0 $0x6  }
0xad: {  	_ =	swait.ge @!p0 [sflag:s0], $0x2800  }
0xae: {  	[sflag:s0] =	ssyncset.done @!p0 $0x0  }
0xaf: {  	[sflag:s0] =	ssyncadd.s32 @!p0 $0xFFFFD800;
	s0 =	sadd.s32 @!p0 $0x480, s22  }
0xb0: {  	[tilespmem:s26], [sflag:$0x2] =	stream.indirect.gather @!p0 [hbm4b:s4+s31], $0x80, s0, s31, $0xb8;
	v63 =	vld [tilespmem:$0x0]  }
0xb1: {  	s31 =	sadd.s32 $0x1300, s20  }
0xb2: {  	[spmem:s1] =	stream.indirect.scatter.add.f32 [tilespmem:s23], [sflag:$0x7], $0x80, s31, s19, $0xb8;
	v63 =	vld [tilespmem:$0x0]  }
0xb3: {  	_ =	swait.ge [sflag:s9], $0x2800  }
.Ltmp5:
0xb4: {  	[sflag:s9] =	ssyncset.done $0x0;
	(pc) =	sbr.rel @p0 .LBB2_7-.Ltmp5, $4  }
0xb5: {  	[sflag:s9] =	ssyncadd.s32 $0xFFFFD800  }
0xb6: {  	_ =	swait.ge [sflag:s10], $0x2800  }
0xb7: {  	[sflag:s10] =	ssyncset.done $0x0  }
0xb8: {  	s22 =	sadd.s32 $0x1380, s20;
	[sflag:s10] =	ssyncadd.s32 $0xFFFFD800  }
.Ltmp6:
0xb9: {  	(pc) =	sbr.rel .LBB2_5-.Ltmp6, $4  }
0xba: {  	s0 =	sadd.s32 $0x500, s20  }
0xbb: {  	[tilespmem:s23], [sflag:$0x3] =	stream.indirect.gather [hbm4b:s4+s19], $0x80, s0, s19, $0xb8;
	v63 =	vld [tilespmem:$0x0]  }
0xbc: {  	s3 =	sadd.s32 $0x800, s3  }
0xbd: {  	[spmem:s1] =	stream.indirect.scatter.add.f32 [tilespmem:s28], [sflag:$0x8], $0x80, s22, s19, $0xb8;
	v63 =	vld [tilespmem:$0x0]  }
.LBB2_9:
0xbe: {  	_ =	sfence.sel $0x180000  }
0xbf: {  	[bflag:$0x0] =	sbarrier.arrive $0xFFFF  }
0xc0: {  	_ =	strace $0x90000050  }
0xc1: {  	s0 =	stileid.u32;
	[bflag:$0x2] =	sbarrier.arrive $0xFFFF  }
0xc2: {  	p0 =	sne.s32 s0, $0x0;
	s0 =	rddreg [dreg:$0x2]  }
0xc3: {  	s0 =	sadd.s32 @!p0 $0x100000, s0  }
0xc4: {  	[sflag:s0] =	ssyncadd.tile.s32 @!p0 $0x1;
	_ =	shalt  }
.Lfunc_end2:
_tile_overlayer_lowered:
.L_overlay_start_2:
0xc5: {  	(tag) =	ssettag $0x2  }
0xc6: {  	s0 =	rddreg [dreg:$0x0];
	s2 =	stileid.u32  }
0xc7: {  	s1 =	rddreg [dreg:$0x1];
	p0 =	sne.s32 s2, $0x0  }
0xc8: {  	s3 =	rddreg [dreg:$0x2];
	[bflag:$0x3] =	sbarrier.arrive $0xFFFF;
	s2 =	simm.s32 @!p0 $0x1C09  }
0xc9: {  	[timem:s3], [sflag:s2] =	dma.local @!p0 [hbm:s0], s1  }
0xca: {  	s0 =	simm.s32 @!p0 $0x9  }
0xcb: {  	_ =	swait.ge @!p0 [sflag:s0], s1  }
0xcc: {  	s1 =	ssub.s32 @!p0 $0x0, s1;
	[sflag:s0] =	ssyncset.done @!p0 $0x0  }
0xcd: {  	[sflag:s0] =	ssyncadd.s32 @!p0 s1  }
0xce: {  	[bflag:$0x3] =	sbarrier.arrive $0xFFFF  }
0xcf: {  	_ =	shalt  }

</sc_bundles>
